<compile_context>
chip_gen: v7x
topology: tpu7x:2x2x1
jax: 0.10.2.dev20260603
libtpu: 0.0.44.dev20260713+nightly
codegen_flags: <defaults>
</compile_context>

<pallas_src>
import functools
import math

import jax
import jax.numpy as jnp
import numpy as np
from jax import lax
from jax.experimental import pallas as pl
from jax.experimental.pallas import tpu as pltpu
from jax.experimental.pallas import tpu_sc as plsc

N = 50000
F = 256
H = 128
C = 4
FH = 64
M = 32
MESH = M * M * M

BLK_A = 1024
GRID_A = (N + BLK_A - 1) // BLK_A
NP = GRID_A * BLK_A
NCHUNK = 8
CHUNK = NP // NCHUNK
G16 = CHUNK // 16

_CORNERS = ((0, 0, 0), (0, 0, 1), (0, 1, 0), (0, 1, 1),
            (1, 0, 0), (1, 0, 1), (1, 1, 0), (1, 1, 1))

_j = np.arange(M)
_Fc = np.exp(-2j * np.pi * np.outer(_j, _j) / M)
_F2c = np.kron(_Fc, _Fc)
F2R = _F2c.real.astype(np.float32)
F2I = _F2c.imag.astype(np.float32)
_BAc = np.kron(np.eye(C), _Fc)
BAR = _BAc.real.astype(np.float32)
BAI = _BAc.imag.astype(np.float32)

_n = np.fft.fftfreq(M) * M
_nx, _ny, _nz = np.meshgrid(_n, _n, _n, indexing="ij")
KINT = np.stack([_nx.ravel(), _ny.ravel(), _nz.ravel()], axis=1).astype(np.float32)


def _stage_a_body(feat_ref, posT_ref, icT_ref, w1_ref, b1_ref, w2_ref, b2_ref,
                  src_ref, idx_ref, w_ref):
    x = feat_ref[...]
    hT = lax.dot_general(w1_ref[...], x, (((0,), (1,)), ((), ())),
                         preferred_element_type=jnp.float32)
    hT = hT + b1_ref[...]
    hT = hT * jax.nn.sigmoid(hT)
    sT = lax.dot_general(w2_ref[...], hT, (((0,), (0,)), ((), ())),
                         preferred_element_type=jnp.float32)
    sT = sT + b2_ref[...]

    pT = posT_ref[...]
    fr = jnp.dot(icT_ref[...], pT, preferred_element_type=jnp.float32)
    fr = fr - jnp.floor(fr)
    sc = fr * float(M)
    base = jnp.floor(sc)
    fo = sc - base
    bi = base.astype(jnp.int32)

    bx, by, bz = bi[0:1, :], bi[1:2, :], bi[2:3, :]
    fx, fy, fz = fo[0:1, :], fo[1:2, :], fo[2:3, :]
    one = jnp.float32(1.0)
    w_rows = []
    i_rows = []
    for (ox, oy, oz) in _CORNERS:
        ix = bx + ox
        iy = by + oy
        iz = bz + oz
        ix = jnp.where(ix >= M, ix - M, ix)
        iy = jnp.where(iy >= M, iy - M, iy)
        iz = jnp.where(iz >= M, iz - M, iz)
        flat = (ix * M + iy) * M + iz
        wx = fx if ox else one - fx
        wy = fy if oy else one - fy
        wz = fz if oz else one - fz
        i_rows.append(flat)
        w_rows.append(wx * wy * wz)
    icat = jnp.concatenate(i_rows, axis=0)
    wcat = jnp.concatenate(w_rows, axis=0)

    gid = pl.program_id(0) * BLK_A + lax.broadcasted_iota(jnp.int32, (1, BLK_A), 1)
    valid = gid < N
    src_ref[...] = jnp.where(valid, sT, 0.0)
    idx_ref[...] = jnp.where(valid, icat, 0)
    w_ref[...] = jnp.where(valid, wcat, 0.0)


def _stage_a(features, posT, inv_cellT, W1, b1c, W2, b2c):
    return pl.pallas_call(
        _stage_a_body,
        grid=(GRID_A,),
        in_specs=[
            pl.BlockSpec((BLK_A, F), lambda n: (n, 0)),
            pl.BlockSpec((3, BLK_A), lambda n: (0, n)),
            pl.BlockSpec((3, 3), lambda n: (0, 0)),
            pl.BlockSpec((F, H), lambda n: (0, 0)),
            pl.BlockSpec((H, 1), lambda n: (0, 0)),
            pl.BlockSpec((H, C), lambda n: (0, 0)),
            pl.BlockSpec((C, 1), lambda n: (0, 0)),
        ],
        out_specs=[
            pl.BlockSpec((C, BLK_A), lambda n: (0, n)),
            pl.BlockSpec((8, BLK_A), lambda n: (0, n)),
            pl.BlockSpec((8, BLK_A), lambda n: (0, n)),
        ],
        out_shape=[
            jax.ShapeDtypeStruct((C, NP), jnp.float32),
            jax.ShapeDtypeStruct((8, NP), jnp.int32),
            jax.ShapeDtypeStruct((8, NP), jnp.float32),
        ],
    )(features, posT, inv_cellT, W1, b1c, W2, b2c)


def _scatter_body(srcT_hbm, idx8_hbm, w8_hbm, out_hbm,
                  meshbuf, ibuf0, ibuf1, wbuf0, wbuf1, srcbuf,
                  sem0, sem1, sems):
    wid = lax.axis_index("s") * 2 + lax.axis_index("c")
    p = wid // C
    c = wid % C
    base = p * CHUNK
    ibufs = (ibuf0, ibuf1)
    wbufs = (wbuf0, wbuf1)
    semsp = (sem0, sem1)
    cps = [None, None]

    def start(j):
        par = j & 1
        c1 = pltpu.make_async_copy(idx8_hbm.at[j, pl.ds(base, CHUNK)],
                                   ibufs[par], semsp[par])
        c2 = pltpu.make_async_copy(w8_hbm.at[j, pl.ds(base, CHUNK)],
                                   wbufs[par], semsp[par])
        c1.start()
        c2.start()
        cps[par] = (c1, c2)

    cp_src = pltpu.make_async_copy(srcT_hbm.at[c, pl.ds(base, CHUNK)],
                                   srcbuf, sems)
    cp_src.start()
    start(0)

    def zero_body(i, _):
        for u in range(M * M // 16):
            meshbuf[i, pl.ds(u * 16, 16)] = jnp.zeros((16,), jnp.float32)
        return 0

    lax.fori_loop(0, M, zero_body, 0)
    cp_src.wait()

    for j in range(8):
        if j < 7:
            start(j + 1)
        par = j & 1
        ib = ibufs[par]
        wb = wbufs[par]
        for cp in cps[par]:
            cp.wait()

        def scat_body(g, _):
            for u in range(4):
                off = g * 64 + u * 16
                iv = ib[pl.ds(off, 16)]
                vv = srcbuf[pl.ds(off, 16)] * wb[pl.ds(off, 16)]
                riv = lax.shift_right_logical(iv, 10)
                civ = lax.bitwise_and(iv, 1023)
                plsc.addupdate_scatter(meshbuf, [riv, civ], vv)
            return 0

        lax.fori_loop(0, G16 // 4, scat_body, 0)

    pltpu.sync_copy(meshbuf, out_hbm.at[p, pl.ds(c * M, M)])


def _stage_b(srcT, idx8, w8):
    mesh = plsc.VectorSubcoreMesh(core_axis_name="c", subcore_axis_name="s",
                                  num_cores=2, num_subcores=16)
    k = pl.kernel(
        _scatter_body,
        out_type=jax.ShapeDtypeStruct((NCHUNK, C * M, M * M), jnp.float32),
        mesh=mesh,
        scratch_types=[
            pltpu.VMEM((M, M * M), jnp.float32),
            pltpu.VMEM((CHUNK,), jnp.int32),
            pltpu.VMEM((CHUNK,), jnp.int32),
            pltpu.VMEM((CHUNK,), jnp.float32),
            pltpu.VMEM((CHUNK,), jnp.float32),
            pltpu.VMEM((CHUNK,), jnp.float32),
            pltpu.SemaphoreType.DMA,
            pltpu.SemaphoreType.DMA,
            pltpu.SemaphoreType.DMA,
        ],
        compiler_params=pltpu.CompilerParams(
            needs_layout_passes=False, use_tc_tiling_on_sc=False),
    )
    return k(srcT, idx8, w8)


def _filter_body(kint_ref, ict_ref, vol_ref,
                 wf1_ref, bf1_ref, wf2_ref, bf2_ref, wf3_ref, bf3_ref,
                 out_ref):
    twopi = jnp.float32(2.0 * math.pi)
    ict = ict_ref[...].astype(jnp.bfloat16).astype(jnp.float32)
    kv = jnp.dot(kint_ref[...], ict,
                 preferred_element_type=jnp.float32,
                 precision=lax.Precision.HIGHEST) * twopi
    k2 = jnp.sum(kv * kv, axis=1, keepdims=True)
    knorm = jnp.sqrt(k2)
    safe_k = jnp.maximum(knorm, 1e-6)
    x0 = jnp.log1p(safe_k)
    x1 = x0 * x0
    x2 = 1.0 / safe_k
    xf = jnp.concatenate([x0, x1, x2], axis=1)
    h1 = jnp.dot(xf, wf1_ref[...], preferred_element_type=jnp.float32) + bf1_ref[...]
    h1 = h1 * jax.nn.sigmoid(h1)
    h2 = jnp.dot(h1, wf2_ref[...], preferred_element_type=jnp.float32) + bf2_ref[...]
    h2 = h2 * jax.nn.sigmoid(h2)
    z = jnp.dot(h2, wf3_ref[...], preferred_element_type=jnp.float32) + bf3_ref[...]
    scale = jnp.maximum(z, 0.0) + jnp.log1p(jnp.exp(-jnp.abs(z)))
    coef = jnp.float32(4.0 * math.pi) * (jnp.float32(0.5) / vol_ref[0, 0])
    kern = coef / (safe_k * safe_k) * scale
    row = pl.program_id(0) * BLK_K + lax.broadcasted_iota(jnp.int32, (BLK_K, 1), 0)
    out_ref[...] = jnp.where(row == 0, 0.0, kern)


BLK_K = 4096


def _stage_c2(inv_cellT, volarr, Wf1, bf1r, Wf2, bf2r, Wf3, bf3r):
    return pl.pallas_call(
        _filter_body,
        grid=(MESH // BLK_K,),
        in_specs=[
            pl.BlockSpec((BLK_K, 3), lambda n: (n, 0)),
            pl.BlockSpec((3, 3), lambda n: (0, 0)),
            pl.BlockSpec(memory_space=pltpu.SMEM),
            pl.BlockSpec((3, FH), lambda n: (0, 0)),
            pl.BlockSpec((1, FH), lambda n: (0, 0)),
            pl.BlockSpec((FH, FH), lambda n: (0, 0)),
            pl.BlockSpec((1, FH), lambda n: (0, 0)),
            pl.BlockSpec((FH, 1), lambda n: (0, 0)),
            pl.BlockSpec((1, 1), lambda n: (0, 0)),
        ],
        out_specs=pl.BlockSpec((BLK_K, 1), lambda n: (n, 0)),
        out_shape=jax.ShapeDtypeStruct((MESH, 1), jnp.float32),
    )(KINT, inv_cellT, volarr, Wf1, bf1r, Wf2, bf2r, Wf3, bf3r)


def _dft_body(p_ref, kern_ref, f2r_ref, f2i_ref, bar_ref, bai_ref, phi_ref):
    X = jnp.sum(p_ref[...], axis=0)
    f2r = f2r_ref[...]
    f2i = f2i_ref[...]
    bar = bar_ref[...]
    bai = bai_ref[...]
    dot = functools.partial(jnp.dot, preferred_element_type=jnp.float32,
                            precision=lax.Precision.HIGHEST)
    r1 = dot(X, f2r)
    i1 = dot(X, f2i)
    r2 = dot(bar, r1) - dot(bai, i1)
    i2 = dot(bar, i1) + dot(bai, r1)
    k2 = kern_ref[...]
    kt = jnp.concatenate([k2, k2, k2, k2], axis=0)
    r3 = r2 * kt
    i3 = i2 * kt
    inv1 = jnp.float32(1.0 / (M * M))
    r4 = (dot(r3, f2r) + dot(i3, f2i)) * inv1
    i4 = (dot(i3, f2r) - dot(r3, f2i)) * inv1
    phi_ref[...] = (dot(bar, r4) + dot(bai, i4)) * jnp.float32(1.0 / M)


def _stage_c(partials, kern2):
    return pl.pallas_call(
        _dft_body,
        in_specs=[
            pl.BlockSpec((NCHUNK, C * M, M * M), lambda: (0, 0, 0)),
            pl.BlockSpec((M, M * M), lambda: (0, 0)),
            pl.BlockSpec((M * M, M * M), lambda: (0, 0)),
            pl.BlockSpec((M * M, M * M), lambda: (0, 0)),
            pl.BlockSpec((C * M, C * M), lambda: (0, 0)),
            pl.BlockSpec((C * M, C * M), lambda: (0, 0)),
        ],
        out_specs=pl.BlockSpec((C * M, M * M), lambda: (0, 0)),
        out_shape=jax.ShapeDtypeStruct((C * M, M * M), jnp.float32),
    )(partials, kern2, F2R, F2I, BAR, BAI)


def _gather_body(phi_hbm, srcT_hbm, idx8_hbm, w8_hbm, out_hbm,
                 phibuf, potbuf, ibuf0, ibuf1, wbuf0, wbuf1, srcbuf,
                 sem0, sem1, sems):
    wid = lax.axis_index("s") * 2 + lax.axis_index("c")
    p = wid // C
    c = wid % C
    base = p * CHUNK
    ibufs = (ibuf0, ibuf1)
    wbufs = (wbuf0, wbuf1)
    semsp = (sem0, sem1)
    cps = [None, None]

    def start(j):
        par = j & 1
        c1 = pltpu.make_async_copy(idx8_hbm.at[j, pl.ds(base, CHUNK)],
                                   ibufs[par], semsp[par])
        c2 = pltpu.make_async_copy(w8_hbm.at[j, pl.ds(base, CHUNK)],
                                   wbufs[par], semsp[par])
        c1.start()
        c2.start()
        cps[par] = (c1, c2)

    cp_phi = pltpu.make_async_copy(phi_hbm.at[pl.ds(c * M, M)], phibuf, sems)
    cp_phi.start()
    cp_src = pltpu.make_async_copy(srcT_hbm.at[c, pl.ds(base, CHUNK)],
                                   srcbuf, sems)
    cp_src.start()
    start(0)

    def zero_body(g, _):
        for u in range(4):
            potbuf[pl.ds(g * 64 + u * 16, 16)] = jnp.zeros((16,), jnp.float32)
        return 0

    lax.fori_loop(0, G16 // 4, zero_body, 0)
    cp_phi.wait()
    cp_src.wait()

    for j in range(8):
        if j < 7:
            start(j + 1)
        par = j & 1
        ib = ibufs[par]
        wb = wbufs[par]
        for cp in cps[par]:
            cp.wait()

        def gat_body(g, _):
            for u in range(4):
                off = g * 64 + u * 16
                iv = ib[pl.ds(off, 16)]
                riv = lax.shift_right_logical(iv, 10)
                civ = lax.bitwise_and(iv, 1023)
                vals = plsc.load_gather(phibuf, [riv, civ])
                potbuf[pl.ds(off, 16)] = (potbuf[pl.ds(off, 16)]
                                          + vals * wb[pl.ds(off, 16)])
            return 0

        lax.fori_loop(0, G16 // 4, gat_body, 0)

    def mul_body(g, _):
        for u in range(4):
            off = g * 64 + u * 16
            potbuf[pl.ds(off, 16)] = potbuf[pl.ds(off, 16)] * srcbuf[pl.ds(off, 16)]
        return 0

    lax.fori_loop(0, G16 // 4, mul_body, 0)
    pltpu.sync_copy(potbuf, out_hbm.at[c, pl.ds(base, CHUNK)])


def _stage_d(phi, srcT, idx8, w8):
    mesh = plsc.VectorSubcoreMesh(core_axis_name="c", subcore_axis_name="s",
                                  num_cores=2, num_subcores=16)
    k = pl.kernel(
        _gather_body,
        out_type=jax.ShapeDtypeStruct((C, NP), jnp.float32),
        mesh=mesh,
        scratch_types=[
            pltpu.VMEM((M, M * M), jnp.float32),
            pltpu.VMEM((CHUNK,), jnp.float32),
            pltpu.VMEM((CHUNK,), jnp.int32),
            pltpu.VMEM((CHUNK,), jnp.int32),
            pltpu.VMEM((CHUNK,), jnp.float32),
            pltpu.VMEM((CHUNK,), jnp.float32),
            pltpu.VMEM((CHUNK,), jnp.float32),
            pltpu.SemaphoreType.DMA,
            pltpu.SemaphoreType.DMA,
            pltpu.SemaphoreType.DMA,
        ],
        compiler_params=pltpu.CompilerParams(
            needs_layout_passes=False, use_tc_tiling_on_sc=False),
    )
    return k(phi, srcT, idx8, w8)


def _reduce_body(e_ref, out_ref):
    out_ref[...] = jnp.sum(e_ref[...], axis=0)[:N]


def _stage_e(epart):
    return pl.pallas_call(
        _reduce_body,
        in_specs=[pl.BlockSpec((C, NP), lambda: (0, 0))],
        out_specs=pl.BlockSpec((N,), lambda: (0,)),
        out_shape=jax.ShapeDtypeStruct((N,), jnp.float32),
    )(epart)


def kernel(invariant_features, positions, cell, W1, b1, W2, b2,
           Wf1, bf1, Wf2, bf2, Wf3, bf3):
    inv_cell = jnp.linalg.inv(cell)
    inv_cellT = inv_cell.T
    vol = jnp.abs(jnp.linalg.det(cell))
    volarr = vol.reshape(1, 1)
    posT = positions.T
    b1c = b1.reshape(H, 1)
    b2c = b2.reshape(C, 1)
    bf1r = bf1.reshape(1, FH)
    bf2r = bf2.reshape(1, FH)
    bf3r = bf3.reshape(1, 1)

    srcT, idx8, w8 = _stage_a(invariant_features, posT, inv_cellT, W1, b1c, W2, b2c)
    partials = _stage_b(srcT, idx8, w8)
    kern_col = _stage_c2(inv_cellT, volarr, Wf1, bf1r, Wf2, bf2r, Wf3, bf3r)
    phi = _stage_c(partials, kern_col.reshape(M, M * M))
    epart = _stage_d(phi, srcT, idx8, w8)
    return _stage_e(epart)

# --- scband reference (transcript-rebuilt; emitter-appended) ---
"""Pipeline reference for scband-latent-reciprocal-long-range-66881230733963 (READ-ONLY COPY).

The authoritative reference and input builder live on the scoring server;
editing this copy changes nothing except your own understanding.
"""

import jax, jax.numpy as jnp
import numpy as np
import math

N = 50000; F = 256; H = 128; C = 4; FH = 64; M = 32

_CORNERS = np.array([[0,0,0],[0,0,1],[0,1,0],[0,1,1],[1,0,0],[1,0,1],[1,1,0],[1,1,1]], dtype=np.int32)

def setup_inputs(seed: int = 0):
    key = jax.random.key(seed)
    ks = jax.random.split(key, 14)
    inp = {}
    inp["invariant_features"] = jax.random.normal(ks[0], (N, F), jnp.float32)
    inp["positions"] = jax.random.uniform(ks[1], (N, 3), jnp.float32) * 30.0
    inp["cell"] = 30.0 * jnp.eye(3, dtype=jnp.float32)
    inp["W1"] = jax.random.normal(ks[2], (F, H), jnp.float32) / np.sqrt(F)
    inp["b1"] = jnp.zeros((H,), jnp.float32)
    inp["W2"] = jax.random.normal(ks[3], (H, C), jnp.float32) / np.sqrt(H)
    inp["b2"] = jnp.zeros((C,), jnp.float32)
    inp["Wf1"] = jax.random.normal(ks[4], (3, FH), jnp.float32) / np.sqrt(3.0)
    inp["bf1"] = jnp.zeros((FH,), jnp.float32)
    inp["Wf2"] = jax.random.normal(ks[5], (FH, FH), jnp.float32) / np.sqrt(FH)
    inp["bf2"] = jnp.zeros((FH,), jnp.float32)
    inp["Wf3"] = jax.random.normal(ks[6], (FH, 1), jnp.float32) / np.sqrt(FH)
    inp["bf3"] = jnp.zeros((1,), jnp.float32)
    return inp

def _corner_weights(f):
    wx0 = 1.0 - f[:, 0]; wy0 = 1.0 - f[:, 1]; wz0 = 1.0 - f[:, 2]
    wx1 = f[:, 0]; wy1 = f[:, 1]; wz1 = f[:, 2]
    return jnp.stack([wx0*wy0*wz0, wx0*wy0*wz1, wx0*wy1*wz0, wx0*wy1*wz1,
                      wx1*wy0*wz0, wx1*wy0*wz1, wx1*wy1*wz0, wx1*wy1*wz1], axis=1)

def _idftn3_real(re, im):
    j = np.arange(M)
    ang = 2.0 * np.pi * np.outer(j, j) / M
    Wr = jnp.asarray(np.cos(ang) / M)
    Wi = jnp.asarray(np.sin(ang) / M)
    Wr = Wr.astype(re.dtype)
    Wi = Wi.astype(re.dtype)
    for axis in (0, 1, 2):
        tr = jnp.tensordot(Wr, re, axes=(1, axis)) - jnp.tensordot(Wi, im, axes=(1, axis))
        ti = jnp.tensordot(Wr, im, axes=(1, axis)) + jnp.tensordot(Wi, re, axes=(1, axis))
        re = jnp.moveaxis(tr, 0, axis)
        im = jnp.moveaxis(ti, 0, axis)
    return re

def reference(invariant_features, positions, cell, W1, b1, W2, b2, Wf1, bf1, Wf2, bf2, Wf3, bf3):
    # LatentSourceHead: features -> latent sources
    h = jax.nn.silu(invariant_features @ W1 + b1)
    source = h @ W2 + b2  # [N, C]
    # fractional coords, periodic wrap
    inv_cell = jnp.linalg.inv(cell)
    frac = positions @ inv_cell
    frac = frac - jnp.floor(frac)
    scaled = frac * float(M)
    base = jnp.floor(scaled)
    fo = scaled - base
    base_i = base.astype(jnp.int32)
    w = _corner_weights(fo)  # [N, 8]
    co = jnp.asarray(_CORNERS)
    # CIC spread: scatter-add sources onto mesh
    flat_mesh = jnp.zeros((M * M * M, C), jnp.float32)
    for corner in range(8):
        idx = jnp.remainder(base_i + co[corner][None, :], M)
        flat_idx = (idx[:, 0] * M + idx[:, 1]) * M + idx[:, 2]
        flat_mesh = flat_mesh.at[flat_idx].add(source * w[:, corner:corner+1])
    mesh = flat_mesh.reshape(M, M, M, C)
    # reciprocal-space convolution with learned Poisson kernel
    mesh_hat = jnp.fft.fftn(mesh, axes=(0, 1, 2))
    n = jnp.fft.fftfreq(M) * float(M)
    nx, ny, nz = jnp.meshgrid(n, n, n, indexing='ij')
    kint = jnp.stack([nx, ny, nz], axis=-1).astype(jnp.float32)
    kvec = 2.0 * math.pi * jnp.einsum('xyzi,ji->xyzj', kint, inv_cell)
    k_norm = jnp.linalg.norm(kvec, axis=-1)
    safe_k = jnp.maximum(k_norm, 1e-6)
    x0 = jnp.log1p(safe_k); x1 = x0 * x0; x2 = 1.0 / safe_k
    xf = jnp.stack([x0, x1, x2], axis=-1)
    hf = jax.nn.silu(xf @ Wf1 + bf1)
    hf = jax.nn.silu(hf @ Wf2 + bf2)
    scale = jax.nn.softplus((hf @ Wf3 + bf3)[..., 0])
    kernel = 4.0 * math.pi / (safe_k * safe_k) * scale
    kernel = kernel.at[0, 0, 0].set(0.0)  # include_k0=False
    phi = _idftn3_real(jnp.real(mesh_hat) * kernel[..., None],
                       jnp.imag(mesh_hat) * kernel[..., None])
    # CIC gather: potential back at particle positions
    flat_phi = phi.reshape(M * M * M, C)
    pot = jnp.zeros((positions.shape[0], C), jnp.float32)
    for corner in range(8):
        idx = jnp.remainder(base_i + co[corner][None, :], M)
        flat_idx = (idx[:, 0] * M + idx[:, 1]) * M + idx[:, 2]
        pot = pot + flat_phi[flat_idx] * w[:, corner:corner+1]
    volume = jnp.abs(jnp.linalg.det(cell))
    # per-atom long-range energy (potential partition)
    energy = 0.5 * jnp.sum(source * pot, axis=-1) / volume
    return energy

if __name__ == "__main__":
    import jax
    _d = setup_inputs()
    print(jax.jit(kernel)(*tuple(_d.values())))

</pallas_src>

<mosaic_0001>
#map = affine_map<(d0, d1) -> (0, 0)>
#map1 = affine_map<(d0, d1) -> (0, 0, 0)>
module attributes {stable_mosaic.version = 14 : i64} {
  func.func @_scatter_body(%arg0: i32, %arg1: i32, %arg2: memref<4x50176xf32, #tpu.memory_space<hbm>>, %arg3: memref<8x50176xi32, #tpu.memory_space<hbm>>, %arg4: memref<8x50176xf32, #tpu.memory_space<hbm>>, %arg5: memref<8x128x1024xf32, #tpu.memory_space<hbm>>, %arg6: memref<32x1024xf32, #tpu.memory_space<vmem>>, %arg7: memref<6272xi32, #tpu.memory_space<vmem>>, %arg8: memref<6272xi32, #tpu.memory_space<vmem>>, %arg9: memref<6272xf32, #tpu.memory_space<vmem>>, %arg10: memref<6272xf32, #tpu.memory_space<vmem>>, %arg11: memref<6272xf32, #tpu.memory_space<vmem>>, %arg12: memref<!tpu.dma_semaphore, #tpu.memory_space<semaphore_mem>>, %arg13: memref<!tpu.dma_semaphore, #tpu.memory_space<semaphore_mem>>, %arg14: memref<!tpu.dma_semaphore, #tpu.memory_space<semaphore_mem>>) attributes {dimension_semantics = [#tpu.dimension_semantics<core_parallel>, #tpu.dimension_semantics<subcore_parallel>], iteration_bounds = array<i64: 2, 16>, scalar_prefetch = 0 : i64, scratch_operands = 9 : i64, tpu.core_type = #tpu.core_type<sc_vector_subcore>, window_params = [{transform_indices = #map}, {transform_indices = #map}, {transform_indices = #map}, {transform_indices = #map1}]} {
    %mul3A = arith.constant 2 : i32
    %mul3A_0 = arith.muli %arg1, %mul3A : i32
    %add3A = arith.addi %mul3A_0, %arg0 : i32
    %jit3A = arith.constant 4 : i32
    %div3A = arith.divsi %add3A, %jit3A : i32
    %sign3A = arith.constant 0 : i32
    %sign3A_1 = arith.cmpi sgt, %add3A, %sign3A : i32
    %sign3A_2 = arith.extui %sign3A_1 : i1 to i32
    %sign3A_3 = arith.constant 0 : i32
    %sign3A_4 = arith.cmpi slt, %add3A, %sign3A_3 : i32
    %sign3A_5 = arith.extui %sign3A_4 : i1 to i32
    %sign3A_6 = arith.subi %sign3A_2, %sign3A_5 : i32
    %sign3A_7 = arith.constant 0 : i32
    %sign3A_8 = arith.cmpi sgt, %jit3A, %sign3A_7 : i32
    %sign3A_9 = arith.extui %sign3A_8 : i1 to i32
    %sign3A_10 = arith.constant 0 : i32
    %sign3A_11 = arith.cmpi slt, %jit3A, %sign3A_10 : i32
    %sign3A_12 = arith.extui %sign3A_11 : i1 to i32
    %sign3A_13 = arith.subi %sign3A_9, %sign3A_12 : i32
    %ne3A = arith.cmpi ne, %sign3A_6, %sign3A_13 : i32
    %rem3A = arith.remsi %add3A, %jit3A : i32
    %ne3A_14 = arith.constant 0 : i32
    %ne3A_15 = arith.cmpi ne, %rem3A, %ne3A_14 : i32
    %and3A = arith.andi %ne3A, %ne3A_15 : i1
    %sub3A = arith.constant 1 : i32
    %sub3A_16 = arith.subi %div3A, %sub3A : i32
    %select_n3A = arith.select %and3A, %sub3A_16, %div3A : i32
    %jit3A_17 = arith.constant 4 : i32
    %eq3A = arith.constant 0 : i32
    %eq3A_18 = arith.cmpi eq, %jit3A_17, %eq3A : i32
    %jit3A_19 = arith.constant 1 : i32
    %select_n3A_20 = arith.select %eq3A_18, %jit3A_19, %jit3A_17 : i32
    %rem3A_21 = arith.remsi %add3A, %select_n3A_20 : i32
    %ne3A_22 = arith.constant 0 : i32
    %ne3A_23 = arith.cmpi ne, %rem3A_21, %ne3A_22 : i32
    %lt3A = arith.constant 0 : i32
    %lt3A_24 = arith.cmpi slt, %rem3A_21, %lt3A : i32
    %lt3A_25 = arith.constant 0 : i32
    %lt3A_26 = arith.cmpi slt, %select_n3A_20, %lt3A_25 : i32
    %ne3A_27 = arith.xori %lt3A_24, %lt3A_26 : i1
    %and3A_28 = arith.andi %ne3A_27, %ne3A_23 : i1
    %add3A_29 = arith.addi %rem3A_21, %select_n3A_20 : i32
    %select_n3A_30 = arith.select %and3A_28, %add3A_29, %rem3A_21 : i32
    %mul3A_31 = arith.constant 6272 : i32
    %mul3A_32 = arith.muli %select_n3A, %mul3A_31 : i32
    %dma_start3A = tpu.memref_slice %arg2[%select_n3A_30, %mul3A_32] : memref<4x50176xf32, #tpu.memory_space<hbm>> -> memref<1x6272xf32, #tpu.memory_space<hbm>>
    %dma_start3A_33 = tpu.memref_squeeze %dma_start3A : memref<1x6272xf32, #tpu.memory_space<hbm>> -> memref<6272xf32, #tpu.memory_space<hbm>>
    %dma_start3A_34 = tpu.memref_slice %arg2[%select_n3A_30, %mul3A_32] : memref<4x50176xf32, #tpu.memory_space<hbm>> -> memref<1x6272xf32, #tpu.memory_space<hbm>>
    %dma_start3A_35 = tpu.memref_squeeze %dma_start3A_34 : memref<1x6272xf32, #tpu.memory_space<hbm>> -> memref<6272xf32, #tpu.memory_space<hbm>>
    tpu.enqueue_dma source(%dma_start3A_35 : memref<6272xf32, #tpu.memory_space<hbm>>) target(%arg11 : memref<6272xf32, #tpu.memory_space<vmem>>) target_semaphore(%arg14 : memref<!tpu.dma_semaphore, #tpu.memory_space<semaphore_mem>>)
    %dma_start3A_36 = arith.constant 0 : i32
    %dma_start3A_37 = tpu.memref_slice %arg3[%dma_start3A_36, %mul3A_32] : memref<8x50176xi32, #tpu.memory_space<hbm>> -> memref<1x6272xi32, #tpu.memory_space<hbm>>
    %dma_start3A_38 = tpu.memref_squeeze %dma_start3A_37 : memref<1x6272xi32, #tpu.memory_space<hbm>> -> memref<6272xi32, #tpu.memory_space<hbm>>
    %dma_start3A_39 = tpu.memref_slice %arg3[%dma_start3A_36, %mul3A_32] : memref<8x50176xi32, #tpu.memory_space<hbm>> -> memref<1x6272xi32, #tpu.memory_space<hbm>>
    %dma_start3A_40 = tpu.memref_squeeze %dma_start3A_39 : memref<1x6272xi32, #tpu.memory_space<hbm>> -> memref<6272xi32, #tpu.memory_space<hbm>>
    tpu.enqueue_dma source(%dma_start3A_40 : memref<6272xi32, #tpu.memory_space<hbm>>) target(%arg7 : memref<6272xi32, #tpu.memory_space<vmem>>) target_semaphore(%arg12 : memref<!tpu.dma_semaphore, #tpu.memory_space<semaphore_mem>>)
    %dma_start3A_41 = arith.constant 0 : i32
    %dma_start3A_42 = tpu.memref_slice %arg4[%dma_start3A_41, %mul3A_32] : memref<8x50176xf32, #tpu.memory_space<hbm>> -> memref<1x6272xf32, #tpu.memory_space<hbm>>
    %dma_start3A_43 = tpu.memref_squeeze %dma_start3A_42 : memref<1x6272xf32, #tpu.memory_space<hbm>> -> memref<6272xf32, #tpu.memory_space<hbm>>
    %dma_start3A_44 = tpu.memref_slice %arg4[%dma_start3A_41, %mul3A_32] : memref<8x50176xf32, #tpu.memory_space<hbm>> -> memref<1x6272xf32, #tpu.memory_space<hbm>>
    %dma_start3A_45 = tpu.memref_squeeze %dma_start3A_44 : memref<1x6272xf32, #tpu.memory_space<hbm>> -> memref<6272xf32, #tpu.memory_space<hbm>>
    tpu.enqueue_dma source(%dma_start3A_45 : memref<6272xf32, #tpu.memory_space<hbm>>) target(%arg9 : memref<6272xf32, #tpu.memory_space<vmem>>) target_semaphore(%arg12 : memref<!tpu.dma_semaphore, #tpu.memory_space<semaphore_mem>>)
    %scan3A = arith.constant 0 : i32
    %scan3A_46 = arith.constant 0 : i32
    %scan3A_47 = arith.constant 32 : i32
    %scan3A_48 = arith.addi %scan3A_46, %scan3A_47 : i32
    %scan3A_49 = arith.constant 1 : i32
    %scan3A_50 = scf.for %scan3A_263 = %scan3A_46 to %scan3A_48 step %scan3A_49 iter_args(%scan3A_264 = %scan3A) -> (i32)  : i32 {
      %broadcast_in_dim3A = arith.constant 0.000000e+00 : f32
      %broadcast_in_dim3A_265 = vector.broadcast %broadcast_in_dim3A : f32 to vector<16xf32>
      %swap3A = arith.index_cast %scan3A_263 : i32 to index
      %swap3A_266 = arith.constant 0 : index
      %swap3A_267 = tpu.vector_load %arg6[%swap3A, %swap3A_266] {strides = array<i32>} : memref<32x1024xf32, #tpu.memory_space<vmem>>, vector<16xf32>,
      tpu.vector_store %arg6[%swap3A, %swap3A_266], %broadcast_in_dim3A_265 {strides = array<i32>} : memref<32x1024xf32, #tpu.memory_space<vmem>>, vector<16xf32>,
      %broadcast_in_dim3A_268 = arith.constant 0.000000e+00 : f32
      %broadcast_in_dim3A_269 = vector.broadcast %broadcast_in_dim3A_268 : f32 to vector<16xf32>
      %swap3A_270 = arith.index_cast %scan3A_263 : i32 to index
      %swap3A_271 = arith.constant 16 : index
      %swap3A_272 = tpu.vector_load %arg6[%swap3A_270, %swap3A_271] {strides = array<i32>} : memref<32x1024xf32, #tpu.memory_space<vmem>>, vector<16xf32>,
      tpu.vector_store %arg6[%swap3A_270, %swap3A_271], %broadcast_in_dim3A_269 {strides = array<i32>} : memref<32x1024xf32, #tpu.memory_space<vmem>>, vector<16xf32>,
      %broadcast_in_dim3A_273 = arith.constant 0.000000e+00 : f32
      %broadcast_in_dim3A_274 = vector.broadcast %broadcast_in_dim3A_273 : f32 to vector<16xf32>
      %swap3A_275 = arith.index_cast %scan3A_263 : i32 to index
      %swap3A_276 = arith.constant 32 : index
      %swap3A_277 = tpu.vector_load %arg6[%swap3A_275, %swap3A_276] {strides = array<i32>} : memref<32x1024xf32, #tpu.memory_space<vmem>>, vector<16xf32>,
      tpu.vector_store %arg6[%swap3A_275, %swap3A_276], %broadcast_in_dim3A_274 {strides = array<i32>} : memref<32x1024xf32, #tpu.memory_space<vmem>>, vector<16xf32>,
      %broadcast_in_dim3A_278 = arith.constant 0.000000e+00 : f32
      %broadcast_in_dim3A_279 = vector.broadcast %broadcast_in_dim3A_278 : f32 to vector<16xf32>
      %swap3A_280 = arith.index_cast %scan3A_263 : i32 to index
      %swap3A_281 = arith.constant 48 : index
      %swap3A_282 = tpu.vector_load %arg6[%swap3A_280, %swap3A_281] {strides = array<i32>} : memref<32x1024xf32, #tpu.memory_space<vmem>>, vector<16xf32>,
      tpu.vector_store %arg6[%swap3A_280, %swap3A_281], %broadcast_in_dim3A_279 {strides = array<i32>} : memref<32x1024xf32, #tpu.memory_space<vmem>>, vector<16xf32>,
      %broadcast_in_dim3A_283 = arith.constant 0.000000e+00 : f32
      %broadcast_in_dim3A_284 = vector.broadcast %broadcast_in_dim3A_283 : f32 to vector<16xf32>
      %swap3A_285 = arith.index_cast %scan3A_263 : i32 to index
      %swap3A_286 = arith.constant 64 : index
      %swap3A_287 = tpu.vector_load %arg6[%swap3A_285, %swap3A_286] {strides = array<i32>} : memref<32x1024xf32, #tpu.memory_space<vmem>>, vector<16xf32>,
      tpu.vector_store %arg6[%swap3A_285, %swap3A_286], %broadcast_in_dim3A_284 {strides = array<i32>} : memref<32x1024xf32, #tpu.memory_space<vmem>>, vector<16xf32>,
      %broadcast_in_dim3A_288 = arith.constant 0.000000e+00 : f32
      %broadcast_in_dim3A_289 = vector.broadcast %broadcast_in_dim3A_288 : f32 to vector<16xf32>
      %swap3A_290 = arith.index_cast %scan3A_263 : i32 to index
      %swap3A_291 = arith.constant 80 : index
      %swap3A_292 = tpu.vector_load %arg6[%swap3A_290, %swap3A_291] {strides = array<i32>} : memref<32x1024xf32, #tpu.memory_space<vmem>>, vector<16xf32>,
      tpu.vector_store %arg6[%swap3A_290, %swap3A_291], %broadcast_in_dim3A_289 {strides = array<i32>} : memref<32x1024xf32, #tpu.memory_space<vmem>>, vector<16xf32>,
      %broadcast_in_dim3A_293 = arith.constant 0.000000e+00 : f32
      %broadcast_in_dim3A_294 = vector.broadcast %broadcast_in_dim3A_293 : f32 to vector<16xf32>
      %swap3A_295 = arith.index_cast %scan3A_263 : i32 to index
      %swap3A_296 = arith.constant 96 : index
      %swap3A_297 = tpu.vector_load %arg6[%swap3A_295, %swap3A_296] {strides = array<i32>} : memref<32x1024xf32, #tpu.memory_space<vmem>>, vector<16xf32>,
      tpu.vector_store %arg6[%swap3A_295, %swap3A_296], %broadcast_in_dim3A_294 {strides = array<i32>} : memref<32x1024xf32, #tpu.memory_space<vmem>>, vector<16xf32>,
      %broadcast_in_dim3A_298 = arith.constant 0.000000e+00 : f32
      %broadcast_in_dim3A_299 = vector.broadcast %broadcast_in_dim3A_298 : f32 to vector<16xf32>
      %swap3A_300 = arith.index_cast %scan3A_263 : i32 to index
      %swap3A_301 = arith.constant 112 : index
      %swap3A_302 = tpu.vector_load %arg6[%swap3A_300, %swap3A_301] {strides = array<i32>} : memref<32x1024xf32, #tpu.memory_space<vmem>>, vector<16xf32>,
      tpu.vector_store %arg6[%swap3A_300, %swap3A_301], %broadcast_in_dim3A_299 {strides = array<i32>} : memref<32x1024xf32, #tpu.memory_space<vmem>>, vector<16xf32>,
      %broadcast_in_dim3A_303 = arith.constant 0.000000e+00 : f32
      %broadcast_in_dim3A_304 = vector.broadcast %broadcast_in_dim3A_303 : f32 to vector<16xf32>
      %swap3A_305 = arith.index_cast %scan3A_263 : i32 to index
      %swap3A_306 = arith.constant 128 : index
      %swap3A_307 = tpu.vector_load %arg6[%swap3A_305, %swap3A_306] {strides = array<i32>} : memref<32x1024xf32, #tpu.memory_space<vmem>>, vector<16xf32>,
      tpu.vector_store %arg6[%swap3A_305, %swap3A_306], %broadcast_in_dim3A_304 {strides = array<i32>} : memref<32x1024xf32, #tpu.memory_space<vmem>>, vector<16xf32>,
      %broadcast_in_dim3A_308 = arith.constant 0.000000e+00 : f32
      %broadcast_in_dim3A_309 = vector.broadcast %broadcast_in_dim3A_308 : f32 to vector<16xf32>
      %swap3A_310 = arith.index_cast %scan3A_263 : i32 to index
      %swap3A_311 = arith.constant 144 : index
      %swap3A_312 = tpu.vector_load %arg6[%swap3A_310, %swap3A_311] {strides = array<i32>} : memref<32x1024xf32, #tpu.memory_space<vmem>>, vector<16xf32>,
      tpu.vector_store %arg6[%swap3A_310, %swap3A_311], %broadcast_in_dim3A_309 {strides = array<i32>} : memref<32x1024xf32, #tpu.memory_space<vmem>>, vector<16xf32>,
      %broadcast_in_dim3A_313 = arith.constant 0.000000e+00 : f32
      %broadcast_in_dim3A_314 = vector.broadcast %broadcast_in_dim3A_313 : f32 to vector<16xf32>
      %swap3A_315 = arith.index_cast %scan3A_263 : i32 to index
      %swap3A_316 = arith.constant 160 : index
      %swap3A_317 = tpu.vector_load %arg6[%swap3A_315, %swap3A_316] {strides = array<i32>} : memref<32x1024xf32, #tpu.memory_space<vmem>>, vector<16xf32>,
      tpu.vector_store %arg6[%swap3A_315, %swap3A_316], %broadcast_in_dim3A_314 {strides = array<i32>} : memref<32x1024xf32, #tpu.memory_space<vmem>>, vector<16xf32>,
      %broadcast_in_dim3A_318 = arith.constant 0.000000e+00 : f32
      %broadcast_in_dim3A_319 = vector.broadcast %broadcast_in_dim3A_318 : f32 to vector<16xf32>
      %swap3A_320 = arith.index_cast %scan3A_263 : i32 to index
      %swap3A_321 = arith.constant 176 : index
      %swap3A_322 = tpu.vector_load %arg6[%swap3A_320, %swap3A_321] {strides = array<i32>} : memref<32x1024xf32, #tpu.memory_space<vmem>>, vector<16xf32>,
      tpu.vector_store %arg6[%swap3A_320, %swap3A_321], %broadcast_in_dim3A_319 {strides = array<i32>} : memref<32x1024xf32, #tpu.memory_space<vmem>>, vector<16xf32>,
      %broadcast_in_dim3A_323 = arith.constant 0.000000e+00 : f32
      %broadcast_in_dim3A_324 = vector.broadcast %broadcast_in_dim3A_323 : f32 to vector<16xf32>
      %swap3A_325 = arith.index_cast %scan3A_263 : i32 to index
      %swap3A_326 = arith.constant 192 : index
      %swap3A_327 = tpu.vector_load %arg6[%swap3A_325, %swap3A_326] {strides = array<i32>} : memref<32x1024xf32, #tpu.memory_space<vmem>>, vector<16xf32>,
      tpu.vector_store %arg6[%swap3A_325, %swap3A_326], %broadcast_in_dim3A_324 {strides = array<i32>} : memref<32x1024xf32, #tpu.memory_space<vmem>>, vector<16xf32>,
      %broadcast_in_dim3A_328 = arith.constant 0.000000e+00 : f32
      %broadcast_in_dim3A_329 = vector.broadcast %broadcast_in_dim3A_328 : f32 to vector<16xf32>
      %swap3A_330 = arith.index_cast %scan3A_263 : i32 to index
      %swap3A_331 = arith.constant 208 : index
      %swap3A_332 = tpu.vector_load %arg6[%swap3A_330, %swap3A_331] {strides = array<i32>} : memref<32x1024xf32, #tpu.memory_space<vmem>>, vector<16xf32>,
      tpu.vector_store %arg6[%swap3A_330, %swap3A_331], %broadcast_in_dim3A_329 {strides = array<i32>} : memref<32x1024xf32, #tpu.memory_space<vmem>>, vector<16xf32>,
      %broadcast_in_dim3A_333 = arith.constant 0.000000e+00 : f32
      %broadcast_in_dim3A_334 = vector.broadcast %broadcast_in_dim3A_333 : f32 to vector<16xf32>
      %swap3A_335 = arith.index_cast %scan3A_263 : i32 to index
      %swap3A_336 = arith.constant 224 : index
      %swap3A_337 = tpu.vector_load %arg6[%swap3A_335, %swap3A_336] {strides = array<i32>} : memref<32x1024xf32, #tpu.memory_space<vmem>>, vector<16xf32>,
      tpu.vector_store %arg6[%swap3A_335, %swap3A_336], %broadcast_in_dim3A_334 {strides = array<i32>} : memref<32x1024xf32, #tpu.memory_space<vmem>>, vector<16xf32>,
      %broadcast_in_dim3A_338 = arith.constant 0.000000e+00 : f32
      %broadcast_in_dim3A_339 = vector.broadcast %broadcast_in_dim3A_338 : f32 to vector<16xf32>
      %swap3A_340 = arith.index_cast %scan3A_263 : i32 to index
      %swap3A_341 = arith.constant 240 : index
      %swap3A_342 = tpu.vector_load %arg6[%swap3A_340, %swap3A_341] {strides = array<i32>} : memref<32x1024xf32, #tpu.memory_space<vmem>>, vector<16xf32>,
      tpu.vector_store %arg6[%swap3A_340, %swap3A_341], %broadcast_in_dim3A_339 {strides = array<i32>} : memref<32x1024xf32, #tpu.memory_space<vmem>>, vector<16xf32>,
      %broadcast_in_dim3A_343 = arith.constant 0.000000e+00 : f32
      %broadcast_in_dim3A_344 = vector.broadcast %broadcast_in_dim3A_343 : f32 to vector<16xf32>
      %swap3A_345 = arith.index_cast %scan3A_263 : i32 to index
      %swap3A_346 = arith.constant 256 : index
      %swap3A_347 = tpu.vector_load %arg6[%swap3A_345, %swap3A_346] {strides = array<i32>} : memref<32x1024xf32, #tpu.memory_space<vmem>>, vector<16xf32>,
      tpu.vector_store %arg6[%swap3A_345, %swap3A_346], %broadcast_in_dim3A_344 {strides = array<i32>} : memref<32x1024xf32, #tpu.memory_space<vmem>>, vector<16xf32>,
      %broadcast_in_dim3A_348 = arith.constant 0.000000e+00 : f32
      %broadcast_in_dim3A_349 = vector.broadcast %broadcast_in_dim3A_348 : f32 to vector<16xf32>
      %swap3A_350 = arith.index_cast %scan3A_263 : i32 to index
      %swap3A_351 = arith.constant 272 : index
      %swap3A_352 = tpu.vector_load %arg6[%swap3A_350, %swap3A_351] {strides = array<i32>} : memref<32x1024xf32, #tpu.memory_space<vmem>>, vector<16xf32>,
      tpu.vector_store %arg6[%swap3A_350, %swap3A_351], %broadcast_in_dim3A_349 {strides = array<i32>} : memref<32x1024xf32, #tpu.memory_space<vmem>>, vector<16xf32>,
      %broadcast_in_dim3A_353 = arith.constant 0.000000e+00 : f32
      %broadcast_in_dim3A_354 = vector.broadcast %broadcast_in_dim3A_353 : f32 to vector<16xf32>
      %swap3A_355 = arith.index_cast %scan3A_263 : i32 to index
      %swap3A_356 = arith.constant 288 : index
      %swap3A_357 = tpu.vector_load %arg6[%swap3A_355, %swap3A_356] {strides = array<i32>} : memref<32x1024xf32, #tpu.memory_space<vmem>>, vector<16xf32>,
      tpu.vector_store %arg6[%swap3A_355, %swap3A_356], %broadcast_in_dim3A_354 {strides = array<i32>} : memref<32x1024xf32, #tpu.memory_space<vmem>>, vector<16xf32>,
      %broadcast_in_dim3A_358 = arith.constant 0.000000e+00 : f32
      %broadcast_in_dim3A_359 = vector.broadcast %broadcast_in_dim3A_358 : f32 to vector<16xf32>
      %swap3A_360 = arith.index_cast %scan3A_263 : i32 to index
      %swap3A_361 = arith.constant 304 : index
      %swap3A_362 = tpu.vector_load %arg6[%swap3A_360, %swap3A_361] {strides = array<i32>} : memref<32x1024xf32, #tpu.memory_space<vmem>>, vector<16xf32>,
      tpu.vector_store %arg6[%swap3A_360, %swap3A_361], %broadcast_in_dim3A_359 {strides = array<i32>} : memref<32x1024xf32, #tpu.memory_space<vmem>>, vector<16xf32>,
      %broadcast_in_dim3A_363 = arith.constant 0.000000e+00 : f32
      %broadcast_in_dim3A_364 = vector.broadcast %broadcast_in_dim3A_363 : f32 to vector<16xf32>
      %swap3A_365 = arith.index_cast %scan3A_263 : i32 to index
      %swap3A_366 = arith.constant 320 : index
      %swap3A_367 = tpu.vector_load %arg6[%swap3A_365, %swap3A_366] {strides = array<i32>} : memref<32x1024xf32, #tpu.memory_space<vmem>>, vector<16xf32>,
      tpu.vector_store %arg6[%swap3A_365, %swap3A_366], %broadcast_in_dim3A_364 {strides = array<i32>} : memref<32x1024xf32, #tpu.memory_space<vmem>>, vector<16xf32>,
      %broadcast_in_dim3A_368 = arith.constant 0.000000e+00 : f32
      %broadcast_in_dim3A_369 = vector.broadcast %broadcast_in_dim3A_368 : f32 to vector<16xf32>
      %swap3A_370 = arith.index_cast %scan3A_263 : i32 to index
      %swap3A_371 = arith.constant 336 : index
      %swap3A_372 = tpu.vector_load %arg6[%swap3A_370, %swap3A_371] {strides = array<i32>} : memref<32x1024xf32, #tpu.memory_space<vmem>>, vector<16xf32>,
      tpu.vector_store %arg6[%swap3A_370, %swap3A_371], %broadcast_in_dim3A_369 {strides = array<i32>} : memref<32x1024xf32, #tpu.memory_space<vmem>>, vector<16xf32>,
      %broadcast_in_dim3A_373 = arith.constant 0.000000e+00 : f32
      %broadcast_in_dim3A_374 = vector.broadcast %broadcast_in_dim3A_373 : f32 to vector<16xf32>
      %swap3A_375 = arith.index_cast %scan3A_263 : i32 to index
      %swap3A_376 = arith.constant 352 : index
      %swap3A_377 = tpu.vector_load %arg6[%swap3A_375, %swap3A_376] {strides = array<i32>} : memref<32x1024xf32, #tpu.memory_space<vmem>>, vector<16xf32>,
      tpu.vector_store %arg6[%swap3A_375, %swap3A_376], %broadcast_in_dim3A_374 {strides = array<i32>} : memref<32x1024xf32, #tpu.memory_space<vmem>>, vector<16xf32>,
      %broadcast_in_dim3A_378 = arith.constant 0.000000e+00 : f32
      %broadcast_in_dim3A_379 = vector.broadcast %broadcast_in_dim3A_378 : f32 to vector<16xf32>
      %swap3A_380 = arith.index_cast %scan3A_263 : i32 to index
      %swap3A_381 = arith.constant 368 : index
      %swap3A_382 = tpu.vector_load %arg6[%swap3A_380, %swap3A_381] {strides = array<i32>} : memref<32x1024xf32, #tpu.memory_space<vmem>>, vector<16xf32>,
      tpu.vector_store %arg6[%swap3A_380, %swap3A_381], %broadcast_in_dim3A_379 {strides = array<i32>} : memref<32x1024xf32, #tpu.memory_space<vmem>>, vector<16xf32>,
      %broadcast_in_dim3A_383 = arith.constant 0.000000e+00 : f32
      %broadcast_in_dim3A_384 = vector.broadcast %broadcast_in_dim3A_383 : f32 to vector<16xf32>
      %swap3A_385 = arith.index_cast %scan3A_263 : i32 to index
      %swap3A_386 = arith.constant 384 : index
      %swap3A_387 = tpu.vector_load %arg6[%swap3A_385, %swap3A_386] {strides = array<i32>} : memref<32x1024xf32, #tpu.memory_space<vmem>>, vector<16xf32>,
      tpu.vector_store %arg6[%swap3A_385, %swap3A_386], %broadcast_in_dim3A_384 {strides = array<i32>} : memref<32x1024xf32, #tpu.memory_space<vmem>>, vector<16xf32>,
      %broadcast_in_dim3A_388 = arith.constant 0.000000e+00 : f32
      %broadcast_in_dim3A_389 = vector.broadcast %broadcast_in_dim3A_388 : f32 to vector<16xf32>
      %swap3A_390 = arith.index_cast %scan3A_263 : i32 to index
      %swap3A_391 = arith.constant 400 : index
      %swap3A_392 = tpu.vector_load %arg6[%swap3A_390, %swap3A_391] {strides = array<i32>} : memref<32x1024xf32, #tpu.memory_space<vmem>>, vector<16xf32>,
      tpu.vector_store %arg6[%swap3A_390, %swap3A_391], %broadcast_in_dim3A_389 {strides = array<i32>} : memref<32x1024xf32, #tpu.memory_space<vmem>>, vector<16xf32>,
      %broadcast_in_dim3A_393 = arith.constant 0.000000e+00 : f32
      %broadcast_in_dim3A_394 = vector.broadcast %broadcast_in_dim3A_393 : f32 to vector<16xf32>
      %swap3A_395 = arith.index_cast %scan3A_263 : i32 to index
      %swap3A_396 = arith.constant 416 : index
      %swap3A_397 = tpu.vector_load %arg6[%swap3A_395, %swap3A_396] {strides = array<i32>} : memref<32x1024xf32, #tpu.memory_space<vmem>>, vector<16xf32>,
      tpu.vector_store %arg6[%swap3A_395, %swap3A_396], %broadcast_in_dim3A_394 {strides = array<i32>} : memref<32x1024xf32, #tpu.memory_space<vmem>>, vector<16xf32>,
      %broadcast_in_dim3A_398 = arith.constant 0.000000e+00 : f32
      %broadcast_in_dim3A_399 = vector.broadcast %broadcast_in_dim3A_398 : f32 to vector<16xf32>
      %swap3A_400 = arith.index_cast %scan3A_263 : i32 to index
      %swap3A_401 = arith.constant 432 : index
      %swap3A_402 = tpu.vector_load %arg6[%swap3A_400, %swap3A_401] {strides = array<i32>} : memref<32x1024xf32, #tpu.memory_space<vmem>>, vector<16xf32>,
      tpu.vector_store %arg6[%swap3A_400, %swap3A_401], %broadcast_in_dim3A_399 {strides = array<i32>} : memref<32x1024xf32, #tpu.memory_space<vmem>>, vector<16xf32>,
      %broadcast_in_dim3A_403 = arith.constant 0.000000e+00 : f32
      %broadcast_in_dim3A_404 = vector.broadcast %broadcast_in_dim3A_403 : f32 to vector<16xf32>
      %swap3A_405 = arith.index_cast %scan3A_263 : i32 to index
      %swap3A_406 = arith.constant 448 : index
      %swap3A_407 = tpu.vector_load %arg6[%swap3A_405, %swap3A_406] {strides = array<i32>} : memref<32x1024xf32, #tpu.memory_space<vmem>>, vector<16xf32>,
      tpu.vector_store %arg6[%swap3A_405, %swap3A_406], %broadcast_in_dim3A_404 {strides = array<i32>} : memref<32x1024xf32, #tpu.memory_space<vmem>>, vector<16xf32>,
      %broadcast_in_dim3A_408 = arith.constant 0.000000e+00 : f32
      %broadcast_in_dim3A_409 = vector.broadcast %broadcast_in_dim3A_408 : f32 to vector<16xf32>
      %swap3A_410 = arith.index_cast %scan3A_263 : i32 to index
      %swap3A_411 = arith.constant 464 : index
      %swap3A_412 = tpu.vector_load %arg6[%swap3A_410, %swap3A_411] {strides = array<i32>} : memref<32x1024xf32, #tpu.memory_space<vmem>>, vector<16xf32>,
      tpu.vector_store %arg6[%swap3A_410, %swap3A_411], %broadcast_in_dim3A_409 {strides = array<i32>} : memref<32x1024xf32, #tpu.memory_space<vmem>>, vector<16xf32>,
      %broadcast_in_dim3A_413 = arith.constant 0.000000e+00 : f32
      %broadcast_in_dim3A_414 = vector.broadcast %broadcast_in_dim3A_413 : f32 to vector<16xf32>
      %swap3A_415 = arith.index_cast %scan3A_263 : i32 to index
      %swap3A_416 = arith.constant 480 : index
      %swap3A_417 = tpu.vector_load %arg6[%swap3A_415, %swap3A_416] {strides = array<i32>} : memref<32x1024xf32, #tpu.memory_space<vmem>>, vector<16xf32>,
      tpu.vector_store %arg6[%swap3A_415, %swap3A_416], %broadcast_in_dim3A_414 {strides = array<i32>} : memref<32x1024xf32, #tpu.memory_space<vmem>>, vector<16xf32>,
      %broadcast_in_dim3A_418 = arith.constant 0.000000e+00 : f32
      %broadcast_in_dim3A_419 = vector.broadcast %broadcast_in_dim3A_418 : f32 to vector<16xf32>
      %swap3A_420 = arith.index_cast %scan3A_263 : i32 to index
      %swap3A_421 = arith.constant 496 : index
      %swap3A_422 = tpu.vector_load %arg6[%swap3A_420, %swap3A_421] {strides = array<i32>} : memref<32x1024xf32, #tpu.memory_space<vmem>>, vector<16xf32>,
      tpu.vector_store %arg6[%swap3A_420, %swap3A_421], %broadcast_in_dim3A_419 {strides = array<i32>} : memref<32x1024xf32, #tpu.memory_space<vmem>>, vector<16xf32>,
      %broadcast_in_dim3A_423 = arith.constant 0.000000e+00 : f32
      %broadcast_in_dim3A_424 = vector.broadcast %broadcast_in_dim3A_423 : f32 to vector<16xf32>
      %swap3A_425 = arith.index_cast %scan3A_263 : i32 to index
      %swap3A_426 = arith.constant 512 : index
      %swap3A_427 = tpu.vector_load %arg6[%swap3A_425, %swap3A_426] {strides = array<i32>} : memref<32x1024xf32, #tpu.memory_space<vmem>>, vector<16xf32>,
      tpu.vector_store %arg6[%swap3A_425, %swap3A_426], %broadcast_in_dim3A_424 {strides = array<i32>} : memref<32x1024xf32, #tpu.memory_space<vmem>>, vector<16xf32>,
      %broadcast_in_dim3A_428 = arith.constant 0.000000e+00 : f32
      %broadcast_in_dim3A_429 = vector.broadcast %broadcast_in_dim3A_428 : f32 to vector<16xf32>
      %swap3A_430 = arith.index_cast %scan3A_263 : i32 to index
      %swap3A_431 = arith.constant 528 : index
      %swap3A_432 = tpu.vector_load %arg6[%swap3A_430, %swap3A_431] {strides = array<i32>} : memref<32x1024xf32, #tpu.memory_space<vmem>>, vector<16xf32>,
      tpu.vector_store %arg6[%swap3A_430, %swap3A_431], %broadcast_in_dim3A_429 {strides = array<i32>} : memref<32x1024xf32, #tpu.memory_space<vmem>>, vector<16xf32>,
      %broadcast_in_dim3A_433 = arith.constant 0.000000e+00 : f32
      %broadcast_in_dim3A_434 = vector.broadcast %broadcast_in_dim3A_433 : f32 to vector<16xf32>
      %swap3A_435 = arith.index_cast %scan3A_263 : i32 to index
      %swap3A_436 = arith.constant 544 : index
      %swap3A_437 = tpu.vector_load %arg6[%swap3A_435, %swap3A_436] {strides = array<i32>} : memref<32x1024xf32, #tpu.memory_space<vmem>>, vector<16xf32>,
      tpu.vector_store %arg6[%swap3A_435, %swap3A_436], %broadcast_in_dim3A_434 {strides = array<i32>} : memref<32x1024xf32, #tpu.memory_space<vmem>>, vector<16xf32>,
      %broadcast_in_dim3A_438 = arith.constant 0.000000e+00 : f32
      %broadcast_in_dim3A_439 = vector.broadcast %broadcast_in_dim3A_438 : f32 to vector<16xf32>
      %swap3A_440 = arith.index_cast %scan3A_263 : i32 to index
      %swap3A_441 = arith.constant 560 : index
      %swap3A_442 = tpu.vector_load %arg6[%swap3A_440, %swap3A_441] {strides = array<i32>} : memref<32x1024xf32, #tpu.memory_space<vmem>>, vector<16xf32>,
      tpu.vector_store %arg6[%swap3A_440, %swap3A_441], %broadcast_in_dim3A_439 {strides = array<i32>} : memref<32x1024xf32, #tpu.memory_space<vmem>>, vector<16xf32>,
      %broadcast_in_dim3A_443 = arith.constant 0.000000e+00 : f32
      %broadcast_in_dim3A_444 = vector.broadcast %broadcast_in_dim3A_443 : f32 to vector<16xf32>
      %swap3A_445 = arith.index_cast %scan3A_263 : i32 to index
      %swap3A_446 = arith.constant 576 : index
      %swap3A_447 = tpu.vector_load %arg6[%swap3A_445, %swap3A_446] {strides = array<i32>} : memref<32x1024xf32, #tpu.memory_space<vmem>>, vector<16xf32>,
      tpu.vector_store %arg6[%swap3A_445, %swap3A_446], %broadcast_in_dim3A_444 {strides = array<i32>} : memref<32x1024xf32, #tpu.memory_space<vmem>>, vector<16xf32>,
      %broadcast_in_dim3A_448 = arith.constant 0.000000e+00 : f32
      %broadcast_in_dim3A_449 = vector.broadcast %broadcast_in_dim3A_448 : f32 to vector<16xf32>
      %swap3A_450 = arith.index_cast %scan3A_263 : i32 to index
      %swap3A_451 = arith.constant 592 : index
      %swap3A_452 = tpu.vector_load %arg6[%swap3A_450, %swap3A_451] {strides = array<i32>} : memref<32x1024xf32, #tpu.memory_space<vmem>>, vector<16xf32>,
      tpu.vector_store %arg6[%swap3A_450, %swap3A_451], %broadcast_in_dim3A_449 {strides = array<i32>} : memref<32x1024xf32, #tpu.memory_space<vmem>>, vector<16xf32>,
      %broadcast_in_dim3A_453 = arith.constant 0.000000e+00 : f32
      %broadcast_in_dim3A_454 = vector.broadcast %broadcast_in_dim3A_453 : f32 to vector<16xf32>
      %swap3A_455 = arith.index_cast %scan3A_263 : i32 to index
      %swap3A_456 = arith.constant 608 : index
      %swap3A_457 = tpu.vector_load %arg6[%swap3A_455, %swap3A_456] {strides = array<i32>} : memref<32x1024xf32, #tpu.memory_space<vmem>>, vector<16xf32>,
      tpu.vector_store %arg6[%swap3A_455, %swap3A_456], %broadcast_in_dim3A_454 {strides = array<i32>} : memref<32x1024xf32, #tpu.memory_space<vmem>>, vector<16xf32>,
      %broadcast_in_dim3A_458 = arith.constant 0.000000e+00 : f32
      %broadcast_in_dim3A_459 = vector.broadcast %broadcast_in_dim3A_458 : f32 to vector<16xf32>
      %swap3A_460 = arith.index_cast %scan3A_263 : i32 to index
      %swap3A_461 = arith.constant 624 : index
      %swap3A_462 = tpu.vector_load %arg6[%swap3A_460, %swap3A_461] {strides = array<i32>} : memref<32x1024xf32, #tpu.memory_space<vmem>>, vector<16xf32>,
      tpu.vector_store %arg6[%swap3A_460, %swap3A_461], %broadcast_in_dim3A_459 {strides = array<i32>} : memref<32x1024xf32, #tpu.memory_space<vmem>>, vector<16xf32>,
      %broadcast_in_dim3A_463 = arith.constant 0.000000e+00 : f32
      %broadcast_in_dim3A_464 = vector.broadcast %broadcast_in_dim3A_463 : f32 to vector<16xf32>
      %swap3A_465 = arith.index_cast %scan3A_263 : i32 to index
      %swap3A_466 = arith.constant 640 : index
      %swap3A_467 = tpu.vector_load %arg6[%swap3A_465, %swap3A_466] {strides = array<i32>} : memref<32x1024xf32, #tpu.memory_space<vmem>>, vector<16xf32>,
      tpu.vector_store %arg6[%swap3A_465, %swap3A_466], %broadcast_in_dim3A_464 {strides = array<i32>} : memref<32x1024xf32, #tpu.memory_space<vmem>>, vector<16xf32>,
      %broadcast_in_dim3A_468 = arith.constant 0.000000e+00 : f32
      %broadcast_in_dim3A_469 = vector.broadcast %broadcast_in_dim3A_468 : f32 to vector<16xf32>
      %swap3A_470 = arith.index_cast %scan3A_263 : i32 to index
      %swap3A_471 = arith.constant 656 : index
      %swap3A_472 = tpu.vector_load %arg6[%swap3A_470, %swap3A_471] {strides = array<i32>} : memref<32x1024xf32, #tpu.memory_space<vmem>>, vector<16xf32>,
      tpu.vector_store %arg6[%swap3A_470, %swap3A_471], %broadcast_in_dim3A_469 {strides = array<i32>} : memref<32x1024xf32, #tpu.memory_space<vmem>>, vector<16xf32>,
      %broadcast_in_dim3A_473 = arith.constant 0.000000e+00 : f32
      %broadcast_in_dim3A_474 = vector.broadcast %broadcast_in_dim3A_473 : f32 to vector<16xf32>
      %swap3A_475 = arith.index_cast %scan3A_263 : i32 to index
      %swap3A_476 = arith.constant 672 : index
      %swap3A_477 = tpu.vector_load %arg6[%swap3A_475, %swap3A_476] {strides = array<i32>} : memref<32x1024xf32, #tpu.memory_space<vmem>>, vector<16xf32>,
      tpu.vector_store %arg6[%swap3A_475, %swap3A_476], %broadcast_in_dim3A_474 {strides = array<i32>} : memref<32x1024xf32, #tpu.memory_space<vmem>>, vector<16xf32>,
      %broadcast_in_dim3A_478 = arith.constant 0.000000e+00 : f32
      %broadcast_in_dim3A_479 = vector.broadcast %broadcast_in_dim3A_478 : f32 to vector<16xf32>
      %swap3A_480 = arith.index_cast %scan3A_263 : i32 to index
      %swap3A_481 = arith.constant 688 : index
      %swap3A_482 = tpu.vector_load %arg6[%swap3A_480, %swap3A_481] {strides = array<i32>} : memref<32x1024xf32, #tpu.memory_space<vmem>>, vector<16xf32>,
      tpu.vector_store %arg6[%swap3A_480, %swap3A_481], %broadcast_in_dim3A_479 {strides = array<i32>} : memref<32x1024xf32, #tpu.memory_space<vmem>>, vector<16xf32>,
      %broadcast_in_dim3A_483 = arith.constant 0.000000e+00 : f32
      %broadcast_in_dim3A_484 = vector.broadcast %broadcast_in_dim3A_483 : f32 to vector<16xf32>
      %swap3A_485 = arith.index_cast %scan3A_263 : i32 to index
      %swap3A_486 = arith.constant 704 : index
      %swap3A_487 = tpu.vector_load %arg6[%swap3A_485, %swap3A_486] {strides = array<i32>} : memref<32x1024xf32, #tpu.memory_space<vmem>>, vector<16xf32>,
      tpu.vector_store %arg6[%swap3A_485, %swap3A_486], %broadcast_in_dim3A_484 {strides = array<i32>} : memref<32x1024xf32, #tpu.memory_space<vmem>>, vector<16xf32>,
      %broadcast_in_dim3A_488 = arith.constant 0.000000e+00 : f32
      %broadcast_in_dim3A_489 = vector.broadcast %broadcast_in_dim3A_488 : f32 to vector<16xf32>
      %swap3A_490 = arith.index_cast %scan3A_263 : i32 to index
      %swap3A_491 = arith.constant 720 : index
      %swap3A_492 = tpu.vector_load %arg6[%swap3A_490, %swap3A_491] {strides = array<i32>} : memref<32x1024xf32, #tpu.memory_space<vmem>>, vector<16xf32>,
      tpu.vector_store %arg6[%swap3A_490, %swap3A_491], %broadcast_in_dim3A_489 {strides = array<i32>} : memref<32x1024xf32, #tpu.memory_space<vmem>>, vector<16xf32>,
      %broadcast_in_dim3A_493 = arith.constant 0.000000e+00 : f32
      %broadcast_in_dim3A_494 = vector.broadcast %broadcast_in_dim3A_493 : f32 to vector<16xf32>
      %swap3A_495 = arith.index_cast %scan3A_263 : i32 to index
      %swap3A_496 = arith.constant 736 : index
      %swap3A_497 = tpu.vector_load %arg6[%swap3A_495, %swap3A_496] {strides = array<i32>} : memref<32x1024xf32, #tpu.memory_space<vmem>>, vector<16xf32>,
      tpu.vector_store %arg6[%swap3A_495, %swap3A_496], %broadcast_in_dim3A_494 {strides = array<i32>} : memref<32x1024xf32, #tpu.memory_space<vmem>>, vector<16xf32>,
      %broadcast_in_dim3A_498 = arith.constant 0.000000e+00 : f32
      %broadcast_in_dim3A_499 = vector.broadcast %broadcast_in_dim3A_498 : f32 to vector<16xf32>
      %swap3A_500 = arith.index_cast %scan3A_263 : i32 to index
      %swap3A_501 = arith.constant 752 : index
      %swap3A_502 = tpu.vector_load %arg6[%swap3A_500, %swap3A_501] {strides = array<i32>} : memref<32x1024xf32, #tpu.memory_space<vmem>>, vector<16xf32>,
      tpu.vector_store %arg6[%swap3A_500, %swap3A_501], %broadcast_in_dim3A_499 {strides = array<i32>} : memref<32x1024xf32, #tpu.memory_space<vmem>>, vector<16xf32>,
      %broadcast_in_dim3A_503 = arith.constant 0.000000e+00 : f32
      %broadcast_in_dim3A_504 = vector.broadcast %broadcast_in_dim3A_503 : f32 to vector<16xf32>
      %swap3A_505 = arith.index_cast %scan3A_263 : i32 to index
      %swap3A_506 = arith.constant 768 : index
      %swap3A_507 = tpu.vector_load %arg6[%swap3A_505, %swap3A_506] {strides = array<i32>} : memref<32x1024xf32, #tpu.memory_space<vmem>>, vector<16xf32>,
      tpu.vector_store %arg6[%swap3A_505, %swap3A_506], %broadcast_in_dim3A_504 {strides = array<i32>} : memref<32x1024xf32, #tpu.memory_space<vmem>>, vector<16xf32>,
      %broadcast_in_dim3A_508 = arith.constant 0.000000e+00 : f32
      %broadcast_in_dim3A_509 = vector.broadcast %broadcast_in_dim3A_508 : f32 to vector<16xf32>
      %swap3A_510 = arith.index_cast %scan3A_263 : i32 to index
      %swap3A_511 = arith.constant 784 : index
      %swap3A_512 = tpu.vector_load %arg6[%swap3A_510, %swap3A_511] {strides = array<i32>} : memref<32x1024xf32, #tpu.memory_space<vmem>>, vector<16xf32>,
      tpu.vector_store %arg6[%swap3A_510, %swap3A_511], %broadcast_in_dim3A_509 {strides = array<i32>} : memref<32x1024xf32, #tpu.memory_space<vmem>>, vector<16xf32>,
      %broadcast_in_dim3A_513 = arith.constant 0.000000e+00 : f32
      %broadcast_in_dim3A_514 = vector.broadcast %broadcast_in_dim3A_513 : f32 to vector<16xf32>
      %swap3A_515 = arith.index_cast %scan3A_263 : i32 to index
      %swap3A_516 = arith.constant 800 : index
      %swap3A_517 = tpu.vector_load %arg6[%swap3A_515, %swap3A_516] {strides = array<i32>} : memref<32x1024xf32, #tpu.memory_space<vmem>>, vector<16xf32>,
      tpu.vector_store %arg6[%swap3A_515, %swap3A_516], %broadcast_in_dim3A_514 {strides = array<i32>} : memref<32x1024xf32, #tpu.memory_space<vmem>>, vector<16xf32>,
      %broadcast_in_dim3A_518 = arith.constant 0.000000e+00 : f32
      %broadcast_in_dim3A_519 = vector.broadcast %broadcast_in_dim3A_518 : f32 to vector<16xf32>
      %swap3A_520 = arith.index_cast %scan3A_263 : i32 to index
      %swap3A_521 = arith.constant 816 : index
      %swap3A_522 = tpu.vector_load %arg6[%swap3A_520, %swap3A_521] {strides = array<i32>} : memref<32x1024xf32, #tpu.memory_space<vmem>>, vector<16xf32>,
      tpu.vector_store %arg6[%swap3A_520, %swap3A_521], %broadcast_in_dim3A_519 {strides = array<i32>} : memref<32x1024xf32, #tpu.memory_space<vmem>>, vector<16xf32>,
      %broadcast_in_dim3A_523 = arith.constant 0.000000e+00 : f32
      %broadcast_in_dim3A_524 = vector.broadcast %broadcast_in_dim3A_523 : f32 to vector<16xf32>
      %swap3A_525 = arith.index_cast %scan3A_263 : i32 to index
      %swap3A_526 = arith.constant 832 : index
      %swap3A_527 = tpu.vector_load %arg6[%swap3A_525, %swap3A_526] {strides = array<i32>} : memref<32x1024xf32, #tpu.memory_space<vmem>>, vector<16xf32>,
      tpu.vector_store %arg6[%swap3A_525, %swap3A_526], %broadcast_in_dim3A_524 {strides = array<i32>} : memref<32x1024xf32, #tpu.memory_space<vmem>>, vector<16xf32>,
      %broadcast_in_dim3A_528 = arith.constant 0.000000e+00 : f32
      %broadcast_in_dim3A_529 = vector.broadcast %broadcast_in_dim3A_528 : f32 to vector<16xf32>
      %swap3A_530 = arith.index_cast %scan3A_263 : i32 to index
      %swap3A_531 = arith.constant 848 : index
      %swap3A_532 = tpu.vector_load %arg6[%swap3A_530, %swap3A_531] {strides = array<i32>} : memref<32x1024xf32, #tpu.memory_space<vmem>>, vector<16xf32>,
      tpu.vector_store %arg6[%swap3A_530, %swap3A_531], %broadcast_in_dim3A_529 {strides = array<i32>} : memref<32x1024xf32, #tpu.memory_space<vmem>>, vector<16xf32>,
      %broadcast_in_dim3A_533 = arith.constant 0.000000e+00 : f32
      %broadcast_in_dim3A_534 = vector.broadcast %broadcast_in_dim3A_533 : f32 to vector<16xf32>
      %swap3A_535 = arith.index_cast %scan3A_263 : i32 to index
      %swap3A_536 = arith.constant 864 : index
      %swap3A_537 = tpu.vector_load %arg6[%swap3A_535, %swap3A_536] {strides = array<i32>} : memref<32x1024xf32, #tpu.memory_space<vmem>>, vector<16xf32>,
      tpu.vector_store %arg6[%swap3A_535, %swap3A_536], %broadcast_in_dim3A_534 {strides = array<i32>} : memref<32x1024xf32, #tpu.memory_space<vmem>>, vector<16xf32>,
      %broadcast_in_dim3A_538 = arith.constant 0.000000e+00 : f32
      %broadcast_in_dim3A_539 = vector.broadcast %broadcast_in_dim3A_538 : f32 to vector<16xf32>
      %swap3A_540 = arith.index_cast %scan3A_263 : i32 to index
      %swap3A_541 = arith.constant 880 : index
      %swap3A_542 = tpu.vector_load %arg6[%swap3A_540, %swap3A_541] {strides = array<i32>} : memref<32x1024xf32, #tpu.memory_space<vmem>>, vector<16xf32>,
      tpu.vector_store %arg6[%swap3A_540, %swap3A_541], %broadcast_in_dim3A_539 {strides = array<i32>} : memref<32x1024xf32, #tpu.memory_space<vmem>>, vector<16xf32>,
      %broadcast_in_dim3A_543 = arith.constant 0.000000e+00 : f32
      %broadcast_in_dim3A_544 = vector.broadcast %broadcast_in_dim3A_543 : f32 to vector<16xf32>
      %swap3A_545 = arith.index_cast %scan3A_263 : i32 to index
      %swap3A_546 = arith.constant 896 : index
      %swap3A_547 = tpu.vector_load %arg6[%swap3A_545, %swap3A_546] {strides = array<i32>} : memref<32x1024xf32, #tpu.memory_space<vmem>>, vector<16xf32>,
      tpu.vector_store %arg6[%swap3A_545, %swap3A_546], %broadcast_in_dim3A_544 {strides = array<i32>} : memref<32x1024xf32, #tpu.memory_space<vmem>>, vector<16xf32>,
      %broadcast_in_dim3A_548 = arith.constant 0.000000e+00 : f32
      %broadcast_in_dim3A_549 = vector.broadcast %broadcast_in_dim3A_548 : f32 to vector<16xf32>
      %swap3A_550 = arith.index_cast %scan3A_263 : i32 to index
      %swap3A_551 = arith.constant 912 : index
      %swap3A_552 = tpu.vector_load %arg6[%swap3A_550, %swap3A_551] {strides = array<i32>} : memref<32x1024xf32, #tpu.memory_space<vmem>>, vector<16xf32>,
      tpu.vector_store %arg6[%swap3A_550, %swap3A_551], %broadcast_in_dim3A_549 {strides = array<i32>} : memref<32x1024xf32, #tpu.memory_space<vmem>>, vector<16xf32>,
      %broadcast_in_dim3A_553 = arith.constant 0.000000e+00 : f32
      %broadcast_in_dim3A_554 = vector.broadcast %broadcast_in_dim3A_553 : f32 to vector<16xf32>
      %swap3A_555 = arith.index_cast %scan3A_263 : i32 to index
      %swap3A_556 = arith.constant 928 : index
      %swap3A_557 = tpu.vector_load %arg6[%swap3A_555, %swap3A_556] {strides = array<i32>} : memref<32x1024xf32, #tpu.memory_space<vmem>>, vector<16xf32>,
      tpu.vector_store %arg6[%swap3A_555, %swap3A_556], %broadcast_in_dim3A_554 {strides = array<i32>} : memref<32x1024xf32, #tpu.memory_space<vmem>>, vector<16xf32>,
      %broadcast_in_dim3A_558 = arith.constant 0.000000e+00 : f32
      %broadcast_in_dim3A_559 = vector.broadcast %broadcast_in_dim3A_558 : f32 to vector<16xf32>
      %swap3A_560 = arith.index_cast %scan3A_263 : i32 to index
      %swap3A_561 = arith.constant 944 : index
      %swap3A_562 = tpu.vector_load %arg6[%swap3A_560, %swap3A_561] {strides = array<i32>} : memref<32x1024xf32, #tpu.memory_space<vmem>>, vector<16xf32>,
      tpu.vector_store %arg6[%swap3A_560, %swap3A_561], %broadcast_in_dim3A_559 {strides = array<i32>} : memref<32x1024xf32, #tpu.memory_space<vmem>>, vector<16xf32>,
      %broadcast_in_dim3A_563 = arith.constant 0.000000e+00 : f32
      %broadcast_in_dim3A_564 = vector.broadcast %broadcast_in_dim3A_563 : f32 to vector<16xf32>
      %swap3A_565 = arith.index_cast %scan3A_263 : i32 to index
      %swap3A_566 = arith.constant 960 : index
      %swap3A_567 = tpu.vector_load %arg6[%swap3A_565, %swap3A_566] {strides = array<i32>} : memref<32x1024xf32, #tpu.memory_space<vmem>>, vector<16xf32>,
      tpu.vector_store %arg6[%swap3A_565, %swap3A_566], %broadcast_in_dim3A_564 {strides = array<i32>} : memref<32x1024xf32, #tpu.memory_space<vmem>>, vector<16xf32>,
      %broadcast_in_dim3A_568 = arith.constant 0.000000e+00 : f32
      %broadcast_in_dim3A_569 = vector.broadcast %broadcast_in_dim3A_568 : f32 to vector<16xf32>
      %swap3A_570 = arith.index_cast %scan3A_263 : i32 to index
      %swap3A_571 = arith.constant 976 : index
      %swap3A_572 = tpu.vector_load %arg6[%swap3A_570, %swap3A_571] {strides = array<i32>} : memref<32x1024xf32, #tpu.memory_space<vmem>>, vector<16xf32>,
      tpu.vector_store %arg6[%swap3A_570, %swap3A_571], %broadcast_in_dim3A_569 {strides = array<i32>} : memref<32x1024xf32, #tpu.memory_space<vmem>>, vector<16xf32>,
      %broadcast_in_dim3A_573 = arith.constant 0.000000e+00 : f32
      %broadcast_in_dim3A_574 = vector.broadcast %broadcast_in_dim3A_573 : f32 to vector<16xf32>
      %swap3A_575 = arith.index_cast %scan3A_263 : i32 to index
      %swap3A_576 = arith.constant 992 : index
      %swap3A_577 = tpu.vector_load %arg6[%swap3A_575, %swap3A_576] {strides = array<i32>} : memref<32x1024xf32, #tpu.memory_space<vmem>>, vector<16xf32>,
      tpu.vector_store %arg6[%swap3A_575, %swap3A_576], %broadcast_in_dim3A_574 {strides = array<i32>} : memref<32x1024xf32, #tpu.memory_space<vmem>>, vector<16xf32>,
      %broadcast_in_dim3A_578 = arith.constant 0.000000e+00 : f32
      %broadcast_in_dim3A_579 = vector.broadcast %broadcast_in_dim3A_578 : f32 to vector<16xf32>
      %swap3A_580 = arith.index_cast %scan3A_263 : i32 to index
      %swap3A_581 = arith.constant 1008 : index
      %swap3A_582 = tpu.vector_load %arg6[%swap3A_580, %swap3A_581] {strides = array<i32>} : memref<32x1024xf32, #tpu.memory_space<vmem>>, vector<16xf32>,
      tpu.vector_store %arg6[%swap3A_580, %swap3A_581], %broadcast_in_dim3A_579 {strides = array<i32>} : memref<32x1024xf32, #tpu.memory_space<vmem>>, vector<16xf32>,
      %scan3A_583 = arith.constant 0 : i32
      scf.yield %scan3A_583 : i32
    }
    %scan3A_51 = arith.constant 32 : i32
    %dma_wait3A = tpu.memref_slice %arg2[%select_n3A_30, %mul3A_32] : memref<4x50176xf32, #tpu.memory_space<hbm>> -> memref<1x6272xf32, #tpu.memory_space<hbm>>
    %dma_wait3A_52 = tpu.memref_squeeze %dma_wait3A : memref<1x6272xf32, #tpu.memory_space<hbm>> -> memref<6272xf32, #tpu.memory_space<hbm>>
    %dma_wait3A_53 = tpu.memref_slice %arg2[%select_n3A_30, %mul3A_32] : memref<4x50176xf32, #tpu.memory_space<hbm>> -> memref<1x6272xf32, #tpu.memory_space<hbm>>
    %dma_wait3A_54 = tpu.memref_squeeze %dma_wait3A_53 : memref<1x6272xf32, #tpu.memory_space<hbm>> -> memref<6272xf32, #tpu.memory_space<hbm>>
    tpu.wait_dma2 semaphore(%arg14 : memref<!tpu.dma_semaphore, #tpu.memory_space<semaphore_mem>>) src(%dma_wait3A_54 : memref<6272xf32, #tpu.memory_space<hbm>>) dst(%arg11 : memref<6272xf32, #tpu.memory_space<vmem>>)
    %dma_start3A_55 = arith.constant 1 : i32
    %dma_start3A_56 = tpu.memref_slice %arg3[%dma_start3A_55, %mul3A_32] : memref<8x50176xi32, #tpu.memory_space<hbm>> -> memref<1x6272xi32, #tpu.memory_space<hbm>>
    %dma_start3A_57 = tpu.memref_squeeze %dma_start3A_56 : memref<1x6272xi32, #tpu.memory_space<hbm>> -> memref<6272xi32, #tpu.memory_space<hbm>>
    %dma_start3A_58 = tpu.memref_slice %arg3[%dma_start3A_55, %mul3A_32] : memref<8x50176xi32, #tpu.memory_space<hbm>> -> memref<1x6272xi32, #tpu.memory_space<hbm>>
    %dma_start3A_59 = tpu.memref_squeeze %dma_start3A_58 : memref<1x6272xi32, #tpu.memory_space<hbm>> -> memref<6272xi32, #tpu.memory_space<hbm>>
    tpu.enqueue_dma source(%dma_start3A_59 : memref<6272xi32, #tpu.memory_space<hbm>>) target(%arg8 : memref<6272xi32, #tpu.memory_space<vmem>>) target_semaphore(%arg13 : memref<!tpu.dma_semaphore, #tpu.memory_space<semaphore_mem>>)
    %dma_start3A_60 = arith.constant 1 : i32
    %dma_start3A_61 = tpu.memref_slice %arg4[%dma_start3A_60, %mul3A_32] : memref<8x50176xf32, #tpu.memory_space<hbm>> -> memref<1x6272xf32, #tpu.memory_space<hbm>>
    %dma_start3A_62 = tpu.memref_squeeze %dma_start3A_61 : memref<1x6272xf32, #tpu.memory_space<hbm>> -> memref<6272xf32, #tpu.memory_space<hbm>>
    %dma_start3A_63 = tpu.memref_slice %arg4[%dma_start3A_60, %mul3A_32] : memref<8x50176xf32, #tpu.memory_space<hbm>> -> memref<1x6272xf32, #tpu.memory_space<hbm>>
    %dma_start3A_64 = tpu.memref_squeeze %dma_start3A_63 : memref<1x6272xf32, #tpu.memory_space<hbm>> -> memref<6272xf32, #tpu.memory_space<hbm>>
    tpu.enqueue_dma source(%dma_start3A_64 : memref<6272xf32, #tpu.memory_space<hbm>>) target(%arg10 : memref<6272xf32, #tpu.memory_space<vmem>>) target_semaphore(%arg13 : memref<!tpu.dma_semaphore, #tpu.memory_space<semaphore_mem>>)
    %dma_wait3A_65 = arith.constant 0 : i32
    %dma_wait3A_66 = tpu.memref_slice %arg3[%dma_wait3A_65, %mul3A_32] : memref<8x50176xi32, #tpu.memory_space<hbm>> -> memref<1x6272xi32, #tpu.memory_space<hbm>>
    %dma_wait3A_67 = tpu.memref_squeeze %dma_wait3A_66 : memref<1x6272xi32, #tpu.memory_space<hbm>> -> memref<6272xi32, #tpu.memory_space<hbm>>
    %dma_wait3A_68 = tpu.memref_slice %arg3[%dma_wait3A_65, %mul3A_32] : memref<8x50176xi32, #tpu.memory_space<hbm>> -> memref<1x6272xi32, #tpu.memory_space<hbm>>
    %dma_wait3A_69 = tpu.memref_squeeze %dma_wait3A_68 : memref<1x6272xi32, #tpu.memory_space<hbm>> -> memref<6272xi32, #tpu.memory_space<hbm>>
    tpu.wait_dma2 semaphore(%arg12 : memref<!tpu.dma_semaphore, #tpu.memory_space<semaphore_mem>>) src(%dma_wait3A_69 : memref<6272xi32, #tpu.memory_space<hbm>>) dst(%arg7 : memref<6272xi32, #tpu.memory_space<vmem>>)
    %dma_wait3A_70 = arith.constant 0 : i32
    %dma_wait3A_71 = tpu.memref_slice %arg4[%dma_wait3A_70, %mul3A_32] : memref<8x50176xf32, #tpu.memory_space<hbm>> -> memref<1x6272xf32, #tpu.memory_space<hbm>>
    %dma_wait3A_72 = tpu.memref_squeeze %dma_wait3A_71 : memref<1x6272xf32, #tpu.memory_space<hbm>> -> memref<6272xf32, #tpu.memory_space<hbm>>
    %dma_wait3A_73 = tpu.memref_slice %arg4[%dma_wait3A_70, %mul3A_32] : memref<8x50176xf32, #tpu.memory_space<hbm>> -> memref<1x6272xf32, #tpu.memory_space<hbm>>
    %dma_wait3A_74 = tpu.memref_squeeze %dma_wait3A_73 : memref<1x6272xf32, #tpu.memory_space<hbm>> -> memref<6272xf32, #tpu.memory_space<hbm>>
    tpu.wait_dma2 semaphore(%arg12 : memref<!tpu.dma_semaphore, #tpu.memory_space<semaphore_mem>>) src(%dma_wait3A_74 : memref<6272xf32, #tpu.memory_space<hbm>>) dst(%arg9 : memref<6272xf32, #tpu.memory_space<vmem>>)
    %scan3A_75 = arith.constant 0 : i32
    %scan3A_76 = arith.constant 0 : i32
    %scan3A_77 = arith.constant 98 : i32
    %scan3A_78 = arith.addi %scan3A_76, %scan3A_77 : i32
    %scan3A_79 = arith.constant 1 : i32
    %scan3A_80 = scf.for %scan3A_263 = %scan3A_76 to %scan3A_78 step %scan3A_79 iter_args(%scan3A_264 = %scan3A_75) -> (i32)  : i32 {
      %mul3A_265 = arith.constant 64 : i32
      %mul3A_266 = arith.muli %scan3A_263, %mul3A_265 : i32
      %add3A_267 = arith.constant 0 : i32
      %add3A_268 = arith.addi %mul3A_266, %add3A_267 : i32
      %get3A = arith.index_cast %add3A_268 : i32 to index
      %get3A_269 = tpu.vector_load %arg7[%get3A] {strides = array<i32>} : memref<6272xi32, #tpu.memory_space<vmem>>, vector<16xi32>,
      %get3A_270 = arith.index_cast %add3A_268 : i32 to index
      %get3A_271 = tpu.vector_load %arg11[%get3A_270] {strides = array<i32>} : memref<6272xf32, #tpu.memory_space<vmem>>, vector<16xf32>,
      %get3A_272 = arith.index_cast %add3A_268 : i32 to index
      %get3A_273 = tpu.vector_load %arg9[%get3A_272] {strides = array<i32>} : memref<6272xf32, #tpu.memory_space<vmem>>, vector<16xf32>,
      %mul3A_274 = arith.mulf %get3A_271, %get3A_273 : vector<16xf32>
      %shift_right_logical3A = arith.constant 10 : i32
      %shift_right_logical3A_275 = vector.broadcast %shift_right_logical3A : i32 to vector<16xi32>
      %shift_right_logical3A_276 = arith.shrui %get3A_269, %shift_right_logical3A_275 : vector<16xi32>
      %and3A_277 = arith.constant 1023 : i32
      %and3A_278 = vector.broadcast %and3A_277 : i32 to vector<16xi32>
      %and3A_279 = arith.andi %get3A_269, %and3A_278 : vector<16xi32>
      tpu.vector_store_idx %arg6[%shift_right_logical3A_276, %and3A_279], %mul3A_274 {add = true} : memref<32x1024xf32, #tpu.memory_space<vmem>>[vector<16xi32>, vector<16xi32>], vector<16xf32>,
      %mul3A_280 = arith.constant 64 : i32
      %mul3A_281 = arith.muli %scan3A_263, %mul3A_280 : i32
      %add3A_282 = arith.constant 16 : i32
      %add3A_283 = arith.addi %mul3A_281, %add3A_282 : i32
      %get3A_284 = arith.index_cast %add3A_283 : i32 to index
      %get3A_285 = tpu.vector_load %arg7[%get3A_284] {strides = array<i32>} : memref<6272xi32, #tpu.memory_space<vmem>>, vector<16xi32>,
      %get3A_286 = arith.index_cast %add3A_283 : i32 to index
      %get3A_287 = tpu.vector_load %arg11[%get3A_286] {strides = array<i32>} : memref<6272xf32, #tpu.memory_space<vmem>>, vector<16xf32>,
      %get3A_288 = arith.index_cast %add3A_283 : i32 to index
      %get3A_289 = tpu.vector_load %arg9[%get3A_288] {strides = array<i32>} : memref<6272xf32, #tpu.memory_space<vmem>>, vector<16xf32>,
      %mul3A_290 = arith.mulf %get3A_287, %get3A_289 : vector<16xf32>
      %shift_right_logical3A_291 = arith.constant 10 : i32
      %shift_right_logical3A_292 = vector.broadcast %shift_right_logical3A_291 : i32 to vector<16xi32>
      %shift_right_logical3A_293 = arith.shrui %get3A_285, %shift_right_logical3A_292 : vector<16xi32>
      %and3A_294 = arith.constant 1023 : i32
      %and3A_295 = vector.broadcast %and3A_294 : i32 to vector<16xi32>
      %and3A_296 = arith.andi %get3A_285, %and3A_295 : vector<16xi32>
      tpu.vector_store_idx %arg6[%shift_right_logical3A_293, %and3A_296], %mul3A_290 {add = true} : memref<32x1024xf32, #tpu.memory_space<vmem>>[vector<16xi32>, vector<16xi32>], vector<16xf32>,
      %mul3A_297 = arith.constant 64 : i32
      %mul3A_298 = arith.muli %scan3A_263, %mul3A_297 : i32
      %add3A_299 = arith.constant 32 : i32
      %add3A_300 = arith.addi %mul3A_298, %add3A_299 : i32
      %get3A_301 = arith.index_cast %add3A_300 : i32 to index
      %get3A_302 = tpu.vector_load %arg7[%get3A_301] {strides = array<i32>} : memref<6272xi32, #tpu.memory_space<vmem>>, vector<16xi32>,
      %get3A_303 = arith.index_cast %add3A_300 : i32 to index
      %get3A_304 = tpu.vector_load %arg11[%get3A_303] {strides = array<i32>} : memref<6272xf32, #tpu.memory_space<vmem>>, vector<16xf32>,
      %get3A_305 = arith.index_cast %add3A_300 : i32 to index
      %get3A_306 = tpu.vector_load %arg9[%get3A_305] {strides = array<i32>} : memref<6272xf32, #tpu.memory_space<vmem>>, vector<16xf32>,
      %mul3A_307 = arith.mulf %get3A_304, %get3A_306 : vector<16xf32>
      %shift_right_logical3A_308 = arith.constant 10 : i32
      %shift_right_logical3A_309 = vector.broadcast %shift_right_logical3A_308 : i32 to vector<16xi32>
      %shift_right_logical3A_310 = arith.shrui %get3A_302, %shift_right_logical3A_309 : vector<16xi32>
      %and3A_311 = arith.constant 1023 : i32
      %and3A_312 = vector.broadcast %and3A_311 : i32 to vector<16xi32>
      %and3A_313 = arith.andi %get3A_302, %and3A_312 : vector<16xi32>
      tpu.vector_store_idx %arg6[%shift_right_logical3A_310, %and3A_313], %mul3A_307 {add = true} : memref<32x1024xf32, #tpu.memory_space<vmem>>[vector<16xi32>, vector<16xi32>], vector<16xf32>,
      %mul3A_314 = arith.constant 64 : i32
      %mul3A_315 = arith.muli %scan3A_263, %mul3A_314 : i32
      %add3A_316 = arith.constant 48 : i32
      %add3A_317 = arith.addi %mul3A_315, %add3A_316 : i32
      %get3A_318 = arith.index_cast %add3A_317 : i32 to index
      %get3A_319 = tpu.vector_load %arg7[%get3A_318] {strides = array<i32>} : memref<6272xi32, #tpu.memory_space<vmem>>, vector<16xi32>,
      %get3A_320 = arith.index_cast %add3A_317 : i32 to index
      %get3A_321 = tpu.vector_load %arg11[%get3A_320] {strides = array<i32>} : memref<6272xf32, #tpu.memory_space<vmem>>, vector<16xf32>,
      %get3A_322 = arith.index_cast %add3A_317 : i32 to index
      %get3A_323 = tpu.vector_load %arg9[%get3A_322] {strides = array<i32>} : memref<6272xf32, #tpu.memory_space<vmem>>, vector<16xf32>,
      %mul3A_324 = arith.mulf %get3A_321, %get3A_323 : vector<16xf32>
      %shift_right_logical3A_325 = arith.constant 10 : i32
      %shift_right_logical3A_326 = vector.broadcast %shift_right_logical3A_325 : i32 to vector<16xi32>
      %shift_right_logical3A_327 = arith.shrui %get3A_319, %shift_right_logical3A_326 : vector<16xi32>
      %and3A_328 = arith.constant 1023 : i32
      %and3A_329 = vector.broadcast %and3A_328 : i32 to vector<16xi32>
      %and3A_330 = arith.andi %get3A_319, %and3A_329 : vector<16xi32>
      tpu.vector_store_idx %arg6[%shift_right_logical3A_327, %and3A_330], %mul3A_324 {add = true} : memref<32x1024xf32, #tpu.memory_space<vmem>>[vector<16xi32>, vector<16xi32>], vector<16xf32>,
      %scan3A_331 = arith.constant 0 : i32
      scf.yield %scan3A_331 : i32
    }
    %scan3A_81 = arith.constant 98 : i32
    %dma_start3A_82 = arith.constant 2 : i32
    %dma_start3A_83 = tpu.memref_slice %arg3[%dma_start3A_82, %mul3A_32] : memref<8x50176xi32, #tpu.memory_space<hbm>> -> memref<1x6272xi32, #tpu.memory_space<hbm>>
    %dma_start3A_84 = tpu.memref_squeeze %dma_start3A_83 : memref<1x6272xi32, #tpu.memory_space<hbm>> -> memref<6272xi32, #tpu.memory_space<hbm>>
    %dma_start3A_85 = tpu.memref_slice %arg3[%dma_start3A_82, %mul3A_32] : memref<8x50176xi32, #tpu.memory_space<hbm>> -> memref<1x6272xi32, #tpu.memory_space<hbm>>
    %dma_start3A_86 = tpu.memref_squeeze %dma_start3A_85 : memref<1x6272xi32, #tpu.memory_space<hbm>> -> memref<6272xi32, #tpu.memory_space<hbm>>
    tpu.enqueue_dma source(%dma_start3A_86 : memref<6272xi32, #tpu.memory_space<hbm>>) target(%arg7 : memref<6272xi32, #tpu.memory_space<vmem>>) target_semaphore(%arg12 : memref<!tpu.dma_semaphore, #tpu.memory_space<semaphore_mem>>)
    %dma_start3A_87 = arith.constant 2 : i32
    %dma_start3A_88 = tpu.memref_slice %arg4[%dma_start3A_87, %mul3A_32] : memref<8x50176xf32, #tpu.memory_space<hbm>> -> memref<1x6272xf32, #tpu.memory_space<hbm>>
    %dma_start3A_89 = tpu.memref_squeeze %dma_start3A_88 : memref<1x6272xf32, #tpu.memory_space<hbm>> -> memref<6272xf32, #tpu.memory_space<hbm>>
    %dma_start3A_90 = tpu.memref_slice %arg4[%dma_start3A_87, %mul3A_32] : memref<8x50176xf32, #tpu.memory_space<hbm>> -> memref<1x6272xf32, #tpu.memory_space<hbm>>
    %dma_start3A_91 = tpu.memref_squeeze %dma_start3A_90 : memref<1x6272xf32, #tpu.memory_space<hbm>> -> memref<6272xf32, #tpu.memory_space<hbm>>
    tpu.enqueue_dma source(%dma_start3A_91 : memref<6272xf32, #tpu.memory_space<hbm>>) target(%arg9 : memref<6272xf32, #tpu.memory_space<vmem>>) target_semaphore(%arg12 : memref<!tpu.dma_semaphore, #tpu.memory_space<semaphore_mem>>)
    %dma_wait3A_92 = arith.constant 1 : i32
    %dma_wait3A_93 = tpu.memref_slice %arg3[%dma_wait3A_92, %mul3A_32] : memref<8x50176xi32, #tpu.memory_space<hbm>> -> memref<1x6272xi32, #tpu.memory_space<hbm>>
    %dma_wait3A_94 = tpu.memref_squeeze %dma_wait3A_93 : memref<1x6272xi32, #tpu.memory_space<hbm>> -> memref<6272xi32, #tpu.memory_space<hbm>>
    %dma_wait3A_95 = tpu.memref_slice %arg3[%dma_wait3A_92, %mul3A_32] : memref<8x50176xi32, #tpu.memory_space<hbm>> -> memref<1x6272xi32, #tpu.memory_space<hbm>>
    %dma_wait3A_96 = tpu.memref_squeeze %dma_wait3A_95 : memref<1x6272xi32, #tpu.memory_space<hbm>> -> memref<6272xi32, #tpu.memory_space<hbm>>
    tpu.wait_dma2 semaphore(%arg13 : memref<!tpu.dma_semaphore, #tpu.memory_space<semaphore_mem>>) src(%dma_wait3A_96 : memref<6272xi32, #tpu.memory_space<hbm>>) dst(%arg8 : memref<6272xi32, #tpu.memory_space<vmem>>)
    %dma_wait3A_97 = arith.constant 1 : i32
    %dma_wait3A_98 = tpu.memref_slice %arg4[%dma_wait3A_97, %mul3A_32] : memref<8x50176xf32, #tpu.memory_space<hbm>> -> memref<1x6272xf32, #tpu.memory_space<hbm>>
    %dma_wait3A_99 = tpu.memref_squeeze %dma_wait3A_98 : memref<1x6272xf32, #tpu.memory_space<hbm>> -> memref<6272xf32, #tpu.memory_space<hbm>>
    %dma_wait3A_100 = tpu.memref_slice %arg4[%dma_wait3A_97, %mul3A_32] : memref<8x50176xf32, #tpu.memory_space<hbm>> -> memref<1x6272xf32, #tpu.memory_space<hbm>>
    %dma_wait3A_101 = tpu.memref_squeeze %dma_wait3A_100 : memref<1x6272xf32, #tpu.memory_space<hbm>> -> memref<6272xf32, #tpu.memory_space<hbm>>
    tpu.wait_dma2 semaphore(%arg13 : memref<!tpu.dma_semaphore, #tpu.memory_space<semaphore_mem>>) src(%dma_wait3A_101 : memref<6272xf32, #tpu.memory_space<hbm>>) dst(%arg10 : memref<6272xf32, #tpu.memory_space<vmem>>)
    %scan3A_102 = arith.constant 0 : i32
    %scan3A_103 = arith.constant 0 : i32
    %scan3A_104 = arith.constant 98 : i32
    %scan3A_105 = arith.addi %scan3A_103, %scan3A_104 : i32
    %scan3A_106 = arith.constant 1 : i32
    %scan3A_107 = scf.for %scan3A_263 = %scan3A_103 to %scan3A_105 step %scan3A_106 iter_args(%scan3A_264 = %scan3A_102) -> (i32)  : i32 {
      %mul3A_265 = arith.constant 64 : i32
      %mul3A_266 = arith.muli %scan3A_263, %mul3A_265 : i32
      %add3A_267 = arith.constant 0 : i32
      %add3A_268 = arith.addi %mul3A_266, %add3A_267 : i32
      %get3A = arith.index_cast %add3A_268 : i32 to index
      %get3A_269 = tpu.vector_load %arg8[%get3A] {strides = array<i32>} : memref<6272xi32, #tpu.memory_space<vmem>>, vector<16xi32>,
      %get3A_270 = arith.index_cast %add3A_268 : i32 to index
      %get3A_271 = tpu.vector_load %arg11[%get3A_270] {strides = array<i32>} : memref<6272xf32, #tpu.memory_space<vmem>>, vector<16xf32>,
      %get3A_272 = arith.index_cast %add3A_268 : i32 to index
      %get3A_273 = tpu.vector_load %arg10[%get3A_272] {strides = array<i32>} : memref<6272xf32, #tpu.memory_space<vmem>>, vector<16xf32>,
      %mul3A_274 = arith.mulf %get3A_271, %get3A_273 : vector<16xf32>
      %shift_right_logical3A = arith.constant 10 : i32
      %shift_right_logical3A_275 = vector.broadcast %shift_right_logical3A : i32 to vector<16xi32>
      %shift_right_logical3A_276 = arith.shrui %get3A_269, %shift_right_logical3A_275 : vector<16xi32>
      %and3A_277 = arith.constant 1023 : i32
      %and3A_278 = vector.broadcast %and3A_277 : i32 to vector<16xi32>
      %and3A_279 = arith.andi %get3A_269, %and3A_278 : vector<16xi32>
      tpu.vector_store_idx %arg6[%shift_right_logical3A_276, %and3A_279], %mul3A_274 {add = true} : memref<32x1024xf32, #tpu.memory_space<vmem>>[vector<16xi32>, vector<16xi32>], vector<16xf32>,
      %mul3A_280 = arith.constant 64 : i32
      %mul3A_281 = arith.muli %scan3A_263, %mul3A_280 : i32
      %add3A_282 = arith.constant 16 : i32
      %add3A_283 = arith.addi %mul3A_281, %add3A_282 : i32
      %get3A_284 = arith.index_cast %add3A_283 : i32 to index
      %get3A_285 = tpu.vector_load %arg8[%get3A_284] {strides = array<i32>} : memref<6272xi32, #tpu.memory_space<vmem>>, vector<16xi32>,
      %get3A_286 = arith.index_cast %add3A_283 : i32 to index
      %get3A_287 = tpu.vector_load %arg11[%get3A_286] {strides = array<i32>} : memref<6272xf32, #tpu.memory_space<vmem>>, vector<16xf32>,
      %get3A_288 = arith.index_cast %add3A_283 : i32 to index
      %get3A_289 = tpu.vector_load %arg10[%get3A_288] {strides = array<i32>} : memref<6272xf32, #tpu.memory_space<vmem>>, vector<16xf32>,
      %mul3A_290 = arith.mulf %get3A_287, %get3A_289 : vector<16xf32>
      %shift_right_logical3A_291 = arith.constant 10 : i32
      %shift_right_logical3A_292 = vector.broadcast %shift_right_logical3A_291 : i32 to vector<16xi32>
      %shift_right_logical3A_293 = arith.shrui %get3A_285, %shift_right_logical3A_292 : vector<16xi32>
      %and3A_294 = arith.constant 1023 : i32
      %and3A_295 = vector.broadcast %and3A_294 : i32 to vector<16xi32>
      %and3A_296 = arith.andi %get3A_285, %and3A_295 : vector<16xi32>
      tpu.vector_store_idx %arg6[%shift_right_logical3A_293, %and3A_296], %mul3A_290 {add = true} : memref<32x1024xf32, #tpu.memory_space<vmem>>[vector<16xi32>, vector<16xi32>], vector<16xf32>,
      %mul3A_297 = arith.constant 64 : i32
      %mul3A_298 = arith.muli %scan3A_263, %mul3A_297 : i32
      %add3A_299 = arith.constant 32 : i32
      %add3A_300 = arith.addi %mul3A_298, %add3A_299 : i32
      %get3A_301 = arith.index_cast %add3A_300 : i32 to index
      %get3A_302 = tpu.vector_load %arg8[%get3A_301] {strides = array<i32>} : memref<6272xi32, #tpu.memory_space<vmem>>, vector<16xi32>,
      %get3A_303 = arith.index_cast %add3A_300 : i32 to index
      %get3A_304 = tpu.vector_load %arg11[%get3A_303] {strides = array<i32>} : memref<6272xf32, #tpu.memory_space<vmem>>, vector<16xf32>,
      %get3A_305 = arith.index_cast %add3A_300 : i32 to index
      %get3A_306 = tpu.vector_load %arg10[%get3A_305] {strides = array<i32>} : memref<6272xf32, #tpu.memory_space<vmem>>, vector<16xf32>,
      %mul3A_307 = arith.mulf %get3A_304, %get3A_306 : vector<16xf32>
      %shift_right_logical3A_308 = arith.constant 10 : i32
      %shift_right_logical3A_309 = vector.broadcast %shift_right_logical3A_308 : i32 to vector<16xi32>
      %shift_right_logical3A_310 = arith.shrui %get3A_302, %shift_right_logical3A_309 : vector<16xi32>
      %and3A_311 = arith.constant 1023 : i32
      %and3A_312 = vector.broadcast %and3A_311 : i32 to vector<16xi32>
      %and3A_313 = arith.andi %get3A_302, %and3A_312 : vector<16xi32>
      tpu.vector_store_idx %arg6[%shift_right_logical3A_310, %and3A_313], %mul3A_307 {add = true} : memref<32x1024xf32, #tpu.memory_space<vmem>>[vector<16xi32>, vector<16xi32>], vector<16xf32>,
      %mul3A_314 = arith.constant 64 : i32
      %mul3A_315 = arith.muli %scan3A_263, %mul3A_314 : i32
      %add3A_316 = arith.constant 48 : i32
      %add3A_317 = arith.addi %mul3A_315, %add3A_316 : i32
      %get3A_318 = arith.index_cast %add3A_317 : i32 to index
      %get3A_319 = tpu.vector_load %arg8[%get3A_318] {strides = array<i32>} : memref<6272xi32, #tpu.memory_space<vmem>>, vector<16xi32>,
      %get3A_320 = arith.index_cast %add3A_317 : i32 to index
      %get3A_321 = tpu.vector_load %arg11[%get3A_320] {strides = array<i32>} : memref<6272xf32, #tpu.memory_space<vmem>>, vector<16xf32>,
      %get3A_322 = arith.index_cast %add3A_317 : i32 to index
      %get3A_323 = tpu.vector_load %arg10[%get3A_322] {strides = array<i32>} : memref<6272xf32, #tpu.memory_space<vmem>>, vector<16xf32>,
      %mul3A_324 = arith.mulf %get3A_321, %get3A_323 : vector<16xf32>
      %shift_right_logical3A_325 = arith.constant 10 : i32
      %shift_right_logical3A_326 = vector.broadcast %shift_right_logical3A_325 : i32 to vector<16xi32>
      %shift_right_logical3A_327 = arith.shrui %get3A_319, %shift_right_logical3A_326 : vector<16xi32>
      %and3A_328 = arith.constant 1023 : i32
      %and3A_329 = vector.broadcast %and3A_328 : i32 to vector<16xi32>
      %and3A_330 = arith.andi %get3A_319, %and3A_329 : vector<16xi32>
      tpu.vector_store_idx %arg6[%shift_right_logical3A_327, %and3A_330], %mul3A_324 {add = true} : memref<32x1024xf32, #tpu.memory_space<vmem>>[vector<16xi32>, vector<16xi32>], vector<16xf32>,
      %scan3A_331 = arith.constant 0 : i32
      scf.yield %scan3A_331 : i32
    }
    %scan3A_108 = arith.constant 98 : i32
    %dma_start3A_109 = arith.constant 3 : i32
    %dma_start3A_110 = tpu.memref_slice %arg3[%dma_start3A_109, %mul3A_32] : memref<8x50176xi32, #tpu.memory_space<hbm>> -> memref<1x6272xi32, #tpu.memory_space<hbm>>
    %dma_start3A_111 = tpu.memref_squeeze %dma_start3A_110 : memref<1x6272xi32, #tpu.memory_space<hbm>> -> memref<6272xi32, #tpu.memory_space<hbm>>
    %dma_start3A_112 = tpu.memref_slice %arg3[%dma_start3A_109, %mul3A_32] : memref<8x50176xi32, #tpu.memory_space<hbm>> -> memref<1x6272xi32, #tpu.memory_space<hbm>>
    %dma_start3A_113 = tpu.memref_squeeze %dma_start3A_112 : memref<1x6272xi32, #tpu.memory_space<hbm>> -> memref<6272xi32, #tpu.memory_space<hbm>>
    tpu.enqueue_dma source(%dma_start3A_113 : memref<6272xi32, #tpu.memory_space<hbm>>) target(%arg8 : memref<6272xi32, #tpu.memory_space<vmem>>) target_semaphore(%arg13 : memref<!tpu.dma_semaphore, #tpu.memory_space<semaphore_mem>>)
    %dma_start3A_114 = arith.constant 3 : i32
    %dma_start3A_115 = tpu.memref_slice %arg4[%dma_start3A_114, %mul3A_32] : memref<8x50176xf32, #tpu.memory_space<hbm>> -> memref<1x6272xf32, #tpu.memory_space<hbm>>
    %dma_start3A_116 = tpu.memref_squeeze %dma_start3A_115 : memref<1x6272xf32, #tpu.memory_space<hbm>> -> memref<6272xf32, #tpu.memory_space<hbm>>
    %dma_start3A_117 = tpu.memref_slice %arg4[%dma_start3A_114, %mul3A_32] : memref<8x50176xf32, #tpu.memory_space<hbm>> -> memref<1x6272xf32, #tpu.memory_space<hbm>>
    %dma_start3A_118 = tpu.memref_squeeze %dma_start3A_117 : memref<1x6272xf32, #tpu.memory_space<hbm>> -> memref<6272xf32, #tpu.memory_space<hbm>>
    tpu.enqueue_dma source(%dma_start3A_118 : memref<6272xf32, #tpu.memory_space<hbm>>) target(%arg10 : memref<6272xf32, #tpu.memory_space<vmem>>) target_semaphore(%arg13 : memref<!tpu.dma_semaphore, #tpu.memory_space<semaphore_mem>>)
    %dma_wait3A_119 = arith.constant 2 : i32
    %dma_wait3A_120 = tpu.memref_slice %arg3[%dma_wait3A_119, %mul3A_32] : memref<8x50176xi32, #tpu.memory_space<hbm>> -> memref<1x6272xi32, #tpu.memory_space<hbm>>
    %dma_wait3A_121 = tpu.memref_squeeze %dma_wait3A_120 : memref<1x6272xi32, #tpu.memory_space<hbm>> -> memref<6272xi32, #tpu.memory_space<hbm>>
    %dma_wait3A_122 = tpu.memref_slice %arg3[%dma_wait3A_119, %mul3A_32] : memref<8x50176xi32, #tpu.memory_space<hbm>> -> memref<1x6272xi32, #tpu.memory_space<hbm>>
    %dma_wait3A_123 = tpu.memref_squeeze %dma_wait3A_122 : memref<1x6272xi32, #tpu.memory_space<hbm>> -> memref<6272xi32, #tpu.memory_space<hbm>>
    tpu.wait_dma2 semaphore(%arg12 : memref<!tpu.dma_semaphore, #tpu.memory_space<semaphore_mem>>) src(%dma_wait3A_123 : memref<6272xi32, #tpu.memory_space<hbm>>) dst(%arg7 : memref<6272xi32, #tpu.memory_space<vmem>>)
    %dma_wait3A_124 = arith.constant 2 : i32
    %dma_wait3A_125 = tpu.memref_slice %arg4[%dma_wait3A_124, %mul3A_32] : memref<8x50176xf32, #tpu.memory_space<hbm>> -> memref<1x6272xf32, #tpu.memory_space<hbm>>
    %dma_wait3A_126 = tpu.memref_squeeze %dma_wait3A_125 : memref<1x6272xf32, #tpu.memory_space<hbm>> -> memref<6272xf32, #tpu.memory_space<hbm>>
    %dma_wait3A_127 = tpu.memref_slice %arg4[%dma_wait3A_124, %mul3A_32] : memref<8x50176xf32, #tpu.memory_space<hbm>> -> memref<1x6272xf32, #tpu.memory_space<hbm>>
    %dma_wait3A_128 = tpu.memref_squeeze %dma_wait3A_127 : memref<1x6272xf32, #tpu.memory_space<hbm>> -> memref<6272xf32, #tpu.memory_space<hbm>>
    tpu.wait_dma2 semaphore(%arg12 : memref<!tpu.dma_semaphore, #tpu.memory_space<semaphore_mem>>) src(%dma_wait3A_128 : memref<6272xf32, #tpu.memory_space<hbm>>) dst(%arg9 : memref<6272xf32, #tpu.memory_space<vmem>>)
    %scan3A_129 = arith.constant 0 : i32
    %scan3A_130 = arith.constant 0 : i32
    %scan3A_131 = arith.constant 98 : i32
    %scan3A_132 = arith.addi %scan3A_130, %scan3A_131 : i32
    %scan3A_133 = arith.constant 1 : i32
    %scan3A_134 = scf.for %scan3A_263 = %scan3A_130 to %scan3A_132 step %scan3A_133 iter_args(%scan3A_264 = %scan3A_129) -> (i32)  : i32 {
      %mul3A_265 = arith.constant 64 : i32
      %mul3A_266 = arith.muli %scan3A_263, %mul3A_265 : i32
      %add3A_267 = arith.constant 0 : i32
      %add3A_268 = arith.addi %mul3A_266, %add3A_267 : i32
      %get3A = arith.index_cast %add3A_268 : i32 to index
      %get3A_269 = tpu.vector_load %arg7[%get3A] {strides = array<i32>} : memref<6272xi32, #tpu.memory_space<vmem>>, vector<16xi32>,
      %get3A_270 = arith.index_cast %add3A_268 : i32 to index
      %get3A_271 = tpu.vector_load %arg11[%get3A_270] {strides = array<i32>} : memref<6272xf32, #tpu.memory_space<vmem>>, vector<16xf32>,
      %get3A_272 = arith.index_cast %add3A_268 : i32 to index
      %get3A_273 = tpu.vector_load %arg9[%get3A_272] {strides = array<i32>} : memref<6272xf32, #tpu.memory_space<vmem>>, vector<16xf32>,
      %mul3A_274 = arith.mulf %get3A_271, %get3A_273 : vector<16xf32>
      %shift_right_logical3A = arith.constant 10 : i32
      %shift_right_logical3A_275 = vector.broadcast %shift_right_logical3A : i32 to vector<16xi32>
      %shift_right_logical3A_276 = arith.shrui %get3A_269, %shift_right_logical3A_275 : vector<16xi32>
      %and3A_277 = arith.constant 1023 : i32
      %and3A_278 = vector.broadcast %and3A_277 : i32 to vector<16xi32>
      %and3A_279 = arith.andi %get3A_269, %and3A_278 : vector<16xi32>
      tpu.vector_store_idx %arg6[%shift_right_logical3A_276, %and3A_279], %mul3A_274 {add = true} : memref<32x1024xf32, #tpu.memory_space<vmem>>[vector<16xi32>, vector<16xi32>], vector<16xf32>,
      %mul3A_280 = arith.constant 64 : i32
      %mul3A_281 = arith.muli %scan3A_263, %mul3A_280 : i32
      %add3A_282 = arith.constant 16 : i32
      %add3A_283 = arith.addi %mul3A_281, %add3A_282 : i32
      %get3A_284 = arith.index_cast %add3A_283 : i32 to index
      %get3A_285 = tpu.vector_load %arg7[%get3A_284] {strides = array<i32>} : memref<6272xi32, #tpu.memory_space<vmem>>, vector<16xi32>,
      %get3A_286 = arith.index_cast %add3A_283 : i32 to index
      %get3A_287 = tpu.vector_load %arg11[%get3A_286] {strides = array<i32>} : memref<6272xf32, #tpu.memory_space<vmem>>, vector<16xf32>,
      %get3A_288 = arith.index_cast %add3A_283 : i32 to index
      %get3A_289 = tpu.vector_load %arg9[%get3A_288] {strides = array<i32>} : memref<6272xf32, #tpu.memory_space<vmem>>, vector<16xf32>,
      %mul3A_290 = arith.mulf %get3A_287, %get3A_289 : vector<16xf32>
      %shift_right_logical3A_291 = arith.constant 10 : i32
      %shift_right_logical3A_292 = vector.broadcast %shift_right_logical3A_291 : i32 to vector<16xi32>
      %shift_right_logical3A_293 = arith.shrui %get3A_285, %shift_right_logical3A_292 : vector<16xi32>
      %and3A_294 = arith.constant 1023 : i32
      %and3A_295 = vector.broadcast %and3A_294 : i32 to vector<16xi32>
      %and3A_296 = arith.andi %get3A_285, %and3A_295 : vector<16xi32>
      tpu.vector_store_idx %arg6[%shift_right_logical3A_293, %and3A_296], %mul3A_290 {add = true} : memref<32x1024xf32, #tpu.memory_space<vmem>>[vector<16xi32>, vector<16xi32>], vector<16xf32>,
      %mul3A_297 = arith.constant 64 : i32
      %mul3A_298 = arith.muli %scan3A_263, %mul3A_297 : i32
      %add3A_299 = arith.constant 32 : i32
      %add3A_300 = arith.addi %mul3A_298, %add3A_299 : i32
      %get3A_301 = arith.index_cast %add3A_300 : i32 to index
      %get3A_302 = tpu.vector_load %arg7[%get3A_301] {strides = array<i32>} : memref<6272xi32, #tpu.memory_space<vmem>>, vector<16xi32>,
      %get3A_303 = arith.index_cast %add3A_300 : i32 to index
      %get3A_304 = tpu.vector_load %arg11[%get3A_303] {strides = array<i32>} : memref<6272xf32, #tpu.memory_space<vmem>>, vector<16xf32>,
      %get3A_305 = arith.index_cast %add3A_300 : i32 to index
      %get3A_306 = tpu.vector_load %arg9[%get3A_305] {strides = array<i32>} : memref<6272xf32, #tpu.memory_space<vmem>>, vector<16xf32>,
      %mul3A_307 = arith.mulf %get3A_304, %get3A_306 : vector<16xf32>
      %shift_right_logical3A_308 = arith.constant 10 : i32
      %shift_right_logical3A_309 = vector.broadcast %shift_right_logical3A_308 : i32 to vector<16xi32>
      %shift_right_logical3A_310 = arith.shrui %get3A_302, %shift_right_logical3A_309 : vector<16xi32>
      %and3A_311 = arith.constant 1023 : i32
      %and3A_312 = vector.broadcast %and3A_311 : i32 to vector<16xi32>
      %and3A_313 = arith.andi %get3A_302, %and3A_312 : vector<16xi32>
      tpu.vector_store_idx %arg6[%shift_right_logical3A_310, %and3A_313], %mul3A_307 {add = true} : memref<32x1024xf32, #tpu.memory_space<vmem>>[vector<16xi32>, vector<16xi32>], vector<16xf32>,
      %mul3A_314 = arith.constant 64 : i32
      %mul3A_315 = arith.muli %scan3A_263, %mul3A_314 : i32
      %add3A_316 = arith.constant 48 : i32
      %add3A_317 = arith.addi %mul3A_315, %add3A_316 : i32
      %get3A_318 = arith.index_cast %add3A_317 : i32 to index
      %get3A_319 = tpu.vector_load %arg7[%get3A_318] {strides = array<i32>} : memref<6272xi32, #tpu.memory_space<vmem>>, vector<16xi32>,
      %get3A_320 = arith.index_cast %add3A_317 : i32 to index
      %get3A_321 = tpu.vector_load %arg11[%get3A_320] {strides = array<i32>} : memref<6272xf32, #tpu.memory_space<vmem>>, vector<16xf32>,
      %get3A_322 = arith.index_cast %add3A_317 : i32 to index
      %get3A_323 = tpu.vector_load %arg9[%get3A_322] {strides = array<i32>} : memref<6272xf32, #tpu.memory_space<vmem>>, vector<16xf32>,
      %mul3A_324 = arith.mulf %get3A_321, %get3A_323 : vector<16xf32>
      %shift_right_logical3A_325 = arith.constant 10 : i32
      %shift_right_logical3A_326 = vector.broadcast %shift_right_logical3A_325 : i32 to vector<16xi32>
      %shift_right_logical3A_327 = arith.shrui %get3A_319, %shift_right_logical3A_326 : vector<16xi32>
      %and3A_328 = arith.constant 1023 : i32
      %and3A_329 = vector.broadcast %and3A_328 : i32 to vector<16xi32>
      %and3A_330 = arith.andi %get3A_319, %and3A_329 : vector<16xi32>
      tpu.vector_store_idx %arg6[%shift_right_logical3A_327, %and3A_330], %mul3A_324 {add = true} : memref<32x1024xf32, #tpu.memory_space<vmem>>[vector<16xi32>, vector<16xi32>], vector<16xf32>,
      %scan3A_331 = arith.constant 0 : i32
      scf.yield %scan3A_331 : i32
    }
    %scan3A_135 = arith.constant 98 : i32
    %dma_start3A_136 = arith.constant 4 : i32
    %dma_start3A_137 = tpu.memref_slice %arg3[%dma_start3A_136, %mul3A_32] : memref<8x50176xi32, #tpu.memory_space<hbm>> -> memref<1x6272xi32, #tpu.memory_space<hbm>>
    %dma_start3A_138 = tpu.memref_squeeze %dma_start3A_137 : memref<1x6272xi32, #tpu.memory_space<hbm>> -> memref<6272xi32, #tpu.memory_space<hbm>>
    %dma_start3A_139 = tpu.memref_slice %arg3[%dma_start3A_136, %mul3A_32] : memref<8x50176xi32, #tpu.memory_space<hbm>> -> memref<1x6272xi32, #tpu.memory_space<hbm>>
    %dma_start3A_140 = tpu.memref_squeeze %dma_start3A_139 : memref<1x6272xi32, #tpu.memory_space<hbm>> -> memref<6272xi32, #tpu.memory_space<hbm>>
    tpu.enqueue_dma source(%dma_start3A_140 : memref<6272xi32, #tpu.memory_space<hbm>>) target(%arg7 : memref<6272xi32, #tpu.memory_space<vmem>>) target_semaphore(%arg12 : memref<!tpu.dma_semaphore, #tpu.memory_space<semaphore_mem>>)
    %dma_start3A_141 = arith.constant 4 : i32
    %dma_start3A_142 = tpu.memref_slice %arg4[%dma_start3A_141, %mul3A_32] : memref<8x50176xf32, #tpu.memory_space<hbm>> -> memref<1x6272xf32, #tpu.memory_space<hbm>>
    %dma_start3A_143 = tpu.memref_squeeze %dma_start3A_142 : memref<1x6272xf32, #tpu.memory_space<hbm>> -> memref<6272xf32, #tpu.memory_space<hbm>>
    %dma_start3A_144 = tpu.memref_slice %arg4[%dma_start3A_141, %mul3A_32] : memref<8x50176xf32, #tpu.memory_space<hbm>> -> memref<1x6272xf32, #tpu.memory_space<hbm>>
    %dma_start3A_145 = tpu.memref_squeeze %dma_start3A_144 : memref<1x6272xf32, #tpu.memory_space<hbm>> -> memref<6272xf32, #tpu.memory_space<hbm>>
    tpu.enqueue_dma source(%dma_start3A_145 : memref<6272xf32, #tpu.memory_space<hbm>>) target(%arg9 : memref<6272xf32, #tpu.memory_space<vmem>>) target_semaphore(%arg12 : memref<!tpu.dma_semaphore, #tpu.memory_space<semaphore_mem>>)
    %dma_wait3A_146 = arith.constant 3 : i32
    %dma_wait3A_147 = tpu.memref_slice %arg3[%dma_wait3A_146, %mul3A_32] : memref<8x50176xi32, #tpu.memory_space<hbm>> -> memref<1x6272xi32, #tpu.memory_space<hbm>>
    %dma_wait3A_148 = tpu.memref_squeeze %dma_wait3A_147 : memref<1x6272xi32, #tpu.memory_space<hbm>> -> memref<6272xi32, #tpu.memory_space<hbm>>
    %dma_wait3A_149 = tpu.memref_slice %arg3[%dma_wait3A_146, %mul3A_32] : memref<8x50176xi32, #tpu.memory_space<hbm>> -> memref<1x6272xi32, #tpu.memory_space<hbm>>
    %dma_wait3A_150 = tpu.memref_squeeze %dma_wait3A_149 : memref<1x6272xi32, #tpu.memory_space<hbm>> -> memref<6272xi32, #tpu.memory_space<hbm>>
    tpu.wait_dma2 semaphore(%arg13 : memref<!tpu.dma_semaphore, #tpu.memory_space<semaphore_mem>>) src(%dma_wait3A_150 : memref<6272xi32, #tpu.memory_space<hbm>>) dst(%arg8 : memref<6272xi32, #tpu.memory_space<vmem>>)
    %dma_wait3A_151 = arith.constant 3 : i32
    %dma_wait3A_152 = tpu.memref_slice %arg4[%dma_wait3A_151, %mul3A_32] : memref<8x50176xf32, #tpu.memory_space<hbm>> -> memref<1x6272xf32, #tpu.memory_space<hbm>>
    %dma_wait3A_153 = tpu.memref_squeeze %dma_wait3A_152 : memref<1x6272xf32, #tpu.memory_space<hbm>> -> memref<6272xf32, #tpu.memory_space<hbm>>
    %dma_wait3A_154 = tpu.memref_slice %arg4[%dma_wait3A_151, %mul3A_32] : memref<8x50176xf32, #tpu.memory_space<hbm>> -> memref<1x6272xf32, #tpu.memory_space<hbm>>
    %dma_wait3A_155 = tpu.memref_squeeze %dma_wait3A_154 : memref<1x6272xf32, #tpu.memory_space<hbm>> -> memref<6272xf32, #tpu.memory_space<hbm>>
    tpu.wait_dma2 semaphore(%arg13 : memref<!tpu.dma_semaphore, #tpu.memory_space<semaphore_mem>>) src(%dma_wait3A_155 : memref<6272xf32, #tpu.memory_space<hbm>>) dst(%arg10 : memref<6272xf32, #tpu.memory_space<vmem>>)
    %scan3A_156 = arith.constant 0 : i32
    %scan3A_157 = arith.constant 0 : i32
    %scan3A_158 = arith.constant 98 : i32
    %scan3A_159 = arith.addi %scan3A_157, %scan3A_158 : i32
    %scan3A_160 = arith.constant 1 : i32
    %scan3A_161 = scf.for %scan3A_263 = %scan3A_157 to %scan3A_159 step %scan3A_160 iter_args(%scan3A_264 = %scan3A_156) -> (i32)  : i32 {
      %mul3A_265 = arith.constant 64 : i32
      %mul3A_266 = arith.muli %scan3A_263, %mul3A_265 : i32
      %add3A_267 = arith.constant 0 : i32
      %add3A_268 = arith.addi %mul3A_266, %add3A_267 : i32
      %get3A = arith.index_cast %add3A_268 : i32 to index
      %get3A_269 = tpu.vector_load %arg8[%get3A] {strides = array<i32>} : memref<6272xi32, #tpu.memory_space<vmem>>, vector<16xi32>,
      %get3A_270 = arith.index_cast %add3A_268 : i32 to index
      %get3A_271 = tpu.vector_load %arg11[%get3A_270] {strides = array<i32>} : memref<6272xf32, #tpu.memory_space<vmem>>, vector<16xf32>,
      %get3A_272 = arith.index_cast %add3A_268 : i32 to index
      %get3A_273 = tpu.vector_load %arg10[%get3A_272] {strides = array<i32>} : memref<6272xf32, #tpu.memory_space<vmem>>, vector<16xf32>,
      %mul3A_274 = arith.mulf %get3A_271, %get3A_273 : vector<16xf32>
      %shift_right_logical3A = arith.constant 10 : i32
      %shift_right_logical3A_275 = vector.broadcast %shift_right_logical3A : i32 to vector<16xi32>
      %shift_right_logical3A_276 = arith.shrui %get3A_269, %shift_right_logical3A_275 : vector<16xi32>
      %and3A_277 = arith.constant 1023 : i32
      %and3A_278 = vector.broadcast %and3A_277 : i32 to vector<16xi32>
      %and3A_279 = arith.andi %get3A_269, %and3A_278 : vector<16xi32>
      tpu.vector_store_idx %arg6[%shift_right_logical3A_276, %and3A_279], %mul3A_274 {add = true} : memref<32x1024xf32, #tpu.memory_space<vmem>>[vector<16xi32>, vector<16xi32>], vector<16xf32>,
      %mul3A_280 = arith.constant 64 : i32
      %mul3A_281 = arith.muli %scan3A_263, %mul3A_280 : i32
      %add3A_282 = arith.constant 16 : i32
      %add3A_283 = arith.addi %mul3A_281, %add3A_282 : i32
      %get3A_284 = arith.index_cast %add3A_283 : i32 to index
      %get3A_285 = tpu.vector_load %arg8[%get3A_284] {strides = array<i32>} : memref<6272xi32, #tpu.memory_space<vmem>>, vector<16xi32>,
      %get3A_286 = arith.index_cast %add3A_283 : i32 to index
      %get3A_287 = tpu.vector_load %arg11[%get3A_286] {strides = array<i32>} : memref<6272xf32, #tpu.memory_space<vmem>>, vector<16xf32>,
      %get3A_288 = arith.index_cast %add3A_283 : i32 to index
      %get3A_289 = tpu.vector_load %arg10[%get3A_288] {strides = array<i32>} : memref<6272xf32, #tpu.memory_space<vmem>>, vector<16xf32>,
      %mul3A_290 = arith.mulf %get3A_287, %get3A_289 : vector<16xf32>
      %shift_right_logical3A_291 = arith.constant 10 : i32
      %shift_right_logical3A_292 = vector.broadcast %shift_right_logical3A_291 : i32 to vector<16xi32>
      %shift_right_logical3A_293 = arith.shrui %get3A_285, %shift_right_logical3A_292 : vector<16xi32>
      %and3A_294 = arith.constant 1023 : i32
      %and3A_295 = vector.broadcast %and3A_294 : i32 to vector<16xi32>
      %and3A_296 = arith.andi %get3A_285, %and3A_295 : vector<16xi32>
      tpu.vector_store_idx %arg6[%shift_right_logical3A_293, %and3A_296], %mul3A_290 {add = true} : memref<32x1024xf32, #tpu.memory_space<vmem>>[vector<16xi32>, vector<16xi32>], vector<16xf32>,
      %mul3A_297 = arith.constant 64 : i32
      %mul3A_298 = arith.muli %scan3A_263, %mul3A_297 : i32
      %add3A_299 = arith.constant 32 : i32
      %add3A_300 = arith.addi %mul3A_298, %add3A_299 : i32
      %get3A_301 = arith.index_cast %add3A_300 : i32 to index
      %get3A_302 = tpu.vector_load %arg8[%get3A_301] {strides = array<i32>} : memref<6272xi32, #tpu.memory_space<vmem>>, vector<16xi32>,
      %get3A_303 = arith.index_cast %add3A_300 : i32 to index
      %get3A_304 = tpu.vector_load %arg11[%get3A_303] {strides = array<i32>} : memref<6272xf32, #tpu.memory_space<vmem>>, vector<16xf32>,
      %get3A_305 = arith.index_cast %add3A_300 : i32 to index
      %get3A_306 = tpu.vector_load %arg10[%get3A_305] {strides = array<i32>} : memref<6272xf32, #tpu.memory_space<vmem>>, vector<16xf32>,
      %mul3A_307 = arith.mulf %get3A_304, %get3A_306 : vector<16xf32>
      %shift_right_logical3A_308 = arith.constant 10 : i32
      %shift_right_logical3A_309 = vector.broadcast %shift_right_logical3A_308 : i32 to vector<16xi32>
      %shift_right_logical3A_310 = arith.shrui %get3A_302, %shift_right_logical3A_309 : vector<16xi32>
      %and3A_311 = arith.constant 1023 : i32
      %and3A_312 = vector.broadcast %and3A_311 : i32 to vector<16xi32>
      %and3A_313 = arith.andi %get3A_302, %and3A_312 : vector<16xi32>
      tpu.vector_store_idx %arg6[%shift_right_logical3A_310, %and3A_313], %mul3A_307 {add = true} : memref<32x1024xf32, #tpu.memory_space<vmem>>[vector<16xi32>, vector<16xi32>], vector<16xf32>,
      %mul3A_314 = arith.constant 64 : i32
      %mul3A_315 = arith.muli %scan3A_263, %mul3A_314 : i32
      %add3A_316 = arith.constant 48 : i32
      %add3A_317 = arith.addi %mul3A_315, %add3A_316 : i32
      %get3A_318 = arith.index_cast %add3A_317 : i32 to index
      %get3A_319 = tpu.vector_load %arg8[%get3A_318] {strides = array<i32>} : memref<6272xi32, #tpu.memory_space<vmem>>, vector<16xi32>,
      %get3A_320 = arith.index_cast %add3A_317 : i32 to index
      %get3A_321 = tpu.vector_load %arg11[%get3A_320] {strides = array<i32>} : memref<6272xf32, #tpu.memory_space<vmem>>, vector<16xf32>,
      %get3A_322 = arith.index_cast %add3A_317 : i32 to index
      %get3A_323 = tpu.vector_load %arg10[%get3A_322] {strides = array<i32>} : memref<6272xf32, #tpu.memory_space<vmem>>, vector<16xf32>,
      %mul3A_324 = arith.mulf %get3A_321, %get3A_323 : vector<16xf32>
      %shift_right_logical3A_325 = arith.constant 10 : i32
      %shift_right_logical3A_326 = vector.broadcast %shift_right_logical3A_325 : i32 to vector<16xi32>
      %shift_right_logical3A_327 = arith.shrui %get3A_319, %shift_right_logical3A_326 : vector<16xi32>
      %and3A_328 = arith.constant 1023 : i32
      %and3A_329 = vector.broadcast %and3A_328 : i32 to vector<16xi32>
      %and3A_330 = arith.andi %get3A_319, %and3A_329 : vector<16xi32>
      tpu.vector_store_idx %arg6[%shift_right_logical3A_327, %and3A_330], %mul3A_324 {add = true} : memref<32x1024xf32, #tpu.memory_space<vmem>>[vector<16xi32>, vector<16xi32>], vector<16xf32>,
      %scan3A_331 = arith.constant 0 : i32
      scf.yield %scan3A_331 : i32
    }
    %scan3A_162 = arith.constant 98 : i32
    %dma_start3A_163 = arith.constant 5 : i32
    %dma_start3A_164 = tpu.memref_slice %arg3[%dma_start3A_163, %mul3A_32] : memref<8x50176xi32, #tpu.memory_space<hbm>> -> memref<1x6272xi32, #tpu.memory_space<hbm>>
    %dma_start3A_165 = tpu.memref_squeeze %dma_start3A_164 : memref<1x6272xi32, #tpu.memory_space<hbm>> -> memref<6272xi32, #tpu.memory_space<hbm>>
    %dma_start3A_166 = tpu.memref_slice %arg3[%dma_start3A_163, %mul3A_32] : memref<8x50176xi32, #tpu.memory_space<hbm>> -> memref<1x6272xi32, #tpu.memory_space<hbm>>
    %dma_start3A_167 = tpu.memref_squeeze %dma_start3A_166 : memref<1x6272xi32, #tpu.memory_space<hbm>> -> memref<6272xi32, #tpu.memory_space<hbm>>
    tpu.enqueue_dma source(%dma_start3A_167 : memref<6272xi32, #tpu.memory_space<hbm>>) target(%arg8 : memref<6272xi32, #tpu.memory_space<vmem>>) target_semaphore(%arg13 : memref<!tpu.dma_semaphore, #tpu.memory_space<semaphore_mem>>)
    %dma_start3A_168 = arith.constant 5 : i32
    %dma_start3A_169 = tpu.memref_slice %arg4[%dma_start3A_168, %mul3A_32] : memref<8x50176xf32, #tpu.memory_space<hbm>> -> memref<1x6272xf32, #tpu.memory_space<hbm>>
    %dma_start3A_170 = tpu.memref_squeeze %dma_start3A_169 : memref<1x6272xf32, #tpu.memory_space<hbm>> -> memref<6272xf32, #tpu.memory_space<hbm>>
    %dma_start3A_171 = tpu.memref_slice %arg4[%dma_start3A_168, %mul3A_32] : memref<8x50176xf32, #tpu.memory_space<hbm>> -> memref<1x6272xf32, #tpu.memory_space<hbm>>
    %dma_start3A_172 = tpu.memref_squeeze %dma_start3A_171 : memref<1x6272xf32, #tpu.memory_space<hbm>> -> memref<6272xf32, #tpu.memory_space<hbm>>
    tpu.enqueue_dma source(%dma_start3A_172 : memref<6272xf32, #tpu.memory_space<hbm>>) target(%arg10 : memref<6272xf32, #tpu.memory_space<vmem>>) target_semaphore(%arg13 : memref<!tpu.dma_semaphore, #tpu.memory_space<semaphore_mem>>)
    %dma_wait3A_173 = arith.constant 4 : i32
    %dma_wait3A_174 = tpu.memref_slice %arg3[%dma_wait3A_173, %mul3A_32] : memref<8x50176xi32, #tpu.memory_space<hbm>> -> memref<1x6272xi32, #tpu.memory_space<hbm>>
    %dma_wait3A_175 = tpu.memref_squeeze %dma_wait3A_174 : memref<1x6272xi32, #tpu.memory_space<hbm>> -> memref<6272xi32, #tpu.memory_space<hbm>>
    %dma_wait3A_176 = tpu.memref_slice %arg3[%dma_wait3A_173, %mul3A_32] : memref<8x50176xi32, #tpu.memory_space<hbm>> -> memref<1x6272xi32, #tpu.memory_space<hbm>>
    %dma_wait3A_177 = tpu.memref_squeeze %dma_wait3A_176 : memref<1x6272xi32, #tpu.memory_space<hbm>> -> memref<6272xi32, #tpu.memory_space<hbm>>
    tpu.wait_dma2 semaphore(%arg12 : memref<!tpu.dma_semaphore, #tpu.memory_space<semaphore_mem>>) src(%dma_wait3A_177 : memref<6272xi32, #tpu.memory_space<hbm>>) dst(%arg7 : memref<6272xi32, #tpu.memory_space<vmem>>)
    %dma_wait3A_178 = arith.constant 4 : i32
    %dma_wait3A_179 = tpu.memref_slice %arg4[%dma_wait3A_178, %mul3A_32] : memref<8x50176xf32, #tpu.memory_space<hbm>> -> memref<1x6272xf32, #tpu.memory_space<hbm>>
    %dma_wait3A_180 = tpu.memref_squeeze %dma_wait3A_179 : memref<1x6272xf32, #tpu.memory_space<hbm>> -> memref<6272xf32, #tpu.memory_space<hbm>>
    %dma_wait3A_181 = tpu.memref_slice %arg4[%dma_wait3A_178, %mul3A_32] : memref<8x50176xf32, #tpu.memory_space<hbm>> -> memref<1x6272xf32, #tpu.memory_space<hbm>>
    %dma_wait3A_182 = tpu.memref_squeeze %dma_wait3A_181 : memref<1x6272xf32, #tpu.memory_space<hbm>> -> memref<6272xf32, #tpu.memory_space<hbm>>
    tpu.wait_dma2 semaphore(%arg12 : memref<!tpu.dma_semaphore, #tpu.memory_space<semaphore_mem>>) src(%dma_wait3A_182 : memref<6272xf32, #tpu.memory_space<hbm>>) dst(%arg9 : memref<6272xf32, #tpu.memory_space<vmem>>)
    %scan3A_183 = arith.constant 0 : i32
    %scan3A_184 = arith.constant 0 : i32
    %scan3A_185 = arith.constant 98 : i32
    %scan3A_186 = arith.addi %scan3A_184, %scan3A_185 : i32
    %scan3A_187 = arith.constant 1 : i32
    %scan3A_188 = scf.for %scan3A_263 = %scan3A_184 to %scan3A_186 step %scan3A_187 iter_args(%scan3A_264 = %scan3A_183) -> (i32)  : i32 {
      %mul3A_265 = arith.constant 64 : i32
      %mul3A_266 = arith.muli %scan3A_263, %mul3A_265 : i32
      %add3A_267 = arith.constant 0 : i32
      %add3A_268 = arith.addi %mul3A_266, %add3A_267 : i32
      %get3A = arith.index_cast %add3A_268 : i32 to index
      %get3A_269 = tpu.vector_load %arg7[%get3A] {strides = array<i32>} : memref<6272xi32, #tpu.memory_space<vmem>>, vector<16xi32>,
      %get3A_270 = arith.index_cast %add3A_268 : i32 to index
      %get3A_271 = tpu.vector_load %arg11[%get3A_270] {strides = array<i32>} : memref<6272xf32, #tpu.memory_space<vmem>>, vector<16xf32>,
      %get3A_272 = arith.index_cast %add3A_268 : i32 to index
      %get3A_273 = tpu.vector_load %arg9[%get3A_272] {strides = array<i32>} : memref<6272xf32, #tpu.memory_space<vmem>>, vector<16xf32>,
      %mul3A_274 = arith.mulf %get3A_271, %get3A_273 : vector<16xf32>
      %shift_right_logical3A = arith.constant 10 : i32
      %shift_right_logical3A_275 = vector.broadcast %shift_right_logical3A : i32 to vector<16xi32>
      %shift_right_logical3A_276 = arith.shrui %get3A_269, %shift_right_logical3A_275 : vector<16xi32>
      %and3A_277 = arith.constant 1023 : i32
      %and3A_278 = vector.broadcast %and3A_277 : i32 to vector<16xi32>
      %and3A_279 = arith.andi %get3A_269, %and3A_278 : vector<16xi32>
      tpu.vector_store_idx %arg6[%shift_right_logical3A_276, %and3A_279], %mul3A_274 {add = true} : memref<32x1024xf32, #tpu.memory_space<vmem>>[vector<16xi32>, vector<16xi32>], vector<16xf32>,
      %mul3A_280 = arith.constant 64 : i32
      %mul3A_281 = arith.muli %scan3A_263, %mul3A_280 : i32
      %add3A_282 = arith.constant 16 : i32
      %add3A_283 = arith.addi %mul3A_281, %add3A_282 : i32
      %get3A_284 = arith.index_cast %add3A_283 : i32 to index
      %get3A_285 = tpu.vector_load %arg7[%get3A_284] {strides = array<i32>} : memref<6272xi32, #tpu.memory_space<vmem>>, vector<16xi32>,
      %get3A_286 = arith.index_cast %add3A_283 : i32 to index
      %get3A_287 = tpu.vector_load %arg11[%get3A_286] {strides = array<i32>} : memref<6272xf32, #tpu.memory_space<vmem>>, vector<16xf32>,
      %get3A_288 = arith.index_cast %add3A_283 : i32 to index
      %get3A_289 = tpu.vector_load %arg9[%get3A_288] {strides = array<i32>} : memref<6272xf32, #tpu.memory_space<vmem>>, vector<16xf32>,
      %mul3A_290 = arith.mulf %get3A_287, %get3A_289 : vector<16xf32>
      %shift_right_logical3A_291 = arith.constant 10 : i32
      %shift_right_logical3A_292 = vector.broadcast %shift_right_logical3A_291 : i32 to vector<16xi32>
      %shift_right_logical3A_293 = arith.shrui %get3A_285, %shift_right_logical3A_292 : vector<16xi32>
      %and3A_294 = arith.constant 1023 : i32
      %and3A_295 = vector.broadcast %and3A_294 : i32 to vector<16xi32>
      %and3A_296 = arith.andi %get3A_285, %and3A_295 : vector<16xi32>
      tpu.vector_store_idx %arg6[%shift_right_logical3A_293, %and3A_296], %mul3A_290 {add = true} : memref<32x1024xf32, #tpu.memory_space<vmem>>[vector<16xi32>, vector<16xi32>], vector<16xf32>,
      %mul3A_297 = arith.constant 64 : i32
      %mul3A_298 = arith.muli %scan3A_263, %mul3A_297 : i32
      %add3A_299 = arith.constant 32 : i32
      %add3A_300 = arith.addi %mul3A_298, %add3A_299 : i32
      %get3A_301 = arith.index_cast %add3A_300 : i32 to index
      %get3A_302 = tpu.vector_load %arg7[%get3A_301] {strides = array<i32>} : memref<6272xi32, #tpu.memory_space<vmem>>, vector<16xi32>,
      %get3A_303 = arith.index_cast %add3A_300 : i32 to index
      %get3A_304 = tpu.vector_load %arg11[%get3A_303] {strides = array<i32>} : memref<6272xf32, #tpu.memory_space<vmem>>, vector<16xf32>,
      %get3A_305 = arith.index_cast %add3A_300 : i32 to index
      %get3A_306 = tpu.vector_load %arg9[%get3A_305] {strides = array<i32>} : memref<6272xf32, #tpu.memory_space<vmem>>, vector<16xf32>,
      %mul3A_307 = arith.mulf %get3A_304, %get3A_306 : vector<16xf32>
      %shift_right_logical3A_308 = arith.constant 10 : i32
      %shift_right_logical3A_309 = vector.broadcast %shift_right_logical3A_308 : i32 to vector<16xi32>
      %shift_right_logical3A_310 = arith.shrui %get3A_302, %shift_right_logical3A_309 : vector<16xi32>
      %and3A_311 = arith.constant 1023 : i32
      %and3A_312 = vector.broadcast %and3A_311 : i32 to vector<16xi32>
      %and3A_313 = arith.andi %get3A_302, %and3A_312 : vector<16xi32>
      tpu.vector_store_idx %arg6[%shift_right_logical3A_310, %and3A_313], %mul3A_307 {add = true} : memref<32x1024xf32, #tpu.memory_space<vmem>>[vector<16xi32>, vector<16xi32>], vector<16xf32>,
      %mul3A_314 = arith.constant 64 : i32
      %mul3A_315 = arith.muli %scan3A_263, %mul3A_314 : i32
      %add3A_316 = arith.constant 48 : i32
      %add3A_317 = arith.addi %mul3A_315, %add3A_316 : i32
      %get3A_318 = arith.index_cast %add3A_317 : i32 to index
      %get3A_319 = tpu.vector_load %arg7[%get3A_318] {strides = array<i32>} : memref<6272xi32, #tpu.memory_space<vmem>>, vector<16xi32>,
      %get3A_320 = arith.index_cast %add3A_317 : i32 to index
      %get3A_321 = tpu.vector_load %arg11[%get3A_320] {strides = array<i32>} : memref<6272xf32, #tpu.memory_space<vmem>>, vector<16xf32>,
      %get3A_322 = arith.index_cast %add3A_317 : i32 to index
      %get3A_323 = tpu.vector_load %arg9[%get3A_322] {strides = array<i32>} : memref<6272xf32, #tpu.memory_space<vmem>>, vector<16xf32>,
      %mul3A_324 = arith.mulf %get3A_321, %get3A_323 : vector<16xf32>
      %shift_right_logical3A_325 = arith.constant 10 : i32
      %shift_right_logical3A_326 = vector.broadcast %shift_right_logical3A_325 : i32 to vector<16xi32>
      %shift_right_logical3A_327 = arith.shrui %get3A_319, %shift_right_logical3A_326 : vector<16xi32>
      %and3A_328 = arith.constant 1023 : i32
      %and3A_329 = vector.broadcast %and3A_328 : i32 to vector<16xi32>
      %and3A_330 = arith.andi %get3A_319, %and3A_329 : vector<16xi32>
      tpu.vector_store_idx %arg6[%shift_right_logical3A_327, %and3A_330], %mul3A_324 {add = true} : memref<32x1024xf32, #tpu.memory_space<vmem>>[vector<16xi32>, vector<16xi32>], vector<16xf32>,
      %scan3A_331 = arith.constant 0 : i32
      scf.yield %scan3A_331 : i32
    }
    %scan3A_189 = arith.constant 98 : i32
    %dma_start3A_190 = arith.constant 6 : i32
    %dma_start3A_191 = tpu.memref_slice %arg3[%dma_start3A_190, %mul3A_32] : memref<8x50176xi32, #tpu.memory_space<hbm>> -> memref<1x6272xi32, #tpu.memory_space<hbm>>
    %dma_start3A_192 = tpu.memref_squeeze %dma_start3A_191 : memref<1x6272xi32, #tpu.memory_space<hbm>> -> memref<6272xi32, #tpu.memory_space<hbm>>
    %dma_start3A_193 = tpu.memref_slice %arg3[%dma_start3A_190, %mul3A_32] : memref<8x50176xi32, #tpu.memory_space<hbm>> -> memref<1x6272xi32, #tpu.memory_space<hbm>>
    %dma_start3A_194 = tpu.memref_squeeze %dma_start3A_193 : memref<1x6272xi32, #tpu.memory_space<hbm>> -> memref<6272xi32, #tpu.memory_space<hbm>>
    tpu.enqueue_dma source(%dma_start3A_194 : memref<6272xi32, #tpu.memory_space<hbm>>) target(%arg7 : memref<6272xi32, #tpu.memory_space<vmem>>) target_semaphore(%arg12 : memref<!tpu.dma_semaphore, #tpu.memory_space<semaphore_mem>>)
    %dma_start3A_195 = arith.constant 6 : i32
    %dma_start3A_196 = tpu.memref_slice %arg4[%dma_start3A_195, %mul3A_32] : memref<8x50176xf32, #tpu.memory_space<hbm>> -> memref<1x6272xf32, #tpu.memory_space<hbm>>
    %dma_start3A_197 = tpu.memref_squeeze %dma_start3A_196 : memref<1x6272xf32, #tpu.memory_space<hbm>> -> memref<6272xf32, #tpu.memory_space<hbm>>
    %dma_start3A_198 = tpu.memref_slice %arg4[%dma_start3A_195, %mul3A_32] : memref<8x50176xf32, #tpu.memory_space<hbm>> -> memref<1x6272xf32, #tpu.memory_space<hbm>>
    %dma_start3A_199 = tpu.memref_squeeze %dma_start3A_198 : memref<1x6272xf32, #tpu.memory_space<hbm>> -> memref<6272xf32, #tpu.memory_space<hbm>>
    tpu.enqueue_dma source(%dma_start3A_199 : memref<6272xf32, #tpu.memory_space<hbm>>) target(%arg9 : memref<6272xf32, #tpu.memory_space<vmem>>) target_semaphore(%arg12 : memref<!tpu.dma_semaphore, #tpu.memory_space<semaphore_mem>>)
    %dma_wait3A_200 = arith.constant 5 : i32
    %dma_wait3A_201 = tpu.memref_slice %arg3[%dma_wait3A_200, %mul3A_32] : memref<8x50176xi32, #tpu.memory_space<hbm>> -> memref<1x6272xi32, #tpu.memory_space<hbm>>
    %dma_wait3A_202 = tpu.memref_squeeze %dma_wait3A_201 : memref<1x6272xi32, #tpu.memory_space<hbm>> -> memref<6272xi32, #tpu.memory_space<hbm>>
    %dma_wait3A_203 = tpu.memref_slice %arg3[%dma_wait3A_200, %mul3A_32] : memref<8x50176xi32, #tpu.memory_space<hbm>> -> memref<1x6272xi32, #tpu.memory_space<hbm>>
    %dma_wait3A_204 = tpu.memref_squeeze %dma_wait3A_203 : memref<1x6272xi32, #tpu.memory_space<hbm>> -> memref<6272xi32, #tpu.memory_space<hbm>>
    tpu.wait_dma2 semaphore(%arg13 : memref<!tpu.dma_semaphore, #tpu.memory_space<semaphore_mem>>) src(%dma_wait3A_204 : memref<6272xi32, #tpu.memory_space<hbm>>) dst(%arg8 : memref<6272xi32, #tpu.memory_space<vmem>>)
    %dma_wait3A_205 = arith.constant 5 : i32
    %dma_wait3A_206 = tpu.memref_slice %arg4[%dma_wait3A_205, %mul3A_32] : memref<8x50176xf32, #tpu.memory_space<hbm>> -> memref<1x6272xf32, #tpu.memory_space<hbm>>
    %dma_wait3A_207 = tpu.memref_squeeze %dma_wait3A_206 : memref<1x6272xf32, #tpu.memory_space<hbm>> -> memref<6272xf32, #tpu.memory_space<hbm>>
    %dma_wait3A_208 = tpu.memref_slice %arg4[%dma_wait3A_205, %mul3A_32] : memref<8x50176xf32, #tpu.memory_space<hbm>> -> memref<1x6272xf32, #tpu.memory_space<hbm>>
    %dma_wait3A_209 = tpu.memref_squeeze %dma_wait3A_208 : memref<1x6272xf32, #tpu.memory_space<hbm>> -> memref<6272xf32, #tpu.memory_space<hbm>>
    tpu.wait_dma2 semaphore(%arg13 : memref<!tpu.dma_semaphore, #tpu.memory_space<semaphore_mem>>) src(%dma_wait3A_209 : memref<6272xf32, #tpu.memory_space<hbm>>) dst(%arg10 : memref<6272xf32, #tpu.memory_space<vmem>>)
    %scan3A_210 = arith.constant 0 : i32
    %scan3A_211 = arith.constant 0 : i32
    %scan3A_212 = arith.constant 98 : i32
    %scan3A_213 = arith.addi %scan3A_211, %scan3A_212 : i32
    %scan3A_214 = arith.constant 1 : i32
    %scan3A_215 = scf.for %scan3A_263 = %scan3A_211 to %scan3A_213 step %scan3A_214 iter_args(%scan3A_264 = %scan3A_210) -> (i32)  : i32 {
      %mul3A_265 = arith.constant 64 : i32
      %mul3A_266 = arith.muli %scan3A_263, %mul3A_265 : i32
      %add3A_267 = arith.constant 0 : i32
      %add3A_268 = arith.addi %mul3A_266, %add3A_267 : i32
      %get3A = arith.index_cast %add3A_268 : i32 to index
      %get3A_269 = tpu.vector_load %arg8[%get3A] {strides = array<i32>} : memref<6272xi32, #tpu.memory_space<vmem>>, vector<16xi32>,
      %get3A_270 = arith.index_cast %add3A_268 : i32 to index
      %get3A_271 = tpu.vector_load %arg11[%get3A_270] {strides = array<i32>} : memref<6272xf32, #tpu.memory_space<vmem>>, vector<16xf32>,
      %get3A_272 = arith.index_cast %add3A_268 : i32 to index
      %get3A_273 = tpu.vector_load %arg10[%get3A_272] {strides = array<i32>} : memref<6272xf32, #tpu.memory_space<vmem>>, vector<16xf32>,
      %mul3A_274 = arith.mulf %get3A_271, %get3A_273 : vector<16xf32>
      %shift_right_logical3A = arith.constant 10 : i32
      %shift_right_logical3A_275 = vector.broadcast %shift_right_logical3A : i32 to vector<16xi32>
      %shift_right_logical3A_276 = arith.shrui %get3A_269, %shift_right_logical3A_275 : vector<16xi32>
      %and3A_277 = arith.constant 1023 : i32
      %and3A_278 = vector.broadcast %and3A_277 : i32 to vector<16xi32>
      %and3A_279 = arith.andi %get3A_269, %and3A_278 : vector<16xi32>
      tpu.vector_store_idx %arg6[%shift_right_logical3A_276, %and3A_279], %mul3A_274 {add = true} : memref<32x1024xf32, #tpu.memory_space<vmem>>[vector<16xi32>, vector<16xi32>], vector<16xf32>,
      %mul3A_280 = arith.constant 64 : i32
      %mul3A_281 = arith.muli %scan3A_263, %mul3A_280 : i32
      %add3A_282 = arith.constant 16 : i32
      %add3A_283 = arith.addi %mul3A_281, %add3A_282 : i32
      %get3A_284 = arith.index_cast %add3A_283 : i32 to index
      %get3A_285 = tpu.vector_load %arg8[%get3A_284] {strides = array<i32>} : memref<6272xi32, #tpu.memory_space<vmem>>, vector<16xi32>,
      %get3A_286 = arith.index_cast %add3A_283 : i32 to index
      %get3A_287 = tpu.vector_load %arg11[%get3A_286] {strides = array<i32>} : memref<6272xf32, #tpu.memory_space<vmem>>, vector<16xf32>,
      %get3A_288 = arith.index_cast %add3A_283 : i32 to index
      %get3A_289 = tpu.vector_load %arg10[%get3A_288] {strides = array<i32>} : memref<6272xf32, #tpu.memory_space<vmem>>, vector<16xf32>,
      %mul3A_290 = arith.mulf %get3A_287, %get3A_289 : vector<16xf32>
      %shift_right_logical3A_291 = arith.constant 10 : i32
      %shift_right_logical3A_292 = vector.broadcast %shift_right_logical3A_291 : i32 to vector<16xi32>
      %shift_right_logical3A_293 = arith.shrui %get3A_285, %shift_right_logical3A_292 : vector<16xi32>
      %and3A_294 = arith.constant 1023 : i32
      %and3A_295 = vector.broadcast %and3A_294 : i32 to vector<16xi32>
      %and3A_296 = arith.andi %get3A_285, %and3A_295 : vector<16xi32>
      tpu.vector_store_idx %arg6[%shift_right_logical3A_293, %and3A_296], %mul3A_290 {add = true} : memref<32x1024xf32, #tpu.memory_space<vmem>>[vector<16xi32>, vector<16xi32>], vector<16xf32>,
      %mul3A_297 = arith.constant 64 : i32
      %mul3A_298 = arith.muli %scan3A_263, %mul3A_297 : i32
      %add3A_299 = arith.constant 32 : i32
      %add3A_300 = arith.addi %mul3A_298, %add3A_299 : i32
      %get3A_301 = arith.index_cast %add3A_300 : i32 to index
      %get3A_302 = tpu.vector_load %arg8[%get3A_301] {strides = array<i32>} : memref<6272xi32, #tpu.memory_space<vmem>>, vector<16xi32>,
      %get3A_303 = arith.index_cast %add3A_300 : i32 to index
      %get3A_304 = tpu.vector_load %arg11[%get3A_303] {strides = array<i32>} : memref<6272xf32, #tpu.memory_space<vmem>>, vector<16xf32>,
      %get3A_305 = arith.index_cast %add3A_300 : i32 to index
      %get3A_306 = tpu.vector_load %arg10[%get3A_305] {strides = array<i32>} : memref<6272xf32, #tpu.memory_space<vmem>>, vector<16xf32>,
      %mul3A_307 = arith.mulf %get3A_304, %get3A_306 : vector<16xf32>
      %shift_right_logical3A_308 = arith.constant 10 : i32
      %shift_right_logical3A_309 = vector.broadcast %shift_right_logical3A_308 : i32 to vector<16xi32>
      %shift_right_logical3A_310 = arith.shrui %get3A_302, %shift_right_logical3A_309 : vector<16xi32>
      %and3A_311 = arith.constant 1023 : i32
      %and3A_312 = vector.broadcast %and3A_311 : i32 to vector<16xi32>
      %and3A_313 = arith.andi %get3A_302, %and3A_312 : vector<16xi32>
      tpu.vector_store_idx %arg6[%shift_right_logical3A_310, %and3A_313], %mul3A_307 {add = true} : memref<32x1024xf32, #tpu.memory_space<vmem>>[vector<16xi32>, vector<16xi32>], vector<16xf32>,
      %mul3A_314 = arith.constant 64 : i32
      %mul3A_315 = arith.muli %scan3A_263, %mul3A_314 : i32
      %add3A_316 = arith.constant 48 : i32
      %add3A_317 = arith.addi %mul3A_315, %add3A_316 : i32
      %get3A_318 = arith.index_cast %add3A_317 : i32 to index
      %get3A_319 = tpu.vector_load %arg8[%get3A_318] {strides = array<i32>} : memref<6272xi32, #tpu.memory_space<vmem>>, vector<16xi32>,
      %get3A_320 = arith.index_cast %add3A_317 : i32 to index
      %get3A_321 = tpu.vector_load %arg11[%get3A_320] {strides = array<i32>} : memref<6272xf32, #tpu.memory_space<vmem>>, vector<16xf32>,
      %get3A_322 = arith.index_cast %add3A_317 : i32 to index
      %get3A_323 = tpu.vector_load %arg10[%get3A_322] {strides = array<i32>} : memref<6272xf32, #tpu.memory_space<vmem>>, vector<16xf32>,
      %mul3A_324 = arith.mulf %get3A_321, %get3A_323 : vector<16xf32>
      %shift_right_logical3A_325 = arith.constant 10 : i32
      %shift_right_logical3A_326 = vector.broadcast %shift_right_logical3A_325 : i32 to vector<16xi32>
      %shift_right_logical3A_327 = arith.shrui %get3A_319, %shift_right_logical3A_326 : vector<16xi32>
      %and3A_328 = arith.constant 1023 : i32
      %and3A_329 = vector.broadcast %and3A_328 : i32 to vector<16xi32>
      %and3A_330 = arith.andi %get3A_319, %and3A_329 : vector<16xi32>
      tpu.vector_store_idx %arg6[%shift_right_logical3A_327, %and3A_330], %mul3A_324 {add = true} : memref<32x1024xf32, #tpu.memory_space<vmem>>[vector<16xi32>, vector<16xi32>], vector<16xf32>,
      %scan3A_331 = arith.constant 0 : i32
      scf.yield %scan3A_331 : i32
    }
    %scan3A_216 = arith.constant 98 : i32
    %dma_start3A_217 = arith.constant 7 : i32
    %dma_start3A_218 = tpu.memref_slice %arg3[%dma_start3A_217, %mul3A_32] : memref<8x50176xi32, #tpu.memory_space<hbm>> -> memref<1x6272xi32, #tpu.memory_space<hbm>>
    %dma_start3A_219 = tpu.memref_squeeze %dma_start3A_218 : memref<1x6272xi32, #tpu.memory_space<hbm>> -> memref<6272xi32, #tpu.memory_space<hbm>>
    %dma_start3A_220 = tpu.memref_slice %arg3[%dma_start3A_217, %mul3A_32] : memref<8x50176xi32, #tpu.memory_space<hbm>> -> memref<1x6272xi32, #tpu.memory_space<hbm>>
    %dma_start3A_221 = tpu.memref_squeeze %dma_start3A_220 : memref<1x6272xi32, #tpu.memory_space<hbm>> -> memref<6272xi32, #tpu.memory_space<hbm>>
    tpu.enqueue_dma source(%dma_start3A_221 : memref<6272xi32, #tpu.memory_space<hbm>>) target(%arg8 : memref<6272xi32, #tpu.memory_space<vmem>>) target_semaphore(%arg13 : memref<!tpu.dma_semaphore, #tpu.memory_space<semaphore_mem>>)
    %dma_start3A_222 = arith.constant 7 : i32
    %dma_start3A_223 = tpu.memref_slice %arg4[%dma_start3A_222, %mul3A_32] : memref<8x50176xf32, #tpu.memory_space<hbm>> -> memref<1x6272xf32, #tpu.memory_space<hbm>>
    %dma_start3A_224 = tpu.memref_squeeze %dma_start3A_223 : memref<1x6272xf32, #tpu.memory_space<hbm>> -> memref<6272xf32, #tpu.memory_space<hbm>>
    %dma_start3A_225 = tpu.memref_slice %arg4[%dma_start3A_222, %mul3A_32] : memref<8x50176xf32, #tpu.memory_space<hbm>> -> memref<1x6272xf32, #tpu.memory_space<hbm>>
    %dma_start3A_226 = tpu.memref_squeeze %dma_start3A_225 : memref<1x6272xf32, #tpu.memory_space<hbm>> -> memref<6272xf32, #tpu.memory_space<hbm>>
    tpu.enqueue_dma source(%dma_start3A_226 : memref<6272xf32, #tpu.memory_space<hbm>>) target(%arg10 : memref<6272xf32, #tpu.memory_space<vmem>>) target_semaphore(%arg13 : memref<!tpu.dma_semaphore, #tpu.memory_space<semaphore_mem>>)
    %dma_wait3A_227 = arith.constant 6 : i32
    %dma_wait3A_228 = tpu.memref_slice %arg3[%dma_wait3A_227, %mul3A_32] : memref<8x50176xi32, #tpu.memory_space<hbm>> -> memref<1x6272xi32, #tpu.memory_space<hbm>>
    %dma_wait3A_229 = tpu.memref_squeeze %dma_wait3A_228 : memref<1x6272xi32, #tpu.memory_space<hbm>> -> memref<6272xi32, #tpu.memory_space<hbm>>
    %dma_wait3A_230 = tpu.memref_slice %arg3[%dma_wait3A_227, %mul3A_32] : memref<8x50176xi32, #tpu.memory_space<hbm>> -> memref<1x6272xi32, #tpu.memory_space<hbm>>
    %dma_wait3A_231 = tpu.memref_squeeze %dma_wait3A_230 : memref<1x6272xi32, #tpu.memory_space<hbm>> -> memref<6272xi32, #tpu.memory_space<hbm>>
    tpu.wait_dma2 semaphore(%arg12 : memref<!tpu.dma_semaphore, #tpu.memory_space<semaphore_mem>>) src(%dma_wait3A_231 : memref<6272xi32, #tpu.memory_space<hbm>>) dst(%arg7 : memref<6272xi32, #tpu.memory_space<vmem>>)
    %dma_wait3A_232 = arith.constant 6 : i32
    %dma_wait3A_233 = tpu.memref_slice %arg4[%dma_wait3A_232, %mul3A_32] : memref<8x50176xf32, #tpu.memory_space<hbm>> -> memref<1x6272xf32, #tpu.memory_space<hbm>>
    %dma_wait3A_234 = tpu.memref_squeeze %dma_wait3A_233 : memref<1x6272xf32, #tpu.memory_space<hbm>> -> memref<6272xf32, #tpu.memory_space<hbm>>
    %dma_wait3A_235 = tpu.memref_slice %arg4[%dma_wait3A_232, %mul3A_32] : memref<8x50176xf32, #tpu.memory_space<hbm>> -> memref<1x6272xf32, #tpu.memory_space<hbm>>
    %dma_wait3A_236 = tpu.memref_squeeze %dma_wait3A_235 : memref<1x6272xf32, #tpu.memory_space<hbm>> -> memref<6272xf32, #tpu.memory_space<hbm>>
    tpu.wait_dma2 semaphore(%arg12 : memref<!tpu.dma_semaphore, #tpu.memory_space<semaphore_mem>>) src(%dma_wait3A_236 : memref<6272xf32, #tpu.memory_space<hbm>>) dst(%arg9 : memref<6272xf32, #tpu.memory_space<vmem>>)
    %scan3A_237 = arith.constant 0 : i32
    %scan3A_238 = arith.constant 0 : i32
    %scan3A_239 = arith.constant 98 : i32
    %scan3A_240 = arith.addi %scan3A_238, %scan3A_239 : i32
    %scan3A_241 = arith.constant 1 : i32
    %scan3A_242 = scf.for %scan3A_263 = %scan3A_238 to %scan3A_240 step %scan3A_241 iter_args(%scan3A_264 = %scan3A_237) -> (i32)  : i32 {
      %mul3A_265 = arith.constant 64 : i32
      %mul3A_266 = arith.muli %scan3A_263, %mul3A_265 : i32
      %add3A_267 = arith.constant 0 : i32
      %add3A_268 = arith.addi %mul3A_266, %add3A_267 : i32
      %get3A = arith.index_cast %add3A_268 : i32 to index
      %get3A_269 = tpu.vector_load %arg7[%get3A] {strides = array<i32>} : memref<6272xi32, #tpu.memory_space<vmem>>, vector<16xi32>,
      %get3A_270 = arith.index_cast %add3A_268 : i32 to index
      %get3A_271 = tpu.vector_load %arg11[%get3A_270] {strides = array<i32>} : memref<6272xf32, #tpu.memory_space<vmem>>, vector<16xf32>,
      %get3A_272 = arith.index_cast %add3A_268 : i32 to index
      %get3A_273 = tpu.vector_load %arg9[%get3A_272] {strides = array<i32>} : memref<6272xf32, #tpu.memory_space<vmem>>, vector<16xf32>,
      %mul3A_274 = arith.mulf %get3A_271, %get3A_273 : vector<16xf32>
      %shift_right_logical3A = arith.constant 10 : i32
      %shift_right_logical3A_275 = vector.broadcast %shift_right_logical3A : i32 to vector<16xi32>
      %shift_right_logical3A_276 = arith.shrui %get3A_269, %shift_right_logical3A_275 : vector<16xi32>
      %and3A_277 = arith.constant 1023 : i32
      %and3A_278 = vector.broadcast %and3A_277 : i32 to vector<16xi32>
      %and3A_279 = arith.andi %get3A_269, %and3A_278 : vector<16xi32>
      tpu.vector_store_idx %arg6[%shift_right_logical3A_276, %and3A_279], %mul3A_274 {add = true} : memref<32x1024xf32, #tpu.memory_space<vmem>>[vector<16xi32>, vector<16xi32>], vector<16xf32>,
      %mul3A_280 = arith.constant 64 : i32
      %mul3A_281 = arith.muli %scan3A_263, %mul3A_280 : i32
      %add3A_282 = arith.constant 16 : i32
      %add3A_283 = arith.addi %mul3A_281, %add3A_282 : i32
      %get3A_284 = arith.index_cast %add3A_283 : i32 to index
      %get3A_285 = tpu.vector_load %arg7[%get3A_284] {strides = array<i32>} : memref<6272xi32, #tpu.memory_space<vmem>>, vector<16xi32>,
      %get3A_286 = arith.index_cast %add3A_283 : i32 to index
      %get3A_287 = tpu.vector_load %arg11[%get3A_286] {strides = array<i32>} : memref<6272xf32, #tpu.memory_space<vmem>>, vector<16xf32>,
      %get3A_288 = arith.index_cast %add3A_283 : i32 to index
      %get3A_289 = tpu.vector_load %arg9[%get3A_288] {strides = array<i32>} : memref<6272xf32, #tpu.memory_space<vmem>>, vector<16xf32>,
      %mul3A_290 = arith.mulf %get3A_287, %get3A_289 : vector<16xf32>
      %shift_right_logical3A_291 = arith.constant 10 : i32
      %shift_right_logical3A_292 = vector.broadcast %shift_right_logical3A_291 : i32 to vector<16xi32>
      %shift_right_logical3A_293 = arith.shrui %get3A_285, %shift_right_logical3A_292 : vector<16xi32>
      %and3A_294 = arith.constant 1023 : i32
      %and3A_295 = vector.broadcast %and3A_294 : i32 to vector<16xi32>
      %and3A_296 = arith.andi %get3A_285, %and3A_295 : vector<16xi32>
      tpu.vector_store_idx %arg6[%shift_right_logical3A_293, %and3A_296], %mul3A_290 {add = true} : memref<32x1024xf32, #tpu.memory_space<vmem>>[vector<16xi32>, vector<16xi32>], vector<16xf32>,
      %mul3A_297 = arith.constant 64 : i32
      %mul3A_298 = arith.muli %scan3A_263, %mul3A_297 : i32
      %add3A_299 = arith.constant 32 : i32
      %add3A_300 = arith.addi %mul3A_298, %add3A_299 : i32
      %get3A_301 = arith.index_cast %add3A_300 : i32 to index
      %get3A_302 = tpu.vector_load %arg7[%get3A_301] {strides = array<i32>} : memref<6272xi32, #tpu.memory_space<vmem>>, vector<16xi32>,
      %get3A_303 = arith.index_cast %add3A_300 : i32 to index
      %get3A_304 = tpu.vector_load %arg11[%get3A_303] {strides = array<i32>} : memref<6272xf32, #tpu.memory_space<vmem>>, vector<16xf32>,
      %get3A_305 = arith.index_cast %add3A_300 : i32 to index
      %get3A_306 = tpu.vector_load %arg9[%get3A_305] {strides = array<i32>} : memref<6272xf32, #tpu.memory_space<vmem>>, vector<16xf32>,
      %mul3A_307 = arith.mulf %get3A_304, %get3A_306 : vector<16xf32>
      %shift_right_logical3A_308 = arith.constant 10 : i32
      %shift_right_logical3A_309 = vector.broadcast %shift_right_logical3A_308 : i32 to vector<16xi32>
      %shift_right_logical3A_310 = arith.shrui %get3A_302, %shift_right_logical3A_309 : vector<16xi32>
      %and3A_311 = arith.constant 1023 : i32
      %and3A_312 = vector.broadcast %and3A_311 : i32 to vector<16xi32>
      %and3A_313 = arith.andi %get3A_302, %and3A_312 : vector<16xi32>
      tpu.vector_store_idx %arg6[%shift_right_logical3A_310, %and3A_313], %mul3A_307 {add = true} : memref<32x1024xf32, #tpu.memory_space<vmem>>[vector<16xi32>, vector<16xi32>], vector<16xf32>,
      %mul3A_314 = arith.constant 64 : i32
      %mul3A_315 = arith.muli %scan3A_263, %mul3A_314 : i32
      %add3A_316 = arith.constant 48 : i32
      %add3A_317 = arith.addi %mul3A_315, %add3A_316 : i32
      %get3A_318 = arith.index_cast %add3A_317 : i32 to index
      %get3A_319 = tpu.vector_load %arg7[%get3A_318] {strides = array<i32>} : memref<6272xi32, #tpu.memory_space<vmem>>, vector<16xi32>,
      %get3A_320 = arith.index_cast %add3A_317 : i32 to index
      %get3A_321 = tpu.vector_load %arg11[%get3A_320] {strides = array<i32>} : memref<6272xf32, #tpu.memory_space<vmem>>, vector<16xf32>,
      %get3A_322 = arith.index_cast %add3A_317 : i32 to index
      %get3A_323 = tpu.vector_load %arg9[%get3A_322] {strides = array<i32>} : memref<6272xf32, #tpu.memory_space<vmem>>, vector<16xf32>,
      %mul3A_324 = arith.mulf %get3A_321, %get3A_323 : vector<16xf32>
      %shift_right_logical3A_325 = arith.constant 10 : i32
      %shift_right_logical3A_326 = vector.broadcast %shift_right_logical3A_325 : i32 to vector<16xi32>
      %shift_right_logical3A_327 = arith.shrui %get3A_319, %shift_right_logical3A_326 : vector<16xi32>
      %and3A_328 = arith.constant 1023 : i32
      %and3A_329 = vector.broadcast %and3A_328 : i32 to vector<16xi32>
      %and3A_330 = arith.andi %get3A_319, %and3A_329 : vector<16xi32>
      tpu.vector_store_idx %arg6[%shift_right_logical3A_327, %and3A_330], %mul3A_324 {add = true} : memref<32x1024xf32, #tpu.memory_space<vmem>>[vector<16xi32>, vector<16xi32>], vector<16xf32>,
      %scan3A_331 = arith.constant 0 : i32
      scf.yield %scan3A_331 : i32
    }
    %scan3A_243 = arith.constant 98 : i32
    %dma_wait3A_244 = arith.constant 7 : i32
    %dma_wait3A_245 = tpu.memref_slice %arg3[%dma_wait3A_244, %mul3A_32] : memref<8x50176xi32, #tpu.memory_space<hbm>> -> memref<1x6272xi32, #tpu.memory_space<hbm>>
    %dma_wait3A_246 = tpu.memref_squeeze %dma_wait3A_245 : memref<1x6272xi32, #tpu.memory_space<hbm>> -> memref<6272xi32, #tpu.memory_space<hbm>>
    %dma_wait3A_247 = tpu.memref_slice %arg3[%dma_wait3A_244, %mul3A_32] : memref<8x50176xi32, #tpu.memory_space<hbm>> -> memref<1x6272xi32, #tpu.memory_space<hbm>>
    %dma_wait3A_248 = tpu.memref_squeeze %dma_wait3A_247 : memref<1x6272xi32, #tpu.memory_space<hbm>> -> memref<6272xi32, #tpu.memory_space<hbm>>
    tpu.wait_dma2 semaphore(%arg13 : memref<!tpu.dma_semaphore, #tpu.memory_space<semaphore_mem>>) src(%dma_wait3A_248 : memref<6272xi32, #tpu.memory_space<hbm>>) dst(%arg8 : memref<6272xi32, #tpu.memory_space<vmem>>)
    %dma_wait3A_249 = arith.constant 7 : i32
    %dma_wait3A_250 = tpu.memref_slice %arg4[%dma_wait3A_249, %mul3A_32] : memref<8x50176xf32, #tpu.memory_space<hbm>> -> memref<1x6272xf32, #tpu.memory_space<hbm>>
    %dma_wait3A_251 = tpu.memref_squeeze %dma_wait3A_250 : memref<1x6272xf32, #tpu.memory_space<hbm>> -> memref<6272xf32, #tpu.memory_space<hbm>>
    %dma_wait3A_252 = tpu.memref_slice %arg4[%dma_wait3A_249, %mul3A_32] : memref<8x50176xf32, #tpu.memory_space<hbm>> -> memref<1x6272xf32, #tpu.memory_space<hbm>>
    %dma_wait3A_253 = tpu.memref_squeeze %dma_wait3A_252 : memref<1x6272xf32, #tpu.memory_space<hbm>> -> memref<6272xf32, #tpu.memory_space<hbm>>
    tpu.wait_dma2 semaphore(%arg13 : memref<!tpu.dma_semaphore, #tpu.memory_space<semaphore_mem>>) src(%dma_wait3A_253 : memref<6272xf32, #tpu.memory_space<hbm>>) dst(%arg10 : memref<6272xf32, #tpu.memory_space<vmem>>)
    %scan3A_254 = arith.constant 0 : i32
    %scan3A_255 = arith.constant 0 : i32
    %scan3A_256 = arith.constant 98 : i32
    %scan3A_257 = arith.addi %scan3A_255, %scan3A_256 : i32
    %scan3A_258 = arith.constant 1 : i32
    %scan3A_259 = scf.for %scan3A_263 = %scan3A_255 to %scan3A_257 step %scan3A_258 iter_args(%scan3A_264 = %scan3A_254) -> (i32)  : i32 {
      %mul3A_265 = arith.constant 64 : i32
      %mul3A_266 = arith.muli %scan3A_263, %mul3A_265 : i32
      %add3A_267 = arith.constant 0 : i32
      %add3A_268 = arith.addi %mul3A_266, %add3A_267 : i32
      %get3A = arith.index_cast %add3A_268 : i32 to index
      %get3A_269 = tpu.vector_load %arg8[%get3A] {strides = array<i32>} : memref<6272xi32, #tpu.memory_space<vmem>>, vector<16xi32>,
      %get3A_270 = arith.index_cast %add3A_268 : i32 to index
      %get3A_271 = tpu.vector_load %arg11[%get3A_270] {strides = array<i32>} : memref<6272xf32, #tpu.memory_space<vmem>>, vector<16xf32>,
      %get3A_272 = arith.index_cast %add3A_268 : i32 to index
      %get3A_273 = tpu.vector_load %arg10[%get3A_272] {strides = array<i32>} : memref<6272xf32, #tpu.memory_space<vmem>>, vector<16xf32>,
      %mul3A_274 = arith.mulf %get3A_271, %get3A_273 : vector<16xf32>
      %shift_right_logical3A = arith.constant 10 : i32
      %shift_right_logical3A_275 = vector.broadcast %shift_right_logical3A : i32 to vector<16xi32>
      %shift_right_logical3A_276 = arith.shrui %get3A_269, %shift_right_logical3A_275 : vector<16xi32>
      %and3A_277 = arith.constant 1023 : i32
      %and3A_278 = vector.broadcast %and3A_277 : i32 to vector<16xi32>
      %and3A_279 = arith.andi %get3A_269, %and3A_278 : vector<16xi32>
      tpu.vector_store_idx %arg6[%shift_right_logical3A_276, %and3A_279], %mul3A_274 {add = true} : memref<32x1024xf32, #tpu.memory_space<vmem>>[vector<16xi32>, vector<16xi32>], vector<16xf32>,
      %mul3A_280 = arith.constant 64 : i32
      %mul3A_281 = arith.muli %scan3A_263, %mul3A_280 : i32
      %add3A_282 = arith.constant 16 : i32
      %add3A_283 = arith.addi %mul3A_281, %add3A_282 : i32
      %get3A_284 = arith.index_cast %add3A_283 : i32 to index
      %get3A_285 = tpu.vector_load %arg8[%get3A_284] {strides = array<i32>} : memref<6272xi32, #tpu.memory_space<vmem>>, vector<16xi32>,
      %get3A_286 = arith.index_cast %add3A_283 : i32 to index
      %get3A_287 = tpu.vector_load %arg11[%get3A_286] {strides = array<i32>} : memref<6272xf32, #tpu.memory_space<vmem>>, vector<16xf32>,
      %get3A_288 = arith.index_cast %add3A_283 : i32 to index
      %get3A_289 = tpu.vector_load %arg10[%get3A_288] {strides = array<i32>} : memref<6272xf32, #tpu.memory_space<vmem>>, vector<16xf32>,
      %mul3A_290 = arith.mulf %get3A_287, %get3A_289 : vector<16xf32>
      %shift_right_logical3A_291 = arith.constant 10 : i32
      %shift_right_logical3A_292 = vector.broadcast %shift_right_logical3A_291 : i32 to vector<16xi32>
      %shift_right_logical3A_293 = arith.shrui %get3A_285, %shift_right_logical3A_292 : vector<16xi32>
      %and3A_294 = arith.constant 1023 : i32
      %and3A_295 = vector.broadcast %and3A_294 : i32 to vector<16xi32>
      %and3A_296 = arith.andi %get3A_285, %and3A_295 : vector<16xi32>
      tpu.vector_store_idx %arg6[%shift_right_logical3A_293, %and3A_296], %mul3A_290 {add = true} : memref<32x1024xf32, #tpu.memory_space<vmem>>[vector<16xi32>, vector<16xi32>], vector<16xf32>,
      %mul3A_297 = arith.constant 64 : i32
      %mul3A_298 = arith.muli %scan3A_263, %mul3A_297 : i32
      %add3A_299 = arith.constant 32 : i32
      %add3A_300 = arith.addi %mul3A_298, %add3A_299 : i32
      %get3A_301 = arith.index_cast %add3A_300 : i32 to index
      %get3A_302 = tpu.vector_load %arg8[%get3A_301] {strides = array<i32>} : memref<6272xi32, #tpu.memory_space<vmem>>, vector<16xi32>,
      %get3A_303 = arith.index_cast %add3A_300 : i32 to index
      %get3A_304 = tpu.vector_load %arg11[%get3A_303] {strides = array<i32>} : memref<6272xf32, #tpu.memory_space<vmem>>, vector<16xf32>,
      %get3A_305 = arith.index_cast %add3A_300 : i32 to index
      %get3A_306 = tpu.vector_load %arg10[%get3A_305] {strides = array<i32>} : memref<6272xf32, #tpu.memory_space<vmem>>, vector<16xf32>,
      %mul3A_307 = arith.mulf %get3A_304, %get3A_306 : vector<16xf32>
      %shift_right_logical3A_308 = arith.constant 10 : i32
      %shift_right_logical3A_309 = vector.broadcast %shift_right_logical3A_308 : i32 to vector<16xi32>
      %shift_right_logical3A_310 = arith.shrui %get3A_302, %shift_right_logical3A_309 : vector<16xi32>
      %and3A_311 = arith.constant 1023 : i32
      %and3A_312 = vector.broadcast %and3A_311 : i32 to vector<16xi32>
      %and3A_313 = arith.andi %get3A_302, %and3A_312 : vector<16xi32>
      tpu.vector_store_idx %arg6[%shift_right_logical3A_310, %and3A_313], %mul3A_307 {add = true} : memref<32x1024xf32, #tpu.memory_space<vmem>>[vector<16xi32>, vector<16xi32>], vector<16xf32>,
      %mul3A_314 = arith.constant 64 : i32
      %mul3A_315 = arith.muli %scan3A_263, %mul3A_314 : i32
      %add3A_316 = arith.constant 48 : i32
      %add3A_317 = arith.addi %mul3A_315, %add3A_316 : i32
      %get3A_318 = arith.index_cast %add3A_317 : i32 to index
      %get3A_319 = tpu.vector_load %arg8[%get3A_318] {strides = array<i32>} : memref<6272xi32, #tpu.memory_space<vmem>>, vector<16xi32>,
      %get3A_320 = arith.index_cast %add3A_317 : i32 to index
      %get3A_321 = tpu.vector_load %arg11[%get3A_320] {strides = array<i32>} : memref<6272xf32, #tpu.memory_space<vmem>>, vector<16xf32>,
      %get3A_322 = arith.index_cast %add3A_317 : i32 to index
      %get3A_323 = tpu.vector_load %arg10[%get3A_322] {strides = array<i32>} : memref<6272xf32, #tpu.memory_space<vmem>>, vector<16xf32>,
      %mul3A_324 = arith.mulf %get3A_321, %get3A_323 : vector<16xf32>
      %shift_right_logical3A_325 = arith.constant 10 : i32
      %shift_right_logical3A_326 = vector.broadcast %shift_right_logical3A_325 : i32 to vector<16xi32>
      %shift_right_logical3A_327 = arith.shrui %get3A_319, %shift_right_logical3A_326 : vector<16xi32>
      %and3A_328 = arith.constant 1023 : i32
      %and3A_329 = vector.broadcast %and3A_328 : i32 to vector<16xi32>
      %and3A_330 = arith.andi %get3A_319, %and3A_329 : vector<16xi32>
      tpu.vector_store_idx %arg6[%shift_right_logical3A_327, %and3A_330], %mul3A_324 {add = true} : memref<32x1024xf32, #tpu.memory_space<vmem>>[vector<16xi32>, vector<16xi32>], vector<16xf32>,
      %scan3A_331 = arith.constant 0 : i32
      scf.yield %scan3A_331 : i32
    }
    %scan3A_260 = arith.constant 98 : i32
    %mul3A_261 = arith.constant 32 : i32
    %mul3A_262 = arith.muli %select_n3A_30, %mul3A_261 : i32
    "tpu.region"() ({
      %run_scoped3A = tpu.sem_alloc : memref<!tpu.dma_semaphore, #tpu.memory_space<semaphore_mem>>
      %dma_start3A_263 = arith.constant 0 : i32
      %dma_start3A_264 = tpu.memref_slice %arg5[%select_n3A, %mul3A_262, %dma_start3A_263] : memref<8x128x1024xf32, #tpu.memory_space<hbm>> -> memref<1x32x1024xf32, #tpu.memory_space<hbm>>
      %dma_start3A_265 = tpu.memref_squeeze %dma_start3A_264 : memref<1x32x1024xf32, #tpu.memory_space<hbm>> -> memref<32x1024xf32, #tpu.memory_space<hbm>>
      %dma_start3A_266 = arith.constant 0 : i32
      %dma_start3A_267 = tpu.memref_slice %arg5[%select_n3A, %mul3A_262, %dma_start3A_266] : memref<8x128x1024xf32, #tpu.memory_space<hbm>> -> memref<1x32x1024xf32, #tpu.memory_space<hbm>>
      %dma_start3A_268 = tpu.memref_squeeze %dma_start3A_267 : memref<1x32x1024xf32, #tpu.memory_space<hbm>> -> memref<32x1024xf32, #tpu.memory_space<hbm>>
      tpu.enqueue_dma source(%arg6 : memref<32x1024xf32, #tpu.memory_space<vmem>>) target(%dma_start3A_268 : memref<32x1024xf32, #tpu.memory_space<hbm>>) target_semaphore(%run_scoped3A : memref<!tpu.dma_semaphore, #tpu.memory_space<semaphore_mem>>)
      %dma_wait3A_269 = arith.constant 0 : i32
      %dma_wait3A_270 = tpu.memref_slice %arg5[%select_n3A, %mul3A_262, %dma_wait3A_269] : memref<8x128x1024xf32, #tpu.memory_space<hbm>> -> memref<1x32x1024xf32, #tpu.memory_space<hbm>>
      %dma_wait3A_271 = tpu.memref_squeeze %dma_wait3A_270 : memref<1x32x1024xf32, #tpu.memory_space<hbm>> -> memref<32x1024xf32, #tpu.memory_space<hbm>>
      %dma_wait3A_272 = arith.constant 0 : i32
      %dma_wait3A_273 = tpu.memref_slice %arg5[%select_n3A, %mul3A_262, %dma_wait3A_272] : memref<8x128x1024xf32, #tpu.memory_space<hbm>> -> memref<1x32x1024xf32, #tpu.memory_space<hbm>>
      %dma_wait3A_274 = tpu.memref_squeeze %dma_wait3A_273 : memref<1x32x1024xf32, #tpu.memory_space<hbm>> -> memref<32x1024xf32, #tpu.memory_space<hbm>>
      tpu.wait_dma2 semaphore(%run_scoped3A : memref<!tpu.dma_semaphore, #tpu.memory_space<semaphore_mem>>) src(%arg6 : memref<32x1024xf32, #tpu.memory_space<vmem>>) dst(%dma_wait3A_274 : memref<32x1024xf32, #tpu.memory_space<hbm>>)
      tpu.yield
    }) : () -> ()
    return
  }
}

#map = affine_map<(d0, d1) -> (0, 0)>
module attributes {stable_mosaic.version = 14 : i64} {
  func.func @_gather_body(%arg0: i32, %arg1: i32, %arg2: memref<128x1024xf32, #tpu.memory_space<hbm>>, %arg3: memref<4x50176xf32, #tpu.memory_space<hbm>>, %arg4: memref<8x50176xi32, #tpu.memory_space<hbm>>, %arg5: memref<8x50176xf32, #tpu.memory_space<hbm>>, %arg6: memref<4x50176xf32, #tpu.memory_space<hbm>>, %arg7: memref<32x1024xf32, #tpu.memory_space<vmem>>, %arg8: memref<6272xf32, #tpu.memory_space<vmem>>, %arg9: memref<6272xi32, #tpu.memory_space<vmem>>, %arg10: memref<6272xi32, #tpu.memory_space<vmem>>, %arg11: memref<6272xf32, #tpu.memory_space<vmem>>, %arg12: memref<6272xf32, #tpu.memory_space<vmem>>, %arg13: memref<6272xf32, #tpu.memory_space<vmem>>, %arg14: memref<!tpu.dma_semaphore, #tpu.memory_space<semaphore_mem>>, %arg15: memref<!tpu.dma_semaphore, #tpu.memory_space<semaphore_mem>>, %arg16: memref<!tpu.dma_semaphore, #tpu.memory_space<semaphore_mem>>) attributes {dimension_semantics = [#tpu.dimension_semantics<core_parallel>, #tpu.dimension_semantics<subcore_parallel>], iteration_bounds = array<i64: 2, 16>, scalar_prefetch = 0 : i64, scratch_operands = 10 : i64, tpu.core_type = #tpu.core_type<sc_vector_subcore>, window_params = [{transform_indices = #map}, {transform_indices = #map}, {transform_indices = #map}, {transform_indices = #map}, {transform_indices = #map}]} {
    %mul3A = arith.constant 2 : i32
    %mul3A_0 = arith.muli %arg1, %mul3A : i32
    %add3A = arith.addi %mul3A_0, %arg0 : i32
    %jit3A = arith.constant 4 : i32
    %div3A = arith.divsi %add3A, %jit3A : i32
    %sign3A = arith.constant 0 : i32
    %sign3A_1 = arith.cmpi sgt, %add3A, %sign3A : i32
    %sign3A_2 = arith.extui %sign3A_1 : i1 to i32
    %sign3A_3 = arith.constant 0 : i32
    %sign3A_4 = arith.cmpi slt, %add3A, %sign3A_3 : i32
    %sign3A_5 = arith.extui %sign3A_4 : i1 to i32
    %sign3A_6 = arith.subi %sign3A_2, %sign3A_5 : i32
    %sign3A_7 = arith.constant 0 : i32
    %sign3A_8 = arith.cmpi sgt, %jit3A, %sign3A_7 : i32
    %sign3A_9 = arith.extui %sign3A_8 : i1 to i32
    %sign3A_10 = arith.constant 0 : i32
    %sign3A_11 = arith.cmpi slt, %jit3A, %sign3A_10 : i32
    %sign3A_12 = arith.extui %sign3A_11 : i1 to i32
    %sign3A_13 = arith.subi %sign3A_9, %sign3A_12 : i32
    %ne3A = arith.cmpi ne, %sign3A_6, %sign3A_13 : i32
    %rem3A = arith.remsi %add3A, %jit3A : i32
    %ne3A_14 = arith.constant 0 : i32
    %ne3A_15 = arith.cmpi ne, %rem3A, %ne3A_14 : i32
    %and3A = arith.andi %ne3A, %ne3A_15 : i1
    %sub3A = arith.constant 1 : i32
    %sub3A_16 = arith.subi %div3A, %sub3A : i32
    %select_n3A = arith.select %and3A, %sub3A_16, %div3A : i32
    %jit3A_17 = arith.constant 4 : i32
    %eq3A = arith.constant 0 : i32
    %eq3A_18 = arith.cmpi eq, %jit3A_17, %eq3A : i32
    %jit3A_19 = arith.constant 1 : i32
    %select_n3A_20 = arith.select %eq3A_18, %jit3A_19, %jit3A_17 : i32
    %rem3A_21 = arith.remsi %add3A, %select_n3A_20 : i32
    %ne3A_22 = arith.constant 0 : i32
    %ne3A_23 = arith.cmpi ne, %rem3A_21, %ne3A_22 : i32
    %lt3A = arith.constant 0 : i32
    %lt3A_24 = arith.cmpi slt, %rem3A_21, %lt3A : i32
    %lt3A_25 = arith.constant 0 : i32
    %lt3A_26 = arith.cmpi slt, %select_n3A_20, %lt3A_25 : i32
    %ne3A_27 = arith.xori %lt3A_24, %lt3A_26 : i1
    %and3A_28 = arith.andi %ne3A_27, %ne3A_23 : i1
    %add3A_29 = arith.addi %rem3A_21, %select_n3A_20 : i32
    %select_n3A_30 = arith.select %and3A_28, %add3A_29, %rem3A_21 : i32
    %mul3A_31 = arith.constant 6272 : i32
    %mul3A_32 = arith.muli %select_n3A, %mul3A_31 : i32
    %mul3A_33 = arith.constant 32 : i32
    %mul3A_34 = arith.muli %select_n3A_30, %mul3A_33 : i32
    %dma_start3A = arith.constant 0 : i32
    %dma_start3A_35 = tpu.memref_slice %arg2[%mul3A_34, %dma_start3A] : memref<128x1024xf32, #tpu.memory_space<hbm>> -> memref<32x1024xf32, #tpu.memory_space<hbm>>
    %dma_start3A_36 = arith.constant 0 : i32
    %dma_start3A_37 = tpu.memref_slice %arg2[%mul3A_34, %dma_start3A_36] : memref<128x1024xf32, #tpu.memory_space<hbm>> -> memref<32x1024xf32, #tpu.memory_space<hbm>>
    tpu.enqueue_dma source(%dma_start3A_37 : memref<32x1024xf32, #tpu.memory_space<hbm>>) target(%arg7 : memref<32x1024xf32, #tpu.memory_space<vmem>>) target_semaphore(%arg16 : memref<!tpu.dma_semaphore, #tpu.memory_space<semaphore_mem>>)
    %dma_start3A_38 = tpu.memref_slice %arg3[%select_n3A_30, %mul3A_32] : memref<4x50176xf32, #tpu.memory_space<hbm>> -> memref<1x6272xf32, #tpu.memory_space<hbm>>
    %dma_start3A_39 = tpu.memref_squeeze %dma_start3A_38 : memref<1x6272xf32, #tpu.memory_space<hbm>> -> memref<6272xf32, #tpu.memory_space<hbm>>
    %dma_start3A_40 = tpu.memref_slice %arg3[%select_n3A_30, %mul3A_32] : memref<4x50176xf32, #tpu.memory_space<hbm>> -> memref<1x6272xf32, #tpu.memory_space<hbm>>
    %dma_start3A_41 = tpu.memref_squeeze %dma_start3A_40 : memref<1x6272xf32, #tpu.memory_space<hbm>> -> memref<6272xf32, #tpu.memory_space<hbm>>
    tpu.enqueue_dma source(%dma_start3A_41 : memref<6272xf32, #tpu.memory_space<hbm>>) target(%arg13 : memref<6272xf32, #tpu.memory_space<vmem>>) target_semaphore(%arg16 : memref<!tpu.dma_semaphore, #tpu.memory_space<semaphore_mem>>)
    %dma_start3A_42 = arith.constant 0 : i32
    %dma_start3A_43 = tpu.memref_slice %arg4[%dma_start3A_42, %mul3A_32] : memref<8x50176xi32, #tpu.memory_space<hbm>> -> memref<1x6272xi32, #tpu.memory_space<hbm>>
    %dma_start3A_44 = tpu.memref_squeeze %dma_start3A_43 : memref<1x6272xi32, #tpu.memory_space<hbm>> -> memref<6272xi32, #tpu.memory_space<hbm>>
    %dma_start3A_45 = tpu.memref_slice %arg4[%dma_start3A_42, %mul3A_32] : memref<8x50176xi32, #tpu.memory_space<hbm>> -> memref<1x6272xi32, #tpu.memory_space<hbm>>
    %dma_start3A_46 = tpu.memref_squeeze %dma_start3A_45 : memref<1x6272xi32, #tpu.memory_space<hbm>> -> memref<6272xi32, #tpu.memory_space<hbm>>
    tpu.enqueue_dma source(%dma_start3A_46 : memref<6272xi32, #tpu.memory_space<hbm>>) target(%arg9 : memref<6272xi32, #tpu.memory_space<vmem>>) target_semaphore(%arg14 : memref<!tpu.dma_semaphore, #tpu.memory_space<semaphore_mem>>)
    %dma_start3A_47 = arith.constant 0 : i32
    %dma_start3A_48 = tpu.memref_slice %arg5[%dma_start3A_47, %mul3A_32] : memref<8x50176xf32, #tpu.memory_space<hbm>> -> memref<1x6272xf32, #tpu.memory_space<hbm>>
    %dma_start3A_49 = tpu.memref_squeeze %dma_start3A_48 : memref<1x6272xf32, #tpu.memory_space<hbm>> -> memref<6272xf32, #tpu.memory_space<hbm>>
    %dma_start3A_50 = tpu.memref_slice %arg5[%dma_start3A_47, %mul3A_32] : memref<8x50176xf32, #tpu.memory_space<hbm>> -> memref<1x6272xf32, #tpu.memory_space<hbm>>
    %dma_start3A_51 = tpu.memref_squeeze %dma_start3A_50 : memref<1x6272xf32, #tpu.memory_space<hbm>> -> memref<6272xf32, #tpu.memory_space<hbm>>
    tpu.enqueue_dma source(%dma_start3A_51 : memref<6272xf32, #tpu.memory_space<hbm>>) target(%arg11 : memref<6272xf32, #tpu.memory_space<vmem>>) target_semaphore(%arg14 : memref<!tpu.dma_semaphore, #tpu.memory_space<semaphore_mem>>)
    %scan3A = arith.constant 0 : i32
    %scan3A_52 = arith.constant 0 : i32
    %scan3A_53 = arith.constant 98 : i32
    %scan3A_54 = arith.addi %scan3A_52, %scan3A_53 : i32
    %scan3A_55 = arith.constant 1 : i32
    %scan3A_56 = scf.for %scan3A_278 = %scan3A_52 to %scan3A_54 step %scan3A_55 iter_args(%scan3A_279 = %scan3A) -> (i32)  : i32 {
      %broadcast_in_dim3A = arith.constant 0.000000e+00 : f32
      %broadcast_in_dim3A_280 = vector.broadcast %broadcast_in_dim3A : f32 to vector<16xf32>
      %mul3A_281 = arith.constant 64 : i32
      %mul3A_282 = arith.muli %scan3A_278, %mul3A_281 : i32
      %add3A_283 = arith.constant 0 : i32
      %add3A_284 = arith.addi %mul3A_282, %add3A_283 : i32
      %swap3A = arith.index_cast %add3A_284 : i32 to index
      %swap3A_285 = tpu.vector_load %arg8[%swap3A] {strides = array<i32>} : memref<6272xf32, #tpu.memory_space<vmem>>, vector<16xf32>,
      tpu.vector_store %arg8[%swap3A], %broadcast_in_dim3A_280 {strides = array<i32>} : memref<6272xf32, #tpu.memory_space<vmem>>, vector<16xf32>,
      %broadcast_in_dim3A_286 = arith.constant 0.000000e+00 : f32
      %broadcast_in_dim3A_287 = vector.broadcast %broadcast_in_dim3A_286 : f32 to vector<16xf32>
      %mul3A_288 = arith.constant 64 : i32
      %mul3A_289 = arith.muli %scan3A_278, %mul3A_288 : i32
      %add3A_290 = arith.constant 16 : i32
      %add3A_291 = arith.addi %mul3A_289, %add3A_290 : i32
      %swap3A_292 = arith.index_cast %add3A_291 : i32 to index
      %swap3A_293 = tpu.vector_load %arg8[%swap3A_292] {strides = array<i32>} : memref<6272xf32, #tpu.memory_space<vmem>>, vector<16xf32>,
      tpu.vector_store %arg8[%swap3A_292], %broadcast_in_dim3A_287 {strides = array<i32>} : memref<6272xf32, #tpu.memory_space<vmem>>, vector<16xf32>,
      %broadcast_in_dim3A_294 = arith.constant 0.000000e+00 : f32
      %broadcast_in_dim3A_295 = vector.broadcast %broadcast_in_dim3A_294 : f32 to vector<16xf32>
      %mul3A_296 = arith.constant 64 : i32
      %mul3A_297 = arith.muli %scan3A_278, %mul3A_296 : i32
      %add3A_298 = arith.constant 32 : i32
      %add3A_299 = arith.addi %mul3A_297, %add3A_298 : i32
      %swap3A_300 = arith.index_cast %add3A_299 : i32 to index
      %swap3A_301 = tpu.vector_load %arg8[%swap3A_300] {strides = array<i32>} : memref<6272xf32, #tpu.memory_space<vmem>>, vector<16xf32>,
      tpu.vector_store %arg8[%swap3A_300], %broadcast_in_dim3A_295 {strides = array<i32>} : memref<6272xf32, #tpu.memory_space<vmem>>, vector<16xf32>,
      %broadcast_in_dim3A_302 = arith.constant 0.000000e+00 : f32
      %broadcast_in_dim3A_303 = vector.broadcast %broadcast_in_dim3A_302 : f32 to vector<16xf32>
      %mul3A_304 = arith.constant 64 : i32
      %mul3A_305 = arith.muli %scan3A_278, %mul3A_304 : i32
      %add3A_306 = arith.constant 48 : i32
      %add3A_307 = arith.addi %mul3A_305, %add3A_306 : i32
      %swap3A_308 = arith.index_cast %add3A_307 : i32 to index
      %swap3A_309 = tpu.vector_load %arg8[%swap3A_308] {strides = array<i32>} : memref<6272xf32, #tpu.memory_space<vmem>>, vector<16xf32>,
      tpu.vector_store %arg8[%swap3A_308], %broadcast_in_dim3A_303 {strides = array<i32>} : memref<6272xf32, #tpu.memory_space<vmem>>, vector<16xf32>,
      %scan3A_310 = arith.constant 0 : i32
      scf.yield %scan3A_310 : i32
    }
    %scan3A_57 = arith.constant 98 : i32
    %dma_wait3A = arith.constant 0 : i32
    %dma_wait3A_58 = tpu.memref_slice %arg2[%mul3A_34, %dma_wait3A] : memref<128x1024xf32, #tpu.memory_space<hbm>> -> memref<32x1024xf32, #tpu.memory_space<hbm>>
    %dma_wait3A_59 = arith.constant 0 : i32
    %dma_wait3A_60 = tpu.memref_slice %arg2[%mul3A_34, %dma_wait3A_59] : memref<128x1024xf32, #tpu.memory_space<hbm>> -> memref<32x1024xf32, #tpu.memory_space<hbm>>
    tpu.wait_dma2 semaphore(%arg16 : memref<!tpu.dma_semaphore, #tpu.memory_space<semaphore_mem>>) src(%dma_wait3A_60 : memref<32x1024xf32, #tpu.memory_space<hbm>>) dst(%arg7 : memref<32x1024xf32, #tpu.memory_space<vmem>>)
    %dma_wait3A_61 = tpu.memref_slice %arg3[%select_n3A_30, %mul3A_32] : memref<4x50176xf32, #tpu.memory_space<hbm>> -> memref<1x6272xf32, #tpu.memory_space<hbm>>
    %dma_wait3A_62 = tpu.memref_squeeze %dma_wait3A_61 : memref<1x6272xf32, #tpu.memory_space<hbm>> -> memref<6272xf32, #tpu.memory_space<hbm>>
    %dma_wait3A_63 = tpu.memref_slice %arg3[%select_n3A_30, %mul3A_32] : memref<4x50176xf32, #tpu.memory_space<hbm>> -> memref<1x6272xf32, #tpu.memory_space<hbm>>
    %dma_wait3A_64 = tpu.memref_squeeze %dma_wait3A_63 : memref<1x6272xf32, #tpu.memory_space<hbm>> -> memref<6272xf32, #tpu.memory_space<hbm>>
    tpu.wait_dma2 semaphore(%arg16 : memref<!tpu.dma_semaphore, #tpu.memory_space<semaphore_mem>>) src(%dma_wait3A_64 : memref<6272xf32, #tpu.memory_space<hbm>>) dst(%arg13 : memref<6272xf32, #tpu.memory_space<vmem>>)
    %dma_start3A_65 = arith.constant 1 : i32
    %dma_start3A_66 = tpu.memref_slice %arg4[%dma_start3A_65, %mul3A_32] : memref<8x50176xi32, #tpu.memory_space<hbm>> -> memref<1x6272xi32, #tpu.memory_space<hbm>>
    %dma_start3A_67 = tpu.memref_squeeze %dma_start3A_66 : memref<1x6272xi32, #tpu.memory_space<hbm>> -> memref<6272xi32, #tpu.memory_space<hbm>>
    %dma_start3A_68 = tpu.memref_slice %arg4[%dma_start3A_65, %mul3A_32] : memref<8x50176xi32, #tpu.memory_space<hbm>> -> memref<1x6272xi32, #tpu.memory_space<hbm>>
    %dma_start3A_69 = tpu.memref_squeeze %dma_start3A_68 : memref<1x6272xi32, #tpu.memory_space<hbm>> -> memref<6272xi32, #tpu.memory_space<hbm>>
    tpu.enqueue_dma source(%dma_start3A_69 : memref<6272xi32, #tpu.memory_space<hbm>>) target(%arg10 : memref<6272xi32, #tpu.memory_space<vmem>>) target_semaphore(%arg15 : memref<!tpu.dma_semaphore, #tpu.memory_space<semaphore_mem>>)
    %dma_start3A_70 = arith.constant 1 : i32
    %dma_start3A_71 = tpu.memref_slice %arg5[%dma_start3A_70, %mul3A_32] : memref<8x50176xf32, #tpu.memory_space<hbm>> -> memref<1x6272xf32, #tpu.memory_space<hbm>>
    %dma_start3A_72 = tpu.memref_squeeze %dma_start3A_71 : memref<1x6272xf32, #tpu.memory_space<hbm>> -> memref<6272xf32, #tpu.memory_space<hbm>>
    %dma_start3A_73 = tpu.memref_slice %arg5[%dma_start3A_70, %mul3A_32] : memref<8x50176xf32, #tpu.memory_space<hbm>> -> memref<1x6272xf32, #tpu.memory_space<hbm>>
    %dma_start3A_74 = tpu.memref_squeeze %dma_start3A_73 : memref<1x6272xf32, #tpu.memory_space<hbm>> -> memref<6272xf32, #tpu.memory_space<hbm>>
    tpu.enqueue_dma source(%dma_start3A_74 : memref<6272xf32, #tpu.memory_space<hbm>>) target(%arg12 : memref<6272xf32, #tpu.memory_space<vmem>>) target_semaphore(%arg15 : memref<!tpu.dma_semaphore, #tpu.memory_space<semaphore_mem>>)
    %dma_wait3A_75 = arith.constant 0 : i32
    %dma_wait3A_76 = tpu.memref_slice %arg4[%dma_wait3A_75, %mul3A_32] : memref<8x50176xi32, #tpu.memory_space<hbm>> -> memref<1x6272xi32, #tpu.memory_space<hbm>>
    %dma_wait3A_77 = tpu.memref_squeeze %dma_wait3A_76 : memref<1x6272xi32, #tpu.memory_space<hbm>> -> memref<6272xi32, #tpu.memory_space<hbm>>
    %dma_wait3A_78 = tpu.memref_slice %arg4[%dma_wait3A_75, %mul3A_32] : memref<8x50176xi32, #tpu.memory_space<hbm>> -> memref<1x6272xi32, #tpu.memory_space<hbm>>
    %dma_wait3A_79 = tpu.memref_squeeze %dma_wait3A_78 : memref<1x6272xi32, #tpu.memory_space<hbm>> -> memref<6272xi32, #tpu.memory_space<hbm>>
    tpu.wait_dma2 semaphore(%arg14 : memref<!tpu.dma_semaphore, #tpu.memory_space<semaphore_mem>>) src(%dma_wait3A_79 : memref<6272xi32, #tpu.memory_space<hbm>>) dst(%arg9 : memref<6272xi32, #tpu.memory_space<vmem>>)
    %dma_wait3A_80 = arith.constant 0 : i32
    %dma_wait3A_81 = tpu.memref_slice %arg5[%dma_wait3A_80, %mul3A_32] : memref<8x50176xf32, #tpu.memory_space<hbm>> -> memref<1x6272xf32, #tpu.memory_space<hbm>>
    %dma_wait3A_82 = tpu.memref_squeeze %dma_wait3A_81 : memref<1x6272xf32, #tpu.memory_space<hbm>> -> memref<6272xf32, #tpu.memory_space<hbm>>
    %dma_wait3A_83 = tpu.memref_slice %arg5[%dma_wait3A_80, %mul3A_32] : memref<8x50176xf32, #tpu.memory_space<hbm>> -> memref<1x6272xf32, #tpu.memory_space<hbm>>
    %dma_wait3A_84 = tpu.memref_squeeze %dma_wait3A_83 : memref<1x6272xf32, #tpu.memory_space<hbm>> -> memref<6272xf32, #tpu.memory_space<hbm>>
    tpu.wait_dma2 semaphore(%arg14 : memref<!tpu.dma_semaphore, #tpu.memory_space<semaphore_mem>>) src(%dma_wait3A_84 : memref<6272xf32, #tpu.memory_space<hbm>>) dst(%arg11 : memref<6272xf32, #tpu.memory_space<vmem>>)
    %scan3A_85 = arith.constant 0 : i32
    %scan3A_86 = arith.constant 0 : i32
    %scan3A_87 = arith.constant 98 : i32
    %scan3A_88 = arith.addi %scan3A_86, %scan3A_87 : i32
    %scan3A_89 = arith.constant 1 : i32
    %scan3A_90 = scf.for %scan3A_278 = %scan3A_86 to %scan3A_88 step %scan3A_89 iter_args(%scan3A_279 = %scan3A_85) -> (i32)  : i32 {
      %mul3A_280 = arith.constant 64 : i32
      %mul3A_281 = arith.muli %scan3A_278, %mul3A_280 : i32
      %add3A_282 = arith.constant 0 : i32
      %add3A_283 = arith.addi %mul3A_281, %add3A_282 : i32
      %get3A = arith.index_cast %add3A_283 : i32 to index
      %get3A_284 = tpu.vector_load %arg9[%get3A] {strides = array<i32>} : memref<6272xi32, #tpu.memory_space<vmem>>, vector<16xi32>,
      %shift_right_logical3A = arith.constant 10 : i32
      %shift_right_logical3A_285 = vector.broadcast %shift_right_logical3A : i32 to vector<16xi32>
      %shift_right_logical3A_286 = arith.shrui %get3A_284, %shift_right_logical3A_285 : vector<16xi32>
      %and3A_287 = arith.constant 1023 : i32
      %and3A_288 = vector.broadcast %and3A_287 : i32 to vector<16xi32>
      %and3A_289 = arith.andi %get3A_284, %and3A_288 : vector<16xi32>
      %gather3A = tpu.vector_load_idx %arg7[%shift_right_logical3A_286, %and3A_289] : memref<32x1024xf32, #tpu.memory_space<vmem>>[vector<16xi32>, vector<16xi32>], vector<16xf32>,
      %get3A_290 = arith.index_cast %add3A_283 : i32 to index
      %get3A_291 = tpu.vector_load %arg8[%get3A_290] {strides = array<i32>} : memref<6272xf32, #tpu.memory_space<vmem>>, vector<16xf32>,
      %get3A_292 = arith.index_cast %add3A_283 : i32 to index
      %get3A_293 = tpu.vector_load %arg11[%get3A_292] {strides = array<i32>} : memref<6272xf32, #tpu.memory_space<vmem>>, vector<16xf32>,
      %mul3A_294 = arith.mulf %gather3A, %get3A_293 : vector<16xf32>
      %add3A_295 = arith.addf %get3A_291, %mul3A_294 : vector<16xf32>
      %swap3A = arith.index_cast %add3A_283 : i32 to index
      %swap3A_296 = tpu.vector_load %arg8[%swap3A] {strides = array<i32>} : memref<6272xf32, #tpu.memory_space<vmem>>, vector<16xf32>,
      tpu.vector_store %arg8[%swap3A], %add3A_295 {strides = array<i32>} : memref<6272xf32, #tpu.memory_space<vmem>>, vector<16xf32>,
      %mul3A_297 = arith.constant 64 : i32
      %mul3A_298 = arith.muli %scan3A_278, %mul3A_297 : i32
      %add3A_299 = arith.constant 16 : i32
      %add3A_300 = arith.addi %mul3A_298, %add3A_299 : i32
      %get3A_301 = arith.index_cast %add3A_300 : i32 to index
      %get3A_302 = tpu.vector_load %arg9[%get3A_301] {strides = array<i32>} : memref<6272xi32, #tpu.memory_space<vmem>>, vector<16xi32>,
      %shift_right_logical3A_303 = arith.constant 10 : i32
      %shift_right_logical3A_304 = vector.broadcast %shift_right_logical3A_303 : i32 to vector<16xi32>
      %shift_right_logical3A_305 = arith.shrui %get3A_302, %shift_right_logical3A_304 : vector<16xi32>
      %and3A_306 = arith.constant 1023 : i32
      %and3A_307 = vector.broadcast %and3A_306 : i32 to vector<16xi32>
      %and3A_308 = arith.andi %get3A_302, %and3A_307 : vector<16xi32>
      %gather3A_309 = tpu.vector_load_idx %arg7[%shift_right_logical3A_305, %and3A_308] : memref<32x1024xf32, #tpu.memory_space<vmem>>[vector<16xi32>, vector<16xi32>], vector<16xf32>,
      %get3A_310 = arith.index_cast %add3A_300 : i32 to index
      %get3A_311 = tpu.vector_load %arg8[%get3A_310] {strides = array<i32>} : memref<6272xf32, #tpu.memory_space<vmem>>, vector<16xf32>,
      %get3A_312 = arith.index_cast %add3A_300 : i32 to index
      %get3A_313 = tpu.vector_load %arg11[%get3A_312] {strides = array<i32>} : memref<6272xf32, #tpu.memory_space<vmem>>, vector<16xf32>,
      %mul3A_314 = arith.mulf %gather3A_309, %get3A_313 : vector<16xf32>
      %add3A_315 = arith.addf %get3A_311, %mul3A_314 : vector<16xf32>
      %swap3A_316 = arith.index_cast %add3A_300 : i32 to index
      %swap3A_317 = tpu.vector_load %arg8[%swap3A_316] {strides = array<i32>} : memref<6272xf32, #tpu.memory_space<vmem>>, vector<16xf32>,
      tpu.vector_store %arg8[%swap3A_316], %add3A_315 {strides = array<i32>} : memref<6272xf32, #tpu.memory_space<vmem>>, vector<16xf32>,
      %mul3A_318 = arith.constant 64 : i32
      %mul3A_319 = arith.muli %scan3A_278, %mul3A_318 : i32
      %add3A_320 = arith.constant 32 : i32
      %add3A_321 = arith.addi %mul3A_319, %add3A_320 : i32
      %get3A_322 = arith.index_cast %add3A_321 : i32 to index
      %get3A_323 = tpu.vector_load %arg9[%get3A_322] {strides = array<i32>} : memref<6272xi32, #tpu.memory_space<vmem>>, vector<16xi32>,
      %shift_right_logical3A_324 = arith.constant 10 : i32
      %shift_right_logical3A_325 = vector.broadcast %shift_right_logical3A_324 : i32 to vector<16xi32>
      %shift_right_logical3A_326 = arith.shrui %get3A_323, %shift_right_logical3A_325 : vector<16xi32>
      %and3A_327 = arith.constant 1023 : i32
      %and3A_328 = vector.broadcast %and3A_327 : i32 to vector<16xi32>
      %and3A_329 = arith.andi %get3A_323, %and3A_328 : vector<16xi32>
      %gather3A_330 = tpu.vector_load_idx %arg7[%shift_right_logical3A_326, %and3A_329] : memref<32x1024xf32, #tpu.memory_space<vmem>>[vector<16xi32>, vector<16xi32>], vector<16xf32>,
      %get3A_331 = arith.index_cast %add3A_321 : i32 to index
      %get3A_332 = tpu.vector_load %arg8[%get3A_331] {strides = array<i32>} : memref<6272xf32, #tpu.memory_space<vmem>>, vector<16xf32>,
      %get3A_333 = arith.index_cast %add3A_321 : i32 to index
      %get3A_334 = tpu.vector_load %arg11[%get3A_333] {strides = array<i32>} : memref<6272xf32, #tpu.memory_space<vmem>>, vector<16xf32>,
      %mul3A_335 = arith.mulf %gather3A_330, %get3A_334 : vector<16xf32>
      %add3A_336 = arith.addf %get3A_332, %mul3A_335 : vector<16xf32>
      %swap3A_337 = arith.index_cast %add3A_321 : i32 to index
      %swap3A_338 = tpu.vector_load %arg8[%swap3A_337] {strides = array<i32>} : memref<6272xf32, #tpu.memory_space<vmem>>, vector<16xf32>,
      tpu.vector_store %arg8[%swap3A_337], %add3A_336 {strides = array<i32>} : memref<6272xf32, #tpu.memory_space<vmem>>, vector<16xf32>,
      %mul3A_339 = arith.constant 64 : i32
      %mul3A_340 = arith.muli %scan3A_278, %mul3A_339 : i32
      %add3A_341 = arith.constant 48 : i32
      %add3A_342 = arith.addi %mul3A_340, %add3A_341 : i32
      %get3A_343 = arith.index_cast %add3A_342 : i32 to index
      %get3A_344 = tpu.vector_load %arg9[%get3A_343] {strides = array<i32>} : memref<6272xi32, #tpu.memory_space<vmem>>, vector<16xi32>,
      %shift_right_logical3A_345 = arith.constant 10 : i32
      %shift_right_logical3A_346 = vector.broadcast %shift_right_logical3A_345 : i32 to vector<16xi32>
      %shift_right_logical3A_347 = arith.shrui %get3A_344, %shift_right_logical3A_346 : vector<16xi32>
      %and3A_348 = arith.constant 1023 : i32
      %and3A_349 = vector.broadcast %and3A_348 : i32 to vector<16xi32>
      %and3A_350 = arith.andi %get3A_344, %and3A_349 : vector<16xi32>
      %gather3A_351 = tpu.vector_load_idx %arg7[%shift_right_logical3A_347, %and3A_350] : memref<32x1024xf32, #tpu.memory_space<vmem>>[vector<16xi32>, vector<16xi32>], vector<16xf32>,
      %get3A_352 = arith.index_cast %add3A_342 : i32 to index
      %get3A_353 = tpu.vector_load %arg8[%get3A_352] {strides = array<i32>} : memref<6272xf32, #tpu.memory_space<vmem>>, vector<16xf32>,
      %get3A_354 = arith.index_cast %add3A_342 : i32 to index
      %get3A_355 = tpu.vector_load %arg11[%get3A_354] {strides = array<i32>} : memref<6272xf32, #tpu.memory_space<vmem>>, vector<16xf32>,
      %mul3A_356 = arith.mulf %gather3A_351, %get3A_355 : vector<16xf32>
      %add3A_357 = arith.addf %get3A_353, %mul3A_356 : vector<16xf32>
      %swap3A_358 = arith.index_cast %add3A_342 : i32 to index
      %swap3A_359 = tpu.vector_load %arg8[%swap3A_358] {strides = array<i32>} : memref<6272xf32, #tpu.memory_space<vmem>>, vector<16xf32>,
      tpu.vector_store %arg8[%swap3A_358], %add3A_357 {strides = array<i32>} : memref<6272xf32, #tpu.memory_space<vmem>>, vector<16xf32>,
      %scan3A_360 = arith.constant 0 : i32
      scf.yield %scan3A_360 : i32
    }
    %scan3A_91 = arith.constant 98 : i32
    %dma_start3A_92 = arith.constant 2 : i32
    %dma_start3A_93 = tpu.memref_slice %arg4[%dma_start3A_92, %mul3A_32] : memref<8x50176xi32, #tpu.memory_space<hbm>> -> memref<1x6272xi32, #tpu.memory_space<hbm>>
    %dma_start3A_94 = tpu.memref_squeeze %dma_start3A_93 : memref<1x6272xi32, #tpu.memory_space<hbm>> -> memref<6272xi32, #tpu.memory_space<hbm>>
    %dma_start3A_95 = tpu.memref_slice %arg4[%dma_start3A_92, %mul3A_32] : memref<8x50176xi32, #tpu.memory_space<hbm>> -> memref<1x6272xi32, #tpu.memory_space<hbm>>
    %dma_start3A_96 = tpu.memref_squeeze %dma_start3A_95 : memref<1x6272xi32, #tpu.memory_space<hbm>> -> memref<6272xi32, #tpu.memory_space<hbm>>
    tpu.enqueue_dma source(%dma_start3A_96 : memref<6272xi32, #tpu.memory_space<hbm>>) target(%arg9 : memref<6272xi32, #tpu.memory_space<vmem>>) target_semaphore(%arg14 : memref<!tpu.dma_semaphore, #tpu.memory_space<semaphore_mem>>)
    %dma_start3A_97 = arith.constant 2 : i32
    %dma_start3A_98 = tpu.memref_slice %arg5[%dma_start3A_97, %mul3A_32] : memref<8x50176xf32, #tpu.memory_space<hbm>> -> memref<1x6272xf32, #tpu.memory_space<hbm>>
    %dma_start3A_99 = tpu.memref_squeeze %dma_start3A_98 : memref<1x6272xf32, #tpu.memory_space<hbm>> -> memref<6272xf32, #tpu.memory_space<hbm>>
    %dma_start3A_100 = tpu.memref_slice %arg5[%dma_start3A_97, %mul3A_32] : memref<8x50176xf32, #tpu.memory_space<hbm>> -> memref<1x6272xf32, #tpu.memory_space<hbm>>
    %dma_start3A_101 = tpu.memref_squeeze %dma_start3A_100 : memref<1x6272xf32, #tpu.memory_space<hbm>> -> memref<6272xf32, #tpu.memory_space<hbm>>
    tpu.enqueue_dma source(%dma_start3A_101 : memref<6272xf32, #tpu.memory_space<hbm>>) target(%arg11 : memref<6272xf32, #tpu.memory_space<vmem>>) target_semaphore(%arg14 : memref<!tpu.dma_semaphore, #tpu.memory_space<semaphore_mem>>)
    %dma_wait3A_102 = arith.constant 1 : i32
    %dma_wait3A_103 = tpu.memref_slice %arg4[%dma_wait3A_102, %mul3A_32] : memref<8x50176xi32, #tpu.memory_space<hbm>> -> memref<1x6272xi32, #tpu.memory_space<hbm>>
    %dma_wait3A_104 = tpu.memref_squeeze %dma_wait3A_103 : memref<1x6272xi32, #tpu.memory_space<hbm>> -> memref<6272xi32, #tpu.memory_space<hbm>>
    %dma_wait3A_105 = tpu.memref_slice %arg4[%dma_wait3A_102, %mul3A_32] : memref<8x50176xi32, #tpu.memory_space<hbm>> -> memref<1x6272xi32, #tpu.memory_space<hbm>>
    %dma_wait3A_106 = tpu.memref_squeeze %dma_wait3A_105 : memref<1x6272xi32, #tpu.memory_space<hbm>> -> memref<6272xi32, #tpu.memory_space<hbm>>
    tpu.wait_dma2 semaphore(%arg15 : memref<!tpu.dma_semaphore, #tpu.memory_space<semaphore_mem>>) src(%dma_wait3A_106 : memref<6272xi32, #tpu.memory_space<hbm>>) dst(%arg10 : memref<6272xi32, #tpu.memory_space<vmem>>)
    %dma_wait3A_107 = arith.constant 1 : i32
    %dma_wait3A_108 = tpu.memref_slice %arg5[%dma_wait3A_107, %mul3A_32] : memref<8x50176xf32, #tpu.memory_space<hbm>> -> memref<1x6272xf32, #tpu.memory_space<hbm>>
    %dma_wait3A_109 = tpu.memref_squeeze %dma_wait3A_108 : memref<1x6272xf32, #tpu.memory_space<hbm>> -> memref<6272xf32, #tpu.memory_space<hbm>>
    %dma_wait3A_110 = tpu.memref_slice %arg5[%dma_wait3A_107, %mul3A_32] : memref<8x50176xf32, #tpu.memory_space<hbm>> -> memref<1x6272xf32, #tpu.memory_space<hbm>>
    %dma_wait3A_111 = tpu.memref_squeeze %dma_wait3A_110 : memref<1x6272xf32, #tpu.memory_space<hbm>> -> memref<6272xf32, #tpu.memory_space<hbm>>
    tpu.wait_dma2 semaphore(%arg15 : memref<!tpu.dma_semaphore, #tpu.memory_space<semaphore_mem>>) src(%dma_wait3A_111 : memref<6272xf32, #tpu.memory_space<hbm>>) dst(%arg12 : memref<6272xf32, #tpu.memory_space<vmem>>)
    %scan3A_112 = arith.constant 0 : i32
    %scan3A_113 = arith.constant 0 : i32
    %scan3A_114 = arith.constant 98 : i32
    %scan3A_115 = arith.addi %scan3A_113, %scan3A_114 : i32
    %scan3A_116 = arith.constant 1 : i32
    %scan3A_117 = scf.for %scan3A_278 = %scan3A_113 to %scan3A_115 step %scan3A_116 iter_args(%scan3A_279 = %scan3A_112) -> (i32)  : i32 {
      %mul3A_280 = arith.constant 64 : i32
      %mul3A_281 = arith.muli %scan3A_278, %mul3A_280 : i32
      %add3A_282 = arith.constant 0 : i32
      %add3A_283 = arith.addi %mul3A_281, %add3A_282 : i32
      %get3A = arith.index_cast %add3A_283 : i32 to index
      %get3A_284 = tpu.vector_load %arg10[%get3A] {strides = array<i32>} : memref<6272xi32, #tpu.memory_space<vmem>>, vector<16xi32>,
      %shift_right_logical3A = arith.constant 10 : i32
      %shift_right_logical3A_285 = vector.broadcast %shift_right_logical3A : i32 to vector<16xi32>
      %shift_right_logical3A_286 = arith.shrui %get3A_284, %shift_right_logical3A_285 : vector<16xi32>
      %and3A_287 = arith.constant 1023 : i32
      %and3A_288 = vector.broadcast %and3A_287 : i32 to vector<16xi32>
      %and3A_289 = arith.andi %get3A_284, %and3A_288 : vector<16xi32>
      %gather3A = tpu.vector_load_idx %arg7[%shift_right_logical3A_286, %and3A_289] : memref<32x1024xf32, #tpu.memory_space<vmem>>[vector<16xi32>, vector<16xi32>], vector<16xf32>,
      %get3A_290 = arith.index_cast %add3A_283 : i32 to index
      %get3A_291 = tpu.vector_load %arg8[%get3A_290] {strides = array<i32>} : memref<6272xf32, #tpu.memory_space<vmem>>, vector<16xf32>,
      %get3A_292 = arith.index_cast %add3A_283 : i32 to index
      %get3A_293 = tpu.vector_load %arg12[%get3A_292] {strides = array<i32>} : memref<6272xf32, #tpu.memory_space<vmem>>, vector<16xf32>,
      %mul3A_294 = arith.mulf %gather3A, %get3A_293 : vector<16xf32>
      %add3A_295 = arith.addf %get3A_291, %mul3A_294 : vector<16xf32>
      %swap3A = arith.index_cast %add3A_283 : i32 to index
      %swap3A_296 = tpu.vector_load %arg8[%swap3A] {strides = array<i32>} : memref<6272xf32, #tpu.memory_space<vmem>>, vector<16xf32>,
      tpu.vector_store %arg8[%swap3A], %add3A_295 {strides = array<i32>} : memref<6272xf32, #tpu.memory_space<vmem>>, vector<16xf32>,
      %mul3A_297 = arith.constant 64 : i32
      %mul3A_298 = arith.muli %scan3A_278, %mul3A_297 : i32
      %add3A_299 = arith.constant 16 : i32
      %add3A_300 = arith.addi %mul3A_298, %add3A_299 : i32
      %get3A_301 = arith.index_cast %add3A_300 : i32 to index
      %get3A_302 = tpu.vector_load %arg10[%get3A_301] {strides = array<i32>} : memref<6272xi32, #tpu.memory_space<vmem>>, vector<16xi32>,
      %shift_right_logical3A_303 = arith.constant 10 : i32
      %shift_right_logical3A_304 = vector.broadcast %shift_right_logical3A_303 : i32 to vector<16xi32>
      %shift_right_logical3A_305 = arith.shrui %get3A_302, %shift_right_logical3A_304 : vector<16xi32>
      %and3A_306 = arith.constant 1023 : i32
      %and3A_307 = vector.broadcast %and3A_306 : i32 to vector<16xi32>
      %and3A_308 = arith.andi %get3A_302, %and3A_307 : vector<16xi32>
      %gather3A_309 = tpu.vector_load_idx %arg7[%shift_right_logical3A_305, %and3A_308] : memref<32x1024xf32, #tpu.memory_space<vmem>>[vector<16xi32>, vector<16xi32>], vector<16xf32>,
      %get3A_310 = arith.index_cast %add3A_300 : i32 to index
      %get3A_311 = tpu.vector_load %arg8[%get3A_310] {strides = array<i32>} : memref<6272xf32, #tpu.memory_space<vmem>>, vector<16xf32>,
      %get3A_312 = arith.index_cast %add3A_300 : i32 to index
      %get3A_313 = tpu.vector_load %arg12[%get3A_312] {strides = array<i32>} : memref<6272xf32, #tpu.memory_space<vmem>>, vector<16xf32>,
      %mul3A_314 = arith.mulf %gather3A_309, %get3A_313 : vector<16xf32>
      %add3A_315 = arith.addf %get3A_311, %mul3A_314 : vector<16xf32>
      %swap3A_316 = arith.index_cast %add3A_300 : i32 to index
      %swap3A_317 = tpu.vector_load %arg8[%swap3A_316] {strides = array<i32>} : memref<6272xf32, #tpu.memory_space<vmem>>, vector<16xf32>,
      tpu.vector_store %arg8[%swap3A_316], %add3A_315 {strides = array<i32>} : memref<6272xf32, #tpu.memory_space<vmem>>, vector<16xf32>,
      %mul3A_318 = arith.constant 64 : i32
      %mul3A_319 = arith.muli %scan3A_278, %mul3A_318 : i32
      %add3A_320 = arith.constant 32 : i32
      %add3A_321 = arith.addi %mul3A_319, %add3A_320 : i32
      %get3A_322 = arith.index_cast %add3A_321 : i32 to index
      %get3A_323 = tpu.vector_load %arg10[%get3A_322] {strides = array<i32>} : memref<6272xi32, #tpu.memory_space<vmem>>, vector<16xi32>,
      %shift_right_logical3A_324 = arith.constant 10 : i32
      %shift_right_logical3A_325 = vector.broadcast %shift_right_logical3A_324 : i32 to vector<16xi32>
      %shift_right_logical3A_326 = arith.shrui %get3A_323, %shift_right_logical3A_325 : vector<16xi32>
      %and3A_327 = arith.constant 1023 : i32
      %and3A_328 = vector.broadcast %and3A_327 : i32 to vector<16xi32>
      %and3A_329 = arith.andi %get3A_323, %and3A_328 : vector<16xi32>
      %gather3A_330 = tpu.vector_load_idx %arg7[%shift_right_logical3A_326, %and3A_329] : memref<32x1024xf32, #tpu.memory_space<vmem>>[vector<16xi32>, vector<16xi32>], vector<16xf32>,
      %get3A_331 = arith.index_cast %add3A_321 : i32 to index
      %get3A_332 = tpu.vector_load %arg8[%get3A_331] {strides = array<i32>} : memref<6272xf32, #tpu.memory_space<vmem>>, vector<16xf32>,
      %get3A_333 = arith.index_cast %add3A_321 : i32 to index
      %get3A_334 = tpu.vector_load %arg12[%get3A_333] {strides = array<i32>} : memref<6272xf32, #tpu.memory_space<vmem>>, vector<16xf32>,
      %mul3A_335 = arith.mulf %gather3A_330, %get3A_334 : vector<16xf32>
      %add3A_336 = arith.addf %get3A_332, %mul3A_335 : vector<16xf32>
      %swap3A_337 = arith.index_cast %add3A_321 : i32 to index
      %swap3A_338 = tpu.vector_load %arg8[%swap3A_337] {strides = array<i32>} : memref<6272xf32, #tpu.memory_space<vmem>>, vector<16xf32>,
      tpu.vector_store %arg8[%swap3A_337], %add3A_336 {strides = array<i32>} : memref<6272xf32, #tpu.memory_space<vmem>>, vector<16xf32>,
      %mul3A_339 = arith.constant 64 : i32
      %mul3A_340 = arith.muli %scan3A_278, %mul3A_339 : i32
      %add3A_341 = arith.constant 48 : i32
      %add3A_342 = arith.addi %mul3A_340, %add3A_341 : i32
      %get3A_343 = arith.index_cast %add3A_342 : i32 to index
      %get3A_344 = tpu.vector_load %arg10[%get3A_343] {strides = array<i32>} : memref<6272xi32, #tpu.memory_space<vmem>>, vector<16xi32>,
      %shift_right_logical3A_345 = arith.constant 10 : i32
      %shift_right_logical3A_346 = vector.broadcast %shift_right_logical3A_345 : i32 to vector<16xi32>
      %shift_right_logical3A_347 = arith.shrui %get3A_344, %shift_right_logical3A_346 : vector<16xi32>
      %and3A_348 = arith.constant 1023 : i32
      %and3A_349 = vector.broadcast %and3A_348 : i32 to vector<16xi32>
      %and3A_350 = arith.andi %get3A_344, %and3A_349 : vector<16xi32>
      %gather3A_351 = tpu.vector_load_idx %arg7[%shift_right_logical3A_347, %and3A_350] : memref<32x1024xf32, #tpu.memory_space<vmem>>[vector<16xi32>, vector<16xi32>], vector<16xf32>,
      %get3A_352 = arith.index_cast %add3A_342 : i32 to index
      %get3A_353 = tpu.vector_load %arg8[%get3A_352] {strides = array<i32>} : memref<6272xf32, #tpu.memory_space<vmem>>, vector<16xf32>,
      %get3A_354 = arith.index_cast %add3A_342 : i32 to index
      %get3A_355 = tpu.vector_load %arg12[%get3A_354] {strides = array<i32>} : memref<6272xf32, #tpu.memory_space<vmem>>, vector<16xf32>,
      %mul3A_356 = arith.mulf %gather3A_351, %get3A_355 : vector<16xf32>
      %add3A_357 = arith.addf %get3A_353, %mul3A_356 : vector<16xf32>
      %swap3A_358 = arith.index_cast %add3A_342 : i32 to index
      %swap3A_359 = tpu.vector_load %arg8[%swap3A_358] {strides = array<i32>} : memref<6272xf32, #tpu.memory_space<vmem>>, vector<16xf32>,
      tpu.vector_store %arg8[%swap3A_358], %add3A_357 {strides = array<i32>} : memref<6272xf32, #tpu.memory_space<vmem>>, vector<16xf32>,
      %scan3A_360 = arith.constant 0 : i32
      scf.yield %scan3A_360 : i32
    }
    %scan3A_118 = arith.constant 98 : i32
    %dma_start3A_119 = arith.constant 3 : i32
    %dma_start3A_120 = tpu.memref_slice %arg4[%dma_start3A_119, %mul3A_32] : memref<8x50176xi32, #tpu.memory_space<hbm>> -> memref<1x6272xi32, #tpu.memory_space<hbm>>
    %dma_start3A_121 = tpu.memref_squeeze %dma_start3A_120 : memref<1x6272xi32, #tpu.memory_space<hbm>> -> memref<6272xi32, #tpu.memory_space<hbm>>
    %dma_start3A_122 = tpu.memref_slice %arg4[%dma_start3A_119, %mul3A_32] : memref<8x50176xi32, #tpu.memory_space<hbm>> -> memref<1x6272xi32, #tpu.memory_space<hbm>>
    %dma_start3A_123 = tpu.memref_squeeze %dma_start3A_122 : memref<1x6272xi32, #tpu.memory_space<hbm>> -> memref<6272xi32, #tpu.memory_space<hbm>>
    tpu.enqueue_dma source(%dma_start3A_123 : memref<6272xi32, #tpu.memory_space<hbm>>) target(%arg10 : memref<6272xi32, #tpu.memory_space<vmem>>) target_semaphore(%arg15 : memref<!tpu.dma_semaphore, #tpu.memory_space<semaphore_mem>>)
    %dma_start3A_124 = arith.constant 3 : i32
    %dma_start3A_125 = tpu.memref_slice %arg5[%dma_start3A_124, %mul3A_32] : memref<8x50176xf32, #tpu.memory_space<hbm>> -> memref<1x6272xf32, #tpu.memory_space<hbm>>
    %dma_start3A_126 = tpu.memref_squeeze %dma_start3A_125 : memref<1x6272xf32, #tpu.memory_space<hbm>> -> memref<6272xf32, #tpu.memory_space<hbm>>
    %dma_start3A_127 = tpu.memref_slice %arg5[%dma_start3A_124, %mul3A_32] : memref<8x50176xf32, #tpu.memory_space<hbm>> -> memref<1x6272xf32, #tpu.memory_space<hbm>>
    %dma_start3A_128 = tpu.memref_squeeze %dma_start3A_127 : memref<1x6272xf32, #tpu.memory_space<hbm>> -> memref<6272xf32, #tpu.memory_space<hbm>>
    tpu.enqueue_dma source(%dma_start3A_128 : memref<6272xf32, #tpu.memory_space<hbm>>) target(%arg12 : memref<6272xf32, #tpu.memory_space<vmem>>) target_semaphore(%arg15 : memref<!tpu.dma_semaphore, #tpu.memory_space<semaphore_mem>>)
    %dma_wait3A_129 = arith.constant 2 : i32
    %dma_wait3A_130 = tpu.memref_slice %arg4[%dma_wait3A_129, %mul3A_32] : memref<8x50176xi32, #tpu.memory_space<hbm>> -> memref<1x6272xi32, #tpu.memory_space<hbm>>
    %dma_wait3A_131 = tpu.memref_squeeze %dma_wait3A_130 : memref<1x6272xi32, #tpu.memory_space<hbm>> -> memref<6272xi32, #tpu.memory_space<hbm>>
    %dma_wait3A_132 = tpu.memref_slice %arg4[%dma_wait3A_129, %mul3A_32] : memref<8x50176xi32, #tpu.memory_space<hbm>> -> memref<1x6272xi32, #tpu.memory_space<hbm>>
    %dma_wait3A_133 = tpu.memref_squeeze %dma_wait3A_132 : memref<1x6272xi32, #tpu.memory_space<hbm>> -> memref<6272xi32, #tpu.memory_space<hbm>>
    tpu.wait_dma2 semaphore(%arg14 : memref<!tpu.dma_semaphore, #tpu.memory_space<semaphore_mem>>) src(%dma_wait3A_133 : memref<6272xi32, #tpu.memory_space<hbm>>) dst(%arg9 : memref<6272xi32, #tpu.memory_space<vmem>>)
    %dma_wait3A_134 = arith.constant 2 : i32
    %dma_wait3A_135 = tpu.memref_slice %arg5[%dma_wait3A_134, %mul3A_32] : memref<8x50176xf32, #tpu.memory_space<hbm>> -> memref<1x6272xf32, #tpu.memory_space<hbm>>
    %dma_wait3A_136 = tpu.memref_squeeze %dma_wait3A_135 : memref<1x6272xf32, #tpu.memory_space<hbm>> -> memref<6272xf32, #tpu.memory_space<hbm>>
    %dma_wait3A_137 = tpu.memref_slice %arg5[%dma_wait3A_134, %mul3A_32] : memref<8x50176xf32, #tpu.memory_space<hbm>> -> memref<1x6272xf32, #tpu.memory_space<hbm>>
    %dma_wait3A_138 = tpu.memref_squeeze %dma_wait3A_137 : memref<1x6272xf32, #tpu.memory_space<hbm>> -> memref<6272xf32, #tpu.memory_space<hbm>>
    tpu.wait_dma2 semaphore(%arg14 : memref<!tpu.dma_semaphore, #tpu.memory_space<semaphore_mem>>) src(%dma_wait3A_138 : memref<6272xf32, #tpu.memory_space<hbm>>) dst(%arg11 : memref<6272xf32, #tpu.memory_space<vmem>>)
    %scan3A_139 = arith.constant 0 : i32
    %scan3A_140 = arith.constant 0 : i32
    %scan3A_141 = arith.constant 98 : i32
    %scan3A_142 = arith.addi %scan3A_140, %scan3A_141 : i32
    %scan3A_143 = arith.constant 1 : i32
    %scan3A_144 = scf.for %scan3A_278 = %scan3A_140 to %scan3A_142 step %scan3A_143 iter_args(%scan3A_279 = %scan3A_139) -> (i32)  : i32 {
      %mul3A_280 = arith.constant 64 : i32
      %mul3A_281 = arith.muli %scan3A_278, %mul3A_280 : i32
      %add3A_282 = arith.constant 0 : i32
      %add3A_283 = arith.addi %mul3A_281, %add3A_282 : i32
      %get3A = arith.index_cast %add3A_283 : i32 to index
      %get3A_284 = tpu.vector_load %arg9[%get3A] {strides = array<i32>} : memref<6272xi32, #tpu.memory_space<vmem>>, vector<16xi32>,
      %shift_right_logical3A = arith.constant 10 : i32
      %shift_right_logical3A_285 = vector.broadcast %shift_right_logical3A : i32 to vector<16xi32>
      %shift_right_logical3A_286 = arith.shrui %get3A_284, %shift_right_logical3A_285 : vector<16xi32>
      %and3A_287 = arith.constant 1023 : i32
      %and3A_288 = vector.broadcast %and3A_287 : i32 to vector<16xi32>
      %and3A_289 = arith.andi %get3A_284, %and3A_288 : vector<16xi32>
      %gather3A = tpu.vector_load_idx %arg7[%shift_right_logical3A_286, %and3A_289] : memref<32x1024xf32, #tpu.memory_space<vmem>>[vector<16xi32>, vector<16xi32>], vector<16xf32>,
      %get3A_290 = arith.index_cast %add3A_283 : i32 to index
      %get3A_291 = tpu.vector_load %arg8[%get3A_290] {strides = array<i32>} : memref<6272xf32, #tpu.memory_space<vmem>>, vector<16xf32>,
      %get3A_292 = arith.index_cast %add3A_283 : i32 to index
      %get3A_293 = tpu.vector_load %arg11[%get3A_292] {strides = array<i32>} : memref<6272xf32, #tpu.memory_space<vmem>>, vector<16xf32>,
      %mul3A_294 = arith.mulf %gather3A, %get3A_293 : vector<16xf32>
      %add3A_295 = arith.addf %get3A_291, %mul3A_294 : vector<16xf32>
      %swap3A = arith.index_cast %add3A_283 : i32 to index
      %swap3A_296 = tpu.vector_load %arg8[%swap3A] {strides = array<i32>} : memref<6272xf32, #tpu.memory_space<vmem>>, vector<16xf32>,
      tpu.vector_store %arg8[%swap3A], %add3A_295 {strides = array<i32>} : memref<6272xf32, #tpu.memory_space<vmem>>, vector<16xf32>,
      %mul3A_297 = arith.constant 64 : i32
      %mul3A_298 = arith.muli %scan3A_278, %mul3A_297 : i32
      %add3A_299 = arith.constant 16 : i32
      %add3A_300 = arith.addi %mul3A_298, %add3A_299 : i32
      %get3A_301 = arith.index_cast %add3A_300 : i32 to index
      %get3A_302 = tpu.vector_load %arg9[%get3A_301] {strides = array<i32>} : memref<6272xi32, #tpu.memory_space<vmem>>, vector<16xi32>,
      %shift_right_logical3A_303 = arith.constant 10 : i32
      %shift_right_logical3A_304 = vector.broadcast %shift_right_logical3A_303 : i32 to vector<16xi32>
      %shift_right_logical3A_305 = arith.shrui %get3A_302, %shift_right_logical3A_304 : vector<16xi32>
      %and3A_306 = arith.constant 1023 : i32
      %and3A_307 = vector.broadcast %and3A_306 : i32 to vector<16xi32>
      %and3A_308 = arith.andi %get3A_302, %and3A_307 : vector<16xi32>
      %gather3A_309 = tpu.vector_load_idx %arg7[%shift_right_logical3A_305, %and3A_308] : memref<32x1024xf32, #tpu.memory_space<vmem>>[vector<16xi32>, vector<16xi32>], vector<16xf32>,
      %get3A_310 = arith.index_cast %add3A_300 : i32 to index
      %get3A_311 = tpu.vector_load %arg8[%get3A_310] {strides = array<i32>} : memref<6272xf32, #tpu.memory_space<vmem>>, vector<16xf32>,
      %get3A_312 = arith.index_cast %add3A_300 : i32 to index
      %get3A_313 = tpu.vector_load %arg11[%get3A_312] {strides = array<i32>} : memref<6272xf32, #tpu.memory_space<vmem>>, vector<16xf32>,
      %mul3A_314 = arith.mulf %gather3A_309, %get3A_313 : vector<16xf32>
      %add3A_315 = arith.addf %get3A_311, %mul3A_314 : vector<16xf32>
      %swap3A_316 = arith.index_cast %add3A_300 : i32 to index
      %swap3A_317 = tpu.vector_load %arg8[%swap3A_316] {strides = array<i32>} : memref<6272xf32, #tpu.memory_space<vmem>>, vector<16xf32>,
      tpu.vector_store %arg8[%swap3A_316], %add3A_315 {strides = array<i32>} : memref<6272xf32, #tpu.memory_space<vmem>>, vector<16xf32>,
      %mul3A_318 = arith.constant 64 : i32
      %mul3A_319 = arith.muli %scan3A_278, %mul3A_318 : i32
      %add3A_320 = arith.constant 32 : i32
      %add3A_321 = arith.addi %mul3A_319, %add3A_320 : i32
      %get3A_322 = arith.index_cast %add3A_321 : i32 to index
      %get3A_323 = tpu.vector_load %arg9[%get3A_322] {strides = array<i32>} : memref<6272xi32, #tpu.memory_space<vmem>>, vector<16xi32>,
      %shift_right_logical3A_324 = arith.constant 10 : i32
      %shift_right_logical3A_325 = vector.broadcast %shift_right_logical3A_324 : i32 to vector<16xi32>
      %shift_right_logical3A_326 = arith.shrui %get3A_323, %shift_right_logical3A_325 : vector<16xi32>
      %and3A_327 = arith.constant 1023 : i32
      %and3A_328 = vector.broadcast %and3A_327 : i32 to vector<16xi32>
      %and3A_329 = arith.andi %get3A_323, %and3A_328 : vector<16xi32>
      %gather3A_330 = tpu.vector_load_idx %arg7[%shift_right_logical3A_326, %and3A_329] : memref<32x1024xf32, #tpu.memory_space<vmem>>[vector<16xi32>, vector<16xi32>], vector<16xf32>,
      %get3A_331 = arith.index_cast %add3A_321 : i32 to index
      %get3A_332 = tpu.vector_load %arg8[%get3A_331] {strides = array<i32>} : memref<6272xf32, #tpu.memory_space<vmem>>, vector<16xf32>,
      %get3A_333 = arith.index_cast %add3A_321 : i32 to index
      %get3A_334 = tpu.vector_load %arg11[%get3A_333] {strides = array<i32>} : memref<6272xf32, #tpu.memory_space<vmem>>, vector<16xf32>,
      %mul3A_335 = arith.mulf %gather3A_330, %get3A_334 : vector<16xf32>
      %add3A_336 = arith.addf %get3A_332, %mul3A_335 : vector<16xf32>
      %swap3A_337 = arith.index_cast %add3A_321 : i32 to index
      %swap3A_338 = tpu.vector_load %arg8[%swap3A_337] {strides = array<i32>} : memref<6272xf32, #tpu.memory_space<vmem>>, vector<16xf32>,
      tpu.vector_store %arg8[%swap3A_337], %add3A_336 {strides = array<i32>} : memref<6272xf32, #tpu.memory_space<vmem>>, vector<16xf32>,
      %mul3A_339 = arith.constant 64 : i32
      %mul3A_340 = arith.muli %scan3A_278, %mul3A_339 : i32
      %add3A_341 = arith.constant 48 : i32
      %add3A_342 = arith.addi %mul3A_340, %add3A_341 : i32
      %get3A_343 = arith.index_cast %add3A_342 : i32 to index
      %get3A_344 = tpu.vector_load %arg9[%get3A_343] {strides = array<i32>} : memref<6272xi32, #tpu.memory_space<vmem>>, vector<16xi32>,
      %shift_right_logical3A_345 = arith.constant 10 : i32
      %shift_right_logical3A_346 = vector.broadcast %shift_right_logical3A_345 : i32 to vector<16xi32>
      %shift_right_logical3A_347 = arith.shrui %get3A_344, %shift_right_logical3A_346 : vector<16xi32>
      %and3A_348 = arith.constant 1023 : i32
      %and3A_349 = vector.broadcast %and3A_348 : i32 to vector<16xi32>
      %and3A_350 = arith.andi %get3A_344, %and3A_349 : vector<16xi32>
      %gather3A_351 = tpu.vector_load_idx %arg7[%shift_right_logical3A_347, %and3A_350] : memref<32x1024xf32, #tpu.memory_space<vmem>>[vector<16xi32>, vector<16xi32>], vector<16xf32>,
      %get3A_352 = arith.index_cast %add3A_342 : i32 to index
      %get3A_353 = tpu.vector_load %arg8[%get3A_352] {strides = array<i32>} : memref<6272xf32, #tpu.memory_space<vmem>>, vector<16xf32>,
      %get3A_354 = arith.index_cast %add3A_342 : i32 to index
      %get3A_355 = tpu.vector_load %arg11[%get3A_354] {strides = array<i32>} : memref<6272xf32, #tpu.memory_space<vmem>>, vector<16xf32>,
      %mul3A_356 = arith.mulf %gather3A_351, %get3A_355 : vector<16xf32>
      %add3A_357 = arith.addf %get3A_353, %mul3A_356 : vector<16xf32>
      %swap3A_358 = arith.index_cast %add3A_342 : i32 to index
      %swap3A_359 = tpu.vector_load %arg8[%swap3A_358] {strides = array<i32>} : memref<6272xf32, #tpu.memory_space<vmem>>, vector<16xf32>,
      tpu.vector_store %arg8[%swap3A_358], %add3A_357 {strides = array<i32>} : memref<6272xf32, #tpu.memory_space<vmem>>, vector<16xf32>,
      %scan3A_360 = arith.constant 0 : i32
      scf.yield %scan3A_360 : i32
    }
    %scan3A_145 = arith.constant 98 : i32
    %dma_start3A_146 = arith.constant 4 : i32
    %dma_start3A_147 = tpu.memref_slice %arg4[%dma_start3A_146, %mul3A_32] : memref<8x50176xi32, #tpu.memory_space<hbm>> -> memref<1x6272xi32, #tpu.memory_space<hbm>>
    %dma_start3A_148 = tpu.memref_squeeze %dma_start3A_147 : memref<1x6272xi32, #tpu.memory_space<hbm>> -> memref<6272xi32, #tpu.memory_space<hbm>>
    %dma_start3A_149 = tpu.memref_slice %arg4[%dma_start3A_146, %mul3A_32] : memref<8x50176xi32, #tpu.memory_space<hbm>> -> memref<1x6272xi32, #tpu.memory_space<hbm>>
    %dma_start3A_150 = tpu.memref_squeeze %dma_start3A_149 : memref<1x6272xi32, #tpu.memory_space<hbm>> -> memref<6272xi32, #tpu.memory_space<hbm>>
    tpu.enqueue_dma source(%dma_start3A_150 : memref<6272xi32, #tpu.memory_space<hbm>>) target(%arg9 : memref<6272xi32, #tpu.memory_space<vmem>>) target_semaphore(%arg14 : memref<!tpu.dma_semaphore, #tpu.memory_space<semaphore_mem>>)
    %dma_start3A_151 = arith.constant 4 : i32
    %dma_start3A_152 = tpu.memref_slice %arg5[%dma_start3A_151, %mul3A_32] : memref<8x50176xf32, #tpu.memory_space<hbm>> -> memref<1x6272xf32, #tpu.memory_space<hbm>>
    %dma_start3A_153 = tpu.memref_squeeze %dma_start3A_152 : memref<1x6272xf32, #tpu.memory_space<hbm>> -> memref<6272xf32, #tpu.memory_space<hbm>>
    %dma_start3A_154 = tpu.memref_slice %arg5[%dma_start3A_151, %mul3A_32] : memref<8x50176xf32, #tpu.memory_space<hbm>> -> memref<1x6272xf32, #tpu.memory_space<hbm>>
    %dma_start3A_155 = tpu.memref_squeeze %dma_start3A_154 : memref<1x6272xf32, #tpu.memory_space<hbm>> -> memref<6272xf32, #tpu.memory_space<hbm>>
    tpu.enqueue_dma source(%dma_start3A_155 : memref<6272xf32, #tpu.memory_space<hbm>>) target(%arg11 : memref<6272xf32, #tpu.memory_space<vmem>>) target_semaphore(%arg14 : memref<!tpu.dma_semaphore, #tpu.memory_space<semaphore_mem>>)
    %dma_wait3A_156 = arith.constant 3 : i32
    %dma_wait3A_157 = tpu.memref_slice %arg4[%dma_wait3A_156, %mul3A_32] : memref<8x50176xi32, #tpu.memory_space<hbm>> -> memref<1x6272xi32, #tpu.memory_space<hbm>>
    %dma_wait3A_158 = tpu.memref_squeeze %dma_wait3A_157 : memref<1x6272xi32, #tpu.memory_space<hbm>> -> memref<6272xi32, #tpu.memory_space<hbm>>
    %dma_wait3A_159 = tpu.memref_slice %arg4[%dma_wait3A_156, %mul3A_32] : memref<8x50176xi32, #tpu.memory_space<hbm>> -> memref<1x6272xi32, #tpu.memory_space<hbm>>
    %dma_wait3A_160 = tpu.memref_squeeze %dma_wait3A_159 : memref<1x6272xi32, #tpu.memory_space<hbm>> -> memref<6272xi32, #tpu.memory_space<hbm>>
    tpu.wait_dma2 semaphore(%arg15 : memref<!tpu.dma_semaphore, #tpu.memory_space<semaphore_mem>>) src(%dma_wait3A_160 : memref<6272xi32, #tpu.memory_space<hbm>>) dst(%arg10 : memref<6272xi32, #tpu.memory_space<vmem>>)
    %dma_wait3A_161 = arith.constant 3 : i32
    %dma_wait3A_162 = tpu.memref_slice %arg5[%dma_wait3A_161, %mul3A_32] : memref<8x50176xf32, #tpu.memory_space<hbm>> -> memref<1x6272xf32, #tpu.memory_space<hbm>>
    %dma_wait3A_163 = tpu.memref_squeeze %dma_wait3A_162 : memref<1x6272xf32, #tpu.memory_space<hbm>> -> memref<6272xf32, #tpu.memory_space<hbm>>
    %dma_wait3A_164 = tpu.memref_slice %arg5[%dma_wait3A_161, %mul3A_32] : memref<8x50176xf32, #tpu.memory_space<hbm>> -> memref<1x6272xf32, #tpu.memory_space<hbm>>
    %dma_wait3A_165 = tpu.memref_squeeze %dma_wait3A_164 : memref<1x6272xf32, #tpu.memory_space<hbm>> -> memref<6272xf32, #tpu.memory_space<hbm>>
    tpu.wait_dma2 semaphore(%arg15 : memref<!tpu.dma_semaphore, #tpu.memory_space<semaphore_mem>>) src(%dma_wait3A_165 : memref<6272xf32, #tpu.memory_space<hbm>>) dst(%arg12 : memref<6272xf32, #tpu.memory_space<vmem>>)
    %scan3A_166 = arith.constant 0 : i32
    %scan3A_167 = arith.constant 0 : i32
    %scan3A_168 = arith.constant 98 : i32
    %scan3A_169 = arith.addi %scan3A_167, %scan3A_168 : i32
    %scan3A_170 = arith.constant 1 : i32
    %scan3A_171 = scf.for %scan3A_278 = %scan3A_167 to %scan3A_169 step %scan3A_170 iter_args(%scan3A_279 = %scan3A_166) -> (i32)  : i32 {
      %mul3A_280 = arith.constant 64 : i32
      %mul3A_281 = arith.muli %scan3A_278, %mul3A_280 : i32
      %add3A_282 = arith.constant 0 : i32
      %add3A_283 = arith.addi %mul3A_281, %add3A_282 : i32
      %get3A = arith.index_cast %add3A_283 : i32 to index
      %get3A_284 = tpu.vector_load %arg10[%get3A] {strides = array<i32>} : memref<6272xi32, #tpu.memory_space<vmem>>, vector<16xi32>,
      %shift_right_logical3A = arith.constant 10 : i32
      %shift_right_logical3A_285 = vector.broadcast %shift_right_logical3A : i32 to vector<16xi32>
      %shift_right_logical3A_286 = arith.shrui %get3A_284, %shift_right_logical3A_285 : vector<16xi32>
      %and3A_287 = arith.constant 1023 : i32
      %and3A_288 = vector.broadcast %and3A_287 : i32 to vector<16xi32>
      %and3A_289 = arith.andi %get3A_284, %and3A_288 : vector<16xi32>
      %gather3A = tpu.vector_load_idx %arg7[%shift_right_logical3A_286, %and3A_289] : memref<32x1024xf32, #tpu.memory_space<vmem>>[vector<16xi32>, vector<16xi32>], vector<16xf32>,
      %get3A_290 = arith.index_cast %add3A_283 : i32 to index
      %get3A_291 = tpu.vector_load %arg8[%get3A_290] {strides = array<i32>} : memref<6272xf32, #tpu.memory_space<vmem>>, vector<16xf32>,
      %get3A_292 = arith.index_cast %add3A_283 : i32 to index
      %get3A_293 = tpu.vector_load %arg12[%get3A_292] {strides = array<i32>} : memref<6272xf32, #tpu.memory_space<vmem>>, vector<16xf32>,
      %mul3A_294 = arith.mulf %gather3A, %get3A_293 : vector<16xf32>
      %add3A_295 = arith.addf %get3A_291, %mul3A_294 : vector<16xf32>
      %swap3A = arith.index_cast %add3A_283 : i32 to index
      %swap3A_296 = tpu.vector_load %arg8[%swap3A] {strides = array<i32>} : memref<6272xf32, #tpu.memory_space<vmem>>, vector<16xf32>,
      tpu.vector_store %arg8[%swap3A], %add3A_295 {strides = array<i32>} : memref<6272xf32, #tpu.memory_space<vmem>>, vector<16xf32>,
      %mul3A_297 = arith.constant 64 : i32
      %mul3A_298 = arith.muli %scan3A_278, %mul3A_297 : i32
      %add3A_299 = arith.constant 16 : i32
      %add3A_300 = arith.addi %mul3A_298, %add3A_299 : i32
      %get3A_301 = arith.index_cast %add3A_300 : i32 to index
      %get3A_302 = tpu.vector_load %arg10[%get3A_301] {strides = array<i32>} : memref<6272xi32, #tpu.memory_space<vmem>>, vector<16xi32>,
      %shift_right_logical3A_303 = arith.constant 10 : i32
      %shift_right_logical3A_304 = vector.broadcast %shift_right_logical3A_303 : i32 to vector<16xi32>
      %shift_right_logical3A_305 = arith.shrui %get3A_302, %shift_right_logical3A_304 : vector<16xi32>
      %and3A_306 = arith.constant 1023 : i32
      %and3A_307 = vector.broadcast %and3A_306 : i32 to vector<16xi32>
      %and3A_308 = arith.andi %get3A_302, %and3A_307 : vector<16xi32>
      %gather3A_309 = tpu.vector_load_idx %arg7[%shift_right_logical3A_305, %and3A_308] : memref<32x1024xf32, #tpu.memory_space<vmem>>[vector<16xi32>, vector<16xi32>], vector<16xf32>,
      %get3A_310 = arith.index_cast %add3A_300 : i32 to index
      %get3A_311 = tpu.vector_load %arg8[%get3A_310] {strides = array<i32>} : memref<6272xf32, #tpu.memory_space<vmem>>, vector<16xf32>,
      %get3A_312 = arith.index_cast %add3A_300 : i32 to index
      %get3A_313 = tpu.vector_load %arg12[%get3A_312] {strides = array<i32>} : memref<6272xf32, #tpu.memory_space<vmem>>, vector<16xf32>,
      %mul3A_314 = arith.mulf %gather3A_309, %get3A_313 : vector<16xf32>
      %add3A_315 = arith.addf %get3A_311, %mul3A_314 : vector<16xf32>
      %swap3A_316 = arith.index_cast %add3A_300 : i32 to index
      %swap3A_317 = tpu.vector_load %arg8[%swap3A_316] {strides = array<i32>} : memref<6272xf32, #tpu.memory_space<vmem>>, vector<16xf32>,
      tpu.vector_store %arg8[%swap3A_316], %add3A_315 {strides = array<i32>} : memref<6272xf32, #tpu.memory_space<vmem>>, vector<16xf32>,
      %mul3A_318 = arith.constant 64 : i32
      %mul3A_319 = arith.muli %scan3A_278, %mul3A_318 : i32
      %add3A_320 = arith.constant 32 : i32
      %add3A_321 = arith.addi %mul3A_319, %add3A_320 : i32
      %get3A_322 = arith.index_cast %add3A_321 : i32 to index
      %get3A_323 = tpu.vector_load %arg10[%get3A_322] {strides = array<i32>} : memref<6272xi32, #tpu.memory_space<vmem>>, vector<16xi32>,
      %shift_right_logical3A_324 = arith.constant 10 : i32
      %shift_right_logical3A_325 = vector.broadcast %shift_right_logical3A_324 : i32 to vector<16xi32>
      %shift_right_logical3A_326 = arith.shrui %get3A_323, %shift_right_logical3A_325 : vector<16xi32>
      %and3A_327 = arith.constant 1023 : i32
      %and3A_328 = vector.broadcast %and3A_327 : i32 to vector<16xi32>
      %and3A_329 = arith.andi %get3A_323, %and3A_328 : vector<16xi32>
      %gather3A_330 = tpu.vector_load_idx %arg7[%shift_right_logical3A_326, %and3A_329] : memref<32x1024xf32, #tpu.memory_space<vmem>>[vector<16xi32>, vector<16xi32>], vector<16xf32>,
      %get3A_331 = arith.index_cast %add3A_321 : i32 to index
      %get3A_332 = tpu.vector_load %arg8[%get3A_331] {strides = array<i32>} : memref<6272xf32, #tpu.memory_space<vmem>>, vector<16xf32>,
      %get3A_333 = arith.index_cast %add3A_321 : i32 to index
      %get3A_334 = tpu.vector_load %arg12[%get3A_333] {strides = array<i32>} : memref<6272xf32, #tpu.memory_space<vmem>>, vector<16xf32>,
      %mul3A_335 = arith.mulf %gather3A_330, %get3A_334 : vector<16xf32>
      %add3A_336 = arith.addf %get3A_332, %mul3A_335 : vector<16xf32>
      %swap3A_337 = arith.index_cast %add3A_321 : i32 to index
      %swap3A_338 = tpu.vector_load %arg8[%swap3A_337] {strides = array<i32>} : memref<6272xf32, #tpu.memory_space<vmem>>, vector<16xf32>,
      tpu.vector_store %arg8[%swap3A_337], %add3A_336 {strides = array<i32>} : memref<6272xf32, #tpu.memory_space<vmem>>, vector<16xf32>,
      %mul3A_339 = arith.constant 64 : i32
      %mul3A_340 = arith.muli %scan3A_278, %mul3A_339 : i32
      %add3A_341 = arith.constant 48 : i32
      %add3A_342 = arith.addi %mul3A_340, %add3A_341 : i32
      %get3A_343 = arith.index_cast %add3A_342 : i32 to index
      %get3A_344 = tpu.vector_load %arg10[%get3A_343] {strides = array<i32>} : memref<6272xi32, #tpu.memory_space<vmem>>, vector<16xi32>,
      %shift_right_logical3A_345 = arith.constant 10 : i32
      %shift_right_logical3A_346 = vector.broadcast %shift_right_logical3A_345 : i32 to vector<16xi32>
      %shift_right_logical3A_347 = arith.shrui %get3A_344, %shift_right_logical3A_346 : vector<16xi32>
      %and3A_348 = arith.constant 1023 : i32
      %and3A_349 = vector.broadcast %and3A_348 : i32 to vector<16xi32>
      %and3A_350 = arith.andi %get3A_344, %and3A_349 : vector<16xi32>
      %gather3A_351 = tpu.vector_load_idx %arg7[%shift_right_logical3A_347, %and3A_350] : memref<32x1024xf32, #tpu.memory_space<vmem>>[vector<16xi32>, vector<16xi32>], vector<16xf32>,
      %get3A_352 = arith.index_cast %add3A_342 : i32 to index
      %get3A_353 = tpu.vector_load %arg8[%get3A_352] {strides = array<i32>} : memref<6272xf32, #tpu.memory_space<vmem>>, vector<16xf32>,
      %get3A_354 = arith.index_cast %add3A_342 : i32 to index
      %get3A_355 = tpu.vector_load %arg12[%get3A_354] {strides = array<i32>} : memref<6272xf32, #tpu.memory_space<vmem>>, vector<16xf32>,
      %mul3A_356 = arith.mulf %gather3A_351, %get3A_355 : vector<16xf32>
      %add3A_357 = arith.addf %get3A_353, %mul3A_356 : vector<16xf32>
      %swap3A_358 = arith.index_cast %add3A_342 : i32 to index
      %swap3A_359 = tpu.vector_load %arg8[%swap3A_358] {strides = array<i32>} : memref<6272xf32, #tpu.memory_space<vmem>>, vector<16xf32>,
      tpu.vector_store %arg8[%swap3A_358], %add3A_357 {strides = array<i32>} : memref<6272xf32, #tpu.memory_space<vmem>>, vector<16xf32>,
      %scan3A_360 = arith.constant 0 : i32
      scf.yield %scan3A_360 : i32
    }
    %scan3A_172 = arith.constant 98 : i32
    %dma_start3A_173 = arith.constant 5 : i32
    %dma_start3A_174 = tpu.memref_slice %arg4[%dma_start3A_173, %mul3A_32] : memref<8x50176xi32, #tpu.memory_space<hbm>> -> memref<1x6272xi32, #tpu.memory_space<hbm>>
    %dma_start3A_175 = tpu.memref_squeeze %dma_start3A_174 : memref<1x6272xi32, #tpu.memory_space<hbm>> -> memref<6272xi32, #tpu.memory_space<hbm>>
    %dma_start3A_176 = tpu.memref_slice %arg4[%dma_start3A_173, %mul3A_32] : memref<8x50176xi32, #tpu.memory_space<hbm>> -> memref<1x6272xi32, #tpu.memory_space<hbm>>
    %dma_start3A_177 = tpu.memref_squeeze %dma_start3A_176 : memref<1x6272xi32, #tpu.memory_space<hbm>> -> memref<6272xi32, #tpu.memory_space<hbm>>
    tpu.enqueue_dma source(%dma_start3A_177 : memref<6272xi32, #tpu.memory_space<hbm>>) target(%arg10 : memref<6272xi32, #tpu.memory_space<vmem>>) target_semaphore(%arg15 : memref<!tpu.dma_semaphore, #tpu.memory_space<semaphore_mem>>)
    %dma_start3A_178 = arith.constant 5 : i32
    %dma_start3A_179 = tpu.memref_slice %arg5[%dma_start3A_178, %mul3A_32] : memref<8x50176xf32, #tpu.memory_space<hbm>> -> memref<1x6272xf32, #tpu.memory_space<hbm>>
    %dma_start3A_180 = tpu.memref_squeeze %dma_start3A_179 : memref<1x6272xf32, #tpu.memory_space<hbm>> -> memref<6272xf32, #tpu.memory_space<hbm>>
    %dma_start3A_181 = tpu.memref_slice %arg5[%dma_start3A_178, %mul3A_32] : memref<8x50176xf32, #tpu.memory_space<hbm>> -> memref<1x6272xf32, #tpu.memory_space<hbm>>
    %dma_start3A_182 = tpu.memref_squeeze %dma_start3A_181 : memref<1x6272xf32, #tpu.memory_space<hbm>> -> memref<6272xf32, #tpu.memory_space<hbm>>
    tpu.enqueue_dma source(%dma_start3A_182 : memref<6272xf32, #tpu.memory_space<hbm>>) target(%arg12 : memref<6272xf32, #tpu.memory_space<vmem>>) target_semaphore(%arg15 : memref<!tpu.dma_semaphore, #tpu.memory_space<semaphore_mem>>)
    %dma_wait3A_183 = arith.constant 4 : i32
    %dma_wait3A_184 = tpu.memref_slice %arg4[%dma_wait3A_183, %mul3A_32] : memref<8x50176xi32, #tpu.memory_space<hbm>> -> memref<1x6272xi32, #tpu.memory_space<hbm>>
    %dma_wait3A_185 = tpu.memref_squeeze %dma_wait3A_184 : memref<1x6272xi32, #tpu.memory_space<hbm>> -> memref<6272xi32, #tpu.memory_space<hbm>>
    %dma_wait3A_186 = tpu.memref_slice %arg4[%dma_wait3A_183, %mul3A_32] : memref<8x50176xi32, #tpu.memory_space<hbm>> -> memref<1x6272xi32, #tpu.memory_space<hbm>>
    %dma_wait3A_187 = tpu.memref_squeeze %dma_wait3A_186 : memref<1x6272xi32, #tpu.memory_space<hbm>> -> memref<6272xi32, #tpu.memory_space<hbm>>
    tpu.wait_dma2 semaphore(%arg14 : memref<!tpu.dma_semaphore, #tpu.memory_space<semaphore_mem>>) src(%dma_wait3A_187 : memref<6272xi32, #tpu.memory_space<hbm>>) dst(%arg9 : memref<6272xi32, #tpu.memory_space<vmem>>)
    %dma_wait3A_188 = arith.constant 4 : i32
    %dma_wait3A_189 = tpu.memref_slice %arg5[%dma_wait3A_188, %mul3A_32] : memref<8x50176xf32, #tpu.memory_space<hbm>> -> memref<1x6272xf32, #tpu.memory_space<hbm>>
    %dma_wait3A_190 = tpu.memref_squeeze %dma_wait3A_189 : memref<1x6272xf32, #tpu.memory_space<hbm>> -> memref<6272xf32, #tpu.memory_space<hbm>>
    %dma_wait3A_191 = tpu.memref_slice %arg5[%dma_wait3A_188, %mul3A_32] : memref<8x50176xf32, #tpu.memory_space<hbm>> -> memref<1x6272xf32, #tpu.memory_space<hbm>>
    %dma_wait3A_192 = tpu.memref_squeeze %dma_wait3A_191 : memref<1x6272xf32, #tpu.memory_space<hbm>> -> memref<6272xf32, #tpu.memory_space<hbm>>
    tpu.wait_dma2 semaphore(%arg14 : memref<!tpu.dma_semaphore, #tpu.memory_space<semaphore_mem>>) src(%dma_wait3A_192 : memref<6272xf32, #tpu.memory_space<hbm>>) dst(%arg11 : memref<6272xf32, #tpu.memory_space<vmem>>)
    %scan3A_193 = arith.constant 0 : i32
    %scan3A_194 = arith.constant 0 : i32
    %scan3A_195 = arith.constant 98 : i32
    %scan3A_196 = arith.addi %scan3A_194, %scan3A_195 : i32
    %scan3A_197 = arith.constant 1 : i32
    %scan3A_198 = scf.for %scan3A_278 = %scan3A_194 to %scan3A_196 step %scan3A_197 iter_args(%scan3A_279 = %scan3A_193) -> (i32)  : i32 {
      %mul3A_280 = arith.constant 64 : i32
      %mul3A_281 = arith.muli %scan3A_278, %mul3A_280 : i32
      %add3A_282 = arith.constant 0 : i32
      %add3A_283 = arith.addi %mul3A_281, %add3A_282 : i32
      %get3A = arith.index_cast %add3A_283 : i32 to index
      %get3A_284 = tpu.vector_load %arg9[%get3A] {strides = array<i32>} : memref<6272xi32, #tpu.memory_space<vmem>>, vector<16xi32>,
      %shift_right_logical3A = arith.constant 10 : i32
      %shift_right_logical3A_285 = vector.broadcast %shift_right_logical3A : i32 to vector<16xi32>
      %shift_right_logical3A_286 = arith.shrui %get3A_284, %shift_right_logical3A_285 : vector<16xi32>
      %and3A_287 = arith.constant 1023 : i32
      %and3A_288 = vector.broadcast %and3A_287 : i32 to vector<16xi32>
      %and3A_289 = arith.andi %get3A_284, %and3A_288 : vector<16xi32>
      %gather3A = tpu.vector_load_idx %arg7[%shift_right_logical3A_286, %and3A_289] : memref<32x1024xf32, #tpu.memory_space<vmem>>[vector<16xi32>, vector<16xi32>], vector<16xf32>,
      %get3A_290 = arith.index_cast %add3A_283 : i32 to index
      %get3A_291 = tpu.vector_load %arg8[%get3A_290] {strides = array<i32>} : memref<6272xf32, #tpu.memory_space<vmem>>, vector<16xf32>,
      %get3A_292 = arith.index_cast %add3A_283 : i32 to index
      %get3A_293 = tpu.vector_load %arg11[%get3A_292] {strides = array<i32>} : memref<6272xf32, #tpu.memory_space<vmem>>, vector<16xf32>,
      %mul3A_294 = arith.mulf %gather3A, %get3A_293 : vector<16xf32>
      %add3A_295 = arith.addf %get3A_291, %mul3A_294 : vector<16xf32>
      %swap3A = arith.index_cast %add3A_283 : i32 to index
      %swap3A_296 = tpu.vector_load %arg8[%swap3A] {strides = array<i32>} : memref<6272xf32, #tpu.memory_space<vmem>>, vector<16xf32>,
      tpu.vector_store %arg8[%swap3A], %add3A_295 {strides = array<i32>} : memref<6272xf32, #tpu.memory_space<vmem>>, vector<16xf32>,
      %mul3A_297 = arith.constant 64 : i32
      %mul3A_298 = arith.muli %scan3A_278, %mul3A_297 : i32
      %add3A_299 = arith.constant 16 : i32
      %add3A_300 = arith.addi %mul3A_298, %add3A_299 : i32
      %get3A_301 = arith.index_cast %add3A_300 : i32 to index
      %get3A_302 = tpu.vector_load %arg9[%get3A_301] {strides = array<i32>} : memref<6272xi32, #tpu.memory_space<vmem>>, vector<16xi32>,
      %shift_right_logical3A_303 = arith.constant 10 : i32
      %shift_right_logical3A_304 = vector.broadcast %shift_right_logical3A_303 : i32 to vector<16xi32>
      %shift_right_logical3A_305 = arith.shrui %get3A_302, %shift_right_logical3A_304 : vector<16xi32>
      %and3A_306 = arith.constant 1023 : i32
      %and3A_307 = vector.broadcast %and3A_306 : i32 to vector<16xi32>
      %and3A_308 = arith.andi %get3A_302, %and3A_307 : vector<16xi32>
      %gather3A_309 = tpu.vector_load_idx %arg7[%shift_right_logical3A_305, %and3A_308] : memref<32x1024xf32, #tpu.memory_space<vmem>>[vector<16xi32>, vector<16xi32>], vector<16xf32>,
      %get3A_310 = arith.index_cast %add3A_300 : i32 to index
      %get3A_311 = tpu.vector_load %arg8[%get3A_310] {strides = array<i32>} : memref<6272xf32, #tpu.memory_space<vmem>>, vector<16xf32>,
      %get3A_312 = arith.index_cast %add3A_300 : i32 to index
      %get3A_313 = tpu.vector_load %arg11[%get3A_312] {strides = array<i32>} : memref<6272xf32, #tpu.memory_space<vmem>>, vector<16xf32>,
      %mul3A_314 = arith.mulf %gather3A_309, %get3A_313 : vector<16xf32>
      %add3A_315 = arith.addf %get3A_311, %mul3A_314 : vector<16xf32>
      %swap3A_316 = arith.index_cast %add3A_300 : i32 to index
      %swap3A_317 = tpu.vector_load %arg8[%swap3A_316] {strides = array<i32>} : memref<6272xf32, #tpu.memory_space<vmem>>, vector<16xf32>,
      tpu.vector_store %arg8[%swap3A_316], %add3A_315 {strides = array<i32>} : memref<6272xf32, #tpu.memory_space<vmem>>, vector<16xf32>,
      %mul3A_318 = arith.constant 64 : i32
      %mul3A_319 = arith.muli %scan3A_278, %mul3A_318 : i32
      %add3A_320 = arith.constant 32 : i32
      %add3A_321 = arith.addi %mul3A_319, %add3A_320 : i32
      %get3A_322 = arith.index_cast %add3A_321 : i32 to index
      %get3A_323 = tpu.vector_load %arg9[%get3A_322] {strides = array<i32>} : memref<6272xi32, #tpu.memory_space<vmem>>, vector<16xi32>,
      %shift_right_logical3A_324 = arith.constant 10 : i32
      %shift_right_logical3A_325 = vector.broadcast %shift_right_logical3A_324 : i32 to vector<16xi32>
      %shift_right_logical3A_326 = arith.shrui %get3A_323, %shift_right_logical3A_325 : vector<16xi32>
      %and3A_327 = arith.constant 1023 : i32
      %and3A_328 = vector.broadcast %and3A_327 : i32 to vector<16xi32>
      %and3A_329 = arith.andi %get3A_323, %and3A_328 : vector<16xi32>
      %gather3A_330 = tpu.vector_load_idx %arg7[%shift_right_logical3A_326, %and3A_329] : memref<32x1024xf32, #tpu.memory_space<vmem>>[vector<16xi32>, vector<16xi32>], vector<16xf32>,
      %get3A_331 = arith.index_cast %add3A_321 : i32 to index
      %get3A_332 = tpu.vector_load %arg8[%get3A_331] {strides = array<i32>} : memref<6272xf32, #tpu.memory_space<vmem>>, vector<16xf32>,
      %get3A_333 = arith.index_cast %add3A_321 : i32 to index
      %get3A_334 = tpu.vector_load %arg11[%get3A_333] {strides = array<i32>} : memref<6272xf32, #tpu.memory_space<vmem>>, vector<16xf32>,
      %mul3A_335 = arith.mulf %gather3A_330, %get3A_334 : vector<16xf32>
      %add3A_336 = arith.addf %get3A_332, %mul3A_335 : vector<16xf32>
      %swap3A_337 = arith.index_cast %add3A_321 : i32 to index
      %swap3A_338 = tpu.vector_load %arg8[%swap3A_337] {strides = array<i32>} : memref<6272xf32, #tpu.memory_space<vmem>>, vector<16xf32>,
      tpu.vector_store %arg8[%swap3A_337], %add3A_336 {strides = array<i32>} : memref<6272xf32, #tpu.memory_space<vmem>>, vector<16xf32>,
      %mul3A_339 = arith.constant 64 : i32
      %mul3A_340 = arith.muli %scan3A_278, %mul3A_339 : i32
      %add3A_341 = arith.constant 48 : i32
      %add3A_342 = arith.addi %mul3A_340, %add3A_341 : i32
      %get3A_343 = arith.index_cast %add3A_342 : i32 to index
      %get3A_344 = tpu.vector_load %arg9[%get3A_343] {strides = array<i32>} : memref<6272xi32, #tpu.memory_space<vmem>>, vector<16xi32>,
      %shift_right_logical3A_345 = arith.constant 10 : i32
      %shift_right_logical3A_346 = vector.broadcast %shift_right_logical3A_345 : i32 to vector<16xi32>
      %shift_right_logical3A_347 = arith.shrui %get3A_344, %shift_right_logical3A_346 : vector<16xi32>
      %and3A_348 = arith.constant 1023 : i32
      %and3A_349 = vector.broadcast %and3A_348 : i32 to vector<16xi32>
      %and3A_350 = arith.andi %get3A_344, %and3A_349 : vector<16xi32>
      %gather3A_351 = tpu.vector_load_idx %arg7[%shift_right_logical3A_347, %and3A_350] : memref<32x1024xf32, #tpu.memory_space<vmem>>[vector<16xi32>, vector<16xi32>], vector<16xf32>,
      %get3A_352 = arith.index_cast %add3A_342 : i32 to index
      %get3A_353 = tpu.vector_load %arg8[%get3A_352] {strides = array<i32>} : memref<6272xf32, #tpu.memory_space<vmem>>, vector<16xf32>,
      %get3A_354 = arith.index_cast %add3A_342 : i32 to index
      %get3A_355 = tpu.vector_load %arg11[%get3A_354] {strides = array<i32>} : memref<6272xf32, #tpu.memory_space<vmem>>, vector<16xf32>,
      %mul3A_356 = arith.mulf %gather3A_351, %get3A_355 : vector<16xf32>
      %add3A_357 = arith.addf %get3A_353, %mul3A_356 : vector<16xf32>
      %swap3A_358 = arith.index_cast %add3A_342 : i32 to index
      %swap3A_359 = tpu.vector_load %arg8[%swap3A_358] {strides = array<i32>} : memref<6272xf32, #tpu.memory_space<vmem>>, vector<16xf32>,
      tpu.vector_store %arg8[%swap3A_358], %add3A_357 {strides = array<i32>} : memref<6272xf32, #tpu.memory_space<vmem>>, vector<16xf32>,
      %scan3A_360 = arith.constant 0 : i32
      scf.yield %scan3A_360 : i32
    }
    %scan3A_199 = arith.constant 98 : i32
    %dma_start3A_200 = arith.constant 6 : i32
    %dma_start3A_201 = tpu.memref_slice %arg4[%dma_start3A_200, %mul3A_32] : memref<8x50176xi32, #tpu.memory_space<hbm>> -> memref<1x6272xi32, #tpu.memory_space<hbm>>
    %dma_start3A_202 = tpu.memref_squeeze %dma_start3A_201 : memref<1x6272xi32, #tpu.memory_space<hbm>> -> memref<6272xi32, #tpu.memory_space<hbm>>
    %dma_start3A_203 = tpu.memref_slice %arg4[%dma_start3A_200, %mul3A_32] : memref<8x50176xi32, #tpu.memory_space<hbm>> -> memref<1x6272xi32, #tpu.memory_space<hbm>>
    %dma_start3A_204 = tpu.memref_squeeze %dma_start3A_203 : memref<1x6272xi32, #tpu.memory_space<hbm>> -> memref<6272xi32, #tpu.memory_space<hbm>>
    tpu.enqueue_dma source(%dma_start3A_204 : memref<6272xi32, #tpu.memory_space<hbm>>) target(%arg9 : memref<6272xi32, #tpu.memory_space<vmem>>) target_semaphore(%arg14 : memref<!tpu.dma_semaphore, #tpu.memory_space<semaphore_mem>>)
    %dma_start3A_205 = arith.constant 6 : i32
    %dma_start3A_206 = tpu.memref_slice %arg5[%dma_start3A_205, %mul3A_32] : memref<8x50176xf32, #tpu.memory_space<hbm>> -> memref<1x6272xf32, #tpu.memory_space<hbm>>
    %dma_start3A_207 = tpu.memref_squeeze %dma_start3A_206 : memref<1x6272xf32, #tpu.memory_space<hbm>> -> memref<6272xf32, #tpu.memory_space<hbm>>
    %dma_start3A_208 = tpu.memref_slice %arg5[%dma_start3A_205, %mul3A_32] : memref<8x50176xf32, #tpu.memory_space<hbm>> -> memref<1x6272xf32, #tpu.memory_space<hbm>>
    %dma_start3A_209 = tpu.memref_squeeze %dma_start3A_208 : memref<1x6272xf32, #tpu.memory_space<hbm>> -> memref<6272xf32, #tpu.memory_space<hbm>>
    tpu.enqueue_dma source(%dma_start3A_209 : memref<6272xf32, #tpu.memory_space<hbm>>) target(%arg11 : memref<6272xf32, #tpu.memory_space<vmem>>) target_semaphore(%arg14 : memref<!tpu.dma_semaphore, #tpu.memory_space<semaphore_mem>>)
    %dma_wait3A_210 = arith.constant 5 : i32
    %dma_wait3A_211 = tpu.memref_slice %arg4[%dma_wait3A_210, %mul3A_32] : memref<8x50176xi32, #tpu.memory_space<hbm>> -> memref<1x6272xi32, #tpu.memory_space<hbm>>
    %dma_wait3A_212 = tpu.memref_squeeze %dma_wait3A_211 : memref<1x6272xi32, #tpu.memory_space<hbm>> -> memref<6272xi32, #tpu.memory_space<hbm>>
    %dma_wait3A_213 = tpu.memref_slice %arg4[%dma_wait3A_210, %mul3A_32] : memref<8x50176xi32, #tpu.memory_space<hbm>> -> memref<1x6272xi32, #tpu.memory_space<hbm>>
    %dma_wait3A_214 = tpu.memref_squeeze %dma_wait3A_213 : memref<1x6272xi32, #tpu.memory_space<hbm>> -> memref<6272xi32, #tpu.memory_space<hbm>>
    tpu.wait_dma2 semaphore(%arg15 : memref<!tpu.dma_semaphore, #tpu.memory_space<semaphore_mem>>) src(%dma_wait3A_214 : memref<6272xi32, #tpu.memory_space<hbm>>) dst(%arg10 : memref<6272xi32, #tpu.memory_space<vmem>>)
    %dma_wait3A_215 = arith.constant 5 : i32
    %dma_wait3A_216 = tpu.memref_slice %arg5[%dma_wait3A_215, %mul3A_32] : memref<8x50176xf32, #tpu.memory_space<hbm>> -> memref<1x6272xf32, #tpu.memory_space<hbm>>
    %dma_wait3A_217 = tpu.memref_squeeze %dma_wait3A_216 : memref<1x6272xf32, #tpu.memory_space<hbm>> -> memref<6272xf32, #tpu.memory_space<hbm>>
    %dma_wait3A_218 = tpu.memref_slice %arg5[%dma_wait3A_215, %mul3A_32] : memref<8x50176xf32, #tpu.memory_space<hbm>> -> memref<1x6272xf32, #tpu.memory_space<hbm>>
    %dma_wait3A_219 = tpu.memref_squeeze %dma_wait3A_218 : memref<1x6272xf32, #tpu.memory_space<hbm>> -> memref<6272xf32, #tpu.memory_space<hbm>>
    tpu.wait_dma2 semaphore(%arg15 : memref<!tpu.dma_semaphore, #tpu.memory_space<semaphore_mem>>) src(%dma_wait3A_219 : memref<6272xf32, #tpu.memory_space<hbm>>) dst(%arg12 : memref<6272xf32, #tpu.memory_space<vmem>>)
    %scan3A_220 = arith.constant 0 : i32
    %scan3A_221 = arith.constant 0 : i32
    %scan3A_222 = arith.constant 98 : i32
    %scan3A_223 = arith.addi %scan3A_221, %scan3A_222 : i32
    %scan3A_224 = arith.constant 1 : i32
    %scan3A_225 = scf.for %scan3A_278 = %scan3A_221 to %scan3A_223 step %scan3A_224 iter_args(%scan3A_279 = %scan3A_220) -> (i32)  : i32 {
      %mul3A_280 = arith.constant 64 : i32
      %mul3A_281 = arith.muli %scan3A_278, %mul3A_280 : i32
      %add3A_282 = arith.constant 0 : i32
      %add3A_283 = arith.addi %mul3A_281, %add3A_282 : i32
      %get3A = arith.index_cast %add3A_283 : i32 to index
      %get3A_284 = tpu.vector_load %arg10[%get3A] {strides = array<i32>} : memref<6272xi32, #tpu.memory_space<vmem>>, vector<16xi32>,
      %shift_right_logical3A = arith.constant 10 : i32
      %shift_right_logical3A_285 = vector.broadcast %shift_right_logical3A : i32 to vector<16xi32>
      %shift_right_logical3A_286 = arith.shrui %get3A_284, %shift_right_logical3A_285 : vector<16xi32>
      %and3A_287 = arith.constant 1023 : i32
      %and3A_288 = vector.broadcast %and3A_287 : i32 to vector<16xi32>
      %and3A_289 = arith.andi %get3A_284, %and3A_288 : vector<16xi32>
      %gather3A = tpu.vector_load_idx %arg7[%shift_right_logical3A_286, %and3A_289] : memref<32x1024xf32, #tpu.memory_space<vmem>>[vector<16xi32>, vector<16xi32>], vector<16xf32>,
      %get3A_290 = arith.index_cast %add3A_283 : i32 to index
      %get3A_291 = tpu.vector_load %arg8[%get3A_290] {strides = array<i32>} : memref<6272xf32, #tpu.memory_space<vmem>>, vector<16xf32>,
      %get3A_292 = arith.index_cast %add3A_283 : i32 to index
      %get3A_293 = tpu.vector_load %arg12[%get3A_292] {strides = array<i32>} : memref<6272xf32, #tpu.memory_space<vmem>>, vector<16xf32>,
      %mul3A_294 = arith.mulf %gather3A, %get3A_293 : vector<16xf32>
      %add3A_295 = arith.addf %get3A_291, %mul3A_294 : vector<16xf32>
      %swap3A = arith.index_cast %add3A_283 : i32 to index
      %swap3A_296 = tpu.vector_load %arg8[%swap3A] {strides = array<i32>} : memref<6272xf32, #tpu.memory_space<vmem>>, vector<16xf32>,
      tpu.vector_store %arg8[%swap3A], %add3A_295 {strides = array<i32>} : memref<6272xf32, #tpu.memory_space<vmem>>, vector<16xf32>,
      %mul3A_297 = arith.constant 64 : i32
      %mul3A_298 = arith.muli %scan3A_278, %mul3A_297 : i32
      %add3A_299 = arith.constant 16 : i32
      %add3A_300 = arith.addi %mul3A_298, %add3A_299 : i32
      %get3A_301 = arith.index_cast %add3A_300 : i32 to index
      %get3A_302 = tpu.vector_load %arg10[%get3A_301] {strides = array<i32>} : memref<6272xi32, #tpu.memory_space<vmem>>, vector<16xi32>,
      %shift_right_logical3A_303 = arith.constant 10 : i32
      %shift_right_logical3A_304 = vector.broadcast %shift_right_logical3A_303 : i32 to vector<16xi32>
      %shift_right_logical3A_305 = arith.shrui %get3A_302, %shift_right_logical3A_304 : vector<16xi32>
      %and3A_306 = arith.constant 1023 : i32
      %and3A_307 = vector.broadcast %and3A_306 : i32 to vector<16xi32>
      %and3A_308 = arith.andi %get3A_302, %and3A_307 : vector<16xi32>
      %gather3A_309 = tpu.vector_load_idx %arg7[%shift_right_logical3A_305, %and3A_308] : memref<32x1024xf32, #tpu.memory_space<vmem>>[vector<16xi32>, vector<16xi32>], vector<16xf32>,
      %get3A_310 = arith.index_cast %add3A_300 : i32 to index
      %get3A_311 = tpu.vector_load %arg8[%get3A_310] {strides = array<i32>} : memref<6272xf32, #tpu.memory_space<vmem>>, vector<16xf32>,
      %get3A_312 = arith.index_cast %add3A_300 : i32 to index
      %get3A_313 = tpu.vector_load %arg12[%get3A_312] {strides = array<i32>} : memref<6272xf32, #tpu.memory_space<vmem>>, vector<16xf32>,
      %mul3A_314 = arith.mulf %gather3A_309, %get3A_313 : vector<16xf32>
      %add3A_315 = arith.addf %get3A_311, %mul3A_314 : vector<16xf32>
      %swap3A_316 = arith.index_cast %add3A_300 : i32 to index
      %swap3A_317 = tpu.vector_load %arg8[%swap3A_316] {strides = array<i32>} : memref<6272xf32, #tpu.memory_space<vmem>>, vector<16xf32>,
      tpu.vector_store %arg8[%swap3A_316], %add3A_315 {strides = array<i32>} : memref<6272xf32, #tpu.memory_space<vmem>>, vector<16xf32>,
      %mul3A_318 = arith.constant 64 : i32
      %mul3A_319 = arith.muli %scan3A_278, %mul3A_318 : i32
      %add3A_320 = arith.constant 32 : i32
      %add3A_321 = arith.addi %mul3A_319, %add3A_320 : i32
      %get3A_322 = arith.index_cast %add3A_321 : i32 to index
      %get3A_323 = tpu.vector_load %arg10[%get3A_322] {strides = array<i32>} : memref<6272xi32, #tpu.memory_space<vmem>>, vector<16xi32>,
      %shift_right_logical3A_324 = arith.constant 10 : i32
      %shift_right_logical3A_325 = vector.broadcast %shift_right_logical3A_324 : i32 to vector<16xi32>
      %shift_right_logical3A_326 = arith.shrui %get3A_323, %shift_right_logical3A_325 : vector<16xi32>
      %and3A_327 = arith.constant 1023 : i32
      %and3A_328 = vector.broadcast %and3A_327 : i32 to vector<16xi32>
      %and3A_329 = arith.andi %get3A_323, %and3A_328 : vector<16xi32>
      %gather3A_330 = tpu.vector_load_idx %arg7[%shift_right_logical3A_326, %and3A_329] : memref<32x1024xf32, #tpu.memory_space<vmem>>[vector<16xi32>, vector<16xi32>], vector<16xf32>,
      %get3A_331 = arith.index_cast %add3A_321 : i32 to index
      %get3A_332 = tpu.vector_load %arg8[%get3A_331] {strides = array<i32>} : memref<6272xf32, #tpu.memory_space<vmem>>, vector<16xf32>,
      %get3A_333 = arith.index_cast %add3A_321 : i32 to index
      %get3A_334 = tpu.vector_load %arg12[%get3A_333] {strides = array<i32>} : memref<6272xf32, #tpu.memory_space<vmem>>, vector<16xf32>,
      %mul3A_335 = arith.mulf %gather3A_330, %get3A_334 : vector<16xf32>
      %add3A_336 = arith.addf %get3A_332, %mul3A_335 : vector<16xf32>
      %swap3A_337 = arith.index_cast %add3A_321 : i32 to index
      %swap3A_338 = tpu.vector_load %arg8[%swap3A_337] {strides = array<i32>} : memref<6272xf32, #tpu.memory_space<vmem>>, vector<16xf32>,
      tpu.vector_store %arg8[%swap3A_337], %add3A_336 {strides = array<i32>} : memref<6272xf32, #tpu.memory_space<vmem>>, vector<16xf32>,
      %mul3A_339 = arith.constant 64 : i32
      %mul3A_340 = arith.muli %scan3A_278, %mul3A_339 : i32
      %add3A_341 = arith.constant 48 : i32
      %add3A_342 = arith.addi %mul3A_340, %add3A_341 : i32
      %get3A_343 = arith.index_cast %add3A_342 : i32 to index
      %get3A_344 = tpu.vector_load %arg10[%get3A_343] {strides = array<i32>} : memref<6272xi32, #tpu.memory_space<vmem>>, vector<16xi32>,
      %shift_right_logical3A_345 = arith.constant 10 : i32
      %shift_right_logical3A_346 = vector.broadcast %shift_right_logical3A_345 : i32 to vector<16xi32>
      %shift_right_logical3A_347 = arith.shrui %get3A_344, %shift_right_logical3A_346 : vector<16xi32>
      %and3A_348 = arith.constant 1023 : i32
      %and3A_349 = vector.broadcast %and3A_348 : i32 to vector<16xi32>
      %and3A_350 = arith.andi %get3A_344, %and3A_349 : vector<16xi32>
      %gather3A_351 = tpu.vector_load_idx %arg7[%shift_right_logical3A_347, %and3A_350] : memref<32x1024xf32, #tpu.memory_space<vmem>>[vector<16xi32>, vector<16xi32>], vector<16xf32>,
      %get3A_352 = arith.index_cast %add3A_342 : i32 to index
      %get3A_353 = tpu.vector_load %arg8[%get3A_352] {strides = array<i32>} : memref<6272xf32, #tpu.memory_space<vmem>>, vector<16xf32>,
      %get3A_354 = arith.index_cast %add3A_342 : i32 to index
      %get3A_355 = tpu.vector_load %arg12[%get3A_354] {strides = array<i32>} : memref<6272xf32, #tpu.memory_space<vmem>>, vector<16xf32>,
      %mul3A_356 = arith.mulf %gather3A_351, %get3A_355 : vector<16xf32>
      %add3A_357 = arith.addf %get3A_353, %mul3A_356 : vector<16xf32>
      %swap3A_358 = arith.index_cast %add3A_342 : i32 to index
      %swap3A_359 = tpu.vector_load %arg8[%swap3A_358] {strides = array<i32>} : memref<6272xf32, #tpu.memory_space<vmem>>, vector<16xf32>,
      tpu.vector_store %arg8[%swap3A_358], %add3A_357 {strides = array<i32>} : memref<6272xf32, #tpu.memory_space<vmem>>, vector<16xf32>,
      %scan3A_360 = arith.constant 0 : i32
      scf.yield %scan3A_360 : i32
    }
    %scan3A_226 = arith.constant 98 : i32
    %dma_start3A_227 = arith.constant 7 : i32
    %dma_start3A_228 = tpu.memref_slice %arg4[%dma_start3A_227, %mul3A_32] : memref<8x50176xi32, #tpu.memory_space<hbm>> -> memref<1x6272xi32, #tpu.memory_space<hbm>>
    %dma_start3A_229 = tpu.memref_squeeze %dma_start3A_228 : memref<1x6272xi32, #tpu.memory_space<hbm>> -> memref<6272xi32, #tpu.memory_space<hbm>>
    %dma_start3A_230 = tpu.memref_slice %arg4[%dma_start3A_227, %mul3A_32] : memref<8x50176xi32, #tpu.memory_space<hbm>> -> memref<1x6272xi32, #tpu.memory_space<hbm>>
    %dma_start3A_231 = tpu.memref_squeeze %dma_start3A_230 : memref<1x6272xi32, #tpu.memory_space<hbm>> -> memref<6272xi32, #tpu.memory_space<hbm>>
    tpu.enqueue_dma source(%dma_start3A_231 : memref<6272xi32, #tpu.memory_space<hbm>>) target(%arg10 : memref<6272xi32, #tpu.memory_space<vmem>>) target_semaphore(%arg15 : memref<!tpu.dma_semaphore, #tpu.memory_space<semaphore_mem>>)
    %dma_start3A_232 = arith.constant 7 : i32
    %dma_start3A_233 = tpu.memref_slice %arg5[%dma_start3A_232, %mul3A_32] : memref<8x50176xf32, #tpu.memory_space<hbm>> -> memref<1x6272xf32, #tpu.memory_space<hbm>>
    %dma_start3A_234 = tpu.memref_squeeze %dma_start3A_233 : memref<1x6272xf32, #tpu.memory_space<hbm>> -> memref<6272xf32, #tpu.memory_space<hbm>>
    %dma_start3A_235 = tpu.memref_slice %arg5[%dma_start3A_232, %mul3A_32] : memref<8x50176xf32, #tpu.memory_space<hbm>> -> memref<1x6272xf32, #tpu.memory_space<hbm>>
    %dma_start3A_236 = tpu.memref_squeeze %dma_start3A_235 : memref<1x6272xf32, #tpu.memory_space<hbm>> -> memref<6272xf32, #tpu.memory_space<hbm>>
    tpu.enqueue_dma source(%dma_start3A_236 : memref<6272xf32, #tpu.memory_space<hbm>>) target(%arg12 : memref<6272xf32, #tpu.memory_space<vmem>>) target_semaphore(%arg15 : memref<!tpu.dma_semaphore, #tpu.memory_space<semaphore_mem>>)
    %dma_wait3A_237 = arith.constant 6 : i32
    %dma_wait3A_238 = tpu.memref_slice %arg4[%dma_wait3A_237, %mul3A_32] : memref<8x50176xi32, #tpu.memory_space<hbm>> -> memref<1x6272xi32, #tpu.memory_space<hbm>>
    %dma_wait3A_239 = tpu.memref_squeeze %dma_wait3A_238 : memref<1x6272xi32, #tpu.memory_space<hbm>> -> memref<6272xi32, #tpu.memory_space<hbm>>
    %dma_wait3A_240 = tpu.memref_slice %arg4[%dma_wait3A_237, %mul3A_32] : memref<8x50176xi32, #tpu.memory_space<hbm>> -> memref<1x6272xi32, #tpu.memory_space<hbm>>
    %dma_wait3A_241 = tpu.memref_squeeze %dma_wait3A_240 : memref<1x6272xi32, #tpu.memory_space<hbm>> -> memref<6272xi32, #tpu.memory_space<hbm>>
    tpu.wait_dma2 semaphore(%arg14 : memref<!tpu.dma_semaphore, #tpu.memory_space<semaphore_mem>>) src(%dma_wait3A_241 : memref<6272xi32, #tpu.memory_space<hbm>>) dst(%arg9 : memref<6272xi32, #tpu.memory_space<vmem>>)
    %dma_wait3A_242 = arith.constant 6 : i32
    %dma_wait3A_243 = tpu.memref_slice %arg5[%dma_wait3A_242, %mul3A_32] : memref<8x50176xf32, #tpu.memory_space<hbm>> -> memref<1x6272xf32, #tpu.memory_space<hbm>>
    %dma_wait3A_244 = tpu.memref_squeeze %dma_wait3A_243 : memref<1x6272xf32, #tpu.memory_space<hbm>> -> memref<6272xf32, #tpu.memory_space<hbm>>
    %dma_wait3A_245 = tpu.memref_slice %arg5[%dma_wait3A_242, %mul3A_32] : memref<8x50176xf32, #tpu.memory_space<hbm>> -> memref<1x6272xf32, #tpu.memory_space<hbm>>
    %dma_wait3A_246 = tpu.memref_squeeze %dma_wait3A_245 : memref<1x6272xf32, #tpu.memory_space<hbm>> -> memref<6272xf32, #tpu.memory_space<hbm>>
    tpu.wait_dma2 semaphore(%arg14 : memref<!tpu.dma_semaphore, #tpu.memory_space<semaphore_mem>>) src(%dma_wait3A_246 : memref<6272xf32, #tpu.memory_space<hbm>>) dst(%arg11 : memref<6272xf32, #tpu.memory_space<vmem>>)
    %scan3A_247 = arith.constant 0 : i32
    %scan3A_248 = arith.constant 0 : i32
    %scan3A_249 = arith.constant 98 : i32
    %scan3A_250 = arith.addi %scan3A_248, %scan3A_249 : i32
    %scan3A_251 = arith.constant 1 : i32
    %scan3A_252 = scf.for %scan3A_278 = %scan3A_248 to %scan3A_250 step %scan3A_251 iter_args(%scan3A_279 = %scan3A_247) -> (i32)  : i32 {
      %mul3A_280 = arith.constant 64 : i32
      %mul3A_281 = arith.muli %scan3A_278, %mul3A_280 : i32
      %add3A_282 = arith.constant 0 : i32
      %add3A_283 = arith.addi %mul3A_281, %add3A_282 : i32
      %get3A = arith.index_cast %add3A_283 : i32 to index
      %get3A_284 = tpu.vector_load %arg9[%get3A] {strides = array<i32>} : memref<6272xi32, #tpu.memory_space<vmem>>, vector<16xi32>,
      %shift_right_logical3A = arith.constant 10 : i32
      %shift_right_logical3A_285 = vector.broadcast %shift_right_logical3A : i32 to vector<16xi32>
      %shift_right_logical3A_286 = arith.shrui %get3A_284, %shift_right_logical3A_285 : vector<16xi32>
      %and3A_287 = arith.constant 1023 : i32
      %and3A_288 = vector.broadcast %and3A_287 : i32 to vector<16xi32>
      %and3A_289 = arith.andi %get3A_284, %and3A_288 : vector<16xi32>
      %gather3A = tpu.vector_load_idx %arg7[%shift_right_logical3A_286, %and3A_289] : memref<32x1024xf32, #tpu.memory_space<vmem>>[vector<16xi32>, vector<16xi32>], vector<16xf32>,
      %get3A_290 = arith.index_cast %add3A_283 : i32 to index
      %get3A_291 = tpu.vector_load %arg8[%get3A_290] {strides = array<i32>} : memref<6272xf32, #tpu.memory_space<vmem>>, vector<16xf32>,
      %get3A_292 = arith.index_cast %add3A_283 : i32 to index
      %get3A_293 = tpu.vector_load %arg11[%get3A_292] {strides = array<i32>} : memref<6272xf32, #tpu.memory_space<vmem>>, vector<16xf32>,
      %mul3A_294 = arith.mulf %gather3A, %get3A_293 : vector<16xf32>
      %add3A_295 = arith.addf %get3A_291, %mul3A_294 : vector<16xf32>
      %swap3A = arith.index_cast %add3A_283 : i32 to index
      %swap3A_296 = tpu.vector_load %arg8[%swap3A] {strides = array<i32>} : memref<6272xf32, #tpu.memory_space<vmem>>, vector<16xf32>,
      tpu.vector_store %arg8[%swap3A], %add3A_295 {strides = array<i32>} : memref<6272xf32, #tpu.memory_space<vmem>>, vector<16xf32>,
      %mul3A_297 = arith.constant 64 : i32
      %mul3A_298 = arith.muli %scan3A_278, %mul3A_297 : i32
      %add3A_299 = arith.constant 16 : i32
      %add3A_300 = arith.addi %mul3A_298, %add3A_299 : i32
      %get3A_301 = arith.index_cast %add3A_300 : i32 to index
      %get3A_302 = tpu.vector_load %arg9[%get3A_301] {strides = array<i32>} : memref<6272xi32, #tpu.memory_space<vmem>>, vector<16xi32>,
      %shift_right_logical3A_303 = arith.constant 10 : i32
      %shift_right_logical3A_304 = vector.broadcast %shift_right_logical3A_303 : i32 to vector<16xi32>
      %shift_right_logical3A_305 = arith.shrui %get3A_302, %shift_right_logical3A_304 : vector<16xi32>
      %and3A_306 = arith.constant 1023 : i32
      %and3A_307 = vector.broadcast %and3A_306 : i32 to vector<16xi32>
      %and3A_308 = arith.andi %get3A_302, %and3A_307 : vector<16xi32>
      %gather3A_309 = tpu.vector_load_idx %arg7[%shift_right_logical3A_305, %and3A_308] : memref<32x1024xf32, #tpu.memory_space<vmem>>[vector<16xi32>, vector<16xi32>], vector<16xf32>,
      %get3A_310 = arith.index_cast %add3A_300 : i32 to index
      %get3A_311 = tpu.vector_load %arg8[%get3A_310] {strides = array<i32>} : memref<6272xf32, #tpu.memory_space<vmem>>, vector<16xf32>,
      %get3A_312 = arith.index_cast %add3A_300 : i32 to index
      %get3A_313 = tpu.vector_load %arg11[%get3A_312] {strides = array<i32>} : memref<6272xf32, #tpu.memory_space<vmem>>, vector<16xf32>,
      %mul3A_314 = arith.mulf %gather3A_309, %get3A_313 : vector<16xf32>
      %add3A_315 = arith.addf %get3A_311, %mul3A_314 : vector<16xf32>
      %swap3A_316 = arith.index_cast %add3A_300 : i32 to index
      %swap3A_317 = tpu.vector_load %arg8[%swap3A_316] {strides = array<i32>} : memref<6272xf32, #tpu.memory_space<vmem>>, vector<16xf32>,
      tpu.vector_store %arg8[%swap3A_316], %add3A_315 {strides = array<i32>} : memref<6272xf32, #tpu.memory_space<vmem>>, vector<16xf32>,
      %mul3A_318 = arith.constant 64 : i32
      %mul3A_319 = arith.muli %scan3A_278, %mul3A_318 : i32
      %add3A_320 = arith.constant 32 : i32
      %add3A_321 = arith.addi %mul3A_319, %add3A_320 : i32
      %get3A_322 = arith.index_cast %add3A_321 : i32 to index
      %get3A_323 = tpu.vector_load %arg9[%get3A_322] {strides = array<i32>} : memref<6272xi32, #tpu.memory_space<vmem>>, vector<16xi32>,
      %shift_right_logical3A_324 = arith.constant 10 : i32
      %shift_right_logical3A_325 = vector.broadcast %shift_right_logical3A_324 : i32 to vector<16xi32>
      %shift_right_logical3A_326 = arith.shrui %get3A_323, %shift_right_logical3A_325 : vector<16xi32>
      %and3A_327 = arith.constant 1023 : i32
      %and3A_328 = vector.broadcast %and3A_327 : i32 to vector<16xi32>
      %and3A_329 = arith.andi %get3A_323, %and3A_328 : vector<16xi32>
      %gather3A_330 = tpu.vector_load_idx %arg7[%shift_right_logical3A_326, %and3A_329] : memref<32x1024xf32, #tpu.memory_space<vmem>>[vector<16xi32>, vector<16xi32>], vector<16xf32>,
      %get3A_331 = arith.index_cast %add3A_321 : i32 to index
      %get3A_332 = tpu.vector_load %arg8[%get3A_331] {strides = array<i32>} : memref<6272xf32, #tpu.memory_space<vmem>>, vector<16xf32>,
      %get3A_333 = arith.index_cast %add3A_321 : i32 to index
      %get3A_334 = tpu.vector_load %arg11[%get3A_333] {strides = array<i32>} : memref<6272xf32, #tpu.memory_space<vmem>>, vector<16xf32>,
      %mul3A_335 = arith.mulf %gather3A_330, %get3A_334 : vector<16xf32>
      %add3A_336 = arith.addf %get3A_332, %mul3A_335 : vector<16xf32>
      %swap3A_337 = arith.index_cast %add3A_321 : i32 to index
      %swap3A_338 = tpu.vector_load %arg8[%swap3A_337] {strides = array<i32>} : memref<6272xf32, #tpu.memory_space<vmem>>, vector<16xf32>,
      tpu.vector_store %arg8[%swap3A_337], %add3A_336 {strides = array<i32>} : memref<6272xf32, #tpu.memory_space<vmem>>, vector<16xf32>,
      %mul3A_339 = arith.constant 64 : i32
      %mul3A_340 = arith.muli %scan3A_278, %mul3A_339 : i32
      %add3A_341 = arith.constant 48 : i32
      %add3A_342 = arith.addi %mul3A_340, %add3A_341 : i32
      %get3A_343 = arith.index_cast %add3A_342 : i32 to index
      %get3A_344 = tpu.vector_load %arg9[%get3A_343] {strides = array<i32>} : memref<6272xi32, #tpu.memory_space<vmem>>, vector<16xi32>,
      %shift_right_logical3A_345 = arith.constant 10 : i32
      %shift_right_logical3A_346 = vector.broadcast %shift_right_logical3A_345 : i32 to vector<16xi32>
      %shift_right_logical3A_347 = arith.shrui %get3A_344, %shift_right_logical3A_346 : vector<16xi32>
      %and3A_348 = arith.constant 1023 : i32
      %and3A_349 = vector.broadcast %and3A_348 : i32 to vector<16xi32>
      %and3A_350 = arith.andi %get3A_344, %and3A_349 : vector<16xi32>
      %gather3A_351 = tpu.vector_load_idx %arg7[%shift_right_logical3A_347, %and3A_350] : memref<32x1024xf32, #tpu.memory_space<vmem>>[vector<16xi32>, vector<16xi32>], vector<16xf32>,
      %get3A_352 = arith.index_cast %add3A_342 : i32 to index
      %get3A_353 = tpu.vector_load %arg8[%get3A_352] {strides = array<i32>} : memref<6272xf32, #tpu.memory_space<vmem>>, vector<16xf32>,
      %get3A_354 = arith.index_cast %add3A_342 : i32 to index
      %get3A_355 = tpu.vector_load %arg11[%get3A_354] {strides = array<i32>} : memref<6272xf32, #tpu.memory_space<vmem>>, vector<16xf32>,
      %mul3A_356 = arith.mulf %gather3A_351, %get3A_355 : vector<16xf32>
      %add3A_357 = arith.addf %get3A_353, %mul3A_356 : vector<16xf32>
      %swap3A_358 = arith.index_cast %add3A_342 : i32 to index
      %swap3A_359 = tpu.vector_load %arg8[%swap3A_358] {strides = array<i32>} : memref<6272xf32, #tpu.memory_space<vmem>>, vector<16xf32>,
      tpu.vector_store %arg8[%swap3A_358], %add3A_357 {strides = array<i32>} : memref<6272xf32, #tpu.memory_space<vmem>>, vector<16xf32>,
      %scan3A_360 = arith.constant 0 : i32
      scf.yield %scan3A_360 : i32
    }
    %scan3A_253 = arith.constant 98 : i32
    %dma_wait3A_254 = arith.constant 7 : i32
    %dma_wait3A_255 = tpu.memref_slice %arg4[%dma_wait3A_254, %mul3A_32] : memref<8x50176xi32, #tpu.memory_space<hbm>> -> memref<1x6272xi32, #tpu.memory_space<hbm>>
    %dma_wait3A_256 = tpu.memref_squeeze %dma_wait3A_255 : memref<1x6272xi32, #tpu.memory_space<hbm>> -> memref<6272xi32, #tpu.memory_space<hbm>>
    %dma_wait3A_257 = tpu.memref_slice %arg4[%dma_wait3A_254, %mul3A_32] : memref<8x50176xi32, #tpu.memory_space<hbm>> -> memref<1x6272xi32, #tpu.memory_space<hbm>>
    %dma_wait3A_258 = tpu.memref_squeeze %dma_wait3A_257 : memref<1x6272xi32, #tpu.memory_space<hbm>> -> memref<6272xi32, #tpu.memory_space<hbm>>
    tpu.wait_dma2 semaphore(%arg15 : memref<!tpu.dma_semaphore, #tpu.memory_space<semaphore_mem>>) src(%dma_wait3A_258 : memref<6272xi32, #tpu.memory_space<hbm>>) dst(%arg10 : memref<6272xi32, #tpu.memory_space<vmem>>)
    %dma_wait3A_259 = arith.constant 7 : i32
    %dma_wait3A_260 = tpu.memref_slice %arg5[%dma_wait3A_259, %mul3A_32] : memref<8x50176xf32, #tpu.memory_space<hbm>> -> memref<1x6272xf32, #tpu.memory_space<hbm>>
    %dma_wait3A_261 = tpu.memref_squeeze %dma_wait3A_260 : memref<1x6272xf32, #tpu.memory_space<hbm>> -> memref<6272xf32, #tpu.memory_space<hbm>>
    %dma_wait3A_262 = tpu.memref_slice %arg5[%dma_wait3A_259, %mul3A_32] : memref<8x50176xf32, #tpu.memory_space<hbm>> -> memref<1x6272xf32, #tpu.memory_space<hbm>>
    %dma_wait3A_263 = tpu.memref_squeeze %dma_wait3A_262 : memref<1x6272xf32, #tpu.memory_space<hbm>> -> memref<6272xf32, #tpu.memory_space<hbm>>
    tpu.wait_dma2 semaphore(%arg15 : memref<!tpu.dma_semaphore, #tpu.memory_space<semaphore_mem>>) src(%dma_wait3A_263 : memref<6272xf32, #tpu.memory_space<hbm>>) dst(%arg12 : memref<6272xf32, #tpu.memory_space<vmem>>)
    %scan3A_264 = arith.constant 0 : i32
    %scan3A_265 = arith.constant 0 : i32
    %scan3A_266 = arith.constant 98 : i32
    %scan3A_267 = arith.addi %scan3A_265, %scan3A_266 : i32
    %scan3A_268 = arith.constant 1 : i32
    %scan3A_269 = scf.for %scan3A_278 = %scan3A_265 to %scan3A_267 step %scan3A_268 iter_args(%scan3A_279 = %scan3A_264) -> (i32)  : i32 {
      %mul3A_280 = arith.constant 64 : i32
      %mul3A_281 = arith.muli %scan3A_278, %mul3A_280 : i32
      %add3A_282 = arith.constant 0 : i32
      %add3A_283 = arith.addi %mul3A_281, %add3A_282 : i32
      %get3A = arith.index_cast %add3A_283 : i32 to index
      %get3A_284 = tpu.vector_load %arg10[%get3A] {strides = array<i32>} : memref<6272xi32, #tpu.memory_space<vmem>>, vector<16xi32>,
      %shift_right_logical3A = arith.constant 10 : i32
      %shift_right_logical3A_285 = vector.broadcast %shift_right_logical3A : i32 to vector<16xi32>
      %shift_right_logical3A_286 = arith.shrui %get3A_284, %shift_right_logical3A_285 : vector<16xi32>
      %and3A_287 = arith.constant 1023 : i32
      %and3A_288 = vector.broadcast %and3A_287 : i32 to vector<16xi32>
      %and3A_289 = arith.andi %get3A_284, %and3A_288 : vector<16xi32>
      %gather3A = tpu.vector_load_idx %arg7[%shift_right_logical3A_286, %and3A_289] : memref<32x1024xf32, #tpu.memory_space<vmem>>[vector<16xi32>, vector<16xi32>], vector<16xf32>,
      %get3A_290 = arith.index_cast %add3A_283 : i32 to index
      %get3A_291 = tpu.vector_load %arg8[%get3A_290] {strides = array<i32>} : memref<6272xf32, #tpu.memory_space<vmem>>, vector<16xf32>,
      %get3A_292 = arith.index_cast %add3A_283 : i32 to index
      %get3A_293 = tpu.vector_load %arg12[%get3A_292] {strides = array<i32>} : memref<6272xf32, #tpu.memory_space<vmem>>, vector<16xf32>,
      %mul3A_294 = arith.mulf %gather3A, %get3A_293 : vector<16xf32>
      %add3A_295 = arith.addf %get3A_291, %mul3A_294 : vector<16xf32>
      %swap3A = arith.index_cast %add3A_283 : i32 to index
      %swap3A_296 = tpu.vector_load %arg8[%swap3A] {strides = array<i32>} : memref<6272xf32, #tpu.memory_space<vmem>>, vector<16xf32>,
      tpu.vector_store %arg8[%swap3A], %add3A_295 {strides = array<i32>} : memref<6272xf32, #tpu.memory_space<vmem>>, vector<16xf32>,
      %mul3A_297 = arith.constant 64 : i32
      %mul3A_298 = arith.muli %scan3A_278, %mul3A_297 : i32
      %add3A_299 = arith.constant 16 : i32
      %add3A_300 = arith.addi %mul3A_298, %add3A_299 : i32
      %get3A_301 = arith.index_cast %add3A_300 : i32 to index
      %get3A_302 = tpu.vector_load %arg10[%get3A_301] {strides = array<i32>} : memref<6272xi32, #tpu.memory_space<vmem>>, vector<16xi32>,
      %shift_right_logical3A_303 = arith.constant 10 : i32
      %shift_right_logical3A_304 = vector.broadcast %shift_right_logical3A_303 : i32 to vector<16xi32>
      %shift_right_logical3A_305 = arith.shrui %get3A_302, %shift_right_logical3A_304 : vector<16xi32>
      %and3A_306 = arith.constant 1023 : i32
      %and3A_307 = vector.broadcast %and3A_306 : i32 to vector<16xi32>
      %and3A_308 = arith.andi %get3A_302, %and3A_307 : vector<16xi32>
      %gather3A_309 = tpu.vector_load_idx %arg7[%shift_right_logical3A_305, %and3A_308] : memref<32x1024xf32, #tpu.memory_space<vmem>>[vector<16xi32>, vector<16xi32>], vector<16xf32>,
      %get3A_310 = arith.index_cast %add3A_300 : i32 to index
      %get3A_311 = tpu.vector_load %arg8[%get3A_310] {strides = array<i32>} : memref<6272xf32, #tpu.memory_space<vmem>>, vector<16xf32>,
      %get3A_312 = arith.index_cast %add3A_300 : i32 to index
      %get3A_313 = tpu.vector_load %arg12[%get3A_312] {strides = array<i32>} : memref<6272xf32, #tpu.memory_space<vmem>>, vector<16xf32>,
      %mul3A_314 = arith.mulf %gather3A_309, %get3A_313 : vector<16xf32>
      %add3A_315 = arith.addf %get3A_311, %mul3A_314 : vector<16xf32>
      %swap3A_316 = arith.index_cast %add3A_300 : i32 to index
      %swap3A_317 = tpu.vector_load %arg8[%swap3A_316] {strides = array<i32>} : memref<6272xf32, #tpu.memory_space<vmem>>, vector<16xf32>,
      tpu.vector_store %arg8[%swap3A_316], %add3A_315 {strides = array<i32>} : memref<6272xf32, #tpu.memory_space<vmem>>, vector<16xf32>,
      %mul3A_318 = arith.constant 64 : i32
      %mul3A_319 = arith.muli %scan3A_278, %mul3A_318 : i32
      %add3A_320 = arith.constant 32 : i32
      %add3A_321 = arith.addi %mul3A_319, %add3A_320 : i32
      %get3A_322 = arith.index_cast %add3A_321 : i32 to index
      %get3A_323 = tpu.vector_load %arg10[%get3A_322] {strides = array<i32>} : memref<6272xi32, #tpu.memory_space<vmem>>, vector<16xi32>,
      %shift_right_logical3A_324 = arith.constant 10 : i32
      %shift_right_logical3A_325 = vector.broadcast %shift_right_logical3A_324 : i32 to vector<16xi32>
      %shift_right_logical3A_326 = arith.shrui %get3A_323, %shift_right_logical3A_325 : vector<16xi32>
      %and3A_327 = arith.constant 1023 : i32
      %and3A_328 = vector.broadcast %and3A_327 : i32 to vector<16xi32>
      %and3A_329 = arith.andi %get3A_323, %and3A_328 : vector<16xi32>
      %gather3A_330 = tpu.vector_load_idx %arg7[%shift_right_logical3A_326, %and3A_329] : memref<32x1024xf32, #tpu.memory_space<vmem>>[vector<16xi32>, vector<16xi32>], vector<16xf32>,
      %get3A_331 = arith.index_cast %add3A_321 : i32 to index
      %get3A_332 = tpu.vector_load %arg8[%get3A_331] {strides = array<i32>} : memref<6272xf32, #tpu.memory_space<vmem>>, vector<16xf32>,
      %get3A_333 = arith.index_cast %add3A_321 : i32 to index
      %get3A_334 = tpu.vector_load %arg12[%get3A_333] {strides = array<i32>} : memref<6272xf32, #tpu.memory_space<vmem>>, vector<16xf32>,
      %mul3A_335 = arith.mulf %gather3A_330, %get3A_334 : vector<16xf32>
      %add3A_336 = arith.addf %get3A_332, %mul3A_335 : vector<16xf32>
      %swap3A_337 = arith.index_cast %add3A_321 : i32 to index
      %swap3A_338 = tpu.vector_load %arg8[%swap3A_337] {strides = array<i32>} : memref<6272xf32, #tpu.memory_space<vmem>>, vector<16xf32>,
      tpu.vector_store %arg8[%swap3A_337], %add3A_336 {strides = array<i32>} : memref<6272xf32, #tpu.memory_space<vmem>>, vector<16xf32>,
      %mul3A_339 = arith.constant 64 : i32
      %mul3A_340 = arith.muli %scan3A_278, %mul3A_339 : i32
      %add3A_341 = arith.constant 48 : i32
      %add3A_342 = arith.addi %mul3A_340, %add3A_341 : i32
      %get3A_343 = arith.index_cast %add3A_342 : i32 to index
      %get3A_344 = tpu.vector_load %arg10[%get3A_343] {strides = array<i32>} : memref<6272xi32, #tpu.memory_space<vmem>>, vector<16xi32>,
      %shift_right_logical3A_345 = arith.constant 10 : i32
      %shift_right_logical3A_346 = vector.broadcast %shift_right_logical3A_345 : i32 to vector<16xi32>
      %shift_right_logical3A_347 = arith.shrui %get3A_344, %shift_right_logical3A_346 : vector<16xi32>
      %and3A_348 = arith.constant 1023 : i32
      %and3A_349 = vector.broadcast %and3A_348 : i32 to vector<16xi32>
      %and3A_350 = arith.andi %get3A_344, %and3A_349 : vector<16xi32>
      %gather3A_351 = tpu.vector_load_idx %arg7[%shift_right_logical3A_347, %and3A_350] : memref<32x1024xf32, #tpu.memory_space<vmem>>[vector<16xi32>, vector<16xi32>], vector<16xf32>,
      %get3A_352 = arith.index_cast %add3A_342 : i32 to index
      %get3A_353 = tpu.vector_load %arg8[%get3A_352] {strides = array<i32>} : memref<6272xf32, #tpu.memory_space<vmem>>, vector<16xf32>,
      %get3A_354 = arith.index_cast %add3A_342 : i32 to index
      %get3A_355 = tpu.vector_load %arg12[%get3A_354] {strides = array<i32>} : memref<6272xf32, #tpu.memory_space<vmem>>, vector<16xf32>,
      %mul3A_356 = arith.mulf %gather3A_351, %get3A_355 : vector<16xf32>
      %add3A_357 = arith.addf %get3A_353, %mul3A_356 : vector<16xf32>
      %swap3A_358 = arith.index_cast %add3A_342 : i32 to index
      %swap3A_359 = tpu.vector_load %arg8[%swap3A_358] {strides = array<i32>} : memref<6272xf32, #tpu.memory_space<vmem>>, vector<16xf32>,
      tpu.vector_store %arg8[%swap3A_358], %add3A_357 {strides = array<i32>} : memref<6272xf32, #tpu.memory_space<vmem>>, vector<16xf32>,
      %scan3A_360 = arith.constant 0 : i32
      scf.yield %scan3A_360 : i32
    }
    %scan3A_270 = arith.constant 98 : i32
    %scan3A_271 = arith.constant 0 : i32
    %scan3A_272 = arith.constant 0 : i32
    %scan3A_273 = arith.constant 98 : i32
    %scan3A_274 = arith.addi %scan3A_272, %scan3A_273 : i32
    %scan3A_275 = arith.constant 1 : i32
    %scan3A_276 = scf.for %scan3A_278 = %scan3A_272 to %scan3A_274 step %scan3A_275 iter_args(%scan3A_279 = %scan3A_271) -> (i32)  : i32 {
      %mul3A_280 = arith.constant 64 : i32
      %mul3A_281 = arith.muli %scan3A_278, %mul3A_280 : i32
      %add3A_282 = arith.constant 0 : i32
      %add3A_283 = arith.addi %mul3A_281, %add3A_282 : i32
      %get3A = arith.index_cast %add3A_283 : i32 to index
      %get3A_284 = tpu.vector_load %arg8[%get3A] {strides = array<i32>} : memref<6272xf32, #tpu.memory_space<vmem>>, vector<16xf32>,
      %get3A_285 = arith.index_cast %add3A_283 : i32 to index
      %get3A_286 = tpu.vector_load %arg13[%get3A_285] {strides = array<i32>} : memref<6272xf32, #tpu.memory_space<vmem>>, vector<16xf32>,
      %mul3A_287 = arith.mulf %get3A_284, %get3A_286 : vector<16xf32>
      %swap3A = arith.index_cast %add3A_283 : i32 to index
      %swap3A_288 = tpu.vector_load %arg8[%swap3A] {strides = array<i32>} : memref<6272xf32, #tpu.memory_space<vmem>>, vector<16xf32>,
      tpu.vector_store %arg8[%swap3A], %mul3A_287 {strides = array<i32>} : memref<6272xf32, #tpu.memory_space<vmem>>, vector<16xf32>,
      %mul3A_289 = arith.constant 64 : i32
      %mul3A_290 = arith.muli %scan3A_278, %mul3A_289 : i32
      %add3A_291 = arith.constant 16 : i32
      %add3A_292 = arith.addi %mul3A_290, %add3A_291 : i32
      %get3A_293 = arith.index_cast %add3A_292 : i32 to index
      %get3A_294 = tpu.vector_load %arg8[%get3A_293] {strides = array<i32>} : memref<6272xf32, #tpu.memory_space<vmem>>, vector<16xf32>,
      %get3A_295 = arith.index_cast %add3A_292 : i32 to index
      %get3A_296 = tpu.vector_load %arg13[%get3A_295] {strides = array<i32>} : memref<6272xf32, #tpu.memory_space<vmem>>, vector<16xf32>,
      %mul3A_297 = arith.mulf %get3A_294, %get3A_296 : vector<16xf32>
      %swap3A_298 = arith.index_cast %add3A_292 : i32 to index
      %swap3A_299 = tpu.vector_load %arg8[%swap3A_298] {strides = array<i32>} : memref<6272xf32, #tpu.memory_space<vmem>>, vector<16xf32>,
      tpu.vector_store %arg8[%swap3A_298], %mul3A_297 {strides = array<i32>} : memref<6272xf32, #tpu.memory_space<vmem>>, vector<16xf32>,
      %mul3A_300 = arith.constant 64 : i32
      %mul3A_301 = arith.muli %scan3A_278, %mul3A_300 : i32
      %add3A_302 = arith.constant 32 : i32
      %add3A_303 = arith.addi %mul3A_301, %add3A_302 : i32
      %get3A_304 = arith.index_cast %add3A_303 : i32 to index
      %get3A_305 = tpu.vector_load %arg8[%get3A_304] {strides = array<i32>} : memref<6272xf32, #tpu.memory_space<vmem>>, vector<16xf32>,
      %get3A_306 = arith.index_cast %add3A_303 : i32 to index
      %get3A_307 = tpu.vector_load %arg13[%get3A_306] {strides = array<i32>} : memref<6272xf32, #tpu.memory_space<vmem>>, vector<16xf32>,
      %mul3A_308 = arith.mulf %get3A_305, %get3A_307 : vector<16xf32>
      %swap3A_309 = arith.index_cast %add3A_303 : i32 to index
      %swap3A_310 = tpu.vector_load %arg8[%swap3A_309] {strides = array<i32>} : memref<6272xf32, #tpu.memory_space<vmem>>, vector<16xf32>,
      tpu.vector_store %arg8[%swap3A_309], %mul3A_308 {strides = array<i32>} : memref<6272xf32, #tpu.memory_space<vmem>>, vector<16xf32>,
      %mul3A_311 = arith.constant 64 : i32
      %mul3A_312 = arith.muli %scan3A_278, %mul3A_311 : i32
      %add3A_313 = arith.constant 48 : i32
      %add3A_314 = arith.addi %mul3A_312, %add3A_313 : i32
      %get3A_315 = arith.index_cast %add3A_314 : i32 to index
      %get3A_316 = tpu.vector_load %arg8[%get3A_315] {strides = array<i32>} : memref<6272xf32, #tpu.memory_space<vmem>>, vector<16xf32>,
      %get3A_317 = arith.index_cast %add3A_314 : i32 to index
      %get3A_318 = tpu.vector_load %arg13[%get3A_317] {strides = array<i32>} : memref<6272xf32, #tpu.memory_space<vmem>>, vector<16xf32>,
      %mul3A_319 = arith.mulf %get3A_316, %get3A_318 : vector<16xf32>
      %swap3A_320 = arith.index_cast %add3A_314 : i32 to index
      %swap3A_321 = tpu.vector_load %arg8[%swap3A_320] {strides = array<i32>} : memref<6272xf32, #tpu.memory_space<vmem>>, vector<16xf32>,
      tpu.vector_store %arg8[%swap3A_320], %mul3A_319 {strides = array<i32>} : memref<6272xf32, #tpu.memory_space<vmem>>, vector<16xf32>,
      %scan3A_322 = arith.constant 0 : i32
      scf.yield %scan3A_322 : i32
    }
    %scan3A_277 = arith.constant 98 : i32
    "tpu.region"() ({
      %run_scoped3A = tpu.sem_alloc : memref<!tpu.dma_semaphore, #tpu.memory_space<semaphore_mem>>
      %dma_start3A_278 = tpu.memref_slice %arg6[%select_n3A_30, %mul3A_32] : memref<4x50176xf32, #tpu.memory_space<hbm>> -> memref<1x6272xf32, #tpu.memory_space<hbm>>
      %dma_start3A_279 = tpu.memref_squeeze %dma_start3A_278 : memref<1x6272xf32, #tpu.memory_space<hbm>> -> memref<6272xf32, #tpu.memory_space<hbm>>
      %dma_start3A_280 = tpu.memref_slice %arg6[%select_n3A_30, %mul3A_32] : memref<4x50176xf32, #tpu.memory_space<hbm>> -> memref<1x6272xf32, #tpu.memory_space<hbm>>
      %dma_start3A_281 = tpu.memref_squeeze %dma_start3A_280 : memref<1x6272xf32, #tpu.memory_space<hbm>> -> memref<6272xf32, #tpu.memory_space<hbm>>
      tpu.enqueue_dma source(%arg8 : memref<6272xf32, #tpu.memory_space<vmem>>) target(%dma_start3A_281 : memref<6272xf32, #tpu.memory_space<hbm>>) target_semaphore(%run_scoped3A : memref<!tpu.dma_semaphore, #tpu.memory_space<semaphore_mem>>)
      %dma_wait3A_282 = tpu.memref_slice %arg6[%select_n3A_30, %mul3A_32] : memref<4x50176xf32, #tpu.memory_space<hbm>> -> memref<1x6272xf32, #tpu.memory_space<hbm>>
      %dma_wait3A_283 = tpu.memref_squeeze %dma_wait3A_282 : memref<1x6272xf32, #tpu.memory_space<hbm>> -> memref<6272xf32, #tpu.memory_space<hbm>>
      %dma_wait3A_284 = tpu.memref_slice %arg6[%select_n3A_30, %mul3A_32] : memref<4x50176xf32, #tpu.memory_space<hbm>> -> memref<1x6272xf32, #tpu.memory_space<hbm>>
      %dma_wait3A_285 = tpu.memref_squeeze %dma_wait3A_284 : memref<1x6272xf32, #tpu.memory_space<hbm>> -> memref<6272xf32, #tpu.memory_space<hbm>>
      tpu.wait_dma2 semaphore(%run_scoped3A : memref<!tpu.dma_semaphore, #tpu.memory_space<semaphore_mem>>) src(%arg8 : memref<6272xf32, #tpu.memory_space<vmem>>) dst(%dma_wait3A_285 : memref<6272xf32, #tpu.memory_space<hbm>>)
      tpu.yield
    }) : () -> ()
    return
  }
}

module attributes {stable_mosaic.version = 14 : i64} {
  func.func @_stage_a_body(%arg0: i32, %arg1: memref<1024x256xf32, #tpu.memory_space<vmem>>, %arg2: memref<3x1024xf32, #tpu.memory_space<vmem>>, %arg3: memref<3x3xf32, #tpu.memory_space<vmem>>, %arg4: memref<256x128xf32, #tpu.memory_space<vmem>>, %arg5: memref<128x1xf32, #tpu.memory_space<vmem>>, %arg6: memref<128x4xf32, #tpu.memory_space<vmem>>, %arg7: memref<4x1xf32, #tpu.memory_space<vmem>>, %arg8: memref<4x1024xf32, #tpu.memory_space<vmem>>, %arg9: memref<8x1024xi32, #tpu.memory_space<vmem>>, %arg10: memref<8x1024xf32, #tpu.memory_space<vmem>>) attributes {dimension_semantics = [#tpu.dimension_semantics<arbitrary>], iteration_bounds = array<i64: 49>, scalar_prefetch = 0 : i64, scratch_operands = 0 : i64, tpu.core_type = #tpu.core_type<tc>, window_params = [{transform_indices = @transform_0, window_bounds = array<i64: 1024, 256>}, {transform_indices = @transform_1, window_bounds = array<i64: 3, 1024>}, {pipeline_mode = #tpu.pipeline_mode<synchronous>, transform_indices = @transform_2, window_bounds = array<i64: 3, 3>}, {pipeline_mode = #tpu.pipeline_mode<synchronous>, transform_indices = @transform_3, window_bounds = array<i64: 256, 128>}, {pipeline_mode = #tpu.pipeline_mode<synchronous>, transform_indices = @transform_4, window_bounds = array<i64: 128, 1>}, {pipeline_mode = #tpu.pipeline_mode<synchronous>, transform_indices = @transform_5, window_bounds = array<i64: 128, 4>}, {pipeline_mode = #tpu.pipeline_mode<synchronous>, transform_indices = @transform_6, window_bounds = array<i64: 4, 1>}, {transform_indices = @transform_7, window_bounds = array<i64: 4, 1024>}, {transform_indices = @transform_8, window_bounds = array<i64: 8, 1024>}, {transform_indices = @transform_9, window_bounds = array<i64: 8, 1024>}]} {
    %get3A = arith.constant 0 : index
    %get3A_0 = arith.constant 0 : index
    %get3A_1 = vector.load %arg1[%get3A, %get3A_0] : memref<1024x256xf32, #tpu.memory_space<vmem>>, vector<1024x256xf32>
    %get3A_2 = arith.constant 0 : index
    %get3A_3 = arith.constant 0 : index
    %get3A_4 = vector.load %arg4[%get3A_2, %get3A_3] : memref<256x128xf32, #tpu.memory_space<vmem>>, vector<256x128xf32>
    %dot_general3A = arith.constant dense<0.000000e+00> : vector<128x1024xf32>
    %dot_general3A_5 = tpu.matmul %get3A_4, %get3A_1, %dot_general3A {dimension_numbers = #tpu.dot_dimension_numbers<[0], [1], [1], [0], [0, 1, 1, 0], [], []>, transpose_lhs_hint = false} : vector<256x128xf32>, vector<1024x256xf32>, vector<128x1024xf32> -> vector<128x1024xf32>
    %get3A_6 = arith.constant 0 : index
    %get3A_7 = arith.constant 0 : index
    %get3A_8 = vector.load %arg5[%get3A_6, %get3A_7] : memref<128x1xf32, #tpu.memory_space<vmem>>, vector<128x1xf32>
    %add3A = vector.broadcast %get3A_8 : vector<128x1xf32> to vector<128x1024xf32>
    %add3A_9 = arith.addf %dot_general3A_5, %add3A : vector<128x1024xf32>
    %logistic3A = arith.negf %add3A_9 : vector<128x1024xf32>
    %logistic3A_10 = math.exp %logistic3A : vector<128x1024xf32>
    %logistic3A_11 = arith.constant 1.000000e+00 : f32
    %logistic3A_12 = vector.broadcast %logistic3A_11 : f32 to vector<128x1024xf32>
    %logistic3A_13 = arith.addf %logistic3A_12, %logistic3A_10 : vector<128x1024xf32>
    %logistic3A_14 = arith.divf %logistic3A_12, %logistic3A_13 : vector<128x1024xf32>
    %mul3A = arith.mulf %add3A_9, %logistic3A_14 : vector<128x1024xf32>
    %get3A_15 = arith.constant 0 : index
    %get3A_16 = arith.constant 0 : index
    %get3A_17 = vector.load %arg6[%get3A_15, %get3A_16] : memref<128x4xf32, #tpu.memory_space<vmem>>, vector<128x4xf32>
    %dot_general3A_18 = arith.constant dense<0.000000e+00> : vector<4x1024xf32>
    %dot_general3A_19 = tpu.matmul %get3A_17, %mul3A, %dot_general3A_18 {dimension_numbers = #tpu.dot_dimension_numbers<[0], [0], [1], [1], [0, 1, 1, 1], [], []>, transpose_lhs_hint = false} : vector<128x4xf32>, vector<128x1024xf32>, vector<4x1024xf32> -> vector<4x1024xf32>
    %get3A_20 = arith.constant 0 : index
    %get3A_21 = arith.constant 0 : index
    %get3A_22 = vector.load %arg7[%get3A_20, %get3A_21] : memref<4x1xf32, #tpu.memory_space<vmem>>, vector<4x1xf32>
    %add3A_23 = vector.broadcast %get3A_22 : vector<4x1xf32> to vector<4x1024xf32>
    %add3A_24 = arith.addf %dot_general3A_19, %add3A_23 : vector<4x1024xf32>
    %get3A_25 = arith.constant 0 : index
    %get3A_26 = arith.constant 0 : index
    %get3A_27 = vector.load %arg2[%get3A_25, %get3A_26] : memref<3x1024xf32, #tpu.memory_space<vmem>>, vector<3x1024xf32>
    %get3A_28 = arith.constant 0 : index
    %get3A_29 = arith.constant 0 : index
    %get3A_30 = vector.load %arg3[%get3A_28, %get3A_29] : memref<3x3xf32, #tpu.memory_space<vmem>>, vector<3x3xf32>
    %dot_general3A_31 = arith.constant dense<0.000000e+00> : vector<3x1024xf32>
    %dot_general3A_32 = tpu.matmul %get3A_30, %get3A_27, %dot_general3A_31 {dimension_numbers = #tpu.dot_dimension_numbers<[1], [0], [0], [1], [0, 0, 1, 1], [], []>, transpose_lhs_hint = false} : vector<3x3xf32>, vector<3x1024xf32>, vector<3x1024xf32> -> vector<3x1024xf32>
    %floor3A = math.floor %dot_general3A_32 : vector<3x1024xf32>
    %sub3A = arith.subf %dot_general3A_32, %floor3A : vector<3x1024xf32>
    %mul3A_33 = arith.constant 3.200000e+01 : f32
    %mul3A_34 = vector.broadcast %mul3A_33 : f32 to vector<3x1024xf32>
    %mul3A_35 = arith.mulf %sub3A, %mul3A_34 : vector<3x1024xf32>
    %floor3A_36 = math.floor %mul3A_35 : vector<3x1024xf32>
    %sub3A_37 = arith.subf %mul3A_35, %floor3A_36 : vector<3x1024xf32>
    %convert_element_type3A = arith.fptosi %floor3A_36 : vector<3x1024xf32> to vector<3x1024xi32>
    %slice3A = vector.extract_strided_slice %convert_element_type3A {offsets = [0, 0], sizes = [1, 1024], strides = [1, 1]} : vector<3x1024xi32> to vector<1x1024xi32>
    %slice3A_38 = vector.extract_strided_slice %convert_element_type3A {offsets = [1, 0], sizes = [1, 1024], strides = [1, 1]} : vector<3x1024xi32> to vector<1x1024xi32>
    %slice3A_39 = vector.extract_strided_slice %convert_element_type3A {offsets = [2, 0], sizes = [1, 1024], strides = [1, 1]} : vector<3x1024xi32> to vector<1x1024xi32>
    %slice3A_40 = vector.extract_strided_slice %sub3A_37 {offsets = [0, 0], sizes = [1, 1024], strides = [1, 1]} : vector<3x1024xf32> to vector<1x1024xf32>
    %slice3A_41 = vector.extract_strided_slice %sub3A_37 {offsets = [1, 0], sizes = [1, 1024], strides = [1, 1]} : vector<3x1024xf32> to vector<1x1024xf32>
    %slice3A_42 = vector.extract_strided_slice %sub3A_37 {offsets = [2, 0], sizes = [1, 1024], strides = [1, 1]} : vector<3x1024xf32> to vector<1x1024xf32>
    %add3A_43 = arith.constant 0 : i32
    %add3A_44 = vector.broadcast %add3A_43 : i32 to vector<1x1024xi32>
    %add3A_45 = arith.addi %slice3A, %add3A_44 : vector<1x1024xi32>
    %add3A_46 = arith.constant 0 : i32
    %add3A_47 = vector.broadcast %add3A_46 : i32 to vector<1x1024xi32>
    %add3A_48 = arith.addi %slice3A_38, %add3A_47 : vector<1x1024xi32>
    %add3A_49 = arith.constant 0 : i32
    %add3A_50 = vector.broadcast %add3A_49 : i32 to vector<1x1024xi32>
    %add3A_51 = arith.addi %slice3A_39, %add3A_50 : vector<1x1024xi32>
    %ge3A = arith.constant 32 : i32
    %ge3A_52 = vector.broadcast %ge3A : i32 to vector<1x1024xi32>
    %ge3A_53 = arith.cmpi sge, %add3A_45, %ge3A_52 : vector<1x1024xi32>
    %sub3A_54 = arith.constant 32 : i32
    %sub3A_55 = vector.broadcast %sub3A_54 : i32 to vector<1x1024xi32>
    %sub3A_56 = arith.subi %add3A_45, %sub3A_55 : vector<1x1024xi32>
    %select_n3A = arith.select %ge3A_53, %sub3A_56, %add3A_45 : vector<1x1024xi1>, vector<1x1024xi32>
    %ge3A_57 = arith.constant 32 : i32
    %ge3A_58 = vector.broadcast %ge3A_57 : i32 to vector<1x1024xi32>
    %ge3A_59 = arith.cmpi sge, %add3A_48, %ge3A_58 : vector<1x1024xi32>
    %sub3A_60 = arith.constant 32 : i32
    %sub3A_61 = vector.broadcast %sub3A_60 : i32 to vector<1x1024xi32>
    %sub3A_62 = arith.subi %add3A_48, %sub3A_61 : vector<1x1024xi32>
    %select_n3A_63 = arith.select %ge3A_59, %sub3A_62, %add3A_48 : vector<1x1024xi1>, vector<1x1024xi32>
    %ge3A_64 = arith.constant 32 : i32
    %ge3A_65 = vector.broadcast %ge3A_64 : i32 to vector<1x1024xi32>
    %ge3A_66 = arith.cmpi sge, %add3A_51, %ge3A_65 : vector<1x1024xi32>
    %sub3A_67 = arith.constant 32 : i32
    %sub3A_68 = vector.broadcast %sub3A_67 : i32 to vector<1x1024xi32>
    %sub3A_69 = arith.subi %add3A_51, %sub3A_68 : vector<1x1024xi32>
    %select_n3A_70 = arith.select %ge3A_66, %sub3A_69, %add3A_51 : vector<1x1024xi1>, vector<1x1024xi32>
    %mul3A_71 = arith.constant 32 : i32
    %mul3A_72 = vector.broadcast %mul3A_71 : i32 to vector<1x1024xi32>
    %mul3A_73 = arith.muli %select_n3A, %mul3A_72 : vector<1x1024xi32>
    %add3A_74 = arith.addi %mul3A_73, %select_n3A_63 : vector<1x1024xi32>
    %mul3A_75 = arith.constant 32 : i32
    %mul3A_76 = vector.broadcast %mul3A_75 : i32 to vector<1x1024xi32>
    %mul3A_77 = arith.muli %add3A_74, %mul3A_76 : vector<1x1024xi32>
    %add3A_78 = arith.addi %mul3A_77, %select_n3A_70 : vector<1x1024xi32>
    %sub3A_79 = arith.constant 1.000000e+00 : f32
    %sub3A_80 = vector.broadcast %sub3A_79 : f32 to vector<1x1024xf32>
    %sub3A_81 = arith.subf %sub3A_80, %slice3A_40 : vector<1x1024xf32>
    %sub3A_82 = arith.constant 1.000000e+00 : f32
    %sub3A_83 = vector.broadcast %sub3A_82 : f32 to vector<1x1024xf32>
    %sub3A_84 = arith.subf %sub3A_83, %slice3A_41 : vector<1x1024xf32>
    %sub3A_85 = arith.constant 1.000000e+00 : f32
    %sub3A_86 = vector.broadcast %sub3A_85 : f32 to vector<1x1024xf32>
    %sub3A_87 = arith.subf %sub3A_86, %slice3A_42 : vector<1x1024xf32>
    %mul3A_88 = arith.mulf %sub3A_81, %sub3A_84 : vector<1x1024xf32>
    %mul3A_89 = arith.mulf %mul3A_88, %sub3A_87 : vector<1x1024xf32>
    %add3A_90 = arith.constant 0 : i32
    %add3A_91 = vector.broadcast %add3A_90 : i32 to vector<1x1024xi32>
    %add3A_92 = arith.addi %slice3A, %add3A_91 : vector<1x1024xi32>
    %add3A_93 = arith.constant 0 : i32
    %add3A_94 = vector.broadcast %add3A_93 : i32 to vector<1x1024xi32>
    %add3A_95 = arith.addi %slice3A_38, %add3A_94 : vector<1x1024xi32>
    %add3A_96 = arith.constant 1 : i32
    %add3A_97 = vector.broadcast %add3A_96 : i32 to vector<1x1024xi32>
    %add3A_98 = arith.addi %slice3A_39, %add3A_97 : vector<1x1024xi32>
    %ge3A_99 = arith.constant 32 : i32
    %ge3A_100 = vector.broadcast %ge3A_99 : i32 to vector<1x1024xi32>
    %ge3A_101 = arith.cmpi sge, %add3A_92, %ge3A_100 : vector<1x1024xi32>
    %sub3A_102 = arith.constant 32 : i32
    %sub3A_103 = vector.broadcast %sub3A_102 : i32 to vector<1x1024xi32>
    %sub3A_104 = arith.subi %add3A_92, %sub3A_103 : vector<1x1024xi32>
    %select_n3A_105 = arith.select %ge3A_101, %sub3A_104, %add3A_92 : vector<1x1024xi1>, vector<1x1024xi32>
    %ge3A_106 = arith.constant 32 : i32
    %ge3A_107 = vector.broadcast %ge3A_106 : i32 to vector<1x1024xi32>
    %ge3A_108 = arith.cmpi sge, %add3A_95, %ge3A_107 : vector<1x1024xi32>
    %sub3A_109 = arith.constant 32 : i32
    %sub3A_110 = vector.broadcast %sub3A_109 : i32 to vector<1x1024xi32>
    %sub3A_111 = arith.subi %add3A_95, %sub3A_110 : vector<1x1024xi32>
    %select_n3A_112 = arith.select %ge3A_108, %sub3A_111, %add3A_95 : vector<1x1024xi1>, vector<1x1024xi32>
    %ge3A_113 = arith.constant 32 : i32
    %ge3A_114 = vector.broadcast %ge3A_113 : i32 to vector<1x1024xi32>
    %ge3A_115 = arith.cmpi sge, %add3A_98, %ge3A_114 : vector<1x1024xi32>
    %sub3A_116 = arith.constant 32 : i32
    %sub3A_117 = vector.broadcast %sub3A_116 : i32 to vector<1x1024xi32>
    %sub3A_118 = arith.subi %add3A_98, %sub3A_117 : vector<1x1024xi32>
    %select_n3A_119 = arith.select %ge3A_115, %sub3A_118, %add3A_98 : vector<1x1024xi1>, vector<1x1024xi32>
    %mul3A_120 = arith.constant 32 : i32
    %mul3A_121 = vector.broadcast %mul3A_120 : i32 to vector<1x1024xi32>
    %mul3A_122 = arith.muli %select_n3A_105, %mul3A_121 : vector<1x1024xi32>
    %add3A_123 = arith.addi %mul3A_122, %select_n3A_112 : vector<1x1024xi32>
    %mul3A_124 = arith.constant 32 : i32
    %mul3A_125 = vector.broadcast %mul3A_124 : i32 to vector<1x1024xi32>
    %mul3A_126 = arith.muli %add3A_123, %mul3A_125 : vector<1x1024xi32>
    %add3A_127 = arith.addi %mul3A_126, %select_n3A_119 : vector<1x1024xi32>
    %sub3A_128 = arith.constant 1.000000e+00 : f32
    %sub3A_129 = vector.broadcast %sub3A_128 : f32 to vector<1x1024xf32>
    %sub3A_130 = arith.subf %sub3A_129, %slice3A_40 : vector<1x1024xf32>
    %sub3A_131 = arith.constant 1.000000e+00 : f32
    %sub3A_132 = vector.broadcast %sub3A_131 : f32 to vector<1x1024xf32>
    %sub3A_133 = arith.subf %sub3A_132, %slice3A_41 : vector<1x1024xf32>
    %mul3A_134 = arith.mulf %sub3A_130, %sub3A_133 : vector<1x1024xf32>
    %mul3A_135 = arith.mulf %mul3A_134, %slice3A_42 : vector<1x1024xf32>
    %add3A_136 = arith.constant 0 : i32
    %add3A_137 = vector.broadcast %add3A_136 : i32 to vector<1x1024xi32>
    %add3A_138 = arith.addi %slice3A, %add3A_137 : vector<1x1024xi32>
    %add3A_139 = arith.constant 1 : i32
    %add3A_140 = vector.broadcast %add3A_139 : i32 to vector<1x1024xi32>
    %add3A_141 = arith.addi %slice3A_38, %add3A_140 : vector<1x1024xi32>
    %add3A_142 = arith.constant 0 : i32
    %add3A_143 = vector.broadcast %add3A_142 : i32 to vector<1x1024xi32>
    %add3A_144 = arith.addi %slice3A_39, %add3A_143 : vector<1x1024xi32>
    %ge3A_145 = arith.constant 32 : i32
    %ge3A_146 = vector.broadcast %ge3A_145 : i32 to vector<1x1024xi32>
    %ge3A_147 = arith.cmpi sge, %add3A_138, %ge3A_146 : vector<1x1024xi32>
    %sub3A_148 = arith.constant 32 : i32
    %sub3A_149 = vector.broadcast %sub3A_148 : i32 to vector<1x1024xi32>
    %sub3A_150 = arith.subi %add3A_138, %sub3A_149 : vector<1x1024xi32>
    %select_n3A_151 = arith.select %ge3A_147, %sub3A_150, %add3A_138 : vector<1x1024xi1>, vector<1x1024xi32>
    %ge3A_152 = arith.constant 32 : i32
    %ge3A_153 = vector.broadcast %ge3A_152 : i32 to vector<1x1024xi32>
    %ge3A_154 = arith.cmpi sge, %add3A_141, %ge3A_153 : vector<1x1024xi32>
    %sub3A_155 = arith.constant 32 : i32
    %sub3A_156 = vector.broadcast %sub3A_155 : i32 to vector<1x1024xi32>
    %sub3A_157 = arith.subi %add3A_141, %sub3A_156 : vector<1x1024xi32>
    %select_n3A_158 = arith.select %ge3A_154, %sub3A_157, %add3A_141 : vector<1x1024xi1>, vector<1x1024xi32>
    %ge3A_159 = arith.constant 32 : i32
    %ge3A_160 = vector.broadcast %ge3A_159 : i32 to vector<1x1024xi32>
    %ge3A_161 = arith.cmpi sge, %add3A_144, %ge3A_160 : vector<1x1024xi32>
    %sub3A_162 = arith.constant 32 : i32
    %sub3A_163 = vector.broadcast %sub3A_162 : i32 to vector<1x1024xi32>
    %sub3A_164 = arith.subi %add3A_144, %sub3A_163 : vector<1x1024xi32>
    %select_n3A_165 = arith.select %ge3A_161, %sub3A_164, %add3A_144 : vector<1x1024xi1>, vector<1x1024xi32>
    %mul3A_166 = arith.constant 32 : i32
    %mul3A_167 = vector.broadcast %mul3A_166 : i32 to vector<1x1024xi32>
    %mul3A_168 = arith.muli %select_n3A_151, %mul3A_167 : vector<1x1024xi32>
    %add3A_169 = arith.addi %mul3A_168, %select_n3A_158 : vector<1x1024xi32>
    %mul3A_170 = arith.constant 32 : i32
    %mul3A_171 = vector.broadcast %mul3A_170 : i32 to vector<1x1024xi32>
    %mul3A_172 = arith.muli %add3A_169, %mul3A_171 : vector<1x1024xi32>
    %add3A_173 = arith.addi %mul3A_172, %select_n3A_165 : vector<1x1024xi32>
    %sub3A_174 = arith.constant 1.000000e+00 : f32
    %sub3A_175 = vector.broadcast %sub3A_174 : f32 to vector<1x1024xf32>
    %sub3A_176 = arith.subf %sub3A_175, %slice3A_40 : vector<1x1024xf32>
    %sub3A_177 = arith.constant 1.000000e+00 : f32
    %sub3A_178 = vector.broadcast %sub3A_177 : f32 to vector<1x1024xf32>
    %sub3A_179 = arith.subf %sub3A_178, %slice3A_42 : vector<1x1024xf32>
    %mul3A_180 = arith.mulf %sub3A_176, %slice3A_41 : vector<1x1024xf32>
    %mul3A_181 = arith.mulf %mul3A_180, %sub3A_179 : vector<1x1024xf32>
    %add3A_182 = arith.constant 0 : i32
    %add3A_183 = vector.broadcast %add3A_182 : i32 to vector<1x1024xi32>
    %add3A_184 = arith.addi %slice3A, %add3A_183 : vector<1x1024xi32>
    %add3A_185 = arith.constant 1 : i32
    %add3A_186 = vector.broadcast %add3A_185 : i32 to vector<1x1024xi32>
    %add3A_187 = arith.addi %slice3A_38, %add3A_186 : vector<1x1024xi32>
    %add3A_188 = arith.constant 1 : i32
    %add3A_189 = vector.broadcast %add3A_188 : i32 to vector<1x1024xi32>
    %add3A_190 = arith.addi %slice3A_39, %add3A_189 : vector<1x1024xi32>
    %ge3A_191 = arith.constant 32 : i32
    %ge3A_192 = vector.broadcast %ge3A_191 : i32 to vector<1x1024xi32>
    %ge3A_193 = arith.cmpi sge, %add3A_184, %ge3A_192 : vector<1x1024xi32>
    %sub3A_194 = arith.constant 32 : i32
    %sub3A_195 = vector.broadcast %sub3A_194 : i32 to vector<1x1024xi32>
    %sub3A_196 = arith.subi %add3A_184, %sub3A_195 : vector<1x1024xi32>
    %select_n3A_197 = arith.select %ge3A_193, %sub3A_196, %add3A_184 : vector<1x1024xi1>, vector<1x1024xi32>
    %ge3A_198 = arith.constant 32 : i32
    %ge3A_199 = vector.broadcast %ge3A_198 : i32 to vector<1x1024xi32>
    %ge3A_200 = arith.cmpi sge, %add3A_187, %ge3A_199 : vector<1x1024xi32>
    %sub3A_201 = arith.constant 32 : i32
    %sub3A_202 = vector.broadcast %sub3A_201 : i32 to vector<1x1024xi32>
    %sub3A_203 = arith.subi %add3A_187, %sub3A_202 : vector<1x1024xi32>
    %select_n3A_204 = arith.select %ge3A_200, %sub3A_203, %add3A_187 : vector<1x1024xi1>, vector<1x1024xi32>
    %ge3A_205 = arith.constant 32 : i32
    %ge3A_206 = vector.broadcast %ge3A_205 : i32 to vector<1x1024xi32>
    %ge3A_207 = arith.cmpi sge, %add3A_190, %ge3A_206 : vector<1x1024xi32>
    %sub3A_208 = arith.constant 32 : i32
    %sub3A_209 = vector.broadcast %sub3A_208 : i32 to vector<1x1024xi32>
    %sub3A_210 = arith.subi %add3A_190, %sub3A_209 : vector<1x1024xi32>
    %select_n3A_211 = arith.select %ge3A_207, %sub3A_210, %add3A_190 : vector<1x1024xi1>, vector<1x1024xi32>
    %mul3A_212 = arith.constant 32 : i32
    %mul3A_213 = vector.broadcast %mul3A_212 : i32 to vector<1x1024xi32>
    %mul3A_214 = arith.muli %select_n3A_197, %mul3A_213 : vector<1x1024xi32>
    %add3A_215 = arith.addi %mul3A_214, %select_n3A_204 : vector<1x1024xi32>
    %mul3A_216 = arith.constant 32 : i32
    %mul3A_217 = vector.broadcast %mul3A_216 : i32 to vector<1x1024xi32>
    %mul3A_218 = arith.muli %add3A_215, %mul3A_217 : vector<1x1024xi32>
    %add3A_219 = arith.addi %mul3A_218, %select_n3A_211 : vector<1x1024xi32>
    %sub3A_220 = arith.constant 1.000000e+00 : f32
    %sub3A_221 = vector.broadcast %sub3A_220 : f32 to vector<1x1024xf32>
    %sub3A_222 = arith.subf %sub3A_221, %slice3A_40 : vector<1x1024xf32>
    %mul3A_223 = arith.mulf %sub3A_222, %slice3A_41 : vector<1x1024xf32>
    %mul3A_224 = arith.mulf %mul3A_223, %slice3A_42 : vector<1x1024xf32>
    %add3A_225 = arith.constant 1 : i32
    %add3A_226 = vector.broadcast %add3A_225 : i32 to vector<1x1024xi32>
    %add3A_227 = arith.addi %slice3A, %add3A_226 : vector<1x1024xi32>
    %add3A_228 = arith.constant 0 : i32
    %add3A_229 = vector.broadcast %add3A_228 : i32 to vector<1x1024xi32>
    %add3A_230 = arith.addi %slice3A_38, %add3A_229 : vector<1x1024xi32>
    %add3A_231 = arith.constant 0 : i32
    %add3A_232 = vector.broadcast %add3A_231 : i32 to vector<1x1024xi32>
    %add3A_233 = arith.addi %slice3A_39, %add3A_232 : vector<1x1024xi32>
    %ge3A_234 = arith.constant 32 : i32
    %ge3A_235 = vector.broadcast %ge3A_234 : i32 to vector<1x1024xi32>
    %ge3A_236 = arith.cmpi sge, %add3A_227, %ge3A_235 : vector<1x1024xi32>
    %sub3A_237 = arith.constant 32 : i32
    %sub3A_238 = vector.broadcast %sub3A_237 : i32 to vector<1x1024xi32>
    %sub3A_239 = arith.subi %add3A_227, %sub3A_238 : vector<1x1024xi32>
    %select_n3A_240 = arith.select %ge3A_236, %sub3A_239, %add3A_227 : vector<1x1024xi1>, vector<1x1024xi32>
    %ge3A_241 = arith.constant 32 : i32
    %ge3A_242 = vector.broadcast %ge3A_241 : i32 to vector<1x1024xi32>
    %ge3A_243 = arith.cmpi sge, %add3A_230, %ge3A_242 : vector<1x1024xi32>
    %sub3A_244 = arith.constant 32 : i32
    %sub3A_245 = vector.broadcast %sub3A_244 : i32 to vector<1x1024xi32>
    %sub3A_246 = arith.subi %add3A_230, %sub3A_245 : vector<1x1024xi32>
    %select_n3A_247 = arith.select %ge3A_243, %sub3A_246, %add3A_230 : vector<1x1024xi1>, vector<1x1024xi32>
    %ge3A_248 = arith.constant 32 : i32
    %ge3A_249 = vector.broadcast %ge3A_248 : i32 to vector<1x1024xi32>
    %ge3A_250 = arith.cmpi sge, %add3A_233, %ge3A_249 : vector<1x1024xi32>
    %sub3A_251 = arith.constant 32 : i32
    %sub3A_252 = vector.broadcast %sub3A_251 : i32 to vector<1x1024xi32>
    %sub3A_253 = arith.subi %add3A_233, %sub3A_252 : vector<1x1024xi32>
    %select_n3A_254 = arith.select %ge3A_250, %sub3A_253, %add3A_233 : vector<1x1024xi1>, vector<1x1024xi32>
    %mul3A_255 = arith.constant 32 : i32
    %mul3A_256 = vector.broadcast %mul3A_255 : i32 to vector<1x1024xi32>
    %mul3A_257 = arith.muli %select_n3A_240, %mul3A_256 : vector<1x1024xi32>
    %add3A_258 = arith.addi %mul3A_257, %select_n3A_247 : vector<1x1024xi32>
    %mul3A_259 = arith.constant 32 : i32
    %mul3A_260 = vector.broadcast %mul3A_259 : i32 to vector<1x1024xi32>
    %mul3A_261 = arith.muli %add3A_258, %mul3A_260 : vector<1x1024xi32>
    %add3A_262 = arith.addi %mul3A_261, %select_n3A_254 : vector<1x1024xi32>
    %sub3A_263 = arith.constant 1.000000e+00 : f32
    %sub3A_264 = vector.broadcast %sub3A_263 : f32 to vector<1x1024xf32>
    %sub3A_265 = arith.subf %sub3A_264, %slice3A_41 : vector<1x1024xf32>
    %sub3A_266 = arith.constant 1.000000e+00 : f32
    %sub3A_267 = vector.broadcast %sub3A_266 : f32 to vector<1x1024xf32>
    %sub3A_268 = arith.subf %sub3A_267, %slice3A_42 : vector<1x1024xf32>
    %mul3A_269 = arith.mulf %slice3A_40, %sub3A_265 : vector<1x1024xf32>
    %mul3A_270 = arith.mulf %mul3A_269, %sub3A_268 : vector<1x1024xf32>
    %add3A_271 = arith.constant 1 : i32
    %add3A_272 = vector.broadcast %add3A_271 : i32 to vector<1x1024xi32>
    %add3A_273 = arith.addi %slice3A, %add3A_272 : vector<1x1024xi32>
    %add3A_274 = arith.constant 0 : i32
    %add3A_275 = vector.broadcast %add3A_274 : i32 to vector<1x1024xi32>
    %add3A_276 = arith.addi %slice3A_38, %add3A_275 : vector<1x1024xi32>
    %add3A_277 = arith.constant 1 : i32
    %add3A_278 = vector.broadcast %add3A_277 : i32 to vector<1x1024xi32>
    %add3A_279 = arith.addi %slice3A_39, %add3A_278 : vector<1x1024xi32>
    %ge3A_280 = arith.constant 32 : i32
    %ge3A_281 = vector.broadcast %ge3A_280 : i32 to vector<1x1024xi32>
    %ge3A_282 = arith.cmpi sge, %add3A_273, %ge3A_281 : vector<1x1024xi32>
    %sub3A_283 = arith.constant 32 : i32
    %sub3A_284 = vector.broadcast %sub3A_283 : i32 to vector<1x1024xi32>
    %sub3A_285 = arith.subi %add3A_273, %sub3A_284 : vector<1x1024xi32>
    %select_n3A_286 = arith.select %ge3A_282, %sub3A_285, %add3A_273 : vector<1x1024xi1>, vector<1x1024xi32>
    %ge3A_287 = arith.constant 32 : i32
    %ge3A_288 = vector.broadcast %ge3A_287 : i32 to vector<1x1024xi32>
    %ge3A_289 = arith.cmpi sge, %add3A_276, %ge3A_288 : vector<1x1024xi32>
    %sub3A_290 = arith.constant 32 : i32
    %sub3A_291 = vector.broadcast %sub3A_290 : i32 to vector<1x1024xi32>
    %sub3A_292 = arith.subi %add3A_276, %sub3A_291 : vector<1x1024xi32>
    %select_n3A_293 = arith.select %ge3A_289, %sub3A_292, %add3A_276 : vector<1x1024xi1>, vector<1x1024xi32>
    %ge3A_294 = arith.constant 32 : i32
    %ge3A_295 = vector.broadcast %ge3A_294 : i32 to vector<1x1024xi32>
    %ge3A_296 = arith.cmpi sge, %add3A_279, %ge3A_295 : vector<1x1024xi32>
    %sub3A_297 = arith.constant 32 : i32
    %sub3A_298 = vector.broadcast %sub3A_297 : i32 to vector<1x1024xi32>
    %sub3A_299 = arith.subi %add3A_279, %sub3A_298 : vector<1x1024xi32>
    %select_n3A_300 = arith.select %ge3A_296, %sub3A_299, %add3A_279 : vector<1x1024xi1>, vector<1x1024xi32>
    %mul3A_301 = arith.constant 32 : i32
    %mul3A_302 = vector.broadcast %mul3A_301 : i32 to vector<1x1024xi32>
    %mul3A_303 = arith.muli %select_n3A_286, %mul3A_302 : vector<1x1024xi32>
    %add3A_304 = arith.addi %mul3A_303, %select_n3A_293 : vector<1x1024xi32>
    %mul3A_305 = arith.constant 32 : i32
    %mul3A_306 = vector.broadcast %mul3A_305 : i32 to vector<1x1024xi32>
    %mul3A_307 = arith.muli %add3A_304, %mul3A_306 : vector<1x1024xi32>
    %add3A_308 = arith.addi %mul3A_307, %select_n3A_300 : vector<1x1024xi32>
    %sub3A_309 = arith.constant 1.000000e+00 : f32
    %sub3A_310 = vector.broadcast %sub3A_309 : f32 to vector<1x1024xf32>
    %sub3A_311 = arith.subf %sub3A_310, %slice3A_41 : vector<1x1024xf32>
    %mul3A_312 = arith.mulf %slice3A_40, %sub3A_311 : vector<1x1024xf32>
    %mul3A_313 = arith.mulf %mul3A_312, %slice3A_42 : vector<1x1024xf32>
    %add3A_314 = arith.constant 1 : i32
    %add3A_315 = vector.broadcast %add3A_314 : i32 to vector<1x1024xi32>
    %add3A_316 = arith.addi %slice3A, %add3A_315 : vector<1x1024xi32>
    %add3A_317 = arith.constant 1 : i32
    %add3A_318 = vector.broadcast %add3A_317 : i32 to vector<1x1024xi32>
    %add3A_319 = arith.addi %slice3A_38, %add3A_318 : vector<1x1024xi32>
    %add3A_320 = arith.constant 0 : i32
    %add3A_321 = vector.broadcast %add3A_320 : i32 to vector<1x1024xi32>
    %add3A_322 = arith.addi %slice3A_39, %add3A_321 : vector<1x1024xi32>
    %ge3A_323 = arith.constant 32 : i32
    %ge3A_324 = vector.broadcast %ge3A_323 : i32 to vector<1x1024xi32>
    %ge3A_325 = arith.cmpi sge, %add3A_316, %ge3A_324 : vector<1x1024xi32>
    %sub3A_326 = arith.constant 32 : i32
    %sub3A_327 = vector.broadcast %sub3A_326 : i32 to vector<1x1024xi32>
    %sub3A_328 = arith.subi %add3A_316, %sub3A_327 : vector<1x1024xi32>
    %select_n3A_329 = arith.select %ge3A_325, %sub3A_328, %add3A_316 : vector<1x1024xi1>, vector<1x1024xi32>
    %ge3A_330 = arith.constant 32 : i32
    %ge3A_331 = vector.broadcast %ge3A_330 : i32 to vector<1x1024xi32>
    %ge3A_332 = arith.cmpi sge, %add3A_319, %ge3A_331 : vector<1x1024xi32>
    %sub3A_333 = arith.constant 32 : i32
    %sub3A_334 = vector.broadcast %sub3A_333 : i32 to vector<1x1024xi32>
    %sub3A_335 = arith.subi %add3A_319, %sub3A_334 : vector<1x1024xi32>
    %select_n3A_336 = arith.select %ge3A_332, %sub3A_335, %add3A_319 : vector<1x1024xi1>, vector<1x1024xi32>
    %ge3A_337 = arith.constant 32 : i32
    %ge3A_338 = vector.broadcast %ge3A_337 : i32 to vector<1x1024xi32>
    %ge3A_339 = arith.cmpi sge, %add3A_322, %ge3A_338 : vector<1x1024xi32>
    %sub3A_340 = arith.constant 32 : i32
    %sub3A_341 = vector.broadcast %sub3A_340 : i32 to vector<1x1024xi32>
    %sub3A_342 = arith.subi %add3A_322, %sub3A_341 : vector<1x1024xi32>
    %select_n3A_343 = arith.select %ge3A_339, %sub3A_342, %add3A_322 : vector<1x1024xi1>, vector<1x1024xi32>
    %mul3A_344 = arith.constant 32 : i32
    %mul3A_345 = vector.broadcast %mul3A_344 : i32 to vector<1x1024xi32>
    %mul3A_346 = arith.muli %select_n3A_329, %mul3A_345 : vector<1x1024xi32>
    %add3A_347 = arith.addi %mul3A_346, %select_n3A_336 : vector<1x1024xi32>
    %mul3A_348 = arith.constant 32 : i32
    %mul3A_349 = vector.broadcast %mul3A_348 : i32 to vector<1x1024xi32>
    %mul3A_350 = arith.muli %add3A_347, %mul3A_349 : vector<1x1024xi32>
    %add3A_351 = arith.addi %mul3A_350, %select_n3A_343 : vector<1x1024xi32>
    %sub3A_352 = arith.constant 1.000000e+00 : f32
    %sub3A_353 = vector.broadcast %sub3A_352 : f32 to vector<1x1024xf32>
    %sub3A_354 = arith.subf %sub3A_353, %slice3A_42 : vector<1x1024xf32>
    %mul3A_355 = arith.mulf %slice3A_40, %slice3A_41 : vector<1x1024xf32>
    %mul3A_356 = arith.mulf %mul3A_355, %sub3A_354 : vector<1x1024xf32>
    %add3A_357 = arith.constant 1 : i32
    %add3A_358 = vector.broadcast %add3A_357 : i32 to vector<1x1024xi32>
    %add3A_359 = arith.addi %slice3A, %add3A_358 : vector<1x1024xi32>
    %add3A_360 = arith.constant 1 : i32
    %add3A_361 = vector.broadcast %add3A_360 : i32 to vector<1x1024xi32>
    %add3A_362 = arith.addi %slice3A_38, %add3A_361 : vector<1x1024xi32>
    %add3A_363 = arith.constant 1 : i32
    %add3A_364 = vector.broadcast %add3A_363 : i32 to vector<1x1024xi32>
    %add3A_365 = arith.addi %slice3A_39, %add3A_364 : vector<1x1024xi32>
    %ge3A_366 = arith.constant 32 : i32
    %ge3A_367 = vector.broadcast %ge3A_366 : i32 to vector<1x1024xi32>
    %ge3A_368 = arith.cmpi sge, %add3A_359, %ge3A_367 : vector<1x1024xi32>
    %sub3A_369 = arith.constant 32 : i32
    %sub3A_370 = vector.broadcast %sub3A_369 : i32 to vector<1x1024xi32>
    %sub3A_371 = arith.subi %add3A_359, %sub3A_370 : vector<1x1024xi32>
    %select_n3A_372 = arith.select %ge3A_368, %sub3A_371, %add3A_359 : vector<1x1024xi1>, vector<1x1024xi32>
    %ge3A_373 = arith.constant 32 : i32
    %ge3A_374 = vector.broadcast %ge3A_373 : i32 to vector<1x1024xi32>
    %ge3A_375 = arith.cmpi sge, %add3A_362, %ge3A_374 : vector<1x1024xi32>
    %sub3A_376 = arith.constant 32 : i32
    %sub3A_377 = vector.broadcast %sub3A_376 : i32 to vector<1x1024xi32>
    %sub3A_378 = arith.subi %add3A_362, %sub3A_377 : vector<1x1024xi32>
    %select_n3A_379 = arith.select %ge3A_375, %sub3A_378, %add3A_362 : vector<1x1024xi1>, vector<1x1024xi32>
    %ge3A_380 = arith.constant 32 : i32
    %ge3A_381 = vector.broadcast %ge3A_380 : i32 to vector<1x1024xi32>
    %ge3A_382 = arith.cmpi sge, %add3A_365, %ge3A_381 : vector<1x1024xi32>
    %sub3A_383 = arith.constant 32 : i32
    %sub3A_384 = vector.broadcast %sub3A_383 : i32 to vector<1x1024xi32>
    %sub3A_385 = arith.subi %add3A_365, %sub3A_384 : vector<1x1024xi32>
    %select_n3A_386 = arith.select %ge3A_382, %sub3A_385, %add3A_365 : vector<1x1024xi1>, vector<1x1024xi32>
    %mul3A_387 = arith.constant 32 : i32
    %mul3A_388 = vector.broadcast %mul3A_387 : i32 to vector<1x1024xi32>
    %mul3A_389 = arith.muli %select_n3A_372, %mul3A_388 : vector<1x1024xi32>
    %add3A_390 = arith.addi %mul3A_389, %select_n3A_379 : vector<1x1024xi32>
    %mul3A_391 = arith.constant 32 : i32
    %mul3A_392 = vector.broadcast %mul3A_391 : i32 to vector<1x1024xi32>
    %mul3A_393 = arith.muli %add3A_390, %mul3A_392 : vector<1x1024xi32>
    %add3A_394 = arith.addi %mul3A_393, %select_n3A_386 : vector<1x1024xi32>
    %mul3A_395 = arith.mulf %slice3A_40, %slice3A_41 : vector<1x1024xf32>
    %mul3A_396 = arith.mulf %mul3A_395, %slice3A_42 : vector<1x1024xf32>
    %concatenate3A = tpu.concatenate %add3A_78, %add3A_127, %add3A_173, %add3A_219, %add3A_262, %add3A_308, %add3A_351, %add3A_394 in 0 : vector<1x1024xi32>, vector<1x1024xi32>, vector<1x1024xi32>, vector<1x1024xi32>, vector<1x1024xi32>, vector<1x1024xi32>, vector<1x1024xi32>, vector<1x1024xi32> -> vector<8x1024xi32>
    %concatenate3A_397 = tpu.concatenate %mul3A_89, %mul3A_135, %mul3A_181, %mul3A_224, %mul3A_270, %mul3A_313, %mul3A_356, %mul3A_396 in 0 : vector<1x1024xf32>, vector<1x1024xf32>, vector<1x1024xf32>, vector<1x1024xf32>, vector<1x1024xf32>, vector<1x1024xf32>, vector<1x1024xf32>, vector<1x1024xf32> -> vector<8x1024xf32>
    %mul3A_398 = arith.constant 1024 : i32
    %mul3A_399 = arith.muli %arg0, %mul3A_398 : i32
    %iota3A = tpu.iota {dimensions = array<i32: 1>} : vector<1x1024xi32>
    %add3A_400 = vector.broadcast %mul3A_399 : i32 to vector<1x1024xi32>
    %add3A_401 = arith.addi %add3A_400, %iota3A : vector<1x1024xi32>
    %lt3A = arith.constant 50000 : i32
    %lt3A_402 = vector.broadcast %lt3A : i32 to vector<1x1024xi32>
    %lt3A_403 = arith.cmpi slt, %add3A_401, %lt3A_402 : vector<1x1024xi32>
    %jit3A = arith.constant 0.000000e+00 : f32
    %broadcast_in_dim3A = vector.shape_cast %lt3A_403 : vector<1x1024xi1> to vector<1x1024xi1>
    %broadcast_in_dim3A_404 = vector.broadcast %broadcast_in_dim3A : vector<1x1024xi1> to vector<4x1024xi1>
    %broadcast_in_dim3A_405 = vector.broadcast %jit3A : f32 to vector<4x1024xf32>
    %select_n3A_406 = arith.select %broadcast_in_dim3A_404, %add3A_24, %broadcast_in_dim3A_405 : vector<4x1024xi1>, vector<4x1024xf32>
    %swap3A = arith.constant 0 : index
    %swap3A_407 = arith.constant 0 : index
    %swap3A_408 = vector.load %arg8[%swap3A, %swap3A_407] : memref<4x1024xf32, #tpu.memory_space<vmem>>, vector<4x1024xf32>
    tpu.vector_store %arg8[%swap3A, %swap3A_407], %select_n3A_406 {strides = array<i32>} : memref<4x1024xf32, #tpu.memory_space<vmem>>, vector<4x1024xf32>,
    %jit3A_409 = arith.constant 0 : i32
    %broadcast_in_dim3A_410 = vector.shape_cast %lt3A_403 : vector<1x1024xi1> to vector<1x1024xi1>
    %broadcast_in_dim3A_411 = vector.broadcast %broadcast_in_dim3A_410 : vector<1x1024xi1> to vector<8x1024xi1>
    %broadcast_in_dim3A_412 = vector.broadcast %jit3A_409 : i32 to vector<8x1024xi32>
    %select_n3A_413 = arith.select %broadcast_in_dim3A_411, %concatenate3A, %broadcast_in_dim3A_412 : vector<8x1024xi1>, vector<8x1024xi32>
    %swap3A_414 = arith.constant 0 : index
    %swap3A_415 = arith.constant 0 : index
    %swap3A_416 = vector.load %arg9[%swap3A_414, %swap3A_415] : memref<8x1024xi32, #tpu.memory_space<vmem>>, vector<8x1024xi32>
    tpu.vector_store %arg9[%swap3A_414, %swap3A_415], %select_n3A_413 {strides = array<i32>} : memref<8x1024xi32, #tpu.memory_space<vmem>>, vector<8x1024xi32>,
    %jit3A_417 = arith.constant 0.000000e+00 : f32
    %broadcast_in_dim3A_418 = vector.shape_cast %lt3A_403 : vector<1x1024xi1> to vector<1x1024xi1>
    %broadcast_in_dim3A_419 = vector.broadcast %broadcast_in_dim3A_418 : vector<1x1024xi1> to vector<8x1024xi1>
    %broadcast_in_dim3A_420 = vector.broadcast %jit3A_417 : f32 to vector<8x1024xf32>
    %select_n3A_421 = arith.select %broadcast_in_dim3A_419, %concatenate3A_397, %broadcast_in_dim3A_420 : vector<8x1024xi1>, vector<8x1024xf32>
    %swap3A_422 = arith.constant 0 : index
    %swap3A_423 = arith.constant 0 : index
    %swap3A_424 = vector.load %arg10[%swap3A_422, %swap3A_423] : memref<8x1024xf32, #tpu.memory_space<vmem>>, vector<8x1024xf32>
    tpu.vector_store %arg10[%swap3A_422, %swap3A_423], %select_n3A_421 {strides = array<i32>} : memref<8x1024xf32, #tpu.memory_space<vmem>>, vector<8x1024xf32>,
    return
  }
  func.func @transform_0(%arg0: i32) -> (i32, i32) {
    %c0_i32 = arith.constant 0 : i32
    %c0_i32_0 = arith.constant 0 : i32
    return %arg0, %c0_i32 : i32, i32
  }
  func.func @transform_1(%arg0: i32) -> (i32, i32) {
    %c0_i32 = arith.constant 0 : i32
    %c0_i32_0 = arith.constant 0 : i32
    return %c0_i32, %arg0 : i32, i32
  }
  func.func @transform_2(%arg0: i32) -> (i32, i32) {
    %c0_i32 = arith.constant 0 : i32
    %c0_i32_0 = arith.constant 0 : i32
    %c0_i32_1 = arith.constant 0 : i32
    return %c0_i32, %c0_i32_0 : i32, i32
  }
  func.func @transform_3(%arg0: i32) -> (i32, i32) {
    %c0_i32 = arith.constant 0 : i32
    %c0_i32_0 = arith.constant 0 : i32
    %c0_i32_1 = arith.constant 0 : i32
    return %c0_i32, %c0_i32_0 : i32, i32
  }
  func.func @transform_4(%arg0: i32) -> (i32, i32) {
    %c0_i32 = arith.constant 0 : i32
    %c0_i32_0 = arith.constant 0 : i32
    %c0_i32_1 = arith.constant 0 : i32
    return %c0_i32, %c0_i32_0 : i32, i32
  }
  func.func @transform_5(%arg0: i32) -> (i32, i32) {
    %c0_i32 = arith.constant 0 : i32
    %c0_i32_0 = arith.constant 0 : i32
    %c0_i32_1 = arith.constant 0 : i32
    return %c0_i32, %c0_i32_0 : i32, i32
  }
  func.func @transform_6(%arg0: i32) -> (i32, i32) {
    %c0_i32 = arith.constant 0 : i32
    %c0_i32_0 = arith.constant 0 : i32
    %c0_i32_1 = arith.constant 0 : i32
    return %c0_i32, %c0_i32_0 : i32, i32
  }
  func.func @transform_7(%arg0: i32) -> (i32, i32) {
    %c0_i32 = arith.constant 0 : i32
    %c0_i32_0 = arith.constant 0 : i32
    return %c0_i32, %arg0 : i32, i32
  }
  func.func @transform_8(%arg0: i32) -> (i32, i32) {
    %c0_i32 = arith.constant 0 : i32
    %c0_i32_0 = arith.constant 0 : i32
    return %c0_i32, %arg0 : i32, i32
  }
  func.func @transform_9(%arg0: i32) -> (i32, i32) {
    %c0_i32 = arith.constant 0 : i32
    %c0_i32_0 = arith.constant 0 : i32
    return %c0_i32, %arg0 : i32, i32
  }
}

module attributes {stable_mosaic.version = 14 : i64} {
  func.func @_filter_body(%arg0: i32, %arg1: memref<4096x3xf32, #tpu.memory_space<vmem>>, %arg2: memref<3x3xf32, #tpu.memory_space<vmem>>, %arg3: memref<1x1xf32, #tpu.memory_space<smem>>, %arg4: memref<3x64xf32, #tpu.memory_space<vmem>>, %arg5: memref<1x64xf32, #tpu.memory_space<vmem>>, %arg6: memref<64x64xf32, #tpu.memory_space<vmem>>, %arg7: memref<1x64xf32, #tpu.memory_space<vmem>>, %arg8: memref<64x1xf32, #tpu.memory_space<vmem>>, %arg9: memref<1x1xf32, #tpu.memory_space<vmem>>, %arg10: memref<4096x1xf32, #tpu.memory_space<vmem>>) attributes {dimension_semantics = [#tpu.dimension_semantics<arbitrary>], iteration_bounds = array<i64: 8>, scalar_prefetch = 0 : i64, scratch_operands = 0 : i64, tpu.core_type = #tpu.core_type<tc>, window_params = [{transform_indices = @transform_0, window_bounds = array<i64: 4096, 3>}, {pipeline_mode = #tpu.pipeline_mode<synchronous>, transform_indices = @transform_1, window_bounds = array<i64: 3, 3>}, {transform_indices = @transform_2, window_bounds = array<i64: 1, 1>}, {pipeline_mode = #tpu.pipeline_mode<synchronous>, transform_indices = @transform_3, window_bounds = array<i64: 3, 64>}, {pipeline_mode = #tpu.pipeline_mode<synchronous>, transform_indices = @transform_4, window_bounds = array<i64: 1, 64>}, {pipeline_mode = #tpu.pipeline_mode<synchronous>, transform_indices = @transform_5, window_bounds = array<i64: 64, 64>}, {pipeline_mode = #tpu.pipeline_mode<synchronous>, transform_indices = @transform_6, window_bounds = array<i64: 1, 64>}, {pipeline_mode = #tpu.pipeline_mode<synchronous>, transform_indices = @transform_7, window_bounds = array<i64: 64, 1>}, {pipeline_mode = #tpu.pipeline_mode<synchronous>, transform_indices = @transform_8, window_bounds = array<i64: 1, 1>}, {transform_indices = @transform_9, window_bounds = array<i64: 4096, 1>}]} {
    %get3A = arith.constant 0 : index
    %get3A_0 = arith.constant 0 : index
    %get3A_1 = vector.load %arg2[%get3A, %get3A_0] : memref<3x3xf32, #tpu.memory_space<vmem>>, vector<3x3xf32>
    %convert_element_type3A = arith.truncf %get3A_1 : vector<3x3xf32> to vector<3x3xbf16>
    %convert_element_type3A_2 = arith.extf %convert_element_type3A : vector<3x3xbf16> to vector<3x3xf32>
    %get3A_3 = arith.constant 0 : index
    %get3A_4 = arith.constant 0 : index
    %get3A_5 = vector.load %arg1[%get3A_3, %get3A_4] : memref<4096x3xf32, #tpu.memory_space<vmem>>, vector<4096x3xf32>
    %dot_general3A = arith.constant dense<0.000000e+00> : vector<4096x3xf32>
    %dot_general3A_6 = tpu.matmul %get3A_5, %convert_element_type3A_2, %dot_general3A {dimension_numbers = #tpu.dot_dimension_numbers<[1], [0], [0], [1], [0, 0, 1, 1], [], []>, precision = #tpu.contract_precision<fp32>, transpose_lhs_hint = false} : vector<4096x3xf32>, vector<3x3xf32>, vector<4096x3xf32> -> vector<4096x3xf32>
    %mul3A = arith.constant 6.28318548 : f32
    %mul3A_7 = vector.broadcast %mul3A : f32 to vector<4096x3xf32>
    %mul3A_8 = arith.mulf %dot_general3A_6, %mul3A_7 : vector<4096x3xf32>
    %mul3A_9 = arith.mulf %mul3A_8, %mul3A_8 : vector<4096x3xf32>
    %reduce_sum3A = arith.constant dense<0.000000e+00> : vector<4096xf32>
    %reduce_sum3A_10 = vector.multi_reduction <add>, %mul3A_9, %reduce_sum3A [1] : vector<4096x3xf32> to vector<4096xf32>
    %broadcast_in_dim3A = vector.shape_cast %reduce_sum3A_10 : vector<4096xf32> to vector<4096x1xf32>
    %sqrt3A = math.sqrt %broadcast_in_dim3A : vector<4096x1xf32>
    %max3A = arith.constant 9.99999997E-7 : f32
    %max3A_11 = vector.broadcast %max3A : f32 to vector<4096x1xf32>
    %max3A_12 = arith.maximumf %sqrt3A, %max3A_11 : vector<4096x1xf32>
    %log1p3A = math.log1p %max3A_12 : vector<4096x1xf32>
    %mul3A_13 = arith.mulf %log1p3A, %log1p3A : vector<4096x1xf32>
    %div3A = arith.constant 1.000000e+00 : f32
    %div3A_14 = vector.broadcast %div3A : f32 to vector<4096x1xf32>
    %div3A_15 = arith.divf %div3A_14, %max3A_12 : vector<4096x1xf32>
    %concatenate3A = tpu.concatenate %log1p3A, %mul3A_13, %div3A_15 in 1 : vector<4096x1xf32>, vector<4096x1xf32>, vector<4096x1xf32> -> vector<4096x3xf32>
    %get3A_16 = arith.constant 0 : index
    %get3A_17 = arith.constant 0 : index
    %get3A_18 = vector.load %arg4[%get3A_16, %get3A_17] : memref<3x64xf32, #tpu.memory_space<vmem>>, vector<3x64xf32>
    %dot_general3A_19 = arith.constant dense<0.000000e+00> : vector<4096x64xf32>
    %dot_general3A_20 = tpu.matmul %concatenate3A, %get3A_18, %dot_general3A_19 {dimension_numbers = #tpu.dot_dimension_numbers<[1], [0], [0], [1], [0, 0, 1, 1], [], []>, transpose_lhs_hint = false} : vector<4096x3xf32>, vector<3x64xf32>, vector<4096x64xf32> -> vector<4096x64xf32>
    %get3A_21 = arith.constant 0 : index
    %get3A_22 = arith.constant 0 : index
    %get3A_23 = vector.load %arg5[%get3A_21, %get3A_22] : memref<1x64xf32, #tpu.memory_space<vmem>>, vector<1x64xf32>
    %add3A = vector.broadcast %get3A_23 : vector<1x64xf32> to vector<4096x64xf32>
    %add3A_24 = arith.addf %dot_general3A_20, %add3A : vector<4096x64xf32>
    %logistic3A = arith.negf %add3A_24 : vector<4096x64xf32>
    %logistic3A_25 = math.exp %logistic3A : vector<4096x64xf32>
    %logistic3A_26 = arith.constant 1.000000e+00 : f32
    %logistic3A_27 = vector.broadcast %logistic3A_26 : f32 to vector<4096x64xf32>
    %logistic3A_28 = arith.addf %logistic3A_27, %logistic3A_25 : vector<4096x64xf32>
    %logistic3A_29 = arith.divf %logistic3A_27, %logistic3A_28 : vector<4096x64xf32>
    %mul3A_30 = arith.mulf %add3A_24, %logistic3A_29 : vector<4096x64xf32>
    %get3A_31 = arith.constant 0 : index
    %get3A_32 = arith.constant 0 : index
    %get3A_33 = vector.load %arg6[%get3A_31, %get3A_32] : memref<64x64xf32, #tpu.memory_space<vmem>>, vector<64x64xf32>
    %dot_general3A_34 = arith.constant dense<0.000000e+00> : vector<4096x64xf32>
    %dot_general3A_35 = tpu.matmul %mul3A_30, %get3A_33, %dot_general3A_34 {dimension_numbers = #tpu.dot_dimension_numbers<[1], [0], [0], [1], [0, 0, 1, 1], [], []>, transpose_lhs_hint = false} : vector<4096x64xf32>, vector<64x64xf32>, vector<4096x64xf32> -> vector<4096x64xf32>
    %get3A_36 = arith.constant 0 : index
    %get3A_37 = arith.constant 0 : index
    %get3A_38 = vector.load %arg7[%get3A_36, %get3A_37] : memref<1x64xf32, #tpu.memory_space<vmem>>, vector<1x64xf32>
    %add3A_39 = vector.broadcast %get3A_38 : vector<1x64xf32> to vector<4096x64xf32>
    %add3A_40 = arith.addf %dot_general3A_35, %add3A_39 : vector<4096x64xf32>
    %logistic3A_41 = arith.negf %add3A_40 : vector<4096x64xf32>
    %logistic3A_42 = math.exp %logistic3A_41 : vector<4096x64xf32>
    %logistic3A_43 = arith.constant 1.000000e+00 : f32
    %logistic3A_44 = vector.broadcast %logistic3A_43 : f32 to vector<4096x64xf32>
    %logistic3A_45 = arith.addf %logistic3A_44, %logistic3A_42 : vector<4096x64xf32>
    %logistic3A_46 = arith.divf %logistic3A_44, %logistic3A_45 : vector<4096x64xf32>
    %mul3A_47 = arith.mulf %add3A_40, %logistic3A_46 : vector<4096x64xf32>
    %get3A_48 = arith.constant 0 : index
    %get3A_49 = arith.constant 0 : index
    %get3A_50 = vector.load %arg8[%get3A_48, %get3A_49] : memref<64x1xf32, #tpu.memory_space<vmem>>, vector<64x1xf32>
    %dot_general3A_51 = arith.constant dense<0.000000e+00> : vector<4096x1xf32>
    %dot_general3A_52 = tpu.matmul %mul3A_47, %get3A_50, %dot_general3A_51 {dimension_numbers = #tpu.dot_dimension_numbers<[1], [0], [0], [1], [0, 0, 1, 1], [], []>, transpose_lhs_hint = false} : vector<4096x64xf32>, vector<64x1xf32>, vector<4096x1xf32> -> vector<4096x1xf32>
    %get3A_53 = arith.constant 0 : index
    %get3A_54 = arith.constant 0 : index
    %get3A_55 = vector.load %arg9[%get3A_53, %get3A_54] : memref<1x1xf32, #tpu.memory_space<vmem>>, vector<1x1xf32>
    %add3A_56 = vector.broadcast %get3A_55 : vector<1x1xf32> to vector<4096x1xf32>
    %add3A_57 = arith.addf %dot_general3A_52, %add3A_56 : vector<4096x1xf32>
    %max3A_58 = arith.constant 0.000000e+00 : f32
    %max3A_59 = vector.broadcast %max3A_58 : f32 to vector<4096x1xf32>
    %max3A_60 = arith.maximumf %add3A_57, %max3A_59 : vector<4096x1xf32>
    %abs3A = math.absf %add3A_57 : vector<4096x1xf32>
    %neg3A = arith.constant 0.000000e+00 : f32
    %neg3A_61 = vector.broadcast %neg3A : f32 to vector<4096x1xf32>
    %neg3A_62 = arith.subf %neg3A_61, %abs3A : vector<4096x1xf32>
    %exp3A = math.exp %neg3A_62 : vector<4096x1xf32>
    %log1p3A_63 = math.log1p %exp3A : vector<4096x1xf32>
    %add3A_64 = arith.addf %max3A_60, %log1p3A_63 : vector<4096x1xf32>
    %get3A_65 = arith.constant 0 : index
    %get3A_66 = arith.constant 0 : index
    %get3A_67 = memref.load %arg3[%get3A_65, %get3A_66] : memref<1x1xf32, #tpu.memory_space<smem>>
    %div3A_68 = arith.constant 5.000000e-01 : f32
    %div3A_69 = arith.divf %div3A_68, %get3A_67 : f32
    %mul3A_70 = arith.constant 12.566371 : f32
    %mul3A_71 = arith.mulf %mul3A_70, %div3A_69 : f32
    %mul3A_72 = arith.mulf %max3A_12, %max3A_12 : vector<4096x1xf32>
    %div3A_73 = vector.broadcast %mul3A_71 : f32 to vector<4096x1xf32>
    %div3A_74 = arith.divf %div3A_73, %mul3A_72 : vector<4096x1xf32>
    %mul3A_75 = arith.mulf %div3A_74, %add3A_64 : vector<4096x1xf32>
    %mul3A_76 = arith.constant 4096 : i32
    %mul3A_77 = arith.muli %arg0, %mul3A_76 : i32
    %iota3A = tpu.iota {dimensions = array<i32: 0>} : vector<4096x1xi32>
    %add3A_78 = vector.broadcast %mul3A_77 : i32 to vector<4096x1xi32>
    %add3A_79 = arith.addi %add3A_78, %iota3A : vector<4096x1xi32>
    %eq3A = arith.constant 0 : i32
    %eq3A_80 = vector.broadcast %eq3A : i32 to vector<4096x1xi32>
    %eq3A_81 = arith.cmpi eq, %add3A_79, %eq3A_80 : vector<4096x1xi32>
    %jit3A = arith.constant 0.000000e+00 : f32
    %broadcast_in_dim3A_82 = vector.broadcast %jit3A : f32 to vector<4096x1xf32>
    %select_n3A = arith.select %eq3A_81, %broadcast_in_dim3A_82, %mul3A_75 : vector<4096x1xi1>, vector<4096x1xf32>
    %swap3A = arith.constant 0 : index
    %swap3A_83 = arith.constant 0 : index
    %swap3A_84 = vector.load %arg10[%swap3A, %swap3A_83] : memref<4096x1xf32, #tpu.memory_space<vmem>>, vector<4096x1xf32>
    tpu.vector_store %arg10[%swap3A, %swap3A_83], %select_n3A {strides = array<i32>} : memref<4096x1xf32, #tpu.memory_space<vmem>>, vector<4096x1xf32>,
    return
  }
  func.func @transform_0(%arg0: i32) -> (i32, i32) {
    %c0_i32 = arith.constant 0 : i32
    %c0_i32_0 = arith.constant 0 : i32
    return %arg0, %c0_i32 : i32, i32
  }
  func.func @transform_1(%arg0: i32) -> (i32, i32) {
    %c0_i32 = arith.constant 0 : i32
    %c0_i32_0 = arith.constant 0 : i32
    %c0_i32_1 = arith.constant 0 : i32
    return %c0_i32, %c0_i32_0 : i32, i32
  }
  func.func @transform_2(%arg0: i32) -> (i32, i32) {
    %c0_i32 = arith.constant 0 : i32
    %c0_i32_0 = arith.constant 0 : i32
    %c0_i32_1 = arith.constant 0 : i32
    return %c0_i32, %c0_i32_0 : i32, i32
  }
  func.func @transform_3(%arg0: i32) -> (i32, i32) {
    %c0_i32 = arith.constant 0 : i32
    %c0_i32_0 = arith.constant 0 : i32
    %c0_i32_1 = arith.constant 0 : i32
    return %c0_i32, %c0_i32_0 : i32, i32
  }
  func.func @transform_4(%arg0: i32) -> (i32, i32) {
    %c0_i32 = arith.constant 0 : i32
    %c0_i32_0 = arith.constant 0 : i32
    %c0_i32_1 = arith.constant 0 : i32
    return %c0_i32, %c0_i32_0 : i32, i32
  }
  func.func @transform_5(%arg0: i32) -> (i32, i32) {
    %c0_i32 = arith.constant 0 : i32
    %c0_i32_0 = arith.constant 0 : i32
    %c0_i32_1 = arith.constant 0 : i32
    return %c0_i32, %c0_i32_0 : i32, i32
  }
  func.func @transform_6(%arg0: i32) -> (i32, i32) {
    %c0_i32 = arith.constant 0 : i32
    %c0_i32_0 = arith.constant 0 : i32
    %c0_i32_1 = arith.constant 0 : i32
    return %c0_i32, %c0_i32_0 : i32, i32
  }
  func.func @transform_7(%arg0: i32) -> (i32, i32) {
    %c0_i32 = arith.constant 0 : i32
    %c0_i32_0 = arith.constant 0 : i32
    %c0_i32_1 = arith.constant 0 : i32
    return %c0_i32, %c0_i32_0 : i32, i32
  }
  func.func @transform_8(%arg0: i32) -> (i32, i32) {
    %c0_i32 = arith.constant 0 : i32
    %c0_i32_0 = arith.constant 0 : i32
    %c0_i32_1 = arith.constant 0 : i32
    return %c0_i32, %c0_i32_0 : i32, i32
  }
  func.func @transform_9(%arg0: i32) -> (i32, i32) {
    %c0_i32 = arith.constant 0 : i32
    %c0_i32_0 = arith.constant 0 : i32
    return %arg0, %c0_i32 : i32, i32
  }
}

module attributes {stable_mosaic.version = 14 : i64} {
  func.func @_dft_body(%arg0: memref<8x128x1024xf32, #tpu.memory_space<vmem>>, %arg1: memref<32x1024xf32, #tpu.memory_space<vmem>>, %arg2: memref<1024x1024xf32, #tpu.memory_space<vmem>>, %arg3: memref<1024x1024xf32, #tpu.memory_space<vmem>>, %arg4: memref<128x128xf32, #tpu.memory_space<vmem>>, %arg5: memref<128x128xf32, #tpu.memory_space<vmem>>, %arg6: memref<128x1024xf32, #tpu.memory_space<vmem>>) attributes {dimension_semantics = [], scalar_prefetch = 0 : i64, scratch_operands = 0 : i64, tpu.core_type = #tpu.core_type<tc>} {
    %get3A = arith.constant 0 : index
    %get3A_0 = arith.constant 0 : index
    %get3A_1 = arith.constant 0 : index
    %get3A_2 = vector.load %arg0[%get3A, %get3A_0, %get3A_1] : memref<8x128x1024xf32, #tpu.memory_space<vmem>>, vector<8x128x1024xf32>
    %reduce_sum3A = arith.constant dense<0.000000e+00> : vector<128x1024xf32>
    %reduce_sum3A_3 = vector.multi_reduction <add>, %get3A_2, %reduce_sum3A [0] : vector<8x128x1024xf32> to vector<128x1024xf32>
    %get3A_4 = arith.constant 0 : index
    %get3A_5 = arith.constant 0 : index
    %get3A_6 = vector.load %arg2[%get3A_4, %get3A_5] : memref<1024x1024xf32, #tpu.memory_space<vmem>>, vector<1024x1024xf32>
    %get3A_7 = arith.constant 0 : index
    %get3A_8 = arith.constant 0 : index
    %get3A_9 = vector.load %arg3[%get3A_7, %get3A_8] : memref<1024x1024xf32, #tpu.memory_space<vmem>>, vector<1024x1024xf32>
    %get3A_10 = arith.constant 0 : index
    %get3A_11 = arith.constant 0 : index
    %get3A_12 = vector.load %arg4[%get3A_10, %get3A_11] : memref<128x128xf32, #tpu.memory_space<vmem>>, vector<128x128xf32>
    %get3A_13 = arith.constant 0 : index
    %get3A_14 = arith.constant 0 : index
    %get3A_15 = vector.load %arg5[%get3A_13, %get3A_14] : memref<128x128xf32, #tpu.memory_space<vmem>>, vector<128x128xf32>
    %dot_general3A = arith.constant dense<0.000000e+00> : vector<128x1024xf32>
    %dot_general3A_16 = tpu.matmul %reduce_sum3A_3, %get3A_6, %dot_general3A {dimension_numbers = #tpu.dot_dimension_numbers<[1], [0], [0], [1], [0, 0, 1, 1], [], []>, precision = #tpu.contract_precision<fp32>, transpose_lhs_hint = false} : vector<128x1024xf32>, vector<1024x1024xf32>, vector<128x1024xf32> -> vector<128x1024xf32>
    %dot_general3A_17 = arith.constant dense<0.000000e+00> : vector<128x1024xf32>
    %dot_general3A_18 = tpu.matmul %reduce_sum3A_3, %get3A_9, %dot_general3A_17 {dimension_numbers = #tpu.dot_dimension_numbers<[1], [0], [0], [1], [0, 0, 1, 1], [], []>, precision = #tpu.contract_precision<fp32>, transpose_lhs_hint = false} : vector<128x1024xf32>, vector<1024x1024xf32>, vector<128x1024xf32> -> vector<128x1024xf32>
    %dot_general3A_19 = arith.constant dense<0.000000e+00> : vector<128x1024xf32>
    %dot_general3A_20 = tpu.matmul %get3A_12, %dot_general3A_16, %dot_general3A_19 {dimension_numbers = #tpu.dot_dimension_numbers<[1], [0], [0], [1], [0, 0, 1, 1], [], []>, precision = #tpu.contract_precision<fp32>, transpose_lhs_hint = false} : vector<128x128xf32>, vector<128x1024xf32>, vector<128x1024xf32> -> vector<128x1024xf32>
    %dot_general3A_21 = arith.constant dense<0.000000e+00> : vector<128x1024xf32>
    %dot_general3A_22 = tpu.matmul %get3A_15, %dot_general3A_18, %dot_general3A_21 {dimension_numbers = #tpu.dot_dimension_numbers<[1], [0], [0], [1], [0, 0, 1, 1], [], []>, precision = #tpu.contract_precision<fp32>, transpose_lhs_hint = false} : vector<128x128xf32>, vector<128x1024xf32>, vector<128x1024xf32> -> vector<128x1024xf32>
    %sub3A = arith.subf %dot_general3A_20, %dot_general3A_22 : vector<128x1024xf32>
    %dot_general3A_23 = arith.constant dense<0.000000e+00> : vector<128x1024xf32>
    %dot_general3A_24 = tpu.matmul %get3A_12, %dot_general3A_18, %dot_general3A_23 {dimension_numbers = #tpu.dot_dimension_numbers<[1], [0], [0], [1], [0, 0, 1, 1], [], []>, precision = #tpu.contract_precision<fp32>, transpose_lhs_hint = false} : vector<128x128xf32>, vector<128x1024xf32>, vector<128x1024xf32> -> vector<128x1024xf32>
    %dot_general3A_25 = arith.constant dense<0.000000e+00> : vector<128x1024xf32>
    %dot_general3A_26 = tpu.matmul %get3A_15, %dot_general3A_16, %dot_general3A_25 {dimension_numbers = #tpu.dot_dimension_numbers<[1], [0], [0], [1], [0, 0, 1, 1], [], []>, precision = #tpu.contract_precision<fp32>, transpose_lhs_hint = false} : vector<128x128xf32>, vector<128x1024xf32>, vector<128x1024xf32> -> vector<128x1024xf32>
    %add3A = arith.addf %dot_general3A_24, %dot_general3A_26 : vector<128x1024xf32>
    %get3A_27 = arith.constant 0 : index
    %get3A_28 = arith.constant 0 : index
    %get3A_29 = vector.load %arg1[%get3A_27, %get3A_28] : memref<32x1024xf32, #tpu.memory_space<vmem>>, vector<32x1024xf32>
    %concatenate3A = tpu.concatenate %get3A_29, %get3A_29, %get3A_29, %get3A_29 in 0 : vector<32x1024xf32>, vector<32x1024xf32>, vector<32x1024xf32>, vector<32x1024xf32> -> vector<128x1024xf32>
    %mul3A = arith.mulf %sub3A, %concatenate3A : vector<128x1024xf32>
    %mul3A_30 = arith.mulf %add3A, %concatenate3A : vector<128x1024xf32>
    %dot_general3A_31 = arith.constant dense<0.000000e+00> : vector<128x1024xf32>
    %dot_general3A_32 = tpu.matmul %mul3A, %get3A_6, %dot_general3A_31 {dimension_numbers = #tpu.dot_dimension_numbers<[1], [0], [0], [1], [0, 0, 1, 1], [], []>, precision = #tpu.contract_precision<fp32>, transpose_lhs_hint = false} : vector<128x1024xf32>, vector<1024x1024xf32>, vector<128x1024xf32> -> vector<128x1024xf32>
    %dot_general3A_33 = arith.constant dense<0.000000e+00> : vector<128x1024xf32>
    %dot_general3A_34 = tpu.matmul %mul3A_30, %get3A_9, %dot_general3A_33 {dimension_numbers = #tpu.dot_dimension_numbers<[1], [0], [0], [1], [0, 0, 1, 1], [], []>, precision = #tpu.contract_precision<fp32>, transpose_lhs_hint = false} : vector<128x1024xf32>, vector<1024x1024xf32>, vector<128x1024xf32> -> vector<128x1024xf32>
    %add3A_35 = arith.addf %dot_general3A_32, %dot_general3A_34 : vector<128x1024xf32>
    %mul3A_36 = arith.constant 9.765625E-4 : f32
    %mul3A_37 = vector.broadcast %mul3A_36 : f32 to vector<128x1024xf32>
    %mul3A_38 = arith.mulf %add3A_35, %mul3A_37 : vector<128x1024xf32>
    %dot_general3A_39 = arith.constant dense<0.000000e+00> : vector<128x1024xf32>
    %dot_general3A_40 = tpu.matmul %mul3A_30, %get3A_6, %dot_general3A_39 {dimension_numbers = #tpu.dot_dimension_numbers<[1], [0], [0], [1], [0, 0, 1, 1], [], []>, precision = #tpu.contract_precision<fp32>, transpose_lhs_hint = false} : vector<128x1024xf32>, vector<1024x1024xf32>, vector<128x1024xf32> -> vector<128x1024xf32>
    %dot_general3A_41 = arith.constant dense<0.000000e+00> : vector<128x1024xf32>
    %dot_general3A_42 = tpu.matmul %mul3A, %get3A_9, %dot_general3A_41 {dimension_numbers = #tpu.dot_dimension_numbers<[1], [0], [0], [1], [0, 0, 1, 1], [], []>, precision = #tpu.contract_precision<fp32>, transpose_lhs_hint = false} : vector<128x1024xf32>, vector<1024x1024xf32>, vector<128x1024xf32> -> vector<128x1024xf32>
    %sub3A_43 = arith.subf %dot_general3A_40, %dot_general3A_42 : vector<128x1024xf32>
    %mul3A_44 = arith.constant 9.765625E-4 : f32
    %mul3A_45 = vector.broadcast %mul3A_44 : f32 to vector<128x1024xf32>
    %mul3A_46 = arith.mulf %sub3A_43, %mul3A_45 : vector<128x1024xf32>
    %dot_general3A_47 = arith.constant dense<0.000000e+00> : vector<128x1024xf32>
    %dot_general3A_48 = tpu.matmul %get3A_12, %mul3A_38, %dot_general3A_47 {dimension_numbers = #tpu.dot_dimension_numbers<[1], [0], [0], [1], [0, 0, 1, 1], [], []>, precision = #tpu.contract_precision<fp32>, transpose_lhs_hint = false} : vector<128x128xf32>, vector<128x1024xf32>, vector<128x1024xf32> -> vector<128x1024xf32>
    %dot_general3A_49 = arith.constant dense<0.000000e+00> : vector<128x1024xf32>
    %dot_general3A_50 = tpu.matmul %get3A_15, %mul3A_46, %dot_general3A_49 {dimension_numbers = #tpu.dot_dimension_numbers<[1], [0], [0], [1], [0, 0, 1, 1], [], []>, precision = #tpu.contract_precision<fp32>, transpose_lhs_hint = false} : vector<128x128xf32>, vector<128x1024xf32>, vector<128x1024xf32> -> vector<128x1024xf32>
    %add3A_51 = arith.addf %dot_general3A_48, %dot_general3A_50 : vector<128x1024xf32>
    %mul3A_52 = arith.constant 3.125000e-02 : f32
    %mul3A_53 = vector.broadcast %mul3A_52 : f32 to vector<128x1024xf32>
    %mul3A_54 = arith.mulf %add3A_51, %mul3A_53 : vector<128x1024xf32>
    %swap3A = arith.constant 0 : index
    %swap3A_55 = arith.constant 0 : index
    %swap3A_56 = vector.load %arg6[%swap3A, %swap3A_55] : memref<128x1024xf32, #tpu.memory_space<vmem>>, vector<128x1024xf32>
    tpu.vector_store %arg6[%swap3A, %swap3A_55], %mul3A_54 {strides = array<i32>} : memref<128x1024xf32, #tpu.memory_space<vmem>>, vector<128x1024xf32>,
    return
  }
}

module attributes {stable_mosaic.version = 14 : i64} {
  func.func @_reduce_body(%arg0: memref<4x50176xf32, #tpu.memory_space<vmem>>, %arg1: memref<50000xf32, #tpu.memory_space<vmem>>) attributes {dimension_semantics = [], scalar_prefetch = 0 : i64, scratch_operands = 0 : i64, tpu.core_type = #tpu.core_type<tc>} {
    %get3A = arith.constant 0 : index
    %get3A_0 = arith.constant 0 : index
    %get3A_1 = vector.load %arg0[%get3A, %get3A_0] : memref<4x50176xf32, #tpu.memory_space<vmem>>, vector<4x50176xf32>
    %reduce_sum3A = arith.constant dense<0.000000e+00> : vector<50176xf32>
    %reduce_sum3A_2 = vector.multi_reduction <add>, %get3A_1, %reduce_sum3A [0] : vector<4x50176xf32> to vector<50176xf32>
    %slice3A = vector.extract_strided_slice %reduce_sum3A_2 {offsets = [0], sizes = [50000], strides = [1]} : vector<50176xf32> to vector<50000xf32>
    %swap3A = arith.constant 0 : index
    %swap3A_3 = vector.load %arg1[%swap3A] : memref<50000xf32, #tpu.memory_space<vmem>>, vector<50000xf32>
    tpu.vector_store %arg1[%swap3A], %slice3A {strides = array<i32>} : memref<50000xf32, #tpu.memory_space<vmem>>, vector<50000xf32>,
    return
  }
}

</mosaic_0001>

<sc_bundles>
// kernel: kernel.11.cloned.1.call-start
scs
__scs_entry_jumppad:
0x0: {  	(pc) =	sbr.rel $0x88, $3  }
0x1: {  	(tag) =	ssettag $0x0;
	lr =	simm.s32 $0x1  }
0x2: {  	[smem:$0x3F94] =	sst lr;
	_ =	strace $0xD0000000  }
0x3: {  	_ = 	snop  }
0x4: {  	_ = 	snop  }
0x5: {  	_ = 	snop  }
0x6: {  	_ = 	snop  }
0x7: {  	_ = 	snop  }
__scs_overlays_trampoline_lowered:
0x8: {  	[smem:$0x3FA3] =	sst s0  }
0x9: {  	[smem:$0x3FA4] =	sst s1  }
0xa: {  	[smem:$0x3FA5] =	sst s2  }
0xb: {  	[smem:$0x3FA6] =	sst s3  }
0xc: {  	[smem:$0x3FA7] =	sst s4  }
0xd: {  	[smem:$0x3FA8] =	sst s5  }
0xe: {  	[smem:$0x3FA9] =	sst s6  }
0xf: {  	[smem:$0x3FAA] =	sst s7  }
0x10: {  	[smem:$0x3FAB] =	sst s8  }
0x11: {  	[smem:$0x3FAC] =	sst s9;
	s0 =	simm.s32 @!p0 $0x0  }
0x12: {  	s1 =	sld [smem:$0x3F92];
	s0 =	simm.s32 @p0 $0x1  }
0x13: {  	[smem:$0x3FAD] =	sst s0;
	s0 =	simm.s32 @!p1 $0x0  }
0x14: {  	s2 =	sld [smem:$0x3F91];
	s0 =	simm.s32 @p1 $0x1  }
0x15: {  	[smem:$0x3FAE] =	sst s0;
	s0 =	simm.s32 @!p2 $0x0  }
0x16: {  	s3 =	sld [smem:$0x3FDB];
	s0 =	simm.s32 @p2 $0x1  }
0x17: {  	s4 =	simm.s32 $0x1BF5;
	[smem:$0x3FB0] =	sst s0  }
0x18: {  	s0 =	sld [smem:$0x3F93];
	_ =	swait.ge [sflag:s4], $0x0  }
0x19: {  	s7 =	sld [smem:$0x3F94]  }
0x1a: {  	s8 =	sadd.s32 $0xFFFFE003, lr  }
0x1b: {  	s9 =	sadd.s32 $0xFFFFFEF7, lr;
	s5 =	simm.s32 $0xFFFFFFFF;
	p2 =	slt.u32 s8, $0xFFFFF086  }
0x1c: {  	p1 =	slt.u32 s9, $0xF7A;
	s5 =	simm.s32 @!p2 $0x0  }
0x1d: {  	s5 =	simm.s32 @p1 $0x1;
	p0 =	seq.s32 s7, s2  }
0x1e: {  	s7 =	smul.u32 @!p0 $0xF7A, s2;
	p2 =	seq.s32 @!p0 s5, $0x0  }
0x1f: {  	s9 =	smul.u32 $0xF7A, s1;
	s8 =	simm.s32 @!p0 $0x1BF5;
	p2 =	por !p2, p0  }
0x20: {  	[sflag:s8] =	ssyncset.s32 @!p0 $0xFFFFF086;
	s6 =	sadd.s32 @!p0 s3, s7;
	s7 =	simm.s32 @!p0 $0x108  }
0x21: {  	s3 =	sadd.s32 s3, s9;
	s6 =	sadd.s32 @!p0 $0x88, s6;
	s7 =	simm.s32 @p2 $0x1082  }
0x22: {  	[simem:s7], [sflag:s8] =	dma.local @!p0 [hbm:s6], $0xF7A  }
0x23: {  	s9 =	sor.u32 $0xD0000000, s2;
	s6 =	simm.s32 $0x108;
	_ =	swait.ge @!p0 [sflag:s8], $0x0  }
0x24: {  	s3 =	sadd.s32 $0x88, s3;
	s6 =	simm.s32 @!p1 $0x1082;
	[sflag:s4] =	ssyncset.s32 $0xFFFFF086  }
0x25: {  	[simem:s6], [sflag:s4] =	dma.local [hbm:s3], $0xF7A  }
0x26: {  	[smem:$0x3F94] =	sst s1;
	(tag) =	ssettag s2;
	_ =	strace s9  }
0x27: {  	s1 =	sld [smem:$0x3FA4]  }
0x28: {  	s2 =	sld [smem:$0x3FA5]  }
0x29: {  	s4 =	sld [smem:$0x3FA7]  }
0x2a: {  	p0 =	seq.s32 s5, $0x0;
	s5 =	sld [smem:$0x3FA8]  }
0x2b: {  	s6 =	sld [smem:$0x3FA9]  }
0x2c: {  	s7 =	sld [smem:$0x3FAA]  }
0x2d: {  	s3 =	simm.s32 $0x108;
	s8 =	sld [smem:$0x3FAB]  }
0x2e: {  	s3 =	simm.s32 @!p0 $0x1082;
	s9 =	sld [smem:$0x3FAC]  }
0x2f: {  	lr =	sadd.s32 s0, s3;
	s0 =	sld [smem:$0x3FA3]  }
0x30: {  	s3 =	sld [smem:$0x3FA6]  }
0x31: {  	[smem:$0x3FAF] =	sst s10  }
0x32: {  	s10 =	sld [smem:$0x3FAD];
	_ =	sdelay $0x3  }
0x33: {  	p0 =	seq.s32 s10, $0x1;
	s10 =	sld [smem:$0x3FAF];
	_ =	sdelay $0x3  }
0x34: {  	[smem:$0x3FAF] =	sst s10  }
0x35: {  	s10 =	sld [smem:$0x3FAE];
	_ =	sdelay $0x3  }
0x36: {  	p1 =	seq.s32 s10, $0x1;
	s10 =	sld [smem:$0x3FAF];
	_ =	sdelay $0x3  }
0x37: {  	[smem:$0x3FAF] =	sst s10  }
0x38: {  	s10 =	sld [smem:$0x3FB0]  }
0x39: {  	_ = 	snop;
	(pc) =	sbr.ind lr, $3  }
0x3a: {  	_ = 	snop  }
0x3b: {  	_ = 	snop  }
0x3c: {  	p2 =	seq.s32 s10, $0x1;
	s10 =	sld [smem:$0x3FAF]  }
0x3d: {  	_ =	shalt  }
0x3e: {  	_ =	shalt  }
0x3f: {  	_ =	shalt  }
0x40: {  	_ =	shalt  }
0x41: {  	_ =	shalt  }
0x42: {  	_ =	shalt  }
0x43: {  	_ =	shalt  }
0x44: {  	_ =	shalt  }
0x45: {  	_ =	shalt  }
0x46: {  	_ =	shalt  }
0x47: {  	_ =	shalt  }
0x48: {  	_ =	shalt  }
0x49: {  	_ =	shalt  }
0x4a: {  	_ =	shalt  }
0x4b: {  	_ =	shalt  }
0x4c: {  	_ =	shalt  }
0x4d: {  	_ =	shalt  }
0x4e: {  	_ =	shalt  }
0x4f: {  	_ =	shalt  }
0x50: {  	_ =	shalt  }
0x51: {  	_ =	shalt  }
0x52: {  	_ =	shalt  }
0x53: {  	_ =	shalt  }
0x54: {  	_ =	shalt  }
0x55: {  	_ =	shalt  }
0x56: {  	_ =	shalt  }
0x57: {  	_ =	shalt  }
0x58: {  	_ =	shalt  }
0x59: {  	_ =	shalt  }
0x5a: {  	_ =	shalt  }
0x5b: {  	_ =	shalt  }
0x5c: {  	_ =	shalt  }
0x5d: {  	_ =	shalt  }
0x5e: {  	_ =	shalt  }
0x5f: {  	_ =	shalt  }
0x60: {  	_ =	shalt  }
0x61: {  	_ =	shalt  }
0x62: {  	_ =	shalt  }
0x63: {  	_ =	shalt  }
0x64: {  	_ =	shalt  }
0x65: {  	_ =	shalt  }
0x66: {  	_ =	shalt  }
0x67: {  	_ =	shalt  }
0x68: {  	_ =	shalt  }
0x69: {  	_ =	shalt  }
0x6a: {  	_ =	shalt  }
0x6b: {  	_ =	shalt  }
0x6c: {  	_ =	shalt  }
0x6d: {  	_ =	shalt  }
0x6e: {  	_ =	shalt  }
0x6f: {  	_ =	shalt  }
0x70: {  	_ =	shalt  }
0x71: {  	_ =	shalt  }
0x72: {  	_ =	shalt  }
0x73: {  	_ =	shalt  }
0x74: {  	_ =	shalt  }
0x75: {  	_ =	shalt  }
0x76: {  	_ =	shalt  }
0x77: {  	_ =	shalt  }
0x78: {  	_ =	shalt  }
0x79: {  	_ =	shalt  }
0x7a: {  	_ =	shalt  }
0x7b: {  	_ =	shalt  }
0x7c: {  	_ =	shalt  }
0x7d: {  	_ =	shalt  }
0x7e: {  	_ =	shalt  }
0x7f: {  	_ =	shalt  }
0x80: {  	_ =	shalt  }
0x81: {  	_ =	shalt  }
0x82: {  	_ =	shalt  }
0x83: {  	_ =	shalt  }
0x84: {  	_ =	shalt  }
0x85: {  	_ =	shalt  }
0x86: {  	_ =	shalt  }
0x87: {  	_ =	shalt  }
.Lfunc_end0:
.L_simem_size_0:
called_computation.1_lowered:
.L_overlay_start_0:
0x88: {  	s2 =	sld [smem:$0x3FD9]  }
0x89: {  	s3 =	sld [smem:$0x3FFE];
	_ =	sdelay $0x1  }
0x8a: {  	s1 =	srdreg.scid  }
0x8b: {  	s0 =	sand.u32 $0x1, s1  }
0x8c: {  	s16 =	sshll.u32 s0, $0xA;
	s2 =	sadd.s32 s3, s2  }
0x8d: {  	s2 =	sadd.s32 s2, s16  }
0x8e: {  	[smem:$0x3FBB] =	sst s2  }
0x8f: {  	_ = 	snop  }
0x90: {  	(tm) =	ssettm $0x1  }
0x91: {  	s17 =	sld [smem:$0x3FFB];
	_ =	sdelay $0x3  }
0x92: {  	_ =	strace s17  }
0x93: {  	s2 =	sld [smem:$0x3FFC];
	_ =	sdelay $0x3  }
0x94: {  	_ =	strace s2  }
0x95: {  	s2 =	sld [smem:$0x3FFD];
	_ =	sdelay $0x3  }
0x96: {  	_ =	strace s2  }
0x97: {  	_ =	strace $0x8FFFFFFF  }
0x98: {  	s18 =	sld [smem:$0x3FDB];
	_ =	sdelay $0x1  }
0x99: {  	s19 =	simm.s32 $_scs_section_size  }
0x9a: {  	s4 =	simm.s32 $_size__tile_overlayer_lowered;
	s5 =	simm.s32 $_tile_overlayer_lowered  }
0x9b: {  	s22 =	simm.s32 $0x1BFF;
	s21 =	sshll.u32 s5, $0x1;
	s2 =	sadd.s32 s19, s18  }
0x9c: {  	s6 =	simm.s32 $0x0;
	s20 =	sshll.u32 s4, $0x1;
	s4 =	sadd.s32 s21, s2  }
0x9d: {  	[timem:s6], [sflag:s22] =	dma.local [hbm:s4], s20  }
0x9e: {  	_ =	swait.ge [sflag:s22], s20  }
0x9f: {  	s3 =	ssub.s32 $0x0, s20;
	[sflag:s22] =	ssyncset.done $0x0  }
0xa0: {  	[sflag:s22] =	ssyncadd.s32 s3;
	_ =	sdelay $0x1  }
0xa1: {  	s23 =	simm.s32 $0x1B8B  }
0xa2: {  	_ =	swait.ge [sflag:s23], $0x1  }
0xa3: {  	[sflag:s23] =	ssyncset.done $0x0  }
0xa4: {  	s25 =	simm.s32 $0x1B8E;
	s24 =	sld [smem:$0x3FFE];
	[sflag:s23] =	ssyncadd.s32 $0xFFFFFFFF  }
0xa5: {  	s26 =	simm.s32 $execute0_lowered;
	[smem:$0x3FD2] =	sst s25  }
0xa6: {  	s4 =	sshll.u32 s26, $0x1;
	_ =	strace $0x80000049;
	[dreg:$0x1] =	wrdreg $0xFFFFFFFF  }
0xa7: {  	s28 =	simm.s32 $_size_execute0_lowered;
	s2 =	sadd.s32 s2, s4;
	[dreg:$0x0] =	wrdreg $0x0  }
0xa8: {  	s4 =	sshll.u32 s28, $0x1;
	[dreg:$0x2] =	wrdreg s2  }
0xa9: {  	[dreg:$0x3] =	wrdreg s4  }
0xaa: {  	[dreg:$0x4] =	wrdreg $0xC0  }
0xab: {  	_ =	task [dreg:s6], $0x5FFFF  }
0xac: {  	[dreg:$0x1] =	wrdreg $0xFFFFFFFF  }
0xad: {  	[dreg:$0x0] =	wrdreg $0x60  }
0xae: {  	[dreg:$0x2] =	wrdreg s24  }
0xaf: {  	[dreg:$0x3] =	wrdreg $0x9  }
0xb0: {  	_ =	task.clear_ibuf [dreg:s6], $0x4FFFF;
	_ =	strace $0x90000049  }
0xb1: {  	s29 =	simm.s32 $0x9;
	_ =	strace $0x8000004B  }
0xb2: {  	_ =	swait.ge [sflag:s29], $0x1  }
0xb3: {  	[sflag:s29] =	ssyncadd.s32 $0xFFFFFFFF  }
0xb4: {  	_ =	strace $0x9000004B  }
0xb5: {  	_ =	sfence  }
0xb6: {  	s30 =	sld [smem:$0x0];
	_ =	sdelay $0x2  }
0xb7: {  	s31 =	sshll.u32 s1, $0xD;
	s1 =	sshrl.u32 s1, $0x2  }
0xb8: {  	s3 =	sand.u32 $0x4000, s31;
	s1 =	sadd.s32 s1, s30  }
0xb9: {  	s0 =	sor.u32 s3, s0;
	s1 =	sshll.u32 s1, $0x11  }
0xba: {  	s0 =	sor.u32 s1, s0  }
0xbb: {  	s0 =	sadd.s32 $0x8F2B, s0  }
0xbc: {  	[sflag:s0] =	ssyncadd.remote.s32 $0x1  }
0xbd: {  	_ =	sfence.sel $0xFFFF  }
0xbe: {  	[dreg:$0x0] =	wrdreg $0xFFFFFFFF;
	(pc) =	sbr.abs _section_cstart, $3  }
0xbf: {  	[dreg:$0x1] =	wrdreg $0xFFFFFFFF  }
0xc0: {  	_ =	task.clear_ibuf [dreg:s6], $0x2FFFF;
	_ =	strace $0x9FFFFFFF  }
0xc1: {  	(tm) =	ssettm $0x7FFFFFFF  }
tec
execute0_lowered:
.L_overlay_start_1:
0x0: {  	(tag) =	ssettag $0x1  }
0x1: {  	s0 =	rddreg [dreg:$0x0];
	s4 =	stileid.u32  }
0x2: {  	s1 =	srdreg.scid;
	s28 =	simm.s32 $0xB100;
	s29 =	simm.s32 $0xE200  }
0x3: {  	s30 =	simm.s32 $0x1;
	s31 =	simm.s32 $0x2;
	s2 =	sshll.u32 s4, $0x1  }
0x4: {  	s1 =	sand.u32 $0x1, s1;
	s4 =	sshrl.u32 s4, $0x1;
	s6 =	sadd.s32 $0xE800, s0  }
0x5: {  	s20 =	sadd.s32 $0x2400, s0;
	s3 =	sand.u32 $0x2, s2;
	s2 =	simm.s32 $0x0  }
0x6: {  	s4 =	smul.u32 $0x1880, s4;
	s3 =	sor.u32 s1, s3;
	[smem:$0x7FF] =	sst s2  }
0x7: {  	s1 =	ssub.s32 $0x2, s1;
	s5 =	smul.u32 $0xC400, s3;
	s3 =	sshll.u32 s3, $0xC  }
0x8: {  	_ =	strace $0x8000004A;
	s7 =	sshrl.u32 s1, $0x1;
	s3 =	sadd.s32 s3, s0  }
0x9: {  	s1 =	ssub.s32 s1, s7;
	s7 =	sshrl.u32 s4, $0x3;
	s5 =	sadd.s32 s4, s5  }
0xa: {  	s3 =	sadd.s32 $0x20E00, s3;
	s4 =	sadd.s32 s6, s7;
	s18 =	sadd.s32 s20, s7  }
0xb: {  	s19 =	sadd.s32 $0x1880, s7;
	s22 =	sadd.s32 $0x3100, s7;
	s23 =	sadd.s32 $0x4980, s7  }
0xc: {  	s24 =	sadd.s32 $0x6200, s7;
	s25 =	sadd.s32 $0x7A80, s7;
	[dreg:$0x2] =	wrdreg s3  }
0xd: {  	s26 =	sadd.s32 $0x9300, s7;
	s5 =	sshrl.u32 s5, $0x3;
	[dreg:$0x4] =	wrdreg s4  }
0xe: {  	[dreg:$0x5] =	wrdreg s18;
	s21 =	sadd.s32 s6, s19;
	s8 =	sadd.s32 s20, s19  }
0xf: {  	s9 =	sadd.s32 s6, s22;
	s10 =	sadd.s32 s20, s22;
	s11 =	sadd.s32 s6, s23  }
0x10: {  	s12 =	sadd.s32 s20, s23;
	s13 =	sadd.s32 s6, s24;
	s14 =	sadd.s32 s20, s24  }
0x11: {  	s15 =	sadd.s32 s6, s25;
	s16 =	sadd.s32 s20, s25;
	s17 =	sadd.s32 s6, s26  }
0x12: {  	s18 =	sadd.s32 s20, s26;
	s3 =	sadd.s32 $0xAB80, s7;
	s22 =	smax.u32 s1, $0x1  }
0x13: {  	s24 =	simm.s32 $0x9880;
	s25 =	simm.s32 $0xC980;
	s26 =	simm.s32 $0x3  }
0x14: {  	s1 =	simm.s32 $0x4;
	s23 =	simm.s32 $0x0;
	s0 =	sadd.s32 s5, s0  }
0x15: {  	[dreg:$0x6] =	wrdreg s21;
	s19 =	sadd.s32 s6, s3;
	s5 =	sadd.s32 $0x1AC00, s0  }
0x16: {  	v0 =	vimm.f32 $0.0e+00;
	s20 =	sadd.s32 s20, s3;
	s21 =	sadd.s32 $0x24E00, s0;
	[dreg:$0x3] =	wrdreg s5  }
.LBB2_1:
0x17: {  	s0 =	rddreg [dreg:$0x2]  }
0x18: {  	[tilespmem:s2], [sflag:$0x3] =	stream.linear.gather [hbm4b:s0+s2], $0x8000, $0x38;
	[tilespmem:$0x11300] =	vst v63  }
0x19: {  	s5 =	rddreg [dreg:$0x3];
	s3 =	simm.s32 $0xFA80  }
0x1a: {  	[tilespmem:s3], [sflag:$0x3] =	stream.linear.gather [hbm4b:s5+s2], $0x1880, $0x38;
	[tilespmem:$0x11300] =	vst v63  }
0x1b: {  	s6 =	rddreg [dreg:$0x4]  }
0x1c: {  	[tilespmem:s24], [sflag:$0x1] =	stream.linear.gather [hbm4b:s6+s2], $0x1880, $0x38;
	[tilespmem:$0x11300] =	vst v63  }
0x1d: {  	s7 =	rddreg [dreg:$0x5];
	s0 =	simm.s32 $0x0;
	s3 =	simm.s32 $0x100  }
0x1e: {  	[tilespmem:s25], [sflag:$0x1] =	stream.linear.gather [hbm4b:s7+s2], $0x1880, $0x38;
	[tilespmem:$0x11300] =	vst v63  }
.LBB2_2:
0x1f: {  	p0 =	sne.s32 s3, $0x6100;
	[tilespmem:s0+$0x8030] =	vst v0;
	s4 =	smov.u32 s3;
	s3 =	sadd.s32 $0x100, s3  }
.Ltmp0:
0x20: {  	[tilespmem:s0+$0x8020] =	vst v0;
	(pc) =	sbr.rel @p0 .LBB2_2-.Ltmp0, $3  }
0x21: {  	[tilespmem:s0+$0x8000] =	vst v0  }
0x22: {  	[tilespmem:s0+$0x8010] =	vst v0;
	_ =	sdelay $0x1  }
0x23: {  	s0 =	sshra.s32 s4, $0x2  }
0x24: {  	[tilespmem:s0+$0x8030] =	vst v0  }
0x25: {  	[tilespmem:s0+$0x8020] =	vst v0  }
0x26: {  	[tilespmem:s0+$0x8000] =	vst v0  }
0x27: {  	[tilespmem:s0+$0x8010] =	vst v0  }
0x28: {  	_ =	swait.ge [sflag:s26], $0x8000  }
0x29: {  	[sflag:s26] =	ssyncset.done $0x0  }
0x2a: {  	[sflag:s26] =	ssyncadd.s32 $0xFFFF8000  }
0x2b: {  	_ =	swait.ge [sflag:s26], $0x1880  }
0x2c: {  	[sflag:s26] =	ssyncset.done $0x0  }
0x2d: {  	s7 =	simm.s32 $0x0;
	s3 =	rddreg [dreg:$0x6];
	[sflag:s26] =	ssyncadd.s32 $0xFFFFE780  }
0x2e: {  	[tilespmem:s28], [sflag:$0x2] =	stream.linear.gather [hbm4b:s3+s7], $0x1880, $0x38;
	[tilespmem:$0x11300] =	vst v63  }
0x2f: {  	_ = 	snop  }
0x30: {  	[tilespmem:s29], [sflag:$0x2] =	stream.linear.gather [hbm4b:s8+s7], $0x1880, $0x38;
	[tilespmem:$0x11300] =	vst v63  }
0x31: {  	_ =	swait.ge [sflag:s30], $0x1880  }
0x32: {  	[sflag:s30] =	ssyncset.done $0x0  }
0x33: {  	[sflag:s30] =	ssyncadd.s32 $0xFFFFE780  }
0x34: {  	_ =	swait.ge [sflag:s30], $0x1880  }
0x35: {  	[sflag:s30] =	ssyncset.done $0x0  }
0x36: {  	s0 =	simm.s32 $0x0;
	[sflag:s30] =	ssyncadd.s32 $0xFFFFE780  }
0x37: {  	v1 =	vld [tilespmem:s0+$0x9880];
	_ =	sdelay $0x6  }
0x38: {  	v2 =	vld [tilespmem:s0+$0xC980]  }
0x39: {  	v1 =	vld.idx.msk [tilespmem:v1+s2+$0x0], $0xffff  }
0x3a: {  	v3 =	vld [tilespmem:s0+$0x9890]  }
0x3b: {  	v4 =	vld [tilespmem:s0+$0x8000];
	_ =	sdelay $0x2  }
0x3c: {  	v1 =	vmul.f32 v2, v1;
	_ =	sdelay $0x1  }
0x3d: {  	v1 =	vadd.f32 v1, v4;
	_ =	sdelay $0x1  }
0x3e: {  	v2 =	vld [tilespmem:s0+$0xC990];
	[tilespmem:s0+$0x8000] =	vst v1  }
0x3f: {  	v1 =	vld.idx.msk [tilespmem:v3+s2+$0x0], $0xffff  }
0x40: {  	v4 =	vld [tilespmem:s0+$0x8010]  }
0x41: {  	v3 =	vld [tilespmem:s0+$0x98A0];
	_ =	sdelay $0x2  }
0x42: {  	v1 =	vmul.f32 v2, v1;
	_ =	sdelay $0x1  }
0x43: {  	v1 =	vadd.f32 v1, v4;
	_ =	sdelay $0x1  }
0x44: {  	v2 =	vld [tilespmem:s0+$0xC9A0];
	[tilespmem:s0+$0x8010] =	vst v1  }
0x45: {  	v1 =	vld.idx.msk [tilespmem:v3+s2+$0x0], $0xffff  }
0x46: {  	v4 =	vld [tilespmem:s0+$0x8020]  }
0x47: {  	v3 =	vld [tilespmem:s0+$0x98B0];
	_ =	sdelay $0x2  }
0x48: {  	v1 =	vmul.f32 v2, v1;
	_ =	sdelay $0x1  }
0x49: {  	v1 =	vadd.f32 v1, v4;
	_ =	sdelay $0x1  }
0x4a: {  	[tilespmem:s0+$0x8020] =	vst v1  }
0x4b: {  	v2 =	vld.idx.msk [tilespmem:v3+s2+$0x0], $0xffff  }
0x4c: {  	s4 =	simm.s32 $0x40;
	v3 =	vld [tilespmem:s0+$0xC9B0]  }
0x4d: {  	s3 =	simm.s32 $0x200;
	v1 =	vld [tilespmem:s4+$0x9880]  }
.LBB2_4:
0x4e: {  	p0 =	sne.s32 s3, $0x6100;
	v4 =	vld [tilespmem:s0+$0x8030];
	_ =	sdelay $0x2  }
0x4f: {  	v2 =	vmul.f32 v3, v2;
	_ =	sdelay $0x1  }
0x50: {  	v2 =	vadd.f32 v2, v4;
	_ =	sdelay $0x1  }
0x51: {  	[tilespmem:s0+$0x8030] =	vst v2;
	s0 =	smov.u32 s4  }
0x52: {  	v1 =	vld.idx.msk [tilespmem:v1+s2+$0x0], $0xffff  }
0x53: {  	v2 =	vld [tilespmem:s0+$0xC980]  }
0x54: {  	v3 =	vld [tilespmem:s0+$0x9890]  }
0x55: {  	v4 =	vld [tilespmem:s0+$0x8000];
	_ =	sdelay $0x2  }
0x56: {  	v1 =	vmul.f32 v2, v1;
	_ =	sdelay $0x1  }
0x57: {  	v1 =	vadd.f32 v1, v4;
	_ =	sdelay $0x1  }
0x58: {  	[tilespmem:s0+$0x8000] =	vst v1  }
0x59: {  	v1 =	vld.idx.msk [tilespmem:v3+s2+$0x0], $0xffff  }
0x5a: {  	v2 =	vld [tilespmem:s0+$0xC990]  }
0x5b: {  	v3 =	vld [tilespmem:s0+$0x98A0]  }
0x5c: {  	v4 =	vld [tilespmem:s0+$0x8010];
	_ =	sdelay $0x2  }
0x5d: {  	v1 =	vmul.f32 v2, v1;
	_ =	sdelay $0x1  }
0x5e: {  	v1 =	vadd.f32 v1, v4;
	_ =	sdelay $0x1  }
0x5f: {  	[tilespmem:s0+$0x8010] =	vst v1  }
0x60: {  	v1 =	vld.idx.msk [tilespmem:v3+s2+$0x0], $0xffff  }
0x61: {  	v2 =	vld [tilespmem:s0+$0xC9A0]  }
0x62: {  	v3 =	vld [tilespmem:s0+$0x98B0]  }
0x63: {  	v4 =	vld [tilespmem:s0+$0x8020];
	_ =	sdelay $0x2  }
0x64: {  	v1 =	vmul.f32 v2, v1;
	_ =	sdelay $0x1  }
0x65: {  	v1 =	vadd.f32 v1, v4  }
.Ltmp1:
0x66: {  	(pc) =	sbr.rel @p0 .LBB2_4-.Ltmp1, $4  }
0x67: {  	[tilespmem:s0+$0x8020] =	vst v1  }
0x68: {  	v2 =	vld.idx.msk [tilespmem:v3+s2+$0x0], $0xffff  }
0x69: {  	s4 =	sshra.s32 s3, $0x2;
	v3 =	vld [tilespmem:s0+$0xC9B0]  }
0x6a: {  	s3 =	sadd.s32 $0x100, s3;
	v1 =	vld [tilespmem:s4+$0x9880]  }
0x6b: {  	v4 =	vld [tilespmem:s0+$0x8030];
	_ =	sdelay $0x2  }
0x6c: {  	v2 =	vmul.f32 v3, v2;
	_ =	sdelay $0x1  }
0x6d: {  	v2 =	vadd.f32 v2, v4;
	_ =	sdelay $0x1  }
0x6e: {  	[tilespmem:s0+$0x8030] =	vst v2  }
0x6f: {  	v1 =	vld.idx.msk [tilespmem:v1+s2+$0x0], $0xffff  }
0x70: {  	v2 =	vld [tilespmem:s4+$0xC980]  }
0x71: {  	v3 =	vld [tilespmem:s4+$0x9890]  }
0x72: {  	v4 =	vld [tilespmem:s4+$0x8000];
	_ =	sdelay $0x2  }
0x73: {  	v1 =	vmul.f32 v2, v1;
	_ =	sdelay $0x1  }
0x74: {  	v1 =	vadd.f32 v1, v4;
	_ =	sdelay $0x1  }
0x75: {  	v2 =	vld [tilespmem:s4+$0xC990];
	[tilespmem:s4+$0x8000] =	vst v1  }
0x76: {  	v1 =	vld.idx.msk [tilespmem:v3+s2+$0x0], $0xffff  }
0x77: {  	v4 =	vld [tilespmem:s4+$0x8010]  }
0x78: {  	v3 =	vld [tilespmem:s4+$0x98A0];
	_ =	sdelay $0x2  }
0x79: {  	v1 =	vmul.f32 v2, v1;
	_ =	sdelay $0x1  }
0x7a: {  	v1 =	vadd.f32 v1, v4;
	_ =	sdelay $0x1  }
0x7b: {  	v2 =	vld [tilespmem:s4+$0xC9A0];
	[tilespmem:s4+$0x8010] =	vst v1  }
0x7c: {  	v1 =	vld.idx.msk [tilespmem:v3+s2+$0x0], $0xffff  }
0x7d: {  	v4 =	vld [tilespmem:s4+$0x8020]  }
0x7e: {  	v3 =	vld [tilespmem:s4+$0x98B0];
	_ =	sdelay $0x2  }
0x7f: {  	v1 =	vmul.f32 v2, v1;
	_ =	sdelay $0x1  }
0x80: {  	v1 =	vadd.f32 v1, v4;
	_ =	sdelay $0x1  }
0x81: {  	v2 =	vld [tilespmem:s4+$0xC9B0];
	[tilespmem:s4+$0x8020] =	vst v1  }
0x82: {  	v1 =	vld.idx.msk [tilespmem:v3+s2+$0x0], $0xffff;
	_ =	sdelay $0x1  }
0x83: {  	v3 =	vld [tilespmem:s4+$0x8030];
	_ =	sdelay $0x2  }
0x84: {  	v1 =	vmul.f32 v2, v1;
	_ =	sdelay $0x1  }
0x85: {  	v1 =	vadd.f32 v1, v3;
	_ =	sdelay $0x1  }
0x86: {  	s7 =	simm.s32 $0x0;
	[tilespmem:s4+$0x8030] =	vst v1  }
0x87: {  	[tilespmem:s24], [sflag:$0x1] =	stream.linear.gather [hbm4b:s9+s7], $0x1880, $0x38;
	[tilespmem:$0x11300] =	vst v63  }
0x88: {  	_ = 	snop  }
0x89: {  	[tilespmem:s25], [sflag:$0x1] =	stream.linear.gather [hbm4b:s10+s7], $0x1880, $0x38;
	[tilespmem:$0x11300] =	vst v63  }
0x8a: {  	_ =	swait.ge [sflag:s31], $0x1880  }
0x8b: {  	[sflag:s31] =	ssyncset.done $0x0  }
0x8c: {  	[sflag:s31] =	ssyncadd.s32 $0xFFFFE780  }
0x8d: {  	_ =	swait.ge [sflag:s31], $0x1880  }
0x8e: {  	[sflag:s31] =	ssyncset.done $0x0  }
0x8f: {  	s0 =	simm.s32 $0x0;
	[sflag:s31] =	ssyncadd.s32 $0xFFFFE780  }
0x90: {  	v1 =	vld [tilespmem:s0+$0xB100];
	_ =	sdelay $0x6  }
0x91: {  	v2 =	vld [tilespmem:s0+$0xE200]  }
0x92: {  	v1 =	vld.idx.msk [tilespmem:v1+s2+$0x0], $0xffff  }
0x93: {  	v3 =	vld [tilespmem:s0+$0xB110]  }
0x94: {  	v4 =	vld [tilespmem:s0+$0x8000];
	_ =	sdelay $0x2  }
0x95: {  	v1 =	vmul.f32 v2, v1;
	_ =	sdelay $0x1  }
0x96: {  	v1 =	vadd.f32 v1, v4;
	_ =	sdelay $0x1  }
0x97: {  	v2 =	vld [tilespmem:s0+$0xE210];
	[tilespmem:s0+$0x8000] =	vst v1  }
0x98: {  	v1 =	vld.idx.msk [tilespmem:v3+s2+$0x0], $0xffff  }
0x99: {  	v4 =	vld [tilespmem:s0+$0x8010]  }
0x9a: {  	v3 =	vld [tilespmem:s0+$0xB120];
	_ =	sdelay $0x2  }
0x9b: {  	v1 =	vmul.f32 v2, v1;
	_ =	sdelay $0x1  }
0x9c: {  	v1 =	vadd.f32 v1, v4;
	_ =	sdelay $0x1  }
0x9d: {  	v2 =	vld [tilespmem:s0+$0xE220];
	[tilespmem:s0+$0x8010] =	vst v1  }
0x9e: {  	v1 =	vld.idx.msk [tilespmem:v3+s2+$0x0], $0xffff  }
0x9f: {  	v4 =	vld [tilespmem:s0+$0x8020]  }
0xa0: {  	v3 =	vld [tilespmem:s0+$0xB130];
	_ =	sdelay $0x2  }
0xa1: {  	v1 =	vmul.f32 v2, v1;
	_ =	sdelay $0x1  }
0xa2: {  	v1 =	vadd.f32 v1, v4;
	_ =	sdelay $0x1  }
0xa3: {  	[tilespmem:s0+$0x8020] =	vst v1  }
0xa4: {  	v2 =	vld.idx.msk [tilespmem:v3+s2+$0x0], $0xffff  }
0xa5: {  	s4 =	simm.s32 $0x40;
	v3 =	vld [tilespmem:s0+$0xE230]  }
0xa6: {  	s3 =	simm.s32 $0x200;
	v1 =	vld [tilespmem:s4+$0xB100]  }
.LBB2_6:
0xa7: {  	p0 =	sne.s32 s3, $0x6100;
	v4 =	vld [tilespmem:s0+$0x8030];
	_ =	sdelay $0x2  }
0xa8: {  	v2 =	vmul.f32 v3, v2;
	_ =	sdelay $0x1  }
0xa9: {  	v2 =	vadd.f32 v2, v4;
	_ =	sdelay $0x1  }
0xaa: {  	[tilespmem:s0+$0x8030] =	vst v2;
	s0 =	smov.u32 s4  }
0xab: {  	v1 =	vld.idx.msk [tilespmem:v1+s2+$0x0], $0xffff  }
0xac: {  	v2 =	vld [tilespmem:s0+$0xE200]  }
0xad: {  	v3 =	vld [tilespmem:s0+$0xB110]  }
0xae: {  	v4 =	vld [tilespmem:s0+$0x8000];
	_ =	sdelay $0x2  }
0xaf: {  	v1 =	vmul.f32 v2, v1;
	_ =	sdelay $0x1  }
0xb0: {  	v1 =	vadd.f32 v1, v4;
	_ =	sdelay $0x1  }
0xb1: {  	[tilespmem:s0+$0x8000] =	vst v1  }
0xb2: {  	v1 =	vld.idx.msk [tilespmem:v3+s2+$0x0], $0xffff  }
0xb3: {  	v2 =	vld [tilespmem:s0+$0xE210]  }
0xb4: {  	v3 =	vld [tilespmem:s0+$0xB120]  }
0xb5: {  	v4 =	vld [tilespmem:s0+$0x8010];
	_ =	sdelay $0x2  }
0xb6: {  	v1 =	vmul.f32 v2, v1;
	_ =	sdelay $0x1  }
0xb7: {  	v1 =	vadd.f32 v1, v4;
	_ =	sdelay $0x1  }
0xb8: {  	[tilespmem:s0+$0x8010] =	vst v1  }
0xb9: {  	v1 =	vld.idx.msk [tilespmem:v3+s2+$0x0], $0xffff  }
0xba: {  	v2 =	vld [tilespmem:s0+$0xE220]  }
0xbb: {  	v3 =	vld [tilespmem:s0+$0xB130]  }
0xbc: {  	v4 =	vld [tilespmem:s0+$0x8020];
	_ =	sdelay $0x2  }
0xbd: {  	v1 =	vmul.f32 v2, v1;
	_ =	sdelay $0x1  }
0xbe: {  	v1 =	vadd.f32 v1, v4  }
.Ltmp2:
0xbf: {  	(pc) =	sbr.rel @p0 .LBB2_6-.Ltmp2, $4  }
0xc0: {  	[tilespmem:s0+$0x8020] =	vst v1  }
0xc1: {  	v2 =	vld.idx.msk [tilespmem:v3+s2+$0x0], $0xffff  }
0xc2: {  	s4 =	sshra.s32 s3, $0x2;
	v3 =	vld [tilespmem:s0+$0xE230]  }
0xc3: {  	s3 =	sadd.s32 $0x100, s3;
	v1 =	vld [tilespmem:s4+$0xB100]  }
0xc4: {  	v4 =	vld [tilespmem:s0+$0x8030];
	_ =	sdelay $0x2  }
0xc5: {  	v2 =	vmul.f32 v3, v2;
	_ =	sdelay $0x1  }
0xc6: {  	v2 =	vadd.f32 v2, v4;
	_ =	sdelay $0x1  }
0xc7: {  	[tilespmem:s0+$0x8030] =	vst v2  }
0xc8: {  	v1 =	vld.idx.msk [tilespmem:v1+s2+$0x0], $0xffff  }
0xc9: {  	v2 =	vld [tilespmem:s4+$0xE200]  }
0xca: {  	v3 =	vld [tilespmem:s4+$0xB110]  }
0xcb: {  	v4 =	vld [tilespmem:s4+$0x8000];
	_ =	sdelay $0x2  }
0xcc: {  	v1 =	vmul.f32 v2, v1;
	_ =	sdelay $0x1  }
0xcd: {  	v1 =	vadd.f32 v1, v4;
	_ =	sdelay $0x1  }
0xce: {  	v2 =	vld [tilespmem:s4+$0xE210];
	[tilespmem:s4+$0x8000] =	vst v1  }
0xcf: {  	v1 =	vld.idx.msk [tilespmem:v3+s2+$0x0], $0xffff  }
0xd0: {  	v4 =	vld [tilespmem:s4+$0x8010]  }
0xd1: {  	v3 =	vld [tilespmem:s4+$0xB120];
	_ =	sdelay $0x2  }
0xd2: {  	v1 =	vmul.f32 v2, v1;
	_ =	sdelay $0x1  }
0xd3: {  	v1 =	vadd.f32 v1, v4;
	_ =	sdelay $0x1  }
0xd4: {  	v2 =	vld [tilespmem:s4+$0xE220];
	[tilespmem:s4+$0x8010] =	vst v1  }
0xd5: {  	v1 =	vld.idx.msk [tilespmem:v3+s2+$0x0], $0xffff  }
0xd6: {  	v4 =	vld [tilespmem:s4+$0x8020]  }
0xd7: {  	v3 =	vld [tilespmem:s4+$0xB130];
	_ =	sdelay $0x2  }
0xd8: {  	v1 =	vmul.f32 v2, v1;
	_ =	sdelay $0x1  }
0xd9: {  	v1 =	vadd.f32 v1, v4;
	_ =	sdelay $0x1  }
0xda: {  	v2 =	vld [tilespmem:s4+$0xE230];
	[tilespmem:s4+$0x8020] =	vst v1  }
0xdb: {  	v1 =	vld.idx.msk [tilespmem:v3+s2+$0x0], $0xffff;
	_ =	sdelay $0x1  }
0xdc: {  	v3 =	vld [tilespmem:s4+$0x8030];
	_ =	sdelay $0x2  }
0xdd: {  	v1 =	vmul.f32 v2, v1;
	_ =	sdelay $0x1  }
0xde: {  	v1 =	vadd.f32 v1, v3;
	_ =	sdelay $0x1  }
0xdf: {  	s7 =	simm.s32 $0x0;
	[tilespmem:s4+$0x8030] =	vst v1  }
0xe0: {  	[tilespmem:s28], [sflag:$0x2] =	stream.linear.gather [hbm4b:s11+s7], $0x1880, $0x38;
	[tilespmem:$0x11300] =	vst v63  }
0xe1: {  	_ = 	snop  }
0xe2: {  	[tilespmem:s29], [sflag:$0x2] =	stream.linear.gather [hbm4b:s12+s7], $0x1880, $0x38;
	[tilespmem:$0x11300] =	vst v63  }
0xe3: {  	_ =	swait.ge [sflag:s30], $0x1880  }
0xe4: {  	[sflag:s30] =	ssyncset.done $0x0  }
0xe5: {  	[sflag:s30] =	ssyncadd.s32 $0xFFFFE780  }
0xe6: {  	_ =	swait.ge [sflag:s30], $0x1880  }
0xe7: {  	[sflag:s30] =	ssyncset.done $0x0  }
0xe8: {  	s0 =	simm.s32 $0x0;
	[sflag:s30] =	ssyncadd.s32 $0xFFFFE780  }
0xe9: {  	v1 =	vld [tilespmem:s0+$0x9880];
	_ =	sdelay $0x6  }
0xea: {  	v2 =	vld [tilespmem:s0+$0xC980]  }
0xeb: {  	v1 =	vld.idx.msk [tilespmem:v1+s2+$0x0], $0xffff  }
0xec: {  	v3 =	vld [tilespmem:s0+$0x9890]  }
0xed: {  	v4 =	vld [tilespmem:s0+$0x8000];
	_ =	sdelay $0x2  }
0xee: {  	v1 =	vmul.f32 v2, v1;
	_ =	sdelay $0x1  }
0xef: {  	v1 =	vadd.f32 v1, v4;
	_ =	sdelay $0x1  }
0xf0: {  	v2 =	vld [tilespmem:s0+$0xC990];
	[tilespmem:s0+$0x8000] =	vst v1  }
0xf1: {  	v1 =	vld.idx.msk [tilespmem:v3+s2+$0x0], $0xffff  }
0xf2: {  	v4 =	vld [tilespmem:s0+$0x8010]  }
0xf3: {  	v3 =	vld [tilespmem:s0+$0x98A0];
	_ =	sdelay $0x2  }
0xf4: {  	v1 =	vmul.f32 v2, v1;
	_ =	sdelay $0x1  }
0xf5: {  	v1 =	vadd.f32 v1, v4;
	_ =	sdelay $0x1  }
0xf6: {  	v2 =	vld [tilespmem:s0+$0xC9A0];
	[tilespmem:s0+$0x8010] =	vst v1  }
0xf7: {  	v1 =	vld.idx.msk [tilespmem:v3+s2+$0x0], $0xffff  }
0xf8: {  	v4 =	vld [tilespmem:s0+$0x8020]  }
0xf9: {  	v3 =	vld [tilespmem:s0+$0x98B0];
	_ =	sdelay $0x2  }
0xfa: {  	v1 =	vmul.f32 v2, v1;
	_ =	sdelay $0x1  }
0xfb: {  	v1 =	vadd.f32 v1, v4;
	_ =	sdelay $0x1  }
0xfc: {  	[tilespmem:s0+$0x8020] =	vst v1  }
0xfd: {  	v2 =	vld.idx.msk [tilespmem:v3+s2+$0x0], $0xffff  }
0xfe: {  	s4 =	simm.s32 $0x40;
	v3 =	vld [tilespmem:s0+$0xC9B0]  }
0xff: {  	s3 =	simm.s32 $0x200;
	v1 =	vld [tilespmem:s4+$0x9880]  }
.LBB2_8:
0x100: {  	p0 =	sne.s32 s3, $0x6100;
	v4 =	vld [tilespmem:s0+$0x8030];
	_ =	sdelay $0x2  }
0x101: {  	v2 =	vmul.f32 v3, v2;
	_ =	sdelay $0x1  }
0x102: {  	v2 =	vadd.f32 v2, v4;
	_ =	sdelay $0x1  }
0x103: {  	[tilespmem:s0+$0x8030] =	vst v2;
	s0 =	smov.u32 s4  }
0x104: {  	v1 =	vld.idx.msk [tilespmem:v1+s2+$0x0], $0xffff  }
0x105: {  	v2 =	vld [tilespmem:s0+$0xC980]  }
0x106: {  	v3 =	vld [tilespmem:s0+$0x9890]  }
0x107: {  	v4 =	vld [tilespmem:s0+$0x8000];
	_ =	sdelay $0x2  }
0x108: {  	v1 =	vmul.f32 v2, v1;
	_ =	sdelay $0x1  }
0x109: {  	v1 =	vadd.f32 v1, v4;
	_ =	sdelay $0x1  }
0x10a: {  	[tilespmem:s0+$0x8000] =	vst v1  }
0x10b: {  	v1 =	vld.idx.msk [tilespmem:v3+s2+$0x0], $0xffff  }
0x10c: {  	v2 =	vld [tilespmem:s0+$0xC990]  }
0x10d: {  	v3 =	vld [tilespmem:s0+$0x98A0]  }
0x10e: {  	v4 =	vld [tilespmem:s0+$0x8010];
	_ =	sdelay $0x2  }
0x10f: {  	v1 =	vmul.f32 v2, v1;
	_ =	sdelay $0x1  }
0x110: {  	v1 =	vadd.f32 v1, v4;
	_ =	sdelay $0x1  }
0x111: {  	[tilespmem:s0+$0x8010] =	vst v1  }
0x112: {  	v1 =	vld.idx.msk [tilespmem:v3+s2+$0x0], $0xffff  }
0x113: {  	v2 =	vld [tilespmem:s0+$0xC9A0]  }
0x114: {  	v3 =	vld [tilespmem:s0+$0x98B0]  }
0x115: {  	v4 =	vld [tilespmem:s0+$0x8020];
	_ =	sdelay $0x2  }
0x116: {  	v1 =	vmul.f32 v2, v1;
	_ =	sdelay $0x1  }
0x117: {  	v1 =	vadd.f32 v1, v4  }
.Ltmp3:
0x118: {  	(pc) =	sbr.rel @p0 .LBB2_8-.Ltmp3, $4  }
0x119: {  	[tilespmem:s0+$0x8020] =	vst v1  }
0x11a: {  	v2 =	vld.idx.msk [tilespmem:v3+s2+$0x0], $0xffff  }
0x11b: {  	s4 =	sshra.s32 s3, $0x2;
	v3 =	vld [tilespmem:s0+$0xC9B0]  }
0x11c: {  	s3 =	sadd.s32 $0x100, s3;
	v1 =	vld [tilespmem:s4+$0x9880]  }
0x11d: {  	v4 =	vld [tilespmem:s0+$0x8030];
	_ =	sdelay $0x2  }
0x11e: {  	v2 =	vmul.f32 v3, v2;
	_ =	sdelay $0x1  }
0x11f: {  	v2 =	vadd.f32 v2, v4;
	_ =	sdelay $0x1  }
0x120: {  	[tilespmem:s0+$0x8030] =	vst v2  }
0x121: {  	v1 =	vld.idx.msk [tilespmem:v1+s2+$0x0], $0xffff  }
0x122: {  	v2 =	vld [tilespmem:s4+$0xC980]  }
0x123: {  	v3 =	vld [tilespmem:s4+$0x9890]  }
0x124: {  	v4 =	vld [tilespmem:s4+$0x8000];
	_ =	sdelay $0x2  }
0x125: {  	v1 =	vmul.f32 v2, v1;
	_ =	sdelay $0x1  }
0x126: {  	v1 =	vadd.f32 v1, v4;
	_ =	sdelay $0x1  }
0x127: {  	v2 =	vld [tilespmem:s4+$0xC990];
	[tilespmem:s4+$0x8000] =	vst v1  }
0x128: {  	v1 =	vld.idx.msk [tilespmem:v3+s2+$0x0], $0xffff  }
0x129: {  	v4 =	vld [tilespmem:s4+$0x8010]  }
0x12a: {  	v3 =	vld [tilespmem:s4+$0x98A0];
	_ =	sdelay $0x2  }
0x12b: {  	v1 =	vmul.f32 v2, v1;
	_ =	sdelay $0x1  }
0x12c: {  	v1 =	vadd.f32 v1, v4;
	_ =	sdelay $0x1  }
0x12d: {  	v2 =	vld [tilespmem:s4+$0xC9A0];
	[tilespmem:s4+$0x8010] =	vst v1  }
0x12e: {  	v1 =	vld.idx.msk [tilespmem:v3+s2+$0x0], $0xffff  }
0x12f: {  	v4 =	vld [tilespmem:s4+$0x8020]  }
0x130: {  	v3 =	vld [tilespmem:s4+$0x98B0];
	_ =	sdelay $0x2  }
0x131: {  	v1 =	vmul.f32 v2, v1;
	_ =	sdelay $0x1  }
0x132: {  	v1 =	vadd.f32 v1, v4;
	_ =	sdelay $0x1  }
0x133: {  	v2 =	vld [tilespmem:s4+$0xC9B0];
	[tilespmem:s4+$0x8020] =	vst v1  }
0x134: {  	v1 =	vld.idx.msk [tilespmem:v3+s2+$0x0], $0xffff;
	_ =	sdelay $0x1  }
0x135: {  	v3 =	vld [tilespmem:s4+$0x8030];
	_ =	sdelay $0x2  }
0x136: {  	v1 =	vmul.f32 v2, v1;
	_ =	sdelay $0x1  }
0x137: {  	v1 =	vadd.f32 v1, v3;
	_ =	sdelay $0x1  }
0x138: {  	s7 =	simm.s32 $0x0;
	[tilespmem:s4+$0x8030] =	vst v1  }
0x139: {  	[tilespmem:s24], [sflag:$0x1] =	stream.linear.gather [hbm4b:s13+s7], $0x1880, $0x38;
	[tilespmem:$0x11300] =	vst v63  }
0x13a: {  	_ = 	snop  }
0x13b: {  	[tilespmem:s25], [sflag:$0x1] =	stream.linear.gather [hbm4b:s14+s7], $0x1880, $0x38;
	[tilespmem:$0x11300] =	vst v63  }
0x13c: {  	_ =	swait.ge [sflag:s31], $0x1880  }
0x13d: {  	[sflag:s31] =	ssyncset.done $0x0  }
0x13e: {  	[sflag:s31] =	ssyncadd.s32 $0xFFFFE780  }
0x13f: {  	_ =	swait.ge [sflag:s31], $0x1880  }
0x140: {  	[sflag:s31] =	ssyncset.done $0x0  }
0x141: {  	s0 =	simm.s32 $0x0;
	[sflag:s31] =	ssyncadd.s32 $0xFFFFE780  }
0x142: {  	v1 =	vld [tilespmem:s0+$0xB100];
	_ =	sdelay $0x6  }
0x143: {  	v2 =	vld [tilespmem:s0+$0xE200]  }
0x144: {  	v1 =	vld.idx.msk [tilespmem:v1+s2+$0x0], $0xffff  }
0x145: {  	v3 =	vld [tilespmem:s0+$0xB110]  }
0x146: {  	v4 =	vld [tilespmem:s0+$0x8000];
	_ =	sdelay $0x2  }
0x147: {  	v1 =	vmul.f32 v2, v1;
	_ =	sdelay $0x1  }
0x148: {  	v1 =	vadd.f32 v1, v4;
	_ =	sdelay $0x1  }
0x149: {  	v2 =	vld [tilespmem:s0+$0xE210];
	[tilespmem:s0+$0x8000] =	vst v1  }
0x14a: {  	v1 =	vld.idx.msk [tilespmem:v3+s2+$0x0], $0xffff  }
0x14b: {  	v4 =	vld [tilespmem:s0+$0x8010]  }
0x14c: {  	v3 =	vld [tilespmem:s0+$0xB120];
	_ =	sdelay $0x2  }
0x14d: {  	v1 =	vmul.f32 v2, v1;
	_ =	sdelay $0x1  }
0x14e: {  	v1 =	vadd.f32 v1, v4;
	_ =	sdelay $0x1  }
0x14f: {  	v2 =	vld [tilespmem:s0+$0xE220];
	[tilespmem:s0+$0x8010] =	vst v1  }
0x150: {  	v1 =	vld.idx.msk [tilespmem:v3+s2+$0x0], $0xffff  }
0x151: {  	v4 =	vld [tilespmem:s0+$0x8020]  }
0x152: {  	v3 =	vld [tilespmem:s0+$0xB130];
	_ =	sdelay $0x2  }
0x153: {  	v1 =	vmul.f32 v2, v1;
	_ =	sdelay $0x1  }
0x154: {  	v1 =	vadd.f32 v1, v4;
	_ =	sdelay $0x1  }
0x155: {  	[tilespmem:s0+$0x8020] =	vst v1  }
0x156: {  	v2 =	vld.idx.msk [tilespmem:v3+s2+$0x0], $0xffff  }
0x157: {  	s4 =	simm.s32 $0x40;
	v3 =	vld [tilespmem:s0+$0xE230]  }
0x158: {  	s3 =	simm.s32 $0x200;
	v1 =	vld [tilespmem:s4+$0xB100]  }
.LBB2_10:
0x159: {  	p0 =	sne.s32 s3, $0x6100;
	v4 =	vld [tilespmem:s0+$0x8030];
	_ =	sdelay $0x2  }
0x15a: {  	v2 =	vmul.f32 v3, v2;
	_ =	sdelay $0x1  }
0x15b: {  	v2 =	vadd.f32 v2, v4;
	_ =	sdelay $0x1  }
0x15c: {  	[tilespmem:s0+$0x8030] =	vst v2;
	s0 =	smov.u32 s4  }
0x15d: {  	v1 =	vld.idx.msk [tilespmem:v1+s2+$0x0], $0xffff  }
0x15e: {  	v2 =	vld [tilespmem:s0+$0xE200]  }
0x15f: {  	v3 =	vld [tilespmem:s0+$0xB110]  }
0x160: {  	v4 =	vld [tilespmem:s0+$0x8000];
	_ =	sdelay $0x2  }
0x161: {  	v1 =	vmul.f32 v2, v1;
	_ =	sdelay $0x1  }
0x162: {  	v1 =	vadd.f32 v1, v4;
	_ =	sdelay $0x1  }
0x163: {  	[tilespmem:s0+$0x8000] =	vst v1  }
0x164: {  	v1 =	vld.idx.msk [tilespmem:v3+s2+$0x0], $0xffff  }
0x165: {  	v2 =	vld [tilespmem:s0+$0xE210]  }
0x166: {  	v3 =	vld [tilespmem:s0+$0xB120]  }
0x167: {  	v4 =	vld [tilespmem:s0+$0x8010];
	_ =	sdelay $0x2  }
0x168: {  	v1 =	vmul.f32 v2, v1;
	_ =	sdelay $0x1  }
0x169: {  	v1 =	vadd.f32 v1, v4;
	_ =	sdelay $0x1  }
0x16a: {  	[tilespmem:s0+$0x8010] =	vst v1  }
0x16b: {  	v1 =	vld.idx.msk [tilespmem:v3+s2+$0x0], $0xffff  }
0x16c: {  	v2 =	vld [tilespmem:s0+$0xE220]  }
0x16d: {  	v3 =	vld [tilespmem:s0+$0xB130]  }
0x16e: {  	v4 =	vld [tilespmem:s0+$0x8020];
	_ =	sdelay $0x2  }
0x16f: {  	v1 =	vmul.f32 v2, v1;
	_ =	sdelay $0x1  }
0x170: {  	v1 =	vadd.f32 v1, v4  }
.Ltmp4:
0x171: {  	(pc) =	sbr.rel @p0 .LBB2_10-.Ltmp4, $4  }
0x172: {  	[tilespmem:s0+$0x8020] =	vst v1  }
0x173: {  	v2 =	vld.idx.msk [tilespmem:v3+s2+$0x0], $0xffff  }
0x174: {  	s4 =	sshra.s32 s3, $0x2;
	v3 =	vld [tilespmem:s0+$0xE230]  }
0x175: {  	s3 =	sadd.s32 $0x100, s3;
	v1 =	vld [tilespmem:s4+$0xB100]  }
0x176: {  	v4 =	vld [tilespmem:s0+$0x8030];
	_ =	sdelay $0x2  }
0x177: {  	v2 =	vmul.f32 v3, v2;
	_ =	sdelay $0x1  }
0x178: {  	v2 =	vadd.f32 v2, v4;
	_ =	sdelay $0x1  }
0x179: {  	[tilespmem:s0+$0x8030] =	vst v2  }
0x17a: {  	v1 =	vld.idx.msk [tilespmem:v1+s2+$0x0], $0xffff  }
0x17b: {  	v2 =	vld [tilespmem:s4+$0xE200]  }
0x17c: {  	v3 =	vld [tilespmem:s4+$0xB110]  }
0x17d: {  	v4 =	vld [tilespmem:s4+$0x8000];
	_ =	sdelay $0x2  }
0x17e: {  	v1 =	vmul.f32 v2, v1;
	_ =	sdelay $0x1  }
0x17f: {  	v1 =	vadd.f32 v1, v4;
	_ =	sdelay $0x1  }
0x180: {  	v2 =	vld [tilespmem:s4+$0xE210];
	[tilespmem:s4+$0x8000] =	vst v1  }
0x181: {  	v1 =	vld.idx.msk [tilespmem:v3+s2+$0x0], $0xffff  }
0x182: {  	v4 =	vld [tilespmem:s4+$0x8010]  }
0x183: {  	v3 =	vld [tilespmem:s4+$0xB120];
	_ =	sdelay $0x2  }
0x184: {  	v1 =	vmul.f32 v2, v1;
	_ =	sdelay $0x1  }
0x185: {  	v1 =	vadd.f32 v1, v4;
	_ =	sdelay $0x1  }
0x186: {  	v2 =	vld [tilespmem:s4+$0xE220];
	[tilespmem:s4+$0x8010] =	vst v1  }
0x187: {  	v1 =	vld.idx.msk [tilespmem:v3+s2+$0x0], $0xffff  }
0x188: {  	v4 =	vld [tilespmem:s4+$0x8020]  }
0x189: {  	v3 =	vld [tilespmem:s4+$0xB130];
	_ =	sdelay $0x2  }
0x18a: {  	v1 =	vmul.f32 v2, v1;
	_ =	sdelay $0x1  }
0x18b: {  	v1 =	vadd.f32 v1, v4;
	_ =	sdelay $0x1  }
0x18c: {  	v2 =	vld [tilespmem:s4+$0xE230];
	[tilespmem:s4+$0x8020] =	vst v1  }
0x18d: {  	v1 =	vld.idx.msk [tilespmem:v3+s2+$0x0], $0xffff;
	_ =	sdelay $0x1  }
0x18e: {  	v3 =	vld [tilespmem:s4+$0x8030];
	_ =	sdelay $0x2  }
0x18f: {  	v1 =	vmul.f32 v2, v1;
	_ =	sdelay $0x1  }
0x190: {  	v1 =	vadd.f32 v1, v3;
	_ =	sdelay $0x1  }
0x191: {  	s7 =	simm.s32 $0x0;
	[tilespmem:s4+$0x8030] =	vst v1  }
0x192: {  	[tilespmem:s28], [sflag:$0x2] =	stream.linear.gather [hbm4b:s15+s7], $0x1880, $0x38;
	[tilespmem:$0x11300] =	vst v63  }
0x193: {  	_ = 	snop  }
0x194: {  	[tilespmem:s29], [sflag:$0x2] =	stream.linear.gather [hbm4b:s16+s7], $0x1880, $0x38;
	[tilespmem:$0x11300] =	vst v63  }
0x195: {  	_ =	swait.ge [sflag:s30], $0x1880  }
0x196: {  	[sflag:s30] =	ssyncset.done $0x0  }
0x197: {  	[sflag:s30] =	ssyncadd.s32 $0xFFFFE780  }
0x198: {  	_ =	swait.ge [sflag:s30], $0x1880  }
0x199: {  	[sflag:s30] =	ssyncset.done $0x0  }
0x19a: {  	s0 =	simm.s32 $0x0;
	[sflag:s30] =	ssyncadd.s32 $0xFFFFE780  }
0x19b: {  	v1 =	vld [tilespmem:s0+$0x9880];
	_ =	sdelay $0x6  }
0x19c: {  	v2 =	vld [tilespmem:s0+$0xC980]  }
0x19d: {  	v1 =	vld.idx.msk [tilespmem:v1+s2+$0x0], $0xffff  }
0x19e: {  	v3 =	vld [tilespmem:s0+$0x9890]  }
0x19f: {  	v4 =	vld [tilespmem:s0+$0x8000];
	_ =	sdelay $0x2  }
0x1a0: {  	v1 =	vmul.f32 v2, v1;
	_ =	sdelay $0x1  }
0x1a1: {  	v1 =	vadd.f32 v1, v4;
	_ =	sdelay $0x1  }
0x1a2: {  	v2 =	vld [tilespmem:s0+$0xC990];
	[tilespmem:s0+$0x8000] =	vst v1  }
0x1a3: {  	v1 =	vld.idx.msk [tilespmem:v3+s2+$0x0], $0xffff  }
0x1a4: {  	v4 =	vld [tilespmem:s0+$0x8010]  }
0x1a5: {  	v3 =	vld [tilespmem:s0+$0x98A0];
	_ =	sdelay $0x2  }
0x1a6: {  	v1 =	vmul.f32 v2, v1;
	_ =	sdelay $0x1  }
0x1a7: {  	v1 =	vadd.f32 v1, v4;
	_ =	sdelay $0x1  }
0x1a8: {  	v2 =	vld [tilespmem:s0+$0xC9A0];
	[tilespmem:s0+$0x8010] =	vst v1  }
0x1a9: {  	v1 =	vld.idx.msk [tilespmem:v3+s2+$0x0], $0xffff  }
0x1aa: {  	v4 =	vld [tilespmem:s0+$0x8020]  }
0x1ab: {  	v3 =	vld [tilespmem:s0+$0x98B0];
	_ =	sdelay $0x2  }
0x1ac: {  	v1 =	vmul.f32 v2, v1;
	_ =	sdelay $0x1  }
0x1ad: {  	v1 =	vadd.f32 v1, v4;
	_ =	sdelay $0x1  }
0x1ae: {  	[tilespmem:s0+$0x8020] =	vst v1  }
0x1af: {  	v2 =	vld.idx.msk [tilespmem:v3+s2+$0x0], $0xffff  }
0x1b0: {  	s4 =	simm.s32 $0x40;
	v3 =	vld [tilespmem:s0+$0xC9B0]  }
0x1b1: {  	s3 =	simm.s32 $0x200;
	v1 =	vld [tilespmem:s4+$0x9880]  }
.LBB2_12:
0x1b2: {  	p0 =	sne.s32 s3, $0x6100;
	v4 =	vld [tilespmem:s0+$0x8030];
	_ =	sdelay $0x2  }
0x1b3: {  	v2 =	vmul.f32 v3, v2;
	_ =	sdelay $0x1  }
0x1b4: {  	v2 =	vadd.f32 v2, v4;
	_ =	sdelay $0x1  }
0x1b5: {  	[tilespmem:s0+$0x8030] =	vst v2;
	s0 =	smov.u32 s4  }
0x1b6: {  	v1 =	vld.idx.msk [tilespmem:v1+s2+$0x0], $0xffff  }
0x1b7: {  	v2 =	vld [tilespmem:s0+$0xC980]  }
0x1b8: {  	v3 =	vld [tilespmem:s0+$0x9890]  }
0x1b9: {  	v4 =	vld [tilespmem:s0+$0x8000];
	_ =	sdelay $0x2  }
0x1ba: {  	v1 =	vmul.f32 v2, v1;
	_ =	sdelay $0x1  }
0x1bb: {  	v1 =	vadd.f32 v1, v4;
	_ =	sdelay $0x1  }
0x1bc: {  	[tilespmem:s0+$0x8000] =	vst v1  }
0x1bd: {  	v1 =	vld.idx.msk [tilespmem:v3+s2+$0x0], $0xffff  }
0x1be: {  	v2 =	vld [tilespmem:s0+$0xC990]  }
0x1bf: {  	v3 =	vld [tilespmem:s0+$0x98A0]  }
0x1c0: {  	v4 =	vld [tilespmem:s0+$0x8010];
	_ =	sdelay $0x2  }
0x1c1: {  	v1 =	vmul.f32 v2, v1;
	_ =	sdelay $0x1  }
0x1c2: {  	v1 =	vadd.f32 v1, v4;
	_ =	sdelay $0x1  }
0x1c3: {  	[tilespmem:s0+$0x8010] =	vst v1  }
0x1c4: {  	v1 =	vld.idx.msk [tilespmem:v3+s2+$0x0], $0xffff  }
0x1c5: {  	v2 =	vld [tilespmem:s0+$0xC9A0]  }
0x1c6: {  	v3 =	vld [tilespmem:s0+$0x98B0]  }
0x1c7: {  	v4 =	vld [tilespmem:s0+$0x8020];
	_ =	sdelay $0x2  }
0x1c8: {  	v1 =	vmul.f32 v2, v1;
	_ =	sdelay $0x1  }
0x1c9: {  	v1 =	vadd.f32 v1, v4  }
.Ltmp5:
0x1ca: {  	(pc) =	sbr.rel @p0 .LBB2_12-.Ltmp5, $4  }
0x1cb: {  	[tilespmem:s0+$0x8020] =	vst v1  }
0x1cc: {  	v2 =	vld.idx.msk [tilespmem:v3+s2+$0x0], $0xffff  }
0x1cd: {  	s4 =	sshra.s32 s3, $0x2;
	v3 =	vld [tilespmem:s0+$0xC9B0]  }
0x1ce: {  	s3 =	sadd.s32 $0x100, s3;
	v1 =	vld [tilespmem:s4+$0x9880]  }
0x1cf: {  	v4 =	vld [tilespmem:s0+$0x8030];
	_ =	sdelay $0x2  }
0x1d0: {  	v2 =	vmul.f32 v3, v2;
	_ =	sdelay $0x1  }
0x1d1: {  	v2 =	vadd.f32 v2, v4;
	_ =	sdelay $0x1  }
0x1d2: {  	[tilespmem:s0+$0x8030] =	vst v2  }
0x1d3: {  	v1 =	vld.idx.msk [tilespmem:v1+s2+$0x0], $0xffff  }
0x1d4: {  	v2 =	vld [tilespmem:s4+$0xC980]  }
0x1d5: {  	v3 =	vld [tilespmem:s4+$0x9890]  }
0x1d6: {  	v4 =	vld [tilespmem:s4+$0x8000];
	_ =	sdelay $0x2  }
0x1d7: {  	v1 =	vmul.f32 v2, v1;
	_ =	sdelay $0x1  }
0x1d8: {  	v1 =	vadd.f32 v1, v4;
	_ =	sdelay $0x1  }
0x1d9: {  	v2 =	vld [tilespmem:s4+$0xC990];
	[tilespmem:s4+$0x8000] =	vst v1  }
0x1da: {  	v1 =	vld.idx.msk [tilespmem:v3+s2+$0x0], $0xffff  }
0x1db: {  	v4 =	vld [tilespmem:s4+$0x8010]  }
0x1dc: {  	v3 =	vld [tilespmem:s4+$0x98A0];
	_ =	sdelay $0x2  }
0x1dd: {  	v1 =	vmul.f32 v2, v1;
	_ =	sdelay $0x1  }
0x1de: {  	v1 =	vadd.f32 v1, v4;
	_ =	sdelay $0x1  }
0x1df: {  	v2 =	vld [tilespmem:s4+$0xC9A0];
	[tilespmem:s4+$0x8010] =	vst v1  }
0x1e0: {  	v1 =	vld.idx.msk [tilespmem:v3+s2+$0x0], $0xffff  }
0x1e1: {  	v4 =	vld [tilespmem:s4+$0x8020]  }
0x1e2: {  	v3 =	vld [tilespmem:s4+$0x98B0];
	_ =	sdelay $0x2  }
0x1e3: {  	v1 =	vmul.f32 v2, v1;
	_ =	sdelay $0x1  }
0x1e4: {  	v1 =	vadd.f32 v1, v4;
	_ =	sdelay $0x1  }
0x1e5: {  	v2 =	vld [tilespmem:s4+$0xC9B0];
	[tilespmem:s4+$0x8020] =	vst v1  }
0x1e6: {  	v1 =	vld.idx.msk [tilespmem:v3+s2+$0x0], $0xffff;
	_ =	sdelay $0x1  }
0x1e7: {  	v3 =	vld [tilespmem:s4+$0x8030];
	_ =	sdelay $0x2  }
0x1e8: {  	v1 =	vmul.f32 v2, v1;
	_ =	sdelay $0x1  }
0x1e9: {  	v1 =	vadd.f32 v1, v3;
	_ =	sdelay $0x1  }
0x1ea: {  	s7 =	simm.s32 $0x0;
	[tilespmem:s4+$0x8030] =	vst v1  }
0x1eb: {  	[tilespmem:s24], [sflag:$0x1] =	stream.linear.gather [hbm4b:s17+s7], $0x1880, $0x38;
	[tilespmem:$0x11300] =	vst v63  }
0x1ec: {  	_ = 	snop  }
0x1ed: {  	[tilespmem:s25], [sflag:$0x1] =	stream.linear.gather [hbm4b:s18+s7], $0x1880, $0x38;
	[tilespmem:$0x11300] =	vst v63  }
0x1ee: {  	_ =	swait.ge [sflag:s31], $0x1880  }
0x1ef: {  	[sflag:s31] =	ssyncset.done $0x0  }
0x1f0: {  	[sflag:s31] =	ssyncadd.s32 $0xFFFFE780  }
0x1f1: {  	_ =	swait.ge [sflag:s31], $0x1880  }
0x1f2: {  	[sflag:s31] =	ssyncset.done $0x0  }
0x1f3: {  	s0 =	simm.s32 $0x0;
	[sflag:s31] =	ssyncadd.s32 $0xFFFFE780  }
0x1f4: {  	v1 =	vld [tilespmem:s0+$0xB100];
	_ =	sdelay $0x6  }
0x1f5: {  	v2 =	vld [tilespmem:s0+$0xE200]  }
0x1f6: {  	v1 =	vld.idx.msk [tilespmem:v1+s2+$0x0], $0xffff  }
0x1f7: {  	v3 =	vld [tilespmem:s0+$0xB110]  }
0x1f8: {  	v4 =	vld [tilespmem:s0+$0x8000];
	_ =	sdelay $0x2  }
0x1f9: {  	v1 =	vmul.f32 v2, v1;
	_ =	sdelay $0x1  }
0x1fa: {  	v1 =	vadd.f32 v1, v4;
	_ =	sdelay $0x1  }
0x1fb: {  	v2 =	vld [tilespmem:s0+$0xE210];
	[tilespmem:s0+$0x8000] =	vst v1  }
0x1fc: {  	v1 =	vld.idx.msk [tilespmem:v3+s2+$0x0], $0xffff  }
0x1fd: {  	v4 =	vld [tilespmem:s0+$0x8010]  }
0x1fe: {  	v3 =	vld [tilespmem:s0+$0xB120];
	_ =	sdelay $0x2  }
0x1ff: {  	v1 =	vmul.f32 v2, v1;
	_ =	sdelay $0x1  }
0x200: {  	v1 =	vadd.f32 v1, v4;
	_ =	sdelay $0x1  }
0x201: {  	v2 =	vld [tilespmem:s0+$0xE220];
	[tilespmem:s0+$0x8010] =	vst v1  }
0x202: {  	v1 =	vld.idx.msk [tilespmem:v3+s2+$0x0], $0xffff  }
0x203: {  	v4 =	vld [tilespmem:s0+$0x8020]  }
0x204: {  	v3 =	vld [tilespmem:s0+$0xB130];
	_ =	sdelay $0x2  }
0x205: {  	v1 =	vmul.f32 v2, v1;
	_ =	sdelay $0x1  }
0x206: {  	v1 =	vadd.f32 v1, v4;
	_ =	sdelay $0x1  }
0x207: {  	[tilespmem:s0+$0x8020] =	vst v1  }
0x208: {  	v2 =	vld.idx.msk [tilespmem:v3+s2+$0x0], $0xffff  }
0x209: {  	s4 =	simm.s32 $0x40;
	v3 =	vld [tilespmem:s0+$0xE230]  }
0x20a: {  	s3 =	simm.s32 $0x200;
	v1 =	vld [tilespmem:s4+$0xB100]  }
.LBB2_14:
0x20b: {  	p0 =	sne.s32 s3, $0x6100;
	v4 =	vld [tilespmem:s0+$0x8030];
	_ =	sdelay $0x2  }
0x20c: {  	v2 =	vmul.f32 v3, v2;
	_ =	sdelay $0x1  }
0x20d: {  	v2 =	vadd.f32 v2, v4;
	_ =	sdelay $0x1  }
0x20e: {  	[tilespmem:s0+$0x8030] =	vst v2;
	s0 =	smov.u32 s4  }
0x20f: {  	v1 =	vld.idx.msk [tilespmem:v1+s2+$0x0], $0xffff  }
0x210: {  	v2 =	vld [tilespmem:s0+$0xE200]  }
0x211: {  	v3 =	vld [tilespmem:s0+$0xB110]  }
0x212: {  	v4 =	vld [tilespmem:s0+$0x8000];
	_ =	sdelay $0x2  }
0x213: {  	v1 =	vmul.f32 v2, v1;
	_ =	sdelay $0x1  }
0x214: {  	v1 =	vadd.f32 v1, v4;
	_ =	sdelay $0x1  }
0x215: {  	[tilespmem:s0+$0x8000] =	vst v1  }
0x216: {  	v1 =	vld.idx.msk [tilespmem:v3+s2+$0x0], $0xffff  }
0x217: {  	v2 =	vld [tilespmem:s0+$0xE210]  }
0x218: {  	v3 =	vld [tilespmem:s0+$0xB120]  }
0x219: {  	v4 =	vld [tilespmem:s0+$0x8010];
	_ =	sdelay $0x2  }
0x21a: {  	v1 =	vmul.f32 v2, v1;
	_ =	sdelay $0x1  }
0x21b: {  	v1 =	vadd.f32 v1, v4;
	_ =	sdelay $0x1  }
0x21c: {  	[tilespmem:s0+$0x8010] =	vst v1  }
0x21d: {  	v1 =	vld.idx.msk [tilespmem:v3+s2+$0x0], $0xffff  }
0x21e: {  	v2 =	vld [tilespmem:s0+$0xE220]  }
0x21f: {  	v3 =	vld [tilespmem:s0+$0xB130]  }
0x220: {  	v4 =	vld [tilespmem:s0+$0x8020];
	_ =	sdelay $0x2  }
0x221: {  	v1 =	vmul.f32 v2, v1;
	_ =	sdelay $0x1  }
0x222: {  	v1 =	vadd.f32 v1, v4  }
.Ltmp6:
0x223: {  	(pc) =	sbr.rel @p0 .LBB2_14-.Ltmp6, $4  }
0x224: {  	[tilespmem:s0+$0x8020] =	vst v1  }
0x225: {  	v2 =	vld.idx.msk [tilespmem:v3+s2+$0x0], $0xffff  }
0x226: {  	s4 =	sshra.s32 s3, $0x2;
	v3 =	vld [tilespmem:s0+$0xE230]  }
0x227: {  	s3 =	sadd.s32 $0x100, s3;
	v1 =	vld [tilespmem:s4+$0xB100]  }
0x228: {  	v4 =	vld [tilespmem:s0+$0x8030];
	_ =	sdelay $0x2  }
0x229: {  	v2 =	vmul.f32 v3, v2;
	_ =	sdelay $0x1  }
0x22a: {  	v2 =	vadd.f32 v2, v4;
	_ =	sdelay $0x1  }
0x22b: {  	[tilespmem:s0+$0x8030] =	vst v2  }
0x22c: {  	v1 =	vld.idx.msk [tilespmem:v1+s2+$0x0], $0xffff  }
0x22d: {  	v2 =	vld [tilespmem:s4+$0xE200]  }
0x22e: {  	v3 =	vld [tilespmem:s4+$0xB110]  }
0x22f: {  	v4 =	vld [tilespmem:s4+$0x8000];
	_ =	sdelay $0x2  }
0x230: {  	v1 =	vmul.f32 v2, v1;
	_ =	sdelay $0x1  }
0x231: {  	v1 =	vadd.f32 v1, v4;
	_ =	sdelay $0x1  }
0x232: {  	v2 =	vld [tilespmem:s4+$0xE210];
	[tilespmem:s4+$0x8000] =	vst v1  }
0x233: {  	v1 =	vld.idx.msk [tilespmem:v3+s2+$0x0], $0xffff  }
0x234: {  	v4 =	vld [tilespmem:s4+$0x8010]  }
0x235: {  	v3 =	vld [tilespmem:s4+$0xB120];
	_ =	sdelay $0x2  }
0x236: {  	v1 =	vmul.f32 v2, v1;
	_ =	sdelay $0x1  }
0x237: {  	v1 =	vadd.f32 v1, v4;
	_ =	sdelay $0x1  }
0x238: {  	v2 =	vld [tilespmem:s4+$0xE220];
	[tilespmem:s4+$0x8010] =	vst v1  }
0x239: {  	v1 =	vld.idx.msk [tilespmem:v3+s2+$0x0], $0xffff  }
0x23a: {  	v4 =	vld [tilespmem:s4+$0x8020]  }
0x23b: {  	v3 =	vld [tilespmem:s4+$0xB130];
	_ =	sdelay $0x2  }
0x23c: {  	v1 =	vmul.f32 v2, v1;
	_ =	sdelay $0x1  }
0x23d: {  	v1 =	vadd.f32 v1, v4;
	_ =	sdelay $0x1  }
0x23e: {  	v2 =	vld [tilespmem:s4+$0xE230];
	[tilespmem:s4+$0x8020] =	vst v1  }
0x23f: {  	v1 =	vld.idx.msk [tilespmem:v3+s2+$0x0], $0xffff;
	_ =	sdelay $0x1  }
0x240: {  	v3 =	vld [tilespmem:s4+$0x8030];
	_ =	sdelay $0x2  }
0x241: {  	v1 =	vmul.f32 v2, v1;
	_ =	sdelay $0x1  }
0x242: {  	v1 =	vadd.f32 v1, v3;
	_ =	sdelay $0x1  }
0x243: {  	s7 =	simm.s32 $0x0;
	[tilespmem:s4+$0x8030] =	vst v1  }
0x244: {  	[tilespmem:s28], [sflag:$0x2] =	stream.linear.gather [hbm4b:s19+s7], $0x1880, $0x38;
	[tilespmem:$0x11300] =	vst v63  }
0x245: {  	_ = 	snop  }
0x246: {  	[tilespmem:s29], [sflag:$0x2] =	stream.linear.gather [hbm4b:s20+s7], $0x1880, $0x38;
	[tilespmem:$0x11300] =	vst v63  }
0x247: {  	_ =	swait.ge [sflag:s30], $0x1880  }
0x248: {  	[sflag:s30] =	ssyncset.done $0x0  }
0x249: {  	[sflag:s30] =	ssyncadd.s32 $0xFFFFE780  }
0x24a: {  	_ =	swait.ge [sflag:s30], $0x1880  }
0x24b: {  	[sflag:s30] =	ssyncset.done $0x0  }
0x24c: {  	s0 =	simm.s32 $0x0;
	[sflag:s30] =	ssyncadd.s32 $0xFFFFE780  }
0x24d: {  	v1 =	vld [tilespmem:s0+$0x9880];
	_ =	sdelay $0x6  }
0x24e: {  	v2 =	vld [tilespmem:s0+$0xC980]  }
0x24f: {  	v1 =	vld.idx.msk [tilespmem:v1+s2+$0x0], $0xffff  }
0x250: {  	v3 =	vld [tilespmem:s0+$0x9890]  }
0x251: {  	v4 =	vld [tilespmem:s0+$0x8000];
	_ =	sdelay $0x2  }
0x252: {  	v1 =	vmul.f32 v2, v1;
	_ =	sdelay $0x1  }
0x253: {  	v1 =	vadd.f32 v1, v4;
	_ =	sdelay $0x1  }
0x254: {  	v2 =	vld [tilespmem:s0+$0xC990];
	[tilespmem:s0+$0x8000] =	vst v1  }
0x255: {  	v1 =	vld.idx.msk [tilespmem:v3+s2+$0x0], $0xffff  }
0x256: {  	v4 =	vld [tilespmem:s0+$0x8010]  }
0x257: {  	v3 =	vld [tilespmem:s0+$0x98A0];
	_ =	sdelay $0x2  }
0x258: {  	v1 =	vmul.f32 v2, v1;
	_ =	sdelay $0x1  }
0x259: {  	v1 =	vadd.f32 v1, v4;
	_ =	sdelay $0x1  }
0x25a: {  	v2 =	vld [tilespmem:s0+$0xC9A0];
	[tilespmem:s0+$0x8010] =	vst v1  }
0x25b: {  	v1 =	vld.idx.msk [tilespmem:v3+s2+$0x0], $0xffff  }
0x25c: {  	v4 =	vld [tilespmem:s0+$0x8020]  }
0x25d: {  	v3 =	vld [tilespmem:s0+$0x98B0];
	_ =	sdelay $0x2  }
0x25e: {  	v1 =	vmul.f32 v2, v1;
	_ =	sdelay $0x1  }
0x25f: {  	v1 =	vadd.f32 v1, v4;
	_ =	sdelay $0x1  }
0x260: {  	[tilespmem:s0+$0x8020] =	vst v1  }
0x261: {  	v2 =	vld.idx.msk [tilespmem:v3+s2+$0x0], $0xffff  }
0x262: {  	s4 =	simm.s32 $0x40;
	v3 =	vld [tilespmem:s0+$0xC9B0]  }
0x263: {  	s3 =	simm.s32 $0x200;
	v1 =	vld [tilespmem:s4+$0x9880]  }
.LBB2_16:
0x264: {  	p0 =	sne.s32 s3, $0x6100;
	v4 =	vld [tilespmem:s0+$0x8030];
	_ =	sdelay $0x2  }
0x265: {  	v2 =	vmul.f32 v3, v2;
	_ =	sdelay $0x1  }
0x266: {  	v2 =	vadd.f32 v2, v4;
	_ =	sdelay $0x1  }
0x267: {  	[tilespmem:s0+$0x8030] =	vst v2;
	s0 =	smov.u32 s4  }
0x268: {  	v1 =	vld.idx.msk [tilespmem:v1+s2+$0x0], $0xffff  }
0x269: {  	v2 =	vld [tilespmem:s0+$0xC980]  }
0x26a: {  	v3 =	vld [tilespmem:s0+$0x9890]  }
0x26b: {  	v4 =	vld [tilespmem:s0+$0x8000];
	_ =	sdelay $0x2  }
0x26c: {  	v1 =	vmul.f32 v2, v1;
	_ =	sdelay $0x1  }
0x26d: {  	v1 =	vadd.f32 v1, v4;
	_ =	sdelay $0x1  }
0x26e: {  	[tilespmem:s0+$0x8000] =	vst v1  }
0x26f: {  	v1 =	vld.idx.msk [tilespmem:v3+s2+$0x0], $0xffff  }
0x270: {  	v2 =	vld [tilespmem:s0+$0xC990]  }
0x271: {  	v3 =	vld [tilespmem:s0+$0x98A0]  }
0x272: {  	v4 =	vld [tilespmem:s0+$0x8010];
	_ =	sdelay $0x2  }
0x273: {  	v1 =	vmul.f32 v2, v1;
	_ =	sdelay $0x1  }
0x274: {  	v1 =	vadd.f32 v1, v4;
	_ =	sdelay $0x1  }
0x275: {  	[tilespmem:s0+$0x8010] =	vst v1  }
0x276: {  	v1 =	vld.idx.msk [tilespmem:v3+s2+$0x0], $0xffff  }
0x277: {  	v2 =	vld [tilespmem:s0+$0xC9A0]  }
0x278: {  	v3 =	vld [tilespmem:s0+$0x98B0]  }
0x279: {  	v4 =	vld [tilespmem:s0+$0x8020];
	_ =	sdelay $0x2  }
0x27a: {  	v1 =	vmul.f32 v2, v1;
	_ =	sdelay $0x1  }
0x27b: {  	v1 =	vadd.f32 v1, v4  }
.Ltmp7:
0x27c: {  	(pc) =	sbr.rel @p0 .LBB2_16-.Ltmp7, $4  }
0x27d: {  	[tilespmem:s0+$0x8020] =	vst v1  }
0x27e: {  	v2 =	vld.idx.msk [tilespmem:v3+s2+$0x0], $0xffff  }
0x27f: {  	s4 =	sshra.s32 s3, $0x2;
	v3 =	vld [tilespmem:s0+$0xC9B0]  }
0x280: {  	s3 =	sadd.s32 $0x100, s3;
	v1 =	vld [tilespmem:s4+$0x9880]  }
0x281: {  	v4 =	vld [tilespmem:s0+$0x8030];
	_ =	sdelay $0x2  }
0x282: {  	v2 =	vmul.f32 v3, v2;
	_ =	sdelay $0x1  }
0x283: {  	v2 =	vadd.f32 v2, v4;
	_ =	sdelay $0x1  }
0x284: {  	[tilespmem:s0+$0x8030] =	vst v2  }
0x285: {  	v1 =	vld.idx.msk [tilespmem:v1+s2+$0x0], $0xffff  }
0x286: {  	v2 =	vld [tilespmem:s4+$0xC980]  }
0x287: {  	v3 =	vld [tilespmem:s4+$0x9890]  }
0x288: {  	v4 =	vld [tilespmem:s4+$0x8000];
	_ =	sdelay $0x2  }
0x289: {  	v1 =	vmul.f32 v2, v1;
	_ =	sdelay $0x1  }
0x28a: {  	v1 =	vadd.f32 v1, v4;
	_ =	sdelay $0x1  }
0x28b: {  	v2 =	vld [tilespmem:s4+$0xC990];
	[tilespmem:s4+$0x8000] =	vst v1  }
0x28c: {  	v1 =	vld.idx.msk [tilespmem:v3+s2+$0x0], $0xffff  }
0x28d: {  	v4 =	vld [tilespmem:s4+$0x8010]  }
0x28e: {  	v3 =	vld [tilespmem:s4+$0x98A0];
	_ =	sdelay $0x2  }
0x28f: {  	v1 =	vmul.f32 v2, v1;
	_ =	sdelay $0x1  }
0x290: {  	v1 =	vadd.f32 v1, v4;
	_ =	sdelay $0x1  }
0x291: {  	v2 =	vld [tilespmem:s4+$0xC9A0];
	[tilespmem:s4+$0x8010] =	vst v1  }
0x292: {  	v1 =	vld.idx.msk [tilespmem:v3+s2+$0x0], $0xffff  }
0x293: {  	v4 =	vld [tilespmem:s4+$0x8020]  }
0x294: {  	v3 =	vld [tilespmem:s4+$0x98B0];
	_ =	sdelay $0x2  }
0x295: {  	v1 =	vmul.f32 v2, v1;
	_ =	sdelay $0x1  }
0x296: {  	v1 =	vadd.f32 v1, v4;
	_ =	sdelay $0x1  }
0x297: {  	v2 =	vld [tilespmem:s4+$0xC9B0];
	[tilespmem:s4+$0x8020] =	vst v1  }
0x298: {  	v1 =	vld.idx.msk [tilespmem:v3+s2+$0x0], $0xffff;
	_ =	sdelay $0x1  }
0x299: {  	v3 =	vld [tilespmem:s4+$0x8030];
	_ =	sdelay $0x2  }
0x29a: {  	v1 =	vmul.f32 v2, v1;
	_ =	sdelay $0x1  }
0x29b: {  	v1 =	vadd.f32 v1, v3;
	_ =	sdelay $0x1  }
0x29c: {  	[tilespmem:s4+$0x8030] =	vst v1  }
0x29d: {  	_ =	swait.ge [sflag:s31], $0x1880  }
0x29e: {  	[sflag:s31] =	ssyncset.done $0x0  }
0x29f: {  	[sflag:s31] =	ssyncadd.s32 $0xFFFFE780  }
0x2a0: {  	_ =	swait.ge [sflag:s31], $0x1880  }
0x2a1: {  	[sflag:s31] =	ssyncset.done $0x0  }
0x2a2: {  	s0 =	simm.s32 $0x0;
	[sflag:s31] =	ssyncadd.s32 $0xFFFFE780  }
0x2a3: {  	v1 =	vld [tilespmem:s0+$0xB100];
	_ =	sdelay $0x6  }
0x2a4: {  	s4 =	simm.s32 $0x0;
	v2 =	vld [tilespmem:s0+$0xE200]  }
0x2a5: {  	v1 =	vld.idx.msk [tilespmem:v1+s4+$0x0], $0xffff  }
0x2a6: {  	v3 =	vld [tilespmem:s0+$0xB110]  }
0x2a7: {  	v4 =	vld [tilespmem:s0+$0x8000];
	_ =	sdelay $0x2  }
0x2a8: {  	v1 =	vmul.f32 v2, v1;
	_ =	sdelay $0x1  }
0x2a9: {  	v1 =	vadd.f32 v1, v4;
	_ =	sdelay $0x1  }
0x2aa: {  	v2 =	vld [tilespmem:s0+$0xE210];
	[tilespmem:s0+$0x8000] =	vst v1  }
0x2ab: {  	v1 =	vld.idx.msk [tilespmem:v3+s4+$0x0], $0xffff  }
0x2ac: {  	v4 =	vld [tilespmem:s0+$0x8010]  }
0x2ad: {  	v3 =	vld [tilespmem:s0+$0xB120];
	_ =	sdelay $0x2  }
0x2ae: {  	v1 =	vmul.f32 v2, v1;
	_ =	sdelay $0x1  }
0x2af: {  	v1 =	vadd.f32 v1, v4;
	_ =	sdelay $0x1  }
0x2b0: {  	v2 =	vld [tilespmem:s0+$0xE220];
	[tilespmem:s0+$0x8010] =	vst v1  }
0x2b1: {  	v1 =	vld.idx.msk [tilespmem:v3+s4+$0x0], $0xffff  }
0x2b2: {  	v4 =	vld [tilespmem:s0+$0x8020]  }
0x2b3: {  	v3 =	vld [tilespmem:s0+$0xB130];
	_ =	sdelay $0x2  }
0x2b4: {  	v1 =	vmul.f32 v2, v1;
	_ =	sdelay $0x1  }
0x2b5: {  	v1 =	vadd.f32 v1, v4;
	_ =	sdelay $0x1  }
0x2b6: {  	[tilespmem:s0+$0x8020] =	vst v1  }
0x2b7: {  	v2 =	vld.idx.msk [tilespmem:v3+s4+$0x0], $0xffff  }
0x2b8: {  	s7 =	simm.s32 $0x40;
	v3 =	vld [tilespmem:s0+$0xE230]  }
0x2b9: {  	s3 =	simm.s32 $0x100;
	s6 =	simm.s32 $0x200;
	s5 =	simm.s32 $0x0;
	v1 =	vld [tilespmem:s7+$0xB100]  }
.LBB2_18:
0x2ba: {  	p0 =	sne.s32 s6, $0x6100;
	v4 =	vld [tilespmem:s5+$0x8030];
	_ =	sdelay $0x2  }
0x2bb: {  	v2 =	vmul.f32 v3, v2;
	_ =	sdelay $0x1  }
0x2bc: {  	v2 =	vadd.f32 v2, v4;
	_ =	sdelay $0x1  }
0x2bd: {  	[tilespmem:s5+$0x8030] =	vst v2;
	s5 =	smov.u32 s7  }
0x2be: {  	v1 =	vld.idx.msk [tilespmem:v1+s4+$0x0], $0xffff  }
0x2bf: {  	v2 =	vld [tilespmem:s5+$0xE200]  }
0x2c0: {  	v3 =	vld [tilespmem:s5+$0xB110]  }
0x2c1: {  	v4 =	vld [tilespmem:s5+$0x8000];
	_ =	sdelay $0x2  }
0x2c2: {  	v1 =	vmul.f32 v2, v1;
	_ =	sdelay $0x1  }
0x2c3: {  	v1 =	vadd.f32 v1, v4;
	_ =	sdelay $0x1  }
0x2c4: {  	[tilespmem:s5+$0x8000] =	vst v1  }
0x2c5: {  	v1 =	vld.idx.msk [tilespmem:v3+s4+$0x0], $0xffff  }
0x2c6: {  	v2 =	vld [tilespmem:s5+$0xE210]  }
0x2c7: {  	v3 =	vld [tilespmem:s5+$0xB120]  }
0x2c8: {  	v4 =	vld [tilespmem:s5+$0x8010];
	_ =	sdelay $0x2  }
0x2c9: {  	v1 =	vmul.f32 v2, v1;
	_ =	sdelay $0x1  }
0x2ca: {  	v1 =	vadd.f32 v1, v4;
	_ =	sdelay $0x1  }
0x2cb: {  	[tilespmem:s5+$0x8010] =	vst v1  }
0x2cc: {  	v1 =	vld.idx.msk [tilespmem:v3+s4+$0x0], $0xffff  }
0x2cd: {  	v2 =	vld [tilespmem:s5+$0xE220]  }
0x2ce: {  	v3 =	vld [tilespmem:s5+$0xB130]  }
0x2cf: {  	v4 =	vld [tilespmem:s5+$0x8020];
	_ =	sdelay $0x2  }
0x2d0: {  	v1 =	vmul.f32 v2, v1;
	_ =	sdelay $0x1  }
0x2d1: {  	v1 =	vadd.f32 v1, v4  }
.Ltmp8:
0x2d2: {  	(pc) =	sbr.rel @p0 .LBB2_18-.Ltmp8, $4  }
0x2d3: {  	[tilespmem:s5+$0x8020] =	vst v1  }
0x2d4: {  	v2 =	vld.idx.msk [tilespmem:v3+s4+$0x0], $0xffff  }
0x2d5: {  	s7 =	sshra.s32 s6, $0x2;
	v3 =	vld [tilespmem:s5+$0xE230]  }
0x2d6: {  	s6 =	sadd.s32 $0x100, s6;
	v1 =	vld [tilespmem:s7+$0xB100]  }
0x2d7: {  	v4 =	vld [tilespmem:s5+$0x8030];
	_ =	sdelay $0x2  }
0x2d8: {  	v2 =	vmul.f32 v3, v2;
	_ =	sdelay $0x1  }
0x2d9: {  	v2 =	vadd.f32 v2, v4;
	_ =	sdelay $0x1  }
0x2da: {  	[tilespmem:s5+$0x8030] =	vst v2  }
0x2db: {  	v1 =	vld.idx.msk [tilespmem:v1+s4+$0x0], $0xffff  }
0x2dc: {  	v2 =	vld [tilespmem:s7+$0xE200]  }
0x2dd: {  	v3 =	vld [tilespmem:s7+$0xB110]  }
0x2de: {  	v4 =	vld [tilespmem:s7+$0x8000];
	_ =	sdelay $0x2  }
0x2df: {  	v1 =	vmul.f32 v2, v1;
	_ =	sdelay $0x1  }
0x2e0: {  	v1 =	vadd.f32 v1, v4;
	_ =	sdelay $0x1  }
0x2e1: {  	v2 =	vld [tilespmem:s7+$0xE210];
	[tilespmem:s7+$0x8000] =	vst v1  }
0x2e2: {  	v1 =	vld.idx.msk [tilespmem:v3+s4+$0x0], $0xffff  }
0x2e3: {  	v4 =	vld [tilespmem:s7+$0x8010]  }
0x2e4: {  	v3 =	vld [tilespmem:s7+$0xB120];
	_ =	sdelay $0x2  }
0x2e5: {  	v1 =	vmul.f32 v2, v1;
	_ =	sdelay $0x1  }
0x2e6: {  	v1 =	vadd.f32 v1, v4;
	_ =	sdelay $0x1  }
0x2e7: {  	v2 =	vld [tilespmem:s7+$0xE220];
	[tilespmem:s7+$0x8010] =	vst v1  }
0x2e8: {  	v1 =	vld.idx.msk [tilespmem:v3+s4+$0x0], $0xffff  }
0x2e9: {  	v4 =	vld [tilespmem:s7+$0x8020]  }
0x2ea: {  	v3 =	vld [tilespmem:s7+$0xB130];
	_ =	sdelay $0x2  }
0x2eb: {  	v1 =	vmul.f32 v2, v1;
	_ =	sdelay $0x1  }
0x2ec: {  	v1 =	vadd.f32 v1, v4;
	_ =	sdelay $0x1  }
0x2ed: {  	v2 =	vld [tilespmem:s7+$0xE230];
	[tilespmem:s7+$0x8020] =	vst v1  }
0x2ee: {  	v1 =	vld.idx.msk [tilespmem:v3+s4+$0x0], $0xffff;
	_ =	sdelay $0x1  }
0x2ef: {  	v3 =	vld [tilespmem:s7+$0x8030];
	_ =	sdelay $0x2  }
0x2f0: {  	v1 =	vmul.f32 v2, v1;
	_ =	sdelay $0x1  }
0x2f1: {  	v1 =	vadd.f32 v1, v3;
	_ =	sdelay $0x1  }
0x2f2: {  	[tilespmem:s7+$0x8030] =	vst v1  }
0x2f3: {  	v6 =	vld [tilespmem:s0+$0xFA80]  }
0x2f4: {  	v7 =	vld [tilespmem:s0+$0xFA90]  }
0x2f5: {  	v2 =	vld [tilespmem:s0+$0xFAA0]  }
0x2f6: {  	v1 =	vld [tilespmem:s0+$0xFAB0]  }
0x2f7: {  	v3 =	vld [tilespmem:s0+$0x8000]  }
0x2f8: {  	v5 =	vld [tilespmem:s0+$0x8010]  }
0x2f9: {  	v4 =	vld [tilespmem:s0+$0x8020]  }
.LBB2_20:
0x2fa: {  	s4 =	sshra.s32 s3, $0x2;
	p0 =	sne.s32 s3, $0x6100;
	v8 =	vld [tilespmem:s0+$0x8030];
	v9 =	vmov v2  }
0x2fb: {  	v10 =	vld [tilespmem:s4+$0xFA80];
	v11 =	vmov v1  }
0x2fc: {  	v12 =	vld [tilespmem:s4+$0xFA90];
	v3 =	vmul.f32 v6, v3  }
.Ltmp9:
0x2fd: {  	v2 =	vld [tilespmem:s4+$0xFAA0];
	v5 =	vmul.f32 v7, v5;
	(pc) =	sbr.rel @p0 .LBB2_20-.Ltmp9, $4  }
0x2fe: {  	v1 =	vld [tilespmem:s4+$0xFAB0];
	[tilespmem:s0+$0x8000] =	vst v3;
	v4 =	vmul.f32 v9, v4  }
0x2ff: {  	v3 =	vld [tilespmem:s4+$0x8000];
	[tilespmem:s0+$0x8010] =	vst v5;
	v8 =	vmul.f32 v11, v8  }
0x300: {  	v5 =	vld [tilespmem:s4+$0x8010];
	[tilespmem:s0+$0x8020] =	vst v4;
	v6 =	vmov v10  }
0x301: {  	s3 =	sadd.s32 $0x100, s3;
	v4 =	vld [tilespmem:s4+$0x8020];
	[tilespmem:s0+$0x8030] =	vst v8;
	v7 =	vmov v12;
	s0 =	smov.u32 s4  }
0x302: {  	v8 =	vld [tilespmem:s0+$0x8030];
	_ =	sdelay $0x1  }
0x303: {  	v3 =	vmul.f32 v6, v3  }
0x304: {  	v5 =	vmul.f32 v7, v5  }
0x305: {  	[tilespmem:s0+$0x8000] =	vst v3;
	v2 =	vmul.f32 v2, v4  }
0x306: {  	s23 =	sadd.s32 $0x1, s23;
	[tilespmem:s0+$0x8010] =	vst v5;
	v1 =	vmul.f32 v1, v8  }
0x307: {  	p0 =	sne.s32 s23, s22;
	[tilespmem:s0+$0x8020] =	vst v2  }
.Ltmp10:
0x308: {  	s7 =	simm.s32 $0x8000;
	[tilespmem:s0+$0x8030] =	vst v1;
	(pc) =	sbr.rel @p0 .LBB2_1-.Ltmp10, $4  }
0x309: {  	[hbm4b:s21+s2] =	stream.linear.scatter [tilespmem:s7], [sflag:$0x4], $0x1880, $0x38;
	[tilespmem:$0x11300] =	vst v63  }
0x30a: {  	_ =	swait.ge [sflag:s1], $0x1880  }
0x30b: {  	[sflag:s1] =	ssyncset.done $0x0  }
0x30c: {  	[sflag:s1] =	ssyncadd.s32 $0xFFFFE780  }
0x30d: {  	_ =	sfence.sel $0x180000  }
0x30e: {  	[bflag:$0x0] =	sbarrier.arrive $0xFFFF  }
0x30f: {  	_ =	strace $0x9000004A  }
0x310: {  	s0 =	stileid.u32;
	[bflag:$0x2] =	sbarrier.arrive $0xFFFF  }
0x311: {  	p0 =	sne.s32 s0, $0x0;
	s0 =	rddreg [dreg:$0x1]  }
0x312: {  	s0 =	sadd.s32 @!p0 $0x100000, s0  }
0x313: {  	[sflag:s0] =	ssyncadd.tile.s32 @!p0 $0x1;
	_ =	shalt  }
.Lfunc_end2:
_tile_overlayer_lowered:
.L_overlay_start_2:
0x314: {  	(tag) =	ssettag $0x2  }
0x315: {  	s0 =	rddreg [dreg:$0x0];
	s2 =	stileid.u32  }
0x316: {  	s1 =	rddreg [dreg:$0x1];
	p0 =	sne.s32 s2, $0x0  }
0x317: {  	s3 =	rddreg [dreg:$0x2];
	[bflag:$0x3] =	sbarrier.arrive $0xFFFF;
	s2 =	simm.s32 @!p0 $0x1C04  }
0x318: {  	[timem:s3], [sflag:s2] =	dma.local @!p0 [hbm:s0], s1  }
0x319: {  	s0 =	simm.s32 @!p0 $0x4  }
0x31a: {  	_ =	swait.ge @!p0 [sflag:s0], s1  }
0x31b: {  	s1 =	ssub.s32 @!p0 $0x0, s1;
	[sflag:s0] =	ssyncset.done @!p0 $0x0  }
0x31c: {  	[sflag:s0] =	ssyncadd.s32 @!p0 s1  }
0x31d: {  	[bflag:$0x3] =	sbarrier.arrive $0xFFFF  }
0x31e: {  	_ =	shalt  }

// kernel: kernel.8.cloned.1.call-start
scs
__scs_entry_jumppad:
0x0: {  	(pc) =	sbr.rel $0x88, $3  }
0x1: {  	(tag) =	ssettag $0x0;
	lr =	simm.s32 $0x1  }
0x2: {  	[smem:$0x3F94] =	sst lr;
	_ =	strace $0xD0000000  }
0x3: {  	_ = 	snop  }
0x4: {  	_ = 	snop  }
0x5: {  	_ = 	snop  }
0x6: {  	_ = 	snop  }
0x7: {  	_ = 	snop  }
__scs_overlays_trampoline_lowered:
0x8: {  	[smem:$0x3FA3] =	sst s0  }
0x9: {  	[smem:$0x3FA4] =	sst s1  }
0xa: {  	[smem:$0x3FA5] =	sst s2  }
0xb: {  	[smem:$0x3FA6] =	sst s3  }
0xc: {  	[smem:$0x3FA7] =	sst s4  }
0xd: {  	[smem:$0x3FA8] =	sst s5  }
0xe: {  	[smem:$0x3FA9] =	sst s6  }
0xf: {  	[smem:$0x3FAA] =	sst s7  }
0x10: {  	[smem:$0x3FAB] =	sst s8  }
0x11: {  	[smem:$0x3FAC] =	sst s9;
	s0 =	simm.s32 @!p0 $0x0  }
0x12: {  	s1 =	sld [smem:$0x3F92];
	s0 =	simm.s32 @p0 $0x1  }
0x13: {  	[smem:$0x3FAD] =	sst s0;
	s0 =	simm.s32 @!p1 $0x0  }
0x14: {  	s2 =	sld [smem:$0x3F91];
	s0 =	simm.s32 @p1 $0x1  }
0x15: {  	[smem:$0x3FAE] =	sst s0;
	s0 =	simm.s32 @!p2 $0x0  }
0x16: {  	s3 =	sld [smem:$0x3FDB];
	s0 =	simm.s32 @p2 $0x1  }
0x17: {  	s4 =	simm.s32 $0x1BF5;
	[smem:$0x3FB0] =	sst s0  }
0x18: {  	s0 =	sld [smem:$0x3F93];
	_ =	swait.ge [sflag:s4], $0x0  }
0x19: {  	s7 =	sld [smem:$0x3F94]  }
0x1a: {  	s8 =	sadd.s32 $0xFFFFE003, lr  }
0x1b: {  	s9 =	sadd.s32 $0xFFFFFEF7, lr;
	s5 =	simm.s32 $0xFFFFFFFF;
	p2 =	slt.u32 s8, $0xFFFFF086  }
0x1c: {  	p1 =	slt.u32 s9, $0xF7A;
	s5 =	simm.s32 @!p2 $0x0  }
0x1d: {  	s5 =	simm.s32 @p1 $0x1;
	p0 =	seq.s32 s7, s2  }
0x1e: {  	s7 =	smul.u32 @!p0 $0xF7A, s2;
	p2 =	seq.s32 @!p0 s5, $0x0  }
0x1f: {  	s9 =	smul.u32 $0xF7A, s1;
	s8 =	simm.s32 @!p0 $0x1BF5;
	p2 =	por !p2, p0  }
0x20: {  	[sflag:s8] =	ssyncset.s32 @!p0 $0xFFFFF086;
	s6 =	sadd.s32 @!p0 s3, s7;
	s7 =	simm.s32 @!p0 $0x108  }
0x21: {  	s3 =	sadd.s32 s3, s9;
	s6 =	sadd.s32 @!p0 $0x88, s6;
	s7 =	simm.s32 @p2 $0x1082  }
0x22: {  	[simem:s7], [sflag:s8] =	dma.local @!p0 [hbm:s6], $0xF7A  }
0x23: {  	s9 =	sor.u32 $0xD0000000, s2;
	s6 =	simm.s32 $0x108;
	_ =	swait.ge @!p0 [sflag:s8], $0x0  }
0x24: {  	s3 =	sadd.s32 $0x88, s3;
	s6 =	simm.s32 @!p1 $0x1082;
	[sflag:s4] =	ssyncset.s32 $0xFFFFF086  }
0x25: {  	[simem:s6], [sflag:s4] =	dma.local [hbm:s3], $0xF7A  }
0x26: {  	[smem:$0x3F94] =	sst s1;
	(tag) =	ssettag s2;
	_ =	strace s9  }
0x27: {  	s1 =	sld [smem:$0x3FA4]  }
0x28: {  	s2 =	sld [smem:$0x3FA5]  }
0x29: {  	s4 =	sld [smem:$0x3FA7]  }
0x2a: {  	p0 =	seq.s32 s5, $0x0;
	s5 =	sld [smem:$0x3FA8]  }
0x2b: {  	s6 =	sld [smem:$0x3FA9]  }
0x2c: {  	s7 =	sld [smem:$0x3FAA]  }
0x2d: {  	s3 =	simm.s32 $0x108;
	s8 =	sld [smem:$0x3FAB]  }
0x2e: {  	s3 =	simm.s32 @!p0 $0x1082;
	s9 =	sld [smem:$0x3FAC]  }
0x2f: {  	lr =	sadd.s32 s0, s3;
	s0 =	sld [smem:$0x3FA3]  }
0x30: {  	s3 =	sld [smem:$0x3FA6]  }
0x31: {  	[smem:$0x3FAF] =	sst s10  }
0x32: {  	s10 =	sld [smem:$0x3FAD];
	_ =	sdelay $0x3  }
0x33: {  	p0 =	seq.s32 s10, $0x1;
	s10 =	sld [smem:$0x3FAF];
	_ =	sdelay $0x3  }
0x34: {  	[smem:$0x3FAF] =	sst s10  }
0x35: {  	s10 =	sld [smem:$0x3FAE];
	_ =	sdelay $0x3  }
0x36: {  	p1 =	seq.s32 s10, $0x1;
	s10 =	sld [smem:$0x3FAF];
	_ =	sdelay $0x3  }
0x37: {  	[smem:$0x3FAF] =	sst s10  }
0x38: {  	s10 =	sld [smem:$0x3FB0]  }
0x39: {  	_ = 	snop;
	(pc) =	sbr.ind lr, $3  }
0x3a: {  	_ = 	snop  }
0x3b: {  	_ = 	snop  }
0x3c: {  	p2 =	seq.s32 s10, $0x1;
	s10 =	sld [smem:$0x3FAF]  }
0x3d: {  	_ =	shalt  }
0x3e: {  	_ =	shalt  }
0x3f: {  	_ =	shalt  }
0x40: {  	_ =	shalt  }
0x41: {  	_ =	shalt  }
0x42: {  	_ =	shalt  }
0x43: {  	_ =	shalt  }
0x44: {  	_ =	shalt  }
0x45: {  	_ =	shalt  }
0x46: {  	_ =	shalt  }
0x47: {  	_ =	shalt  }
0x48: {  	_ =	shalt  }
0x49: {  	_ =	shalt  }
0x4a: {  	_ =	shalt  }
0x4b: {  	_ =	shalt  }
0x4c: {  	_ =	shalt  }
0x4d: {  	_ =	shalt  }
0x4e: {  	_ =	shalt  }
0x4f: {  	_ =	shalt  }
0x50: {  	_ =	shalt  }
0x51: {  	_ =	shalt  }
0x52: {  	_ =	shalt  }
0x53: {  	_ =	shalt  }
0x54: {  	_ =	shalt  }
0x55: {  	_ =	shalt  }
0x56: {  	_ =	shalt  }
0x57: {  	_ =	shalt  }
0x58: {  	_ =	shalt  }
0x59: {  	_ =	shalt  }
0x5a: {  	_ =	shalt  }
0x5b: {  	_ =	shalt  }
0x5c: {  	_ =	shalt  }
0x5d: {  	_ =	shalt  }
0x5e: {  	_ =	shalt  }
0x5f: {  	_ =	shalt  }
0x60: {  	_ =	shalt  }
0x61: {  	_ =	shalt  }
0x62: {  	_ =	shalt  }
0x63: {  	_ =	shalt  }
0x64: {  	_ =	shalt  }
0x65: {  	_ =	shalt  }
0x66: {  	_ =	shalt  }
0x67: {  	_ =	shalt  }
0x68: {  	_ =	shalt  }
0x69: {  	_ =	shalt  }
0x6a: {  	_ =	shalt  }
0x6b: {  	_ =	shalt  }
0x6c: {  	_ =	shalt  }
0x6d: {  	_ =	shalt  }
0x6e: {  	_ =	shalt  }
0x6f: {  	_ =	shalt  }
0x70: {  	_ =	shalt  }
0x71: {  	_ =	shalt  }
0x72: {  	_ =	shalt  }
0x73: {  	_ =	shalt  }
0x74: {  	_ =	shalt  }
0x75: {  	_ =	shalt  }
0x76: {  	_ =	shalt  }
0x77: {  	_ =	shalt  }
0x78: {  	_ =	shalt  }
0x79: {  	_ =	shalt  }
0x7a: {  	_ =	shalt  }
0x7b: {  	_ =	shalt  }
0x7c: {  	_ =	shalt  }
0x7d: {  	_ =	shalt  }
0x7e: {  	_ =	shalt  }
0x7f: {  	_ =	shalt  }
0x80: {  	_ =	shalt  }
0x81: {  	_ =	shalt  }
0x82: {  	_ =	shalt  }
0x83: {  	_ =	shalt  }
0x84: {  	_ =	shalt  }
0x85: {  	_ =	shalt  }
0x86: {  	_ =	shalt  }
0x87: {  	_ =	shalt  }
.Lfunc_end0:
.L_simem_size_0:
called_computation_lowered:
.L_overlay_start_0:
0x88: {  	s2 =	sld [smem:$0x3FD9]  }
0x89: {  	s3 =	sld [smem:$0x3FFE];
	_ =	sdelay $0x1  }
0x8a: {  	s1 =	srdreg.scid  }
0x8b: {  	s0 =	sand.u32 $0x1, s1  }
0x8c: {  	s16 =	sshll.u32 s0, $0xA;
	s2 =	sadd.s32 s3, s2  }
0x8d: {  	s2 =	sadd.s32 s2, s16  }
0x8e: {  	[smem:$0x3FBB] =	sst s2  }
0x8f: {  	_ = 	snop  }
0x90: {  	(tm) =	ssettm $0x1  }
0x91: {  	s17 =	sld [smem:$0x3FFB];
	_ =	sdelay $0x3  }
0x92: {  	_ =	strace s17  }
0x93: {  	s2 =	sld [smem:$0x3FFC];
	_ =	sdelay $0x3  }
0x94: {  	_ =	strace s2  }
0x95: {  	s2 =	sld [smem:$0x3FFD];
	_ =	sdelay $0x3  }
0x96: {  	_ =	strace s2  }
0x97: {  	_ =	strace $0x8FFFFFFF  }
0x98: {  	s18 =	sld [smem:$0x3FDB];
	_ =	sdelay $0x1  }
0x99: {  	s19 =	simm.s32 $_scs_section_size  }
0x9a: {  	s4 =	simm.s32 $_size__tile_overlayer_lowered;
	s5 =	simm.s32 $_tile_overlayer_lowered  }
0x9b: {  	s22 =	simm.s32 $0x1BFF;
	s21 =	sshll.u32 s5, $0x1;
	s2 =	sadd.s32 s19, s18  }
0x9c: {  	s6 =	simm.s32 $0x0;
	s20 =	sshll.u32 s4, $0x1;
	s4 =	sadd.s32 s21, s2  }
0x9d: {  	[timem:s6], [sflag:s22] =	dma.local [hbm:s4], s20  }
0x9e: {  	_ =	swait.ge [sflag:s22], s20  }
0x9f: {  	s3 =	ssub.s32 $0x0, s20;
	[sflag:s22] =	ssyncset.done $0x0  }
0xa0: {  	[sflag:s22] =	ssyncadd.s32 s3;
	_ =	sdelay $0x1  }
0xa1: {  	s23 =	simm.s32 $0x1B8B  }
0xa2: {  	_ =	swait.ge [sflag:s23], $0x1  }
0xa3: {  	[sflag:s23] =	ssyncset.done $0x0  }
0xa4: {  	s25 =	simm.s32 $0x1B8E;
	s24 =	sld [smem:$0x3FFE];
	[sflag:s23] =	ssyncadd.s32 $0xFFFFFFFF  }
0xa5: {  	s26 =	simm.s32 $execute0_lowered;
	[smem:$0x3FD2] =	sst s25  }
0xa6: {  	s4 =	sshll.u32 s26, $0x1;
	_ =	strace $0x80000046;
	[dreg:$0x1] =	wrdreg $0xFFFFFFFF  }
0xa7: {  	s28 =	simm.s32 $_size_execute0_lowered;
	s2 =	sadd.s32 s2, s4;
	[dreg:$0x0] =	wrdreg $0x0  }
0xa8: {  	s4 =	sshll.u32 s28, $0x1;
	[dreg:$0x2] =	wrdreg s2  }
0xa9: {  	[dreg:$0x3] =	wrdreg s4  }
0xaa: {  	[dreg:$0x4] =	wrdreg $0xC0  }
0xab: {  	_ =	task [dreg:s6], $0x5FFFF  }
0xac: {  	[dreg:$0x1] =	wrdreg $0xFFFFFFFF  }
0xad: {  	[dreg:$0x0] =	wrdreg $0x60  }
0xae: {  	[dreg:$0x2] =	wrdreg s24  }
0xaf: {  	[dreg:$0x3] =	wrdreg $0x9  }
0xb0: {  	_ =	task.clear_ibuf [dreg:s6], $0x4FFFF;
	_ =	strace $0x90000046  }
0xb1: {  	s29 =	simm.s32 $0x9;
	_ =	strace $0x80000048  }
0xb2: {  	_ =	swait.ge [sflag:s29], $0x1  }
0xb3: {  	[sflag:s29] =	ssyncadd.s32 $0xFFFFFFFF  }
0xb4: {  	_ =	strace $0x90000048  }
0xb5: {  	_ =	sfence  }
0xb6: {  	s30 =	sld [smem:$0x0];
	_ =	sdelay $0x2  }
0xb7: {  	s31 =	sshll.u32 s1, $0xD;
	s1 =	sshrl.u32 s1, $0x2  }
0xb8: {  	s3 =	sand.u32 $0x4000, s31;
	s1 =	sadd.s32 s1, s30  }
0xb9: {  	s0 =	sor.u32 s3, s0;
	s1 =	sshll.u32 s1, $0x11  }
0xba: {  	s0 =	sor.u32 s1, s0  }
0xbb: {  	s0 =	sadd.s32 $0x8F2B, s0  }
0xbc: {  	[sflag:s0] =	ssyncadd.remote.s32 $0x1  }
0xbd: {  	_ =	sfence.sel $0xFFFF  }
0xbe: {  	[dreg:$0x0] =	wrdreg $0xFFFFFFFF;
	(pc) =	sbr.abs _section_cstart, $3  }
0xbf: {  	[dreg:$0x1] =	wrdreg $0xFFFFFFFF  }
0xc0: {  	_ =	task.clear_ibuf [dreg:s6], $0x2FFFF;
	_ =	strace $0x9FFFFFFF  }
0xc1: {  	(tm) =	ssettm $0x7FFFFFFF  }
tec
execute0_lowered:
.L_overlay_start_1:
0x0: {  	(tag) =	ssettag $0x1  }
0x1: {  	s2 =	stileid.u32  }
0x2: {  	s0 =	srdreg.scid;
	s6 =	rddreg [dreg:$0x0];
	s23 =	simm.s32 $0x8000  }
0x3: {  	s24 =	simm.s32 $0xB100;
	s25 =	simm.s32 $0x3;
	s28 =	simm.s32 $0xC980  }
0x4: {  	s29 =	simm.s32 $0x1;
	s30 =	simm.s32 $0x2;
	s31 =	simm.s32 $0x4  }
0x5: {  	s1 =	sshll.u32 s2, $0x1;
	s0 =	sand.u32 $0x1, s0;
	s3 =	sshrl.u32 s2, $0x1  }
0x6: {  	s2 =	simm.s32 $0x0;
	s18 =	sadd.s32 $0xE800, s6;
	s19 =	sadd.s32 $0x2400, s6  }
0x7: {  	s1 =	sand.u32 $0x2, s1;
	s4 =	smul.u32 $0x1880, s3;
	[smem:$0x7FF] =	sst s2  }
0x8: {  	s3 =	sshll.u32 s3, $0xE;
	s1 =	sor.u32 s0, s1;
	_ =	strace $0x80000047  }
0x9: {  	s0 =	ssub.s32 $0x2, s0;
	s20 =	sadd.s32 s3, s6;
	s5 =	smul.u32 $0xC400, s1  }
0xa: {  	s26 =	sshrl.u32 s0, $0x1;
	s21 =	sshrl.u32 s4, $0x3;
	s1 =	sshll.u32 s1, $0xC  }
0xb: {  	s0 =	ssub.s32 s0, s26;
	s7 =	sadd.s32 $0x1880, s21;
	s9 =	sadd.s32 $0x3100, s21  }
0xc: {  	s11 =	sadd.s32 $0x4980, s21;
	s13 =	sadd.s32 $0x6200, s21;
	s15 =	sadd.s32 $0x7A80, s21  }
0xd: {  	s17 =	sadd.s32 $0x9300, s21;
	s1 =	sadd.s32 s1, s20;
	s26 =	simm.s32 $0x9880  }
0xe: {  	s5 =	sadd.s32 s4, s5;
	s4 =	sadd.s32 s18, s21;
	s8 =	sadd.s32 s18, s9  }
0xf: {  	s9 =	sadd.s32 s19, s9;
	s10 =	sadd.s32 s18, s11;
	s11 =	sadd.s32 s19, s11  }
0x10: {  	s12 =	sadd.s32 s18, s13;
	s13 =	sadd.s32 s19, s13;
	s14 =	sadd.s32 s18, s15  }
0x11: {  	s15 =	sadd.s32 s19, s15;
	s16 =	sadd.s32 s18, s17;
	s17 =	sadd.s32 s19, s17  }
0x12: {  	s20 =	sadd.s32 $0x20E00, s1;
	s1 =	simm.s32 $0x0;
	s5 =	sshrl.u32 s5, $0x3  }
0x13: {  	s5 =	sadd.s32 s5, s6;
	s6 =	sadd.s32 s18, s7;
	s7 =	sadd.s32 s19, s7  }
0x14: {  	s3 =	sadd.s32 $0x1AC00, s5;
	s5 =	sadd.s32 s19, s21;
	s21 =	sadd.s32 $0xAB80, s21  }
0x15: {  	v0 =	vimm.f32 $0.0e+00;
	s18 =	sadd.s32 s18, s21;
	s19 =	sadd.s32 s19, s21;
	s21 =	smax.u32 s0, $0x1  }
.LBB2_1:
0x16: {  	s0 =	simm.s32 $0xE200  }
0x17: {  	[tilespmem:s0], [sflag:$0x3] =	stream.linear.gather [hbm4b:s3+s2], $0x1880, $0x38;
	[tilespmem:$0xFA80] =	vst v63  }
0x18: {  	_ = 	snop  }
0x19: {  	[tilespmem:s23], [sflag:$0x1] =	stream.linear.gather [hbm4b:s4+s2], $0x1880, $0x38;
	[tilespmem:$0xFA80] =	vst v63  }
0x1a: {  	s22 =	simm.s32 $0x1000;
	s0 =	simm.s32 $0x0  }
0x1b: {  	[tilespmem:s24], [sflag:$0x1] =	stream.linear.gather [hbm4b:s5+s2], $0x1880, $0x38;
	[tilespmem:$0xFA80] =	vst v63  }
.LBB2_2:
0x1c: {  	p0 =	sne.s32 s22, $0x1F000;
	[tilespmem:s0+$0x3F0] =	vst v0  }
0x1d: {  	[tilespmem:s0+$0x0] =	vst v0  }
0x1e: {  	[tilespmem:s0+$0x10] =	vst v0  }
0x1f: {  	[tilespmem:s0+$0x20] =	vst v0  }
0x20: {  	[tilespmem:s0+$0x30] =	vst v0  }
0x21: {  	[tilespmem:s0+$0x40] =	vst v0  }
0x22: {  	[tilespmem:s0+$0x50] =	vst v0  }
0x23: {  	[tilespmem:s0+$0x60] =	vst v0  }
0x24: {  	[tilespmem:s0+$0x70] =	vst v0  }
0x25: {  	[tilespmem:s0+$0x80] =	vst v0  }
0x26: {  	[tilespmem:s0+$0x90] =	vst v0  }
0x27: {  	[tilespmem:s0+$0xA0] =	vst v0  }
0x28: {  	[tilespmem:s0+$0xB0] =	vst v0  }
0x29: {  	[tilespmem:s0+$0xC0] =	vst v0  }
0x2a: {  	[tilespmem:s0+$0xD0] =	vst v0  }
0x2b: {  	[tilespmem:s0+$0xE0] =	vst v0  }
0x2c: {  	[tilespmem:s0+$0xF0] =	vst v0  }
0x2d: {  	[tilespmem:s0+$0x100] =	vst v0  }
0x2e: {  	[tilespmem:s0+$0x110] =	vst v0  }
0x2f: {  	[tilespmem:s0+$0x120] =	vst v0  }
0x30: {  	[tilespmem:s0+$0x130] =	vst v0  }
0x31: {  	[tilespmem:s0+$0x140] =	vst v0  }
0x32: {  	[tilespmem:s0+$0x150] =	vst v0  }
0x33: {  	[tilespmem:s0+$0x160] =	vst v0  }
0x34: {  	[tilespmem:s0+$0x170] =	vst v0  }
0x35: {  	[tilespmem:s0+$0x180] =	vst v0  }
0x36: {  	[tilespmem:s0+$0x190] =	vst v0  }
0x37: {  	[tilespmem:s0+$0x1A0] =	vst v0  }
0x38: {  	[tilespmem:s0+$0x1B0] =	vst v0  }
0x39: {  	[tilespmem:s0+$0x1C0] =	vst v0  }
0x3a: {  	[tilespmem:s0+$0x1D0] =	vst v0  }
0x3b: {  	[tilespmem:s0+$0x1E0] =	vst v0  }
0x3c: {  	[tilespmem:s0+$0x1F0] =	vst v0  }
0x3d: {  	[tilespmem:s0+$0x200] =	vst v0  }
0x3e: {  	[tilespmem:s0+$0x210] =	vst v0  }
0x3f: {  	[tilespmem:s0+$0x220] =	vst v0  }
0x40: {  	[tilespmem:s0+$0x230] =	vst v0  }
0x41: {  	[tilespmem:s0+$0x240] =	vst v0  }
0x42: {  	[tilespmem:s0+$0x250] =	vst v0  }
0x43: {  	[tilespmem:s0+$0x260] =	vst v0  }
0x44: {  	[tilespmem:s0+$0x270] =	vst v0  }
0x45: {  	[tilespmem:s0+$0x280] =	vst v0  }
0x46: {  	[tilespmem:s0+$0x290] =	vst v0  }
0x47: {  	[tilespmem:s0+$0x2A0] =	vst v0  }
0x48: {  	[tilespmem:s0+$0x2B0] =	vst v0  }
0x49: {  	[tilespmem:s0+$0x2C0] =	vst v0  }
0x4a: {  	[tilespmem:s0+$0x2D0] =	vst v0  }
0x4b: {  	[tilespmem:s0+$0x2E0] =	vst v0  }
0x4c: {  	[tilespmem:s0+$0x2F0] =	vst v0  }
0x4d: {  	[tilespmem:s0+$0x300] =	vst v0  }
0x4e: {  	[tilespmem:s0+$0x310] =	vst v0  }
0x4f: {  	[tilespmem:s0+$0x320] =	vst v0  }
0x50: {  	[tilespmem:s0+$0x330] =	vst v0  }
0x51: {  	[tilespmem:s0+$0x340] =	vst v0  }
0x52: {  	[tilespmem:s0+$0x350] =	vst v0  }
0x53: {  	[tilespmem:s0+$0x360] =	vst v0  }
0x54: {  	[tilespmem:s0+$0x370] =	vst v0  }
0x55: {  	[tilespmem:s0+$0x380] =	vst v0  }
0x56: {  	[tilespmem:s0+$0x390] =	vst v0  }
.Ltmp0:
0x57: {  	[tilespmem:s0+$0x3A0] =	vst v0;
	(pc) =	sbr.rel @p0 .LBB2_2-.Ltmp0, $4  }
0x58: {  	[tilespmem:s0+$0x3B0] =	vst v0  }
0x59: {  	[tilespmem:s0+$0x3C0] =	vst v0  }
0x5a: {  	[tilespmem:s0+$0x3D0] =	vst v0  }
0x5b: {  	[tilespmem:s0+$0x3E0] =	vst v0;
	s0 =	sshra.s32 s22, $0x2;
	s22 =	sadd.s32 $0x1000, s22  }
0x5c: {  	[tilespmem:s0+$0x3F0] =	vst v0  }
0x5d: {  	[tilespmem:s0+$0x0] =	vst v0  }
0x5e: {  	[tilespmem:s0+$0x10] =	vst v0  }
0x5f: {  	[tilespmem:s0+$0x20] =	vst v0  }
0x60: {  	[tilespmem:s0+$0x30] =	vst v0  }
0x61: {  	[tilespmem:s0+$0x40] =	vst v0  }
0x62: {  	[tilespmem:s0+$0x50] =	vst v0  }
0x63: {  	[tilespmem:s0+$0x60] =	vst v0  }
0x64: {  	[tilespmem:s0+$0x70] =	vst v0  }
0x65: {  	[tilespmem:s0+$0x80] =	vst v0  }
0x66: {  	[tilespmem:s0+$0x90] =	vst v0  }
0x67: {  	[tilespmem:s0+$0xA0] =	vst v0  }
0x68: {  	[tilespmem:s0+$0xB0] =	vst v0  }
0x69: {  	[tilespmem:s0+$0xC0] =	vst v0  }
0x6a: {  	[tilespmem:s0+$0xD0] =	vst v0  }
0x6b: {  	[tilespmem:s0+$0xE0] =	vst v0  }
0x6c: {  	[tilespmem:s0+$0xF0] =	vst v0  }
0x6d: {  	[tilespmem:s0+$0x100] =	vst v0  }
0x6e: {  	[tilespmem:s0+$0x110] =	vst v0  }
0x6f: {  	[tilespmem:s0+$0x120] =	vst v0  }
0x70: {  	[tilespmem:s0+$0x130] =	vst v0  }
0x71: {  	[tilespmem:s0+$0x140] =	vst v0  }
0x72: {  	[tilespmem:s0+$0x150] =	vst v0  }
0x73: {  	[tilespmem:s0+$0x160] =	vst v0  }
0x74: {  	[tilespmem:s0+$0x170] =	vst v0  }
0x75: {  	[tilespmem:s0+$0x180] =	vst v0  }
0x76: {  	[tilespmem:s0+$0x190] =	vst v0  }
0x77: {  	[tilespmem:s0+$0x1A0] =	vst v0  }
0x78: {  	[tilespmem:s0+$0x1B0] =	vst v0  }
0x79: {  	[tilespmem:s0+$0x1C0] =	vst v0  }
0x7a: {  	[tilespmem:s0+$0x1D0] =	vst v0  }
0x7b: {  	[tilespmem:s0+$0x1E0] =	vst v0  }
0x7c: {  	[tilespmem:s0+$0x1F0] =	vst v0  }
0x7d: {  	[tilespmem:s0+$0x200] =	vst v0  }
0x7e: {  	[tilespmem:s0+$0x210] =	vst v0  }
0x7f: {  	[tilespmem:s0+$0x220] =	vst v0  }
0x80: {  	[tilespmem:s0+$0x230] =	vst v0  }
0x81: {  	[tilespmem:s0+$0x240] =	vst v0  }
0x82: {  	[tilespmem:s0+$0x250] =	vst v0  }
0x83: {  	[tilespmem:s0+$0x260] =	vst v0  }
0x84: {  	[tilespmem:s0+$0x270] =	vst v0  }
0x85: {  	[tilespmem:s0+$0x280] =	vst v0  }
0x86: {  	[tilespmem:s0+$0x290] =	vst v0  }
0x87: {  	[tilespmem:s0+$0x2A0] =	vst v0  }
0x88: {  	[tilespmem:s0+$0x2B0] =	vst v0  }
0x89: {  	[tilespmem:s0+$0x2C0] =	vst v0  }
0x8a: {  	[tilespmem:s0+$0x2D0] =	vst v0  }
0x8b: {  	[tilespmem:s0+$0x2E0] =	vst v0  }
0x8c: {  	[tilespmem:s0+$0x2F0] =	vst v0  }
0x8d: {  	[tilespmem:s0+$0x300] =	vst v0  }
0x8e: {  	[tilespmem:s0+$0x310] =	vst v0  }
0x8f: {  	[tilespmem:s0+$0x320] =	vst v0  }
0x90: {  	[tilespmem:s0+$0x330] =	vst v0  }
0x91: {  	[tilespmem:s0+$0x340] =	vst v0  }
0x92: {  	[tilespmem:s0+$0x350] =	vst v0  }
0x93: {  	[tilespmem:s0+$0x360] =	vst v0  }
0x94: {  	[tilespmem:s0+$0x370] =	vst v0  }
0x95: {  	[tilespmem:s0+$0x380] =	vst v0  }
0x96: {  	[tilespmem:s0+$0x390] =	vst v0  }
0x97: {  	[tilespmem:s0+$0x3A0] =	vst v0  }
0x98: {  	[tilespmem:s0+$0x3B0] =	vst v0  }
0x99: {  	[tilespmem:s0+$0x3C0] =	vst v0  }
0x9a: {  	[tilespmem:s0+$0x3D0] =	vst v0  }
0x9b: {  	[tilespmem:s0+$0x3E0] =	vst v0  }
0x9c: {  	_ =	swait.ge [sflag:s25], $0x1880  }
0x9d: {  	[sflag:s25] =	ssyncset.done $0x0  }
0x9e: {  	s22 =	simm.s32 $0x0;
	[sflag:s25] =	ssyncadd.s32 $0xFFFFE780  }
0x9f: {  	[tilespmem:s26], [sflag:$0x2] =	stream.linear.gather [hbm4b:s6+s22], $0x1880, $0x38;
	[tilespmem:$0xFA80] =	vst v63  }
0xa0: {  	_ = 	snop  }
0xa1: {  	[tilespmem:s28], [sflag:$0x2] =	stream.linear.gather [hbm4b:s7+s22], $0x1880, $0x38;
	[tilespmem:$0xFA80] =	vst v63  }
0xa2: {  	_ =	swait.ge [sflag:s29], $0x1880  }
0xa3: {  	[sflag:s29] =	ssyncset.done $0x0  }
0xa4: {  	[sflag:s29] =	ssyncadd.s32 $0xFFFFE780  }
0xa5: {  	_ =	swait.ge [sflag:s29], $0x1880  }
0xa6: {  	[sflag:s29] =	ssyncset.done $0x0  }
0xa7: {  	s22 =	simm.s32 $0x0;
	[sflag:s29] =	ssyncadd.s32 $0xFFFFE780  }
0xa8: {  	v1 =	vld [tilespmem:s22+$0xE200]  }
0xa9: {  	v2 =	vld [tilespmem:s22+$0x8000]  }
0xaa: {  	v3 =	vld [tilespmem:s22+$0xB100];
	_ =	sdelay $0x4  }
0xab: {  	v1 =	vmul.f32 v3, v1;
	_ =	sdelay $0x1  }
0xac: {  	[tilespmem:v2+s2+$0x0] =	vst.idx.add.f32.msk $0xffff, v1  }
0xad: {  	v1 =	vld [tilespmem:s22+$0x8010]  }
0xae: {  	v2 =	vld [tilespmem:s22+$0xB110]  }
0xaf: {  	v3 =	vld [tilespmem:s22+$0xE210];
	_ =	sdelay $0x4  }
0xb0: {  	v2 =	vmul.f32 v2, v3;
	_ =	sdelay $0x1  }
0xb1: {  	[tilespmem:v1+s2+$0x0] =	vst.idx.add.f32.msk $0xffff, v2  }
0xb2: {  	v1 =	vld [tilespmem:s22+$0x8020]  }
0xb3: {  	v2 =	vld [tilespmem:s22+$0xE220]  }
0xb4: {  	v3 =	vld [tilespmem:s22+$0xB120];
	_ =	sdelay $0x4  }
0xb5: {  	v2 =	vmul.f32 v3, v2;
	_ =	sdelay $0x1  }
0xb6: {  	[tilespmem:v1+s2+$0x0] =	vst.idx.add.f32.msk $0xffff, v2  }
0xb7: {  	v2 =	vld [tilespmem:s22+$0xB130]  }
0xb8: {  	v1 =	vld [tilespmem:s22+$0x8030]  }
0xb9: {  	s0 =	simm.s32 $0x100;
	v3 =	vld [tilespmem:s22+$0xE230]  }
.LBB2_4:
0xba: {  	_ =	sdelay $0x1  }
0xbb: {  	p0 =	sne.s32 s0, $0x6100;
	s22 =	smov.u32 s0;
	s0 =	sadd.s32 $0x100, s0  }
0xbc: {  	_ = 	snop  }
0xbd: {  	v2 =	vmul.f32 v2, v3;
	_ =	sdelay $0x1  }
0xbe: {  	s22 =	sshra.s32 s22, $0x2;
	[tilespmem:v1+s2+$0x0] =	vst.idx.add.f32.msk $0xffff, v2  }
0xbf: {  	v1 =	vld [tilespmem:s22+$0xE200]  }
0xc0: {  	v2 =	vld [tilespmem:s22+$0x8000]  }
0xc1: {  	v3 =	vld [tilespmem:s22+$0xB100];
	_ =	sdelay $0x4  }
0xc2: {  	v1 =	vmul.f32 v3, v1;
	_ =	sdelay $0x1  }
0xc3: {  	[tilespmem:v2+s2+$0x0] =	vst.idx.add.f32.msk $0xffff, v1  }
0xc4: {  	v1 =	vld [tilespmem:s22+$0x8010]  }
0xc5: {  	v2 =	vld [tilespmem:s22+$0xB110]  }
0xc6: {  	v3 =	vld [tilespmem:s22+$0xE210];
	_ =	sdelay $0x4  }
0xc7: {  	v2 =	vmul.f32 v2, v3;
	_ =	sdelay $0x1  }
0xc8: {  	[tilespmem:v1+s2+$0x0] =	vst.idx.add.f32.msk $0xffff, v2  }
0xc9: {  	v1 =	vld [tilespmem:s22+$0x8020]  }
0xca: {  	v2 =	vld [tilespmem:s22+$0xE220]  }
0xcb: {  	v3 =	vld [tilespmem:s22+$0xB120];
	_ =	sdelay $0x4  }
0xcc: {  	v2 =	vmul.f32 v3, v2  }
.Ltmp1:
0xcd: {  	(pc) =	sbr.rel @p0 .LBB2_4-.Ltmp1, $4  }
0xce: {  	[tilespmem:v1+s2+$0x0] =	vst.idx.add.f32.msk $0xffff, v2  }
0xcf: {  	v2 =	vld [tilespmem:s22+$0xB130]  }
0xd0: {  	v1 =	vld [tilespmem:s22+$0x8030]  }
0xd1: {  	v3 =	vld [tilespmem:s22+$0xE230]  }
0xd2: {  	_ =	sdelay $0x4  }
0xd3: {  	v2 =	vmul.f32 v2, v3;
	_ =	sdelay $0x1  }
0xd4: {  	s0 =	simm.s32 $0x0;
	[tilespmem:v1+s2+$0x0] =	vst.idx.add.f32.msk $0xffff, v2  }
0xd5: {  	[tilespmem:s23], [sflag:$0x1] =	stream.linear.gather [hbm4b:s8+s0], $0x1880, $0x38;
	[tilespmem:$0xFA80] =	vst v63  }
0xd6: {  	_ = 	snop  }
0xd7: {  	[tilespmem:s24], [sflag:$0x1] =	stream.linear.gather [hbm4b:s9+s0], $0x1880, $0x38;
	[tilespmem:$0xFA80] =	vst v63  }
0xd8: {  	_ =	swait.ge [sflag:s30], $0x1880  }
0xd9: {  	[sflag:s30] =	ssyncset.done $0x0  }
0xda: {  	[sflag:s30] =	ssyncadd.s32 $0xFFFFE780  }
0xdb: {  	_ =	swait.ge [sflag:s30], $0x1880  }
0xdc: {  	[sflag:s30] =	ssyncset.done $0x0  }
0xdd: {  	s22 =	simm.s32 $0x0;
	[sflag:s30] =	ssyncadd.s32 $0xFFFFE780  }
0xde: {  	v1 =	vld [tilespmem:s22+$0xE200]  }
0xdf: {  	v2 =	vld [tilespmem:s22+$0x9880]  }
0xe0: {  	v3 =	vld [tilespmem:s22+$0xC980];
	_ =	sdelay $0x4  }
0xe1: {  	v1 =	vmul.f32 v3, v1;
	_ =	sdelay $0x1  }
0xe2: {  	[tilespmem:v2+s2+$0x0] =	vst.idx.add.f32.msk $0xffff, v1  }
0xe3: {  	v1 =	vld [tilespmem:s22+$0x9890]  }
0xe4: {  	v2 =	vld [tilespmem:s22+$0xC990]  }
0xe5: {  	v3 =	vld [tilespmem:s22+$0xE210];
	_ =	sdelay $0x4  }
0xe6: {  	v2 =	vmul.f32 v2, v3;
	_ =	sdelay $0x1  }
0xe7: {  	[tilespmem:v1+s2+$0x0] =	vst.idx.add.f32.msk $0xffff, v2  }
0xe8: {  	v1 =	vld [tilespmem:s22+$0x98A0]  }
0xe9: {  	v2 =	vld [tilespmem:s22+$0xE220]  }
0xea: {  	v3 =	vld [tilespmem:s22+$0xC9A0];
	_ =	sdelay $0x4  }
0xeb: {  	v2 =	vmul.f32 v3, v2;
	_ =	sdelay $0x1  }
0xec: {  	[tilespmem:v1+s2+$0x0] =	vst.idx.add.f32.msk $0xffff, v2  }
0xed: {  	v2 =	vld [tilespmem:s22+$0xC9B0]  }
0xee: {  	v1 =	vld [tilespmem:s22+$0x98B0]  }
0xef: {  	s0 =	simm.s32 $0x100;
	v3 =	vld [tilespmem:s22+$0xE230]  }
.LBB2_6:
0xf0: {  	_ =	sdelay $0x1  }
0xf1: {  	p0 =	sne.s32 s0, $0x6100;
	s22 =	smov.u32 s0;
	s0 =	sadd.s32 $0x100, s0  }
0xf2: {  	_ = 	snop  }
0xf3: {  	v2 =	vmul.f32 v2, v3;
	_ =	sdelay $0x1  }
0xf4: {  	s22 =	sshra.s32 s22, $0x2;
	[tilespmem:v1+s2+$0x0] =	vst.idx.add.f32.msk $0xffff, v2  }
0xf5: {  	v1 =	vld [tilespmem:s22+$0xE200]  }
0xf6: {  	v2 =	vld [tilespmem:s22+$0x9880]  }
0xf7: {  	v3 =	vld [tilespmem:s22+$0xC980];
	_ =	sdelay $0x4  }
0xf8: {  	v1 =	vmul.f32 v3, v1;
	_ =	sdelay $0x1  }
0xf9: {  	[tilespmem:v2+s2+$0x0] =	vst.idx.add.f32.msk $0xffff, v1  }
0xfa: {  	v1 =	vld [tilespmem:s22+$0x9890]  }
0xfb: {  	v2 =	vld [tilespmem:s22+$0xC990]  }
0xfc: {  	v3 =	vld [tilespmem:s22+$0xE210];
	_ =	sdelay $0x4  }
0xfd: {  	v2 =	vmul.f32 v2, v3;
	_ =	sdelay $0x1  }
0xfe: {  	[tilespmem:v1+s2+$0x0] =	vst.idx.add.f32.msk $0xffff, v2  }
0xff: {  	v1 =	vld [tilespmem:s22+$0x98A0]  }
0x100: {  	v2 =	vld [tilespmem:s22+$0xE220]  }
0x101: {  	v3 =	vld [tilespmem:s22+$0xC9A0];
	_ =	sdelay $0x4  }
0x102: {  	v2 =	vmul.f32 v3, v2  }
.Ltmp2:
0x103: {  	(pc) =	sbr.rel @p0 .LBB2_6-.Ltmp2, $4  }
0x104: {  	[tilespmem:v1+s2+$0x0] =	vst.idx.add.f32.msk $0xffff, v2  }
0x105: {  	v2 =	vld [tilespmem:s22+$0xC9B0]  }
0x106: {  	v1 =	vld [tilespmem:s22+$0x98B0]  }
0x107: {  	v3 =	vld [tilespmem:s22+$0xE230]  }
0x108: {  	_ =	sdelay $0x4  }
0x109: {  	v2 =	vmul.f32 v2, v3;
	_ =	sdelay $0x1  }
0x10a: {  	s0 =	simm.s32 $0x0;
	[tilespmem:v1+s2+$0x0] =	vst.idx.add.f32.msk $0xffff, v2  }
0x10b: {  	[tilespmem:s26], [sflag:$0x2] =	stream.linear.gather [hbm4b:s10+s0], $0x1880, $0x38;
	[tilespmem:$0xFA80] =	vst v63  }
0x10c: {  	_ = 	snop  }
0x10d: {  	[tilespmem:s28], [sflag:$0x2] =	stream.linear.gather [hbm4b:s11+s0], $0x1880, $0x38;
	[tilespmem:$0xFA80] =	vst v63  }
0x10e: {  	_ =	swait.ge [sflag:s29], $0x1880  }
0x10f: {  	[sflag:s29] =	ssyncset.done $0x0  }
0x110: {  	[sflag:s29] =	ssyncadd.s32 $0xFFFFE780  }
0x111: {  	_ =	swait.ge [sflag:s29], $0x1880  }
0x112: {  	[sflag:s29] =	ssyncset.done $0x0  }
0x113: {  	s22 =	simm.s32 $0x0;
	[sflag:s29] =	ssyncadd.s32 $0xFFFFE780  }
0x114: {  	v1 =	vld [tilespmem:s22+$0xE200]  }
0x115: {  	v2 =	vld [tilespmem:s22+$0x8000]  }
0x116: {  	v3 =	vld [tilespmem:s22+$0xB100];
	_ =	sdelay $0x4  }
0x117: {  	v1 =	vmul.f32 v3, v1;
	_ =	sdelay $0x1  }
0x118: {  	[tilespmem:v2+s2+$0x0] =	vst.idx.add.f32.msk $0xffff, v1  }
0x119: {  	v1 =	vld [tilespmem:s22+$0x8010]  }
0x11a: {  	v2 =	vld [tilespmem:s22+$0xB110]  }
0x11b: {  	v3 =	vld [tilespmem:s22+$0xE210];
	_ =	sdelay $0x4  }
0x11c: {  	v2 =	vmul.f32 v2, v3;
	_ =	sdelay $0x1  }
0x11d: {  	[tilespmem:v1+s2+$0x0] =	vst.idx.add.f32.msk $0xffff, v2  }
0x11e: {  	v1 =	vld [tilespmem:s22+$0x8020]  }
0x11f: {  	v2 =	vld [tilespmem:s22+$0xE220]  }
0x120: {  	v3 =	vld [tilespmem:s22+$0xB120];
	_ =	sdelay $0x4  }
0x121: {  	v2 =	vmul.f32 v3, v2;
	_ =	sdelay $0x1  }
0x122: {  	[tilespmem:v1+s2+$0x0] =	vst.idx.add.f32.msk $0xffff, v2  }
0x123: {  	v2 =	vld [tilespmem:s22+$0xB130]  }
0x124: {  	v1 =	vld [tilespmem:s22+$0x8030]  }
0x125: {  	s0 =	simm.s32 $0x100;
	v3 =	vld [tilespmem:s22+$0xE230]  }
.LBB2_8:
0x126: {  	_ =	sdelay $0x1  }
0x127: {  	p0 =	sne.s32 s0, $0x6100;
	s22 =	smov.u32 s0;
	s0 =	sadd.s32 $0x100, s0  }
0x128: {  	_ = 	snop  }
0x129: {  	v2 =	vmul.f32 v2, v3;
	_ =	sdelay $0x1  }
0x12a: {  	s22 =	sshra.s32 s22, $0x2;
	[tilespmem:v1+s2+$0x0] =	vst.idx.add.f32.msk $0xffff, v2  }
0x12b: {  	v1 =	vld [tilespmem:s22+$0xE200]  }
0x12c: {  	v2 =	vld [tilespmem:s22+$0x8000]  }
0x12d: {  	v3 =	vld [tilespmem:s22+$0xB100];
	_ =	sdelay $0x4  }
0x12e: {  	v1 =	vmul.f32 v3, v1;
	_ =	sdelay $0x1  }
0x12f: {  	[tilespmem:v2+s2+$0x0] =	vst.idx.add.f32.msk $0xffff, v1  }
0x130: {  	v1 =	vld [tilespmem:s22+$0x8010]  }
0x131: {  	v2 =	vld [tilespmem:s22+$0xB110]  }
0x132: {  	v3 =	vld [tilespmem:s22+$0xE210];
	_ =	sdelay $0x4  }
0x133: {  	v2 =	vmul.f32 v2, v3;
	_ =	sdelay $0x1  }
0x134: {  	[tilespmem:v1+s2+$0x0] =	vst.idx.add.f32.msk $0xffff, v2  }
0x135: {  	v1 =	vld [tilespmem:s22+$0x8020]  }
0x136: {  	v2 =	vld [tilespmem:s22+$0xE220]  }
0x137: {  	v3 =	vld [tilespmem:s22+$0xB120];
	_ =	sdelay $0x4  }
0x138: {  	v2 =	vmul.f32 v3, v2  }
.Ltmp3:
0x139: {  	(pc) =	sbr.rel @p0 .LBB2_8-.Ltmp3, $4  }
0x13a: {  	[tilespmem:v1+s2+$0x0] =	vst.idx.add.f32.msk $0xffff, v2  }
0x13b: {  	v2 =	vld [tilespmem:s22+$0xB130]  }
0x13c: {  	v1 =	vld [tilespmem:s22+$0x8030]  }
0x13d: {  	v3 =	vld [tilespmem:s22+$0xE230]  }
0x13e: {  	_ =	sdelay $0x4  }
0x13f: {  	v2 =	vmul.f32 v2, v3;
	_ =	sdelay $0x1  }
0x140: {  	s0 =	simm.s32 $0x0;
	[tilespmem:v1+s2+$0x0] =	vst.idx.add.f32.msk $0xffff, v2  }
0x141: {  	[tilespmem:s23], [sflag:$0x1] =	stream.linear.gather [hbm4b:s12+s0], $0x1880, $0x38;
	[tilespmem:$0xFA80] =	vst v63  }
0x142: {  	_ = 	snop  }
0x143: {  	[tilespmem:s24], [sflag:$0x1] =	stream.linear.gather [hbm4b:s13+s0], $0x1880, $0x38;
	[tilespmem:$0xFA80] =	vst v63  }
0x144: {  	_ =	swait.ge [sflag:s30], $0x1880  }
0x145: {  	[sflag:s30] =	ssyncset.done $0x0  }
0x146: {  	[sflag:s30] =	ssyncadd.s32 $0xFFFFE780  }
0x147: {  	_ =	swait.ge [sflag:s30], $0x1880  }
0x148: {  	[sflag:s30] =	ssyncset.done $0x0  }
0x149: {  	s22 =	simm.s32 $0x0;
	[sflag:s30] =	ssyncadd.s32 $0xFFFFE780  }
0x14a: {  	v1 =	vld [tilespmem:s22+$0xE200]  }
0x14b: {  	v2 =	vld [tilespmem:s22+$0x9880]  }
0x14c: {  	v3 =	vld [tilespmem:s22+$0xC980];
	_ =	sdelay $0x4  }
0x14d: {  	v1 =	vmul.f32 v3, v1;
	_ =	sdelay $0x1  }
0x14e: {  	[tilespmem:v2+s2+$0x0] =	vst.idx.add.f32.msk $0xffff, v1  }
0x14f: {  	v1 =	vld [tilespmem:s22+$0x9890]  }
0x150: {  	v2 =	vld [tilespmem:s22+$0xC990]  }
0x151: {  	v3 =	vld [tilespmem:s22+$0xE210];
	_ =	sdelay $0x4  }
0x152: {  	v2 =	vmul.f32 v2, v3;
	_ =	sdelay $0x1  }
0x153: {  	[tilespmem:v1+s2+$0x0] =	vst.idx.add.f32.msk $0xffff, v2  }
0x154: {  	v1 =	vld [tilespmem:s22+$0x98A0]  }
0x155: {  	v2 =	vld [tilespmem:s22+$0xE220]  }
0x156: {  	v3 =	vld [tilespmem:s22+$0xC9A0];
	_ =	sdelay $0x4  }
0x157: {  	v2 =	vmul.f32 v3, v2;
	_ =	sdelay $0x1  }
0x158: {  	[tilespmem:v1+s2+$0x0] =	vst.idx.add.f32.msk $0xffff, v2  }
0x159: {  	v2 =	vld [tilespmem:s22+$0xC9B0]  }
0x15a: {  	v1 =	vld [tilespmem:s22+$0x98B0]  }
0x15b: {  	s0 =	simm.s32 $0x100;
	v3 =	vld [tilespmem:s22+$0xE230]  }
.LBB2_10:
0x15c: {  	_ =	sdelay $0x1  }
0x15d: {  	p0 =	sne.s32 s0, $0x6100;
	s22 =	smov.u32 s0;
	s0 =	sadd.s32 $0x100, s0  }
0x15e: {  	_ = 	snop  }
0x15f: {  	v2 =	vmul.f32 v2, v3;
	_ =	sdelay $0x1  }
0x160: {  	s22 =	sshra.s32 s22, $0x2;
	[tilespmem:v1+s2+$0x0] =	vst.idx.add.f32.msk $0xffff, v2  }
0x161: {  	v1 =	vld [tilespmem:s22+$0xE200]  }
0x162: {  	v2 =	vld [tilespmem:s22+$0x9880]  }
0x163: {  	v3 =	vld [tilespmem:s22+$0xC980];
	_ =	sdelay $0x4  }
0x164: {  	v1 =	vmul.f32 v3, v1;
	_ =	sdelay $0x1  }
0x165: {  	[tilespmem:v2+s2+$0x0] =	vst.idx.add.f32.msk $0xffff, v1  }
0x166: {  	v1 =	vld [tilespmem:s22+$0x9890]  }
0x167: {  	v2 =	vld [tilespmem:s22+$0xC990]  }
0x168: {  	v3 =	vld [tilespmem:s22+$0xE210];
	_ =	sdelay $0x4  }
0x169: {  	v2 =	vmul.f32 v2, v3;
	_ =	sdelay $0x1  }
0x16a: {  	[tilespmem:v1+s2+$0x0] =	vst.idx.add.f32.msk $0xffff, v2  }
0x16b: {  	v1 =	vld [tilespmem:s22+$0x98A0]  }
0x16c: {  	v2 =	vld [tilespmem:s22+$0xE220]  }
0x16d: {  	v3 =	vld [tilespmem:s22+$0xC9A0];
	_ =	sdelay $0x4  }
0x16e: {  	v2 =	vmul.f32 v3, v2  }
.Ltmp4:
0x16f: {  	(pc) =	sbr.rel @p0 .LBB2_10-.Ltmp4, $4  }
0x170: {  	[tilespmem:v1+s2+$0x0] =	vst.idx.add.f32.msk $0xffff, v2  }
0x171: {  	v2 =	vld [tilespmem:s22+$0xC9B0]  }
0x172: {  	v1 =	vld [tilespmem:s22+$0x98B0]  }
0x173: {  	v3 =	vld [tilespmem:s22+$0xE230]  }
0x174: {  	_ =	sdelay $0x4  }
0x175: {  	v2 =	vmul.f32 v2, v3;
	_ =	sdelay $0x1  }
0x176: {  	s0 =	simm.s32 $0x0;
	[tilespmem:v1+s2+$0x0] =	vst.idx.add.f32.msk $0xffff, v2  }
0x177: {  	[tilespmem:s26], [sflag:$0x2] =	stream.linear.gather [hbm4b:s14+s0], $0x1880, $0x38;
	[tilespmem:$0xFA80] =	vst v63  }
0x178: {  	_ = 	snop  }
0x179: {  	[tilespmem:s28], [sflag:$0x2] =	stream.linear.gather [hbm4b:s15+s0], $0x1880, $0x38;
	[tilespmem:$0xFA80] =	vst v63  }
0x17a: {  	_ =	swait.ge [sflag:s29], $0x1880  }
0x17b: {  	[sflag:s29] =	ssyncset.done $0x0  }
0x17c: {  	[sflag:s29] =	ssyncadd.s32 $0xFFFFE780  }
0x17d: {  	_ =	swait.ge [sflag:s29], $0x1880  }
0x17e: {  	[sflag:s29] =	ssyncset.done $0x0  }
0x17f: {  	s22 =	simm.s32 $0x0;
	[sflag:s29] =	ssyncadd.s32 $0xFFFFE780  }
0x180: {  	v1 =	vld [tilespmem:s22+$0xE200]  }
0x181: {  	v2 =	vld [tilespmem:s22+$0x8000]  }
0x182: {  	v3 =	vld [tilespmem:s22+$0xB100];
	_ =	sdelay $0x4  }
0x183: {  	v1 =	vmul.f32 v3, v1;
	_ =	sdelay $0x1  }
0x184: {  	[tilespmem:v2+s2+$0x0] =	vst.idx.add.f32.msk $0xffff, v1  }
0x185: {  	v1 =	vld [tilespmem:s22+$0x8010]  }
0x186: {  	v2 =	vld [tilespmem:s22+$0xB110]  }
0x187: {  	v3 =	vld [tilespmem:s22+$0xE210];
	_ =	sdelay $0x4  }
0x188: {  	v2 =	vmul.f32 v2, v3;
	_ =	sdelay $0x1  }
0x189: {  	[tilespmem:v1+s2+$0x0] =	vst.idx.add.f32.msk $0xffff, v2  }
0x18a: {  	v1 =	vld [tilespmem:s22+$0x8020]  }
0x18b: {  	v2 =	vld [tilespmem:s22+$0xE220]  }
0x18c: {  	v3 =	vld [tilespmem:s22+$0xB120];
	_ =	sdelay $0x4  }
0x18d: {  	v2 =	vmul.f32 v3, v2;
	_ =	sdelay $0x1  }
0x18e: {  	[tilespmem:v1+s2+$0x0] =	vst.idx.add.f32.msk $0xffff, v2  }
0x18f: {  	v2 =	vld [tilespmem:s22+$0xB130]  }
0x190: {  	v1 =	vld [tilespmem:s22+$0x8030]  }
0x191: {  	s0 =	simm.s32 $0x100;
	v3 =	vld [tilespmem:s22+$0xE230]  }
.LBB2_12:
0x192: {  	_ =	sdelay $0x1  }
0x193: {  	p0 =	sne.s32 s0, $0x6100;
	s22 =	smov.u32 s0;
	s0 =	sadd.s32 $0x100, s0  }
0x194: {  	_ = 	snop  }
0x195: {  	v2 =	vmul.f32 v2, v3;
	_ =	sdelay $0x1  }
0x196: {  	s22 =	sshra.s32 s22, $0x2;
	[tilespmem:v1+s2+$0x0] =	vst.idx.add.f32.msk $0xffff, v2  }
0x197: {  	v1 =	vld [tilespmem:s22+$0xE200]  }
0x198: {  	v2 =	vld [tilespmem:s22+$0x8000]  }
0x199: {  	v3 =	vld [tilespmem:s22+$0xB100];
	_ =	sdelay $0x4  }
0x19a: {  	v1 =	vmul.f32 v3, v1;
	_ =	sdelay $0x1  }
0x19b: {  	[tilespmem:v2+s2+$0x0] =	vst.idx.add.f32.msk $0xffff, v1  }
0x19c: {  	v1 =	vld [tilespmem:s22+$0x8010]  }
0x19d: {  	v2 =	vld [tilespmem:s22+$0xB110]  }
0x19e: {  	v3 =	vld [tilespmem:s22+$0xE210];
	_ =	sdelay $0x4  }
0x19f: {  	v2 =	vmul.f32 v2, v3;
	_ =	sdelay $0x1  }
0x1a0: {  	[tilespmem:v1+s2+$0x0] =	vst.idx.add.f32.msk $0xffff, v2  }
0x1a1: {  	v1 =	vld [tilespmem:s22+$0x8020]  }
0x1a2: {  	v2 =	vld [tilespmem:s22+$0xE220]  }
0x1a3: {  	v3 =	vld [tilespmem:s22+$0xB120];
	_ =	sdelay $0x4  }
0x1a4: {  	v2 =	vmul.f32 v3, v2  }
.Ltmp5:
0x1a5: {  	(pc) =	sbr.rel @p0 .LBB2_12-.Ltmp5, $4  }
0x1a6: {  	[tilespmem:v1+s2+$0x0] =	vst.idx.add.f32.msk $0xffff, v2  }
0x1a7: {  	v2 =	vld [tilespmem:s22+$0xB130]  }
0x1a8: {  	v1 =	vld [tilespmem:s22+$0x8030]  }
0x1a9: {  	v3 =	vld [tilespmem:s22+$0xE230]  }
0x1aa: {  	_ =	sdelay $0x4  }
0x1ab: {  	v2 =	vmul.f32 v2, v3;
	_ =	sdelay $0x1  }
0x1ac: {  	s0 =	simm.s32 $0x0;
	[tilespmem:v1+s2+$0x0] =	vst.idx.add.f32.msk $0xffff, v2  }
0x1ad: {  	[tilespmem:s23], [sflag:$0x1] =	stream.linear.gather [hbm4b:s16+s0], $0x1880, $0x38;
	[tilespmem:$0xFA80] =	vst v63  }
0x1ae: {  	_ = 	snop  }
0x1af: {  	[tilespmem:s24], [sflag:$0x1] =	stream.linear.gather [hbm4b:s17+s0], $0x1880, $0x38;
	[tilespmem:$0xFA80] =	vst v63  }
0x1b0: {  	_ =	swait.ge [sflag:s30], $0x1880  }
0x1b1: {  	[sflag:s30] =	ssyncset.done $0x0  }
0x1b2: {  	[sflag:s30] =	ssyncadd.s32 $0xFFFFE780  }
0x1b3: {  	_ =	swait.ge [sflag:s30], $0x1880  }
0x1b4: {  	[sflag:s30] =	ssyncset.done $0x0  }
0x1b5: {  	s22 =	simm.s32 $0x0;
	[sflag:s30] =	ssyncadd.s32 $0xFFFFE780  }
0x1b6: {  	v1 =	vld [tilespmem:s22+$0xE200]  }
0x1b7: {  	v2 =	vld [tilespmem:s22+$0x9880]  }
0x1b8: {  	v3 =	vld [tilespmem:s22+$0xC980];
	_ =	sdelay $0x4  }
0x1b9: {  	v1 =	vmul.f32 v3, v1;
	_ =	sdelay $0x1  }
0x1ba: {  	[tilespmem:v2+s2+$0x0] =	vst.idx.add.f32.msk $0xffff, v1  }
0x1bb: {  	v1 =	vld [tilespmem:s22+$0x9890]  }
0x1bc: {  	v2 =	vld [tilespmem:s22+$0xC990]  }
0x1bd: {  	v3 =	vld [tilespmem:s22+$0xE210];
	_ =	sdelay $0x4  }
0x1be: {  	v2 =	vmul.f32 v2, v3;
	_ =	sdelay $0x1  }
0x1bf: {  	[tilespmem:v1+s2+$0x0] =	vst.idx.add.f32.msk $0xffff, v2  }
0x1c0: {  	v1 =	vld [tilespmem:s22+$0x98A0]  }
0x1c1: {  	v2 =	vld [tilespmem:s22+$0xE220]  }
0x1c2: {  	v3 =	vld [tilespmem:s22+$0xC9A0];
	_ =	sdelay $0x4  }
0x1c3: {  	v2 =	vmul.f32 v3, v2;
	_ =	sdelay $0x1  }
0x1c4: {  	[tilespmem:v1+s2+$0x0] =	vst.idx.add.f32.msk $0xffff, v2  }
0x1c5: {  	v2 =	vld [tilespmem:s22+$0xC9B0]  }
0x1c6: {  	v1 =	vld [tilespmem:s22+$0x98B0]  }
0x1c7: {  	s0 =	simm.s32 $0x100;
	v3 =	vld [tilespmem:s22+$0xE230]  }
.LBB2_14:
0x1c8: {  	_ =	sdelay $0x1  }
0x1c9: {  	p0 =	sne.s32 s0, $0x6100;
	s22 =	smov.u32 s0;
	s0 =	sadd.s32 $0x100, s0  }
0x1ca: {  	_ = 	snop  }
0x1cb: {  	v2 =	vmul.f32 v2, v3;
	_ =	sdelay $0x1  }
0x1cc: {  	s22 =	sshra.s32 s22, $0x2;
	[tilespmem:v1+s2+$0x0] =	vst.idx.add.f32.msk $0xffff, v2  }
0x1cd: {  	v1 =	vld [tilespmem:s22+$0xE200]  }
0x1ce: {  	v2 =	vld [tilespmem:s22+$0x9880]  }
0x1cf: {  	v3 =	vld [tilespmem:s22+$0xC980];
	_ =	sdelay $0x4  }
0x1d0: {  	v1 =	vmul.f32 v3, v1;
	_ =	sdelay $0x1  }
0x1d1: {  	[tilespmem:v2+s2+$0x0] =	vst.idx.add.f32.msk $0xffff, v1  }
0x1d2: {  	v1 =	vld [tilespmem:s22+$0x9890]  }
0x1d3: {  	v2 =	vld [tilespmem:s22+$0xC990]  }
0x1d4: {  	v3 =	vld [tilespmem:s22+$0xE210];
	_ =	sdelay $0x4  }
0x1d5: {  	v2 =	vmul.f32 v2, v3;
	_ =	sdelay $0x1  }
0x1d6: {  	[tilespmem:v1+s2+$0x0] =	vst.idx.add.f32.msk $0xffff, v2  }
0x1d7: {  	v1 =	vld [tilespmem:s22+$0x98A0]  }
0x1d8: {  	v2 =	vld [tilespmem:s22+$0xE220]  }
0x1d9: {  	v3 =	vld [tilespmem:s22+$0xC9A0];
	_ =	sdelay $0x4  }
0x1da: {  	v2 =	vmul.f32 v3, v2  }
.Ltmp6:
0x1db: {  	(pc) =	sbr.rel @p0 .LBB2_14-.Ltmp6, $4  }
0x1dc: {  	[tilespmem:v1+s2+$0x0] =	vst.idx.add.f32.msk $0xffff, v2  }
0x1dd: {  	v2 =	vld [tilespmem:s22+$0xC9B0]  }
0x1de: {  	v1 =	vld [tilespmem:s22+$0x98B0]  }
0x1df: {  	v3 =	vld [tilespmem:s22+$0xE230]  }
0x1e0: {  	_ =	sdelay $0x4  }
0x1e1: {  	v2 =	vmul.f32 v2, v3;
	_ =	sdelay $0x1  }
0x1e2: {  	s0 =	simm.s32 $0x0;
	[tilespmem:v1+s2+$0x0] =	vst.idx.add.f32.msk $0xffff, v2  }
0x1e3: {  	[tilespmem:s26], [sflag:$0x2] =	stream.linear.gather [hbm4b:s18+s0], $0x1880, $0x38;
	[tilespmem:$0xFA80] =	vst v63  }
0x1e4: {  	_ = 	snop  }
0x1e5: {  	[tilespmem:s28], [sflag:$0x2] =	stream.linear.gather [hbm4b:s19+s0], $0x1880, $0x38;
	[tilespmem:$0xFA80] =	vst v63  }
0x1e6: {  	_ =	swait.ge [sflag:s29], $0x1880  }
0x1e7: {  	[sflag:s29] =	ssyncset.done $0x0  }
0x1e8: {  	[sflag:s29] =	ssyncadd.s32 $0xFFFFE780  }
0x1e9: {  	_ =	swait.ge [sflag:s29], $0x1880  }
0x1ea: {  	[sflag:s29] =	ssyncset.done $0x0  }
0x1eb: {  	s22 =	simm.s32 $0x0;
	[sflag:s29] =	ssyncadd.s32 $0xFFFFE780  }
0x1ec: {  	v1 =	vld [tilespmem:s22+$0xE200]  }
0x1ed: {  	v2 =	vld [tilespmem:s22+$0x8000]  }
0x1ee: {  	v3 =	vld [tilespmem:s22+$0xB100];
	_ =	sdelay $0x4  }
0x1ef: {  	v1 =	vmul.f32 v3, v1;
	_ =	sdelay $0x1  }
0x1f0: {  	[tilespmem:v2+s2+$0x0] =	vst.idx.add.f32.msk $0xffff, v1  }
0x1f1: {  	v1 =	vld [tilespmem:s22+$0x8010]  }
0x1f2: {  	v2 =	vld [tilespmem:s22+$0xB110]  }
0x1f3: {  	v3 =	vld [tilespmem:s22+$0xE210];
	_ =	sdelay $0x4  }
0x1f4: {  	v2 =	vmul.f32 v2, v3;
	_ =	sdelay $0x1  }
0x1f5: {  	[tilespmem:v1+s2+$0x0] =	vst.idx.add.f32.msk $0xffff, v2  }
0x1f6: {  	v1 =	vld [tilespmem:s22+$0x8020]  }
0x1f7: {  	v2 =	vld [tilespmem:s22+$0xE220]  }
0x1f8: {  	v3 =	vld [tilespmem:s22+$0xB120];
	_ =	sdelay $0x4  }
0x1f9: {  	v2 =	vmul.f32 v3, v2;
	_ =	sdelay $0x1  }
0x1fa: {  	[tilespmem:v1+s2+$0x0] =	vst.idx.add.f32.msk $0xffff, v2  }
0x1fb: {  	v2 =	vld [tilespmem:s22+$0xB130]  }
0x1fc: {  	v1 =	vld [tilespmem:s22+$0x8030]  }
0x1fd: {  	s0 =	simm.s32 $0x100;
	v3 =	vld [tilespmem:s22+$0xE230]  }
.LBB2_16:
0x1fe: {  	_ =	sdelay $0x1  }
0x1ff: {  	p0 =	sne.s32 s0, $0x6100;
	s22 =	smov.u32 s0;
	s0 =	sadd.s32 $0x100, s0  }
0x200: {  	_ = 	snop  }
0x201: {  	v2 =	vmul.f32 v2, v3;
	_ =	sdelay $0x1  }
0x202: {  	s22 =	sshra.s32 s22, $0x2;
	[tilespmem:v1+s2+$0x0] =	vst.idx.add.f32.msk $0xffff, v2  }
0x203: {  	v1 =	vld [tilespmem:s22+$0xE200]  }
0x204: {  	v2 =	vld [tilespmem:s22+$0x8000]  }
0x205: {  	v3 =	vld [tilespmem:s22+$0xB100];
	_ =	sdelay $0x4  }
0x206: {  	v1 =	vmul.f32 v3, v1;
	_ =	sdelay $0x1  }
0x207: {  	[tilespmem:v2+s2+$0x0] =	vst.idx.add.f32.msk $0xffff, v1  }
0x208: {  	v1 =	vld [tilespmem:s22+$0x8010]  }
0x209: {  	v2 =	vld [tilespmem:s22+$0xB110]  }
0x20a: {  	v3 =	vld [tilespmem:s22+$0xE210];
	_ =	sdelay $0x4  }
0x20b: {  	v2 =	vmul.f32 v2, v3;
	_ =	sdelay $0x1  }
0x20c: {  	[tilespmem:v1+s2+$0x0] =	vst.idx.add.f32.msk $0xffff, v2  }
0x20d: {  	v1 =	vld [tilespmem:s22+$0x8020]  }
0x20e: {  	v2 =	vld [tilespmem:s22+$0xE220]  }
0x20f: {  	v3 =	vld [tilespmem:s22+$0xB120];
	_ =	sdelay $0x4  }
0x210: {  	v2 =	vmul.f32 v3, v2  }
.Ltmp7:
0x211: {  	(pc) =	sbr.rel @p0 .LBB2_16-.Ltmp7, $4  }
0x212: {  	[tilespmem:v1+s2+$0x0] =	vst.idx.add.f32.msk $0xffff, v2  }
0x213: {  	v2 =	vld [tilespmem:s22+$0xB130]  }
0x214: {  	v1 =	vld [tilespmem:s22+$0x8030]  }
0x215: {  	v3 =	vld [tilespmem:s22+$0xE230]  }
0x216: {  	_ =	sdelay $0x4  }
0x217: {  	v2 =	vmul.f32 v2, v3;
	_ =	sdelay $0x1  }
0x218: {  	[tilespmem:v1+s2+$0x0] =	vst.idx.add.f32.msk $0xffff, v2  }
0x219: {  	_ =	swait.ge [sflag:s30], $0x1880  }
0x21a: {  	[sflag:s30] =	ssyncset.done $0x0  }
0x21b: {  	[sflag:s30] =	ssyncadd.s32 $0xFFFFE780  }
0x21c: {  	_ =	swait.ge [sflag:s30], $0x1880  }
0x21d: {  	[sflag:s30] =	ssyncset.done $0x0  }
0x21e: {  	s22 =	simm.s32 $0x0;
	[sflag:s30] =	ssyncadd.s32 $0xFFFFE780  }
0x21f: {  	v1 =	vld [tilespmem:s22+$0xE200]  }
0x220: {  	v2 =	vld [tilespmem:s22+$0x9880]  }
0x221: {  	v3 =	vld [tilespmem:s22+$0xC980];
	_ =	sdelay $0x4  }
0x222: {  	v1 =	vmul.f32 v3, v1;
	_ =	sdelay $0x1  }
0x223: {  	[tilespmem:v2+s2+$0x0] =	vst.idx.add.f32.msk $0xffff, v1  }
0x224: {  	v1 =	vld [tilespmem:s22+$0x9890]  }
0x225: {  	v2 =	vld [tilespmem:s22+$0xC990]  }
0x226: {  	v3 =	vld [tilespmem:s22+$0xE210];
	_ =	sdelay $0x4  }
0x227: {  	v2 =	vmul.f32 v2, v3;
	_ =	sdelay $0x1  }
0x228: {  	[tilespmem:v1+s2+$0x0] =	vst.idx.add.f32.msk $0xffff, v2  }
0x229: {  	v1 =	vld [tilespmem:s22+$0x98A0]  }
0x22a: {  	v2 =	vld [tilespmem:s22+$0xE220]  }
0x22b: {  	v3 =	vld [tilespmem:s22+$0xC9A0];
	_ =	sdelay $0x4  }
0x22c: {  	v2 =	vmul.f32 v3, v2;
	_ =	sdelay $0x1  }
0x22d: {  	[tilespmem:v1+s2+$0x0] =	vst.idx.add.f32.msk $0xffff, v2  }
0x22e: {  	v2 =	vld [tilespmem:s22+$0xC9B0]  }
0x22f: {  	v1 =	vld [tilespmem:s22+$0x98B0]  }
0x230: {  	s0 =	simm.s32 $0x100;
	v3 =	vld [tilespmem:s22+$0xE230]  }
.LBB2_18:
0x231: {  	_ =	sdelay $0x1  }
0x232: {  	p0 =	sne.s32 s0, $0x6100;
	s22 =	smov.u32 s0;
	s0 =	sadd.s32 $0x100, s0  }
0x233: {  	_ = 	snop  }
0x234: {  	v2 =	vmul.f32 v2, v3;
	_ =	sdelay $0x1  }
0x235: {  	s22 =	sshra.s32 s22, $0x2;
	[tilespmem:v1+s2+$0x0] =	vst.idx.add.f32.msk $0xffff, v2  }
0x236: {  	v1 =	vld [tilespmem:s22+$0xE200]  }
0x237: {  	v2 =	vld [tilespmem:s22+$0x9880]  }
0x238: {  	v3 =	vld [tilespmem:s22+$0xC980];
	_ =	sdelay $0x4  }
0x239: {  	v1 =	vmul.f32 v3, v1;
	_ =	sdelay $0x1  }
0x23a: {  	[tilespmem:v2+s2+$0x0] =	vst.idx.add.f32.msk $0xffff, v1  }
0x23b: {  	v1 =	vld [tilespmem:s22+$0x9890]  }
0x23c: {  	v2 =	vld [tilespmem:s22+$0xC990]  }
0x23d: {  	v3 =	vld [tilespmem:s22+$0xE210];
	_ =	sdelay $0x4  }
0x23e: {  	v2 =	vmul.f32 v2, v3;
	_ =	sdelay $0x1  }
0x23f: {  	[tilespmem:v1+s2+$0x0] =	vst.idx.add.f32.msk $0xffff, v2  }
0x240: {  	v1 =	vld [tilespmem:s22+$0x98A0]  }
0x241: {  	v2 =	vld [tilespmem:s22+$0xE220]  }
0x242: {  	v3 =	vld [tilespmem:s22+$0xC9A0];
	_ =	sdelay $0x4  }
0x243: {  	v2 =	vmul.f32 v3, v2  }
.Ltmp8:
0x244: {  	(pc) =	sbr.rel @p0 .LBB2_18-.Ltmp8, $4  }
0x245: {  	[tilespmem:v1+s2+$0x0] =	vst.idx.add.f32.msk $0xffff, v2  }
0x246: {  	v2 =	vld [tilespmem:s22+$0xC9B0]  }
0x247: {  	v1 =	vld [tilespmem:s22+$0x98B0]  }
0x248: {  	v3 =	vld [tilespmem:s22+$0xE230]  }
0x249: {  	_ =	sdelay $0x4  }
0x24a: {  	s1 =	sadd.s32 $0x1, s1;
	v2 =	vmul.f32 v2, v3  }
0x24b: {  	p0 =	sne.s32 s1, s21  }
.Ltmp9:
0x24c: {  	[tilespmem:v1+s2+$0x0] =	vst.idx.add.f32.msk $0xffff, v2;
	(pc) =	sbr.rel @p0 .LBB2_1-.Ltmp9, $4  }
0x24d: {  	[hbm4b:s20+s2] =	stream.linear.scatter [tilespmem:s2], [sflag:$0x4], $0x8000, $0x38;
	[tilespmem:$0xFA80] =	vst v63  }
0x24e: {  	_ =	swait.ge [sflag:s31], $0x8000  }
0x24f: {  	[sflag:s31] =	ssyncset.done $0x0  }
0x250: {  	[sflag:s31] =	ssyncadd.s32 $0xFFFF8000  }
0x251: {  	_ =	sfence.sel $0x180000  }
0x252: {  	[bflag:$0x0] =	sbarrier.arrive $0xFFFF  }
0x253: {  	_ =	strace $0x90000047  }
0x254: {  	s0 =	stileid.u32;
	[bflag:$0x2] =	sbarrier.arrive $0xFFFF  }
0x255: {  	p0 =	sne.s32 s0, $0x0;
	s0 =	rddreg [dreg:$0x1]  }
0x256: {  	s0 =	sadd.s32 @!p0 $0x100000, s0  }
0x257: {  	[sflag:s0] =	ssyncadd.tile.s32 @!p0 $0x1;
	_ =	shalt  }
.Lfunc_end2:
_tile_overlayer_lowered:
.L_overlay_start_2:
0x258: {  	(tag) =	ssettag $0x2  }
0x259: {  	s0 =	rddreg [dreg:$0x0];
	s2 =	stileid.u32  }
0x25a: {  	s1 =	rddreg [dreg:$0x1];
	p0 =	sne.s32 s2, $0x0  }
0x25b: {  	s3 =	rddreg [dreg:$0x2];
	[bflag:$0x3] =	sbarrier.arrive $0xFFFF;
	s2 =	simm.s32 @!p0 $0x1C04  }
0x25c: {  	[timem:s3], [sflag:s2] =	dma.local @!p0 [hbm:s0], s1  }
0x25d: {  	s0 =	simm.s32 @!p0 $0x4  }
0x25e: {  	_ =	swait.ge @!p0 [sflag:s0], s1  }
0x25f: {  	s1 =	ssub.s32 @!p0 $0x0, s1;
	[sflag:s0] =	ssyncset.done @!p0 $0x0  }
0x260: {  	[sflag:s0] =	ssyncadd.s32 @!p0 s1  }
0x261: {  	[bflag:$0x3] =	sbarrier.arrive $0xFFFF  }
0x262: {  	_ =	shalt  }

</sc_bundles>
